<compile_context>
chip_gen: v7x
topology: tpu7x:2x2x1
jax: 0.10.2.dev20260603
libtpu: 0.0.44.dev20260713+nightly
codegen_flags: <defaults>
</compile_context>

<pallas_src>
import functools
import math

import jax
import jax.numpy as jnp
from jax import lax
from jax.experimental import pallas as pl
from jax.experimental.pallas import tpu as pltpu
from jax.experimental.pallas import tpu_sc as plsc

D = 128
SCALE = math.sqrt(D)

NC = 2
NS = 16
NW = NC * NS

CH = 128
NBUF = 6
A = NBUF // 2


@functools.partial(jax.jit, static_argnums=(2,))
def _gather(idx, lut, b_per_w):
    n_ch = b_per_w // CH
    n_grp = n_ch // NBUF
    mesh = plsc.VectorSubcoreMesh(core_axis_name="c", subcore_axis_name="s")

    @functools.partial(
        pl.kernel,
        out_type=jax.ShapeDtypeStruct((NW, n_ch, CH, D), jnp.float32),
        mesh=mesh,
        scratch_types=[
            pltpu.VMEM((n_ch, CH), jnp.int32),
            pltpu.VMEM((NBUF, CH, D), jnp.float32),
            [pltpu.SemaphoreType.DMA] * NBUF,
            [pltpu.SemaphoreType.DMA] * NBUF,
        ],
    )
    def body(idx_hbm, lut_hbm, out_hbm, idx_v, rows_v, gsems, ssems):
        wid = lax.axis_index("s") * NC + lax.axis_index("c")
        pltpu.sync_copy(idx_hbm.at[wid], idx_v)

        def scale_buf(b):
            def _row(r, _):
                for k in range(D // 16):
                    sl = pl.ds(k * 16, 16)
                    rows_v[b, r, sl] = rows_v[b, r, sl] * SCALE
                return ()

            lax.fori_loop(0, CH, _row, (), unroll=2)

        def start_gather(c, b):
            pltpu.async_copy(lut_hbm.at[idx_v.at[c]], rows_v.at[b], gsems[b])

        def wait_gather(c, b):
            pltpu.make_async_copy(
                lut_hbm.at[idx_v.at[c]], rows_v.at[b], gsems[b]
            ).wait()

        def start_scatter(c, b):
            pltpu.async_copy(rows_v.at[b], out_hbm.at[wid, c], ssems[b])

        def wait_scatter(c, b):
            pltpu.make_async_copy(
                rows_v.at[b], out_hbm.at[wid, c], ssems[b]
            ).wait()

        def finish(c, b):
            wait_gather(c, b)
            scale_buf(b)
            start_scatter(c, b)

        for c in range(NBUF):
            start_gather(c, c)
            if c >= A:
                finish(c - A, c - A)

        def grp(g, _):
            for b in range(NBUF):
                c = g * NBUF + b
                wait_scatter(c - NBUF, b)
                start_gather(c, b)
                finish(c - A, (b - A) % NBUF)
            return ()

        lax.fori_loop(1, n_grp, grp, (), unroll=False)

        for c in range(n_grp * NBUF, n_ch):
            b = c % NBUF
            wait_scatter(c - NBUF, b)
            start_gather(c, b)
            finish(c - A, (b - A) % NBUF)
        for cs in range(n_ch - A, n_ch):
            finish(cs, cs % NBUF)
        for cs in range(n_ch - NBUF, n_ch):
            wait_scatter(cs, cs % NBUF)

    return body(idx, lut)


def kernel(x, lut):
    s, t = x.shape
    b = s * t
    b_per_w = b // NW
    assert b_per_w % CH == 0
    idx = x.astype(jnp.int32).reshape(NW, b_per_w // CH, CH)
    out = _gather(idx, lut, b_per_w)
    return out.reshape(s, t, D)

# --- scband reference (transcript-rebuilt; emitter-appended) ---
"""Pipeline reference for scband-word-embedding-979252543776 (READ-ONLY COPY).

The authoritative reference and input builder live on the scoring server;
editing this copy changes nothing except your own understanding.
"""

import jax, jax.numpy as jnp
import numpy as np
import math

VOCAB = 100000
N_UNITS = 128

def setup_inputs(seed: int = 0) -> dict:
    key = jax.random.key(seed)
    k1, k2 = jax.random.split(key)
    x = jax.random.randint(k1, (4096, 200), 0, VOCAB, dtype=jnp.int64 if jax.config.jax_enable_x64 else jnp.int32)
    lut = jax.random.normal(k2, (VOCAB, N_UNITS), dtype=jnp.float32)
    return {"x": x, "lut": lut}

def reference(x, lut):
    # WordEmbedding.forward: self.lut(x) * sqrt(n_units)
    emb = jnp.take(lut, x, axis=0)
    return emb * math.sqrt(N_UNITS)

if __name__ == "__main__":
    import jax
    _d = setup_inputs()
    print(jax.jit(kernel)(*tuple(_d.values())))

</pallas_src>

<mosaic_0001>
#map = affine_map<(d0, d1) -> (0, 0, 0)>
#map1 = affine_map<(d0, d1) -> (0, 0)>
#map2 = affine_map<(d0, d1) -> (0, 0, 0, 0)>
module attributes {stable_mosaic.version = 14 : i64} {
  func.func @body(%arg0: i32, %arg1: i32, %arg2: memref<32x200x128xi32, #tpu.memory_space<hbm>>, %arg3: memref<100000x128xf32, #tpu.memory_space<hbm>>, %arg4: memref<32x200x128x128xf32, #tpu.memory_space<hbm>>, %arg5: memref<200x128xi32, #tpu.memory_space<vmem>>, %arg6: memref<6x128x128xf32, #tpu.memory_space<vmem>>, %arg7: memref<!tpu.dma_semaphore, #tpu.memory_space<semaphore_mem>>, %arg8: memref<!tpu.dma_semaphore, #tpu.memory_space<semaphore_mem>>, %arg9: memref<!tpu.dma_semaphore, #tpu.memory_space<semaphore_mem>>, %arg10: memref<!tpu.dma_semaphore, #tpu.memory_space<semaphore_mem>>, %arg11: memref<!tpu.dma_semaphore, #tpu.memory_space<semaphore_mem>>, %arg12: memref<!tpu.dma_semaphore, #tpu.memory_space<semaphore_mem>>, %arg13: memref<!tpu.dma_semaphore, #tpu.memory_space<semaphore_mem>>, %arg14: memref<!tpu.dma_semaphore, #tpu.memory_space<semaphore_mem>>, %arg15: memref<!tpu.dma_semaphore, #tpu.memory_space<semaphore_mem>>, %arg16: memref<!tpu.dma_semaphore, #tpu.memory_space<semaphore_mem>>, %arg17: memref<!tpu.dma_semaphore, #tpu.memory_space<semaphore_mem>>, %arg18: memref<!tpu.dma_semaphore, #tpu.memory_space<semaphore_mem>>) attributes {dimension_semantics = [#tpu.dimension_semantics<core_parallel>, #tpu.dimension_semantics<subcore_parallel>], iteration_bounds = array<i64: 2, 16>, scalar_prefetch = 0 : i64, scratch_operands = 14 : i64, tpu.core_type = #tpu.core_type<sc_vector_subcore>, window_params = [{transform_indices = #map}, {transform_indices = #map1}, {transform_indices = #map2}]} {
    %mul3A = arith.constant 2 : i32
    %mul3A_0 = arith.muli %arg1, %mul3A : i32
    %add3A = arith.addi %mul3A_0, %arg0 : i32
    "tpu.region"() ({
      %run_scoped3A = tpu.sem_alloc : memref<!tpu.dma_semaphore, #tpu.memory_space<semaphore_mem>>
      %dma_start3A_523 = arith.constant 0 : i32
      %dma_start3A_524 = arith.constant 0 : i32
      %dma_start3A_525 = tpu.memref_slice %arg2[%add3A, %dma_start3A_523, %dma_start3A_524] : memref<32x200x128xi32, #tpu.memory_space<hbm>> -> memref<1x200x128xi32, #tpu.memory_space<hbm>>
      %dma_start3A_526 = tpu.memref_squeeze %dma_start3A_525 : memref<1x200x128xi32, #tpu.memory_space<hbm>> -> memref<200x128xi32, #tpu.memory_space<hbm>>
      %dma_start3A_527 = arith.constant 0 : i32
      %dma_start3A_528 = arith.constant 0 : i32
      %dma_start3A_529 = tpu.memref_slice %arg2[%add3A, %dma_start3A_527, %dma_start3A_528] : memref<32x200x128xi32, #tpu.memory_space<hbm>> -> memref<1x200x128xi32, #tpu.memory_space<hbm>>
      %dma_start3A_530 = tpu.memref_squeeze %dma_start3A_529 : memref<1x200x128xi32, #tpu.memory_space<hbm>> -> memref<200x128xi32, #tpu.memory_space<hbm>>
      tpu.enqueue_dma source(%dma_start3A_530 : memref<200x128xi32, #tpu.memory_space<hbm>>) target(%arg5 : memref<200x128xi32, #tpu.memory_space<vmem>>) target_semaphore(%run_scoped3A : memref<!tpu.dma_semaphore, #tpu.memory_space<semaphore_mem>>)
      %dma_wait3A_531 = arith.constant 0 : i32
      %dma_wait3A_532 = arith.constant 0 : i32
      %dma_wait3A_533 = tpu.memref_slice %arg2[%add3A, %dma_wait3A_531, %dma_wait3A_532] : memref<32x200x128xi32, #tpu.memory_space<hbm>> -> memref<1x200x128xi32, #tpu.memory_space<hbm>>
      %dma_wait3A_534 = tpu.memref_squeeze %dma_wait3A_533 : memref<1x200x128xi32, #tpu.memory_space<hbm>> -> memref<200x128xi32, #tpu.memory_space<hbm>>
      %dma_wait3A_535 = arith.constant 0 : i32
      %dma_wait3A_536 = arith.constant 0 : i32
      %dma_wait3A_537 = tpu.memref_slice %arg2[%add3A, %dma_wait3A_535, %dma_wait3A_536] : memref<32x200x128xi32, #tpu.memory_space<hbm>> -> memref<1x200x128xi32, #tpu.memory_space<hbm>>
      %dma_wait3A_538 = tpu.memref_squeeze %dma_wait3A_537 : memref<1x200x128xi32, #tpu.memory_space<hbm>> -> memref<200x128xi32, #tpu.memory_space<hbm>>
      tpu.wait_dma2 semaphore(%run_scoped3A : memref<!tpu.dma_semaphore, #tpu.memory_space<semaphore_mem>>) src(%dma_wait3A_538 : memref<200x128xi32, #tpu.memory_space<hbm>>) dst(%arg5 : memref<200x128xi32, #tpu.memory_space<vmem>>)
      tpu.yield
    }) : () -> ()
    %dma_start3A = arith.constant 0 : i32
    %dma_start3A_1 = arith.constant 0 : i32
    %dma_start3A_2 = arith.constant 0 : i32
    %dma_start3A_3 = arith.constant 0 : i32
    %dma_start3A_4 = tpu.memref_slice %arg6[%dma_start3A_1, %dma_start3A_2, %dma_start3A_3] : memref<6x128x128xf32, #tpu.memory_space<vmem>> -> memref<1x128x128xf32, #tpu.memory_space<vmem>>
    %dma_start3A_5 = tpu.memref_squeeze %dma_start3A_4 : memref<1x128x128xf32, #tpu.memory_space<vmem>> -> memref<128x128xf32, #tpu.memory_space<vmem>>
    %dma_start3A_6 = arith.constant 0 : i32
    %dma_start3A_7 = tpu.memref_slice %arg5[%dma_start3A, %dma_start3A_6] : memref<200x128xi32, #tpu.memory_space<vmem>> -> memref<1x128xi32, #tpu.memory_space<vmem>>
    %dma_start3A_8 = tpu.memref_squeeze %dma_start3A_7 : memref<1x128xi32, #tpu.memory_space<vmem>> -> memref<128xi32, #tpu.memory_space<vmem>>
    %dma_start3A_9 = arith.constant 0 : i32
    %dma_start3A_10 = arith.constant 0 : i32
    %dma_start3A_11 = tpu.memref_slice %arg3[%dma_start3A_9, %dma_start3A_10] : memref<100000x128xf32, #tpu.memory_space<hbm>> -> memref<100000x128xf32, #tpu.memory_space<hbm>>
    tpu.enqueue_indirect_dma source(%dma_start3A_11 : memref<100000x128xf32, #tpu.memory_space<hbm>>) target(%dma_start3A_5 : memref<128x128xf32, #tpu.memory_space<vmem>>) offsets(%dma_start3A_8 : memref<128xi32, #tpu.memory_space<vmem>>) semaphore(%arg7 : memref<!tpu.dma_semaphore, #tpu.memory_space<semaphore_mem>>)
    %dma_start3A_12 = arith.constant 1 : i32
    %dma_start3A_13 = arith.constant 1 : i32
    %dma_start3A_14 = arith.constant 0 : i32
    %dma_start3A_15 = arith.constant 0 : i32
    %dma_start3A_16 = tpu.memref_slice %arg6[%dma_start3A_13, %dma_start3A_14, %dma_start3A_15] : memref<6x128x128xf32, #tpu.memory_space<vmem>> -> memref<1x128x128xf32, #tpu.memory_space<vmem>>
    %dma_start3A_17 = tpu.memref_squeeze %dma_start3A_16 : memref<1x128x128xf32, #tpu.memory_space<vmem>> -> memref<128x128xf32, #tpu.memory_space<vmem>>
    %dma_start3A_18 = arith.constant 0 : i32
    %dma_start3A_19 = tpu.memref_slice %arg5[%dma_start3A_12, %dma_start3A_18] : memref<200x128xi32, #tpu.memory_space<vmem>> -> memref<1x128xi32, #tpu.memory_space<vmem>>
    %dma_start3A_20 = tpu.memref_squeeze %dma_start3A_19 : memref<1x128xi32, #tpu.memory_space<vmem>> -> memref<128xi32, #tpu.memory_space<vmem>>
    %dma_start3A_21 = arith.constant 0 : i32
    %dma_start3A_22 = arith.constant 0 : i32
    %dma_start3A_23 = tpu.memref_slice %arg3[%dma_start3A_21, %dma_start3A_22] : memref<100000x128xf32, #tpu.memory_space<hbm>> -> memref<100000x128xf32, #tpu.memory_space<hbm>>
    tpu.enqueue_indirect_dma source(%dma_start3A_23 : memref<100000x128xf32, #tpu.memory_space<hbm>>) target(%dma_start3A_17 : memref<128x128xf32, #tpu.memory_space<vmem>>) offsets(%dma_start3A_20 : memref<128xi32, #tpu.memory_space<vmem>>) semaphore(%arg8 : memref<!tpu.dma_semaphore, #tpu.memory_space<semaphore_mem>>)
    %dma_start3A_24 = arith.constant 2 : i32
    %dma_start3A_25 = arith.constant 2 : i32
    %dma_start3A_26 = arith.constant 0 : i32
    %dma_start3A_27 = arith.constant 0 : i32
    %dma_start3A_28 = tpu.memref_slice %arg6[%dma_start3A_25, %dma_start3A_26, %dma_start3A_27] : memref<6x128x128xf32, #tpu.memory_space<vmem>> -> memref<1x128x128xf32, #tpu.memory_space<vmem>>
    %dma_start3A_29 = tpu.memref_squeeze %dma_start3A_28 : memref<1x128x128xf32, #tpu.memory_space<vmem>> -> memref<128x128xf32, #tpu.memory_space<vmem>>
    %dma_start3A_30 = arith.constant 0 : i32
    %dma_start3A_31 = tpu.memref_slice %arg5[%dma_start3A_24, %dma_start3A_30] : memref<200x128xi32, #tpu.memory_space<vmem>> -> memref<1x128xi32, #tpu.memory_space<vmem>>
    %dma_start3A_32 = tpu.memref_squeeze %dma_start3A_31 : memref<1x128xi32, #tpu.memory_space<vmem>> -> memref<128xi32, #tpu.memory_space<vmem>>
    %dma_start3A_33 = arith.constant 0 : i32
    %dma_start3A_34 = arith.constant 0 : i32
    %dma_start3A_35 = tpu.memref_slice %arg3[%dma_start3A_33, %dma_start3A_34] : memref<100000x128xf32, #tpu.memory_space<hbm>> -> memref<100000x128xf32, #tpu.memory_space<hbm>>
    tpu.enqueue_indirect_dma source(%dma_start3A_35 : memref<100000x128xf32, #tpu.memory_space<hbm>>) target(%dma_start3A_29 : memref<128x128xf32, #tpu.memory_space<vmem>>) offsets(%dma_start3A_32 : memref<128xi32, #tpu.memory_space<vmem>>) semaphore(%arg9 : memref<!tpu.dma_semaphore, #tpu.memory_space<semaphore_mem>>)
    %dma_start3A_36 = arith.constant 3 : i32
    %dma_start3A_37 = arith.constant 3 : i32
    %dma_start3A_38 = arith.constant 0 : i32
    %dma_start3A_39 = arith.constant 0 : i32
    %dma_start3A_40 = tpu.memref_slice %arg6[%dma_start3A_37, %dma_start3A_38, %dma_start3A_39] : memref<6x128x128xf32, #tpu.memory_space<vmem>> -> memref<1x128x128xf32, #tpu.memory_space<vmem>>
    %dma_start3A_41 = tpu.memref_squeeze %dma_start3A_40 : memref<1x128x128xf32, #tpu.memory_space<vmem>> -> memref<128x128xf32, #tpu.memory_space<vmem>>
    %dma_start3A_42 = arith.constant 0 : i32
    %dma_start3A_43 = tpu.memref_slice %arg5[%dma_start3A_36, %dma_start3A_42] : memref<200x128xi32, #tpu.memory_space<vmem>> -> memref<1x128xi32, #tpu.memory_space<vmem>>
    %dma_start3A_44 = tpu.memref_squeeze %dma_start3A_43 : memref<1x128xi32, #tpu.memory_space<vmem>> -> memref<128xi32, #tpu.memory_space<vmem>>
    %dma_start3A_45 = arith.constant 0 : i32
    %dma_start3A_46 = arith.constant 0 : i32
    %dma_start3A_47 = tpu.memref_slice %arg3[%dma_start3A_45, %dma_start3A_46] : memref<100000x128xf32, #tpu.memory_space<hbm>> -> memref<100000x128xf32, #tpu.memory_space<hbm>>
    tpu.enqueue_indirect_dma source(%dma_start3A_47 : memref<100000x128xf32, #tpu.memory_space<hbm>>) target(%dma_start3A_41 : memref<128x128xf32, #tpu.memory_space<vmem>>) offsets(%dma_start3A_44 : memref<128xi32, #tpu.memory_space<vmem>>) semaphore(%arg10 : memref<!tpu.dma_semaphore, #tpu.memory_space<semaphore_mem>>)
    %dma_wait3A = arith.constant 0 : i32
    %dma_wait3A_48 = arith.constant 0 : i32
    %dma_wait3A_49 = arith.constant 0 : i32
    %dma_wait3A_50 = arith.constant 0 : i32
    %dma_wait3A_51 = tpu.memref_slice %arg6[%dma_wait3A_48, %dma_wait3A_49, %dma_wait3A_50] : memref<6x128x128xf32, #tpu.memory_space<vmem>> -> memref<1x128x128xf32, #tpu.memory_space<vmem>>
    %dma_wait3A_52 = tpu.memref_squeeze %dma_wait3A_51 : memref<1x128x128xf32, #tpu.memory_space<vmem>> -> memref<128x128xf32, #tpu.memory_space<vmem>>
    %dma_wait3A_53 = arith.constant 0 : i32
    %dma_wait3A_54 = tpu.memref_slice %arg5[%dma_wait3A, %dma_wait3A_53] : memref<200x128xi32, #tpu.memory_space<vmem>> -> memref<1x128xi32, #tpu.memory_space<vmem>>
    %dma_wait3A_55 = tpu.memref_squeeze %dma_wait3A_54 : memref<1x128xi32, #tpu.memory_space<vmem>> -> memref<128xi32, #tpu.memory_space<vmem>>
    %dma_wait3A_56 = arith.constant 0 : i32
    %dma_wait3A_57 = arith.constant 0 : i32
    %dma_wait3A_58 = tpu.memref_slice %arg3[%dma_wait3A_56, %dma_wait3A_57] : memref<100000x128xf32, #tpu.memory_space<hbm>> -> memref<100000x128xf32, #tpu.memory_space<hbm>>
    tpu.wait_indirect_dma semaphore(%arg7 : memref<!tpu.dma_semaphore, #tpu.memory_space<semaphore_mem>>) src(%dma_wait3A_58 : memref<100000x128xf32, #tpu.memory_space<hbm>>) dst(%dma_wait3A_52 : memref<128x128xf32, #tpu.memory_space<vmem>>)
    %scan3A = arith.constant 0 : i32
    %scan3A_59 = arith.constant 128 : i32
    %scan3A_60 = arith.addi %scan3A, %scan3A_59 : i32
    %scan3A_61 = arith.constant 2 : i32
    scf.for %scan3A_523 = %scan3A to %scan3A_60 step %scan3A_61  : i32 {
      %get3A = arith.constant 0 : i32
      %get3A_524 = arith.index_cast %get3A : i32 to index
      %get3A_525 = arith.index_cast %scan3A_523 : i32 to index
      %get3A_526 = arith.constant 0 : index
      %get3A_527 = tpu.vector_load %arg6[%get3A_524, %get3A_525, %get3A_526] {strides = array<i32>} : memref<6x128x128xf32, #tpu.memory_space<vmem>>, vector<1x1x16xf32>,
      %get3A_528 = vector.shape_cast %get3A_527 : vector<1x1x16xf32> to vector<16xf32>
      %mul3A_529 = arith.constant 11.3137083 : f32
      %mul3A_530 = vector.broadcast %mul3A_529 : f32 to vector<16xf32>
      %mul3A_531 = arith.mulf %get3A_528, %mul3A_530 : vector<16xf32>
      %swap3A = arith.constant 0 : i32
      %swap3A_532 = arith.index_cast %swap3A : i32 to index
      %swap3A_533 = arith.index_cast %scan3A_523 : i32 to index
      %swap3A_534 = arith.constant 0 : index
      %swap3A_535 = tpu.vector_load %arg6[%swap3A_532, %swap3A_533, %swap3A_534] {strides = array<i32>} : memref<6x128x128xf32, #tpu.memory_space<vmem>>, vector<1x1x16xf32>,
      %swap3A_536 = vector.shape_cast %swap3A_535 : vector<1x1x16xf32> to vector<16xf32>
      %swap3A_537 = vector.shape_cast %mul3A_531 : vector<16xf32> to vector<1x1x16xf32>
      tpu.vector_store %arg6[%swap3A_532, %swap3A_533, %swap3A_534], %swap3A_537 {strides = array<i32>} : memref<6x128x128xf32, #tpu.memory_space<vmem>>, vector<1x1x16xf32>,
      %get3A_538 = arith.constant 0 : i32
      %get3A_539 = arith.index_cast %get3A_538 : i32 to index
      %get3A_540 = arith.index_cast %scan3A_523 : i32 to index
      %get3A_541 = arith.constant 16 : index
      %get3A_542 = tpu.vector_load %arg6[%get3A_539, %get3A_540, %get3A_541] {strides = array<i32>} : memref<6x128x128xf32, #tpu.memory_space<vmem>>, vector<1x1x16xf32>,
      %get3A_543 = vector.shape_cast %get3A_542 : vector<1x1x16xf32> to vector<16xf32>
      %mul3A_544 = arith.constant 11.3137083 : f32
      %mul3A_545 = vector.broadcast %mul3A_544 : f32 to vector<16xf32>
      %mul3A_546 = arith.mulf %get3A_543, %mul3A_545 : vector<16xf32>
      %swap3A_547 = arith.constant 0 : i32
      %swap3A_548 = arith.index_cast %swap3A_547 : i32 to index
      %swap3A_549 = arith.index_cast %scan3A_523 : i32 to index
      %swap3A_550 = arith.constant 16 : index
      %swap3A_551 = tpu.vector_load %arg6[%swap3A_548, %swap3A_549, %swap3A_550] {strides = array<i32>} : memref<6x128x128xf32, #tpu.memory_space<vmem>>, vector<1x1x16xf32>,
      %swap3A_552 = vector.shape_cast %swap3A_551 : vector<1x1x16xf32> to vector<16xf32>
      %swap3A_553 = vector.shape_cast %mul3A_546 : vector<16xf32> to vector<1x1x16xf32>
      tpu.vector_store %arg6[%swap3A_548, %swap3A_549, %swap3A_550], %swap3A_553 {strides = array<i32>} : memref<6x128x128xf32, #tpu.memory_space<vmem>>, vector<1x1x16xf32>,
      %get3A_554 = arith.constant 0 : i32
      %get3A_555 = arith.index_cast %get3A_554 : i32 to index
      %get3A_556 = arith.index_cast %scan3A_523 : i32 to index
      %get3A_557 = arith.constant 32 : index
      %get3A_558 = tpu.vector_load %arg6[%get3A_555, %get3A_556, %get3A_557] {strides = array<i32>} : memref<6x128x128xf32, #tpu.memory_space<vmem>>, vector<1x1x16xf32>,
      %get3A_559 = vector.shape_cast %get3A_558 : vector<1x1x16xf32> to vector<16xf32>
      %mul3A_560 = arith.constant 11.3137083 : f32
      %mul3A_561 = vector.broadcast %mul3A_560 : f32 to vector<16xf32>
      %mul3A_562 = arith.mulf %get3A_559, %mul3A_561 : vector<16xf32>
      %swap3A_563 = arith.constant 0 : i32
      %swap3A_564 = arith.index_cast %swap3A_563 : i32 to index
      %swap3A_565 = arith.index_cast %scan3A_523 : i32 to index
      %swap3A_566 = arith.constant 32 : index
      %swap3A_567 = tpu.vector_load %arg6[%swap3A_564, %swap3A_565, %swap3A_566] {strides = array<i32>} : memref<6x128x128xf32, #tpu.memory_space<vmem>>, vector<1x1x16xf32>,
      %swap3A_568 = vector.shape_cast %swap3A_567 : vector<1x1x16xf32> to vector<16xf32>
      %swap3A_569 = vector.shape_cast %mul3A_562 : vector<16xf32> to vector<1x1x16xf32>
      tpu.vector_store %arg6[%swap3A_564, %swap3A_565, %swap3A_566], %swap3A_569 {strides = array<i32>} : memref<6x128x128xf32, #tpu.memory_space<vmem>>, vector<1x1x16xf32>,
      %get3A_570 = arith.constant 0 : i32
      %get3A_571 = arith.index_cast %get3A_570 : i32 to index
      %get3A_572 = arith.index_cast %scan3A_523 : i32 to index
      %get3A_573 = arith.constant 48 : index
      %get3A_574 = tpu.vector_load %arg6[%get3A_571, %get3A_572, %get3A_573] {strides = array<i32>} : memref<6x128x128xf32, #tpu.memory_space<vmem>>, vector<1x1x16xf32>,
      %get3A_575 = vector.shape_cast %get3A_574 : vector<1x1x16xf32> to vector<16xf32>
      %mul3A_576 = arith.constant 11.3137083 : f32
      %mul3A_577 = vector.broadcast %mul3A_576 : f32 to vector<16xf32>
      %mul3A_578 = arith.mulf %get3A_575, %mul3A_577 : vector<16xf32>
      %swap3A_579 = arith.constant 0 : i32
      %swap3A_580 = arith.index_cast %swap3A_579 : i32 to index
      %swap3A_581 = arith.index_cast %scan3A_523 : i32 to index
      %swap3A_582 = arith.constant 48 : index
      %swap3A_583 = tpu.vector_load %arg6[%swap3A_580, %swap3A_581, %swap3A_582] {strides = array<i32>} : memref<6x128x128xf32, #tpu.memory_space<vmem>>, vector<1x1x16xf32>,
      %swap3A_584 = vector.shape_cast %swap3A_583 : vector<1x1x16xf32> to vector<16xf32>
      %swap3A_585 = vector.shape_cast %mul3A_578 : vector<16xf32> to vector<1x1x16xf32>
      tpu.vector_store %arg6[%swap3A_580, %swap3A_581, %swap3A_582], %swap3A_585 {strides = array<i32>} : memref<6x128x128xf32, #tpu.memory_space<vmem>>, vector<1x1x16xf32>,
      %get3A_586 = arith.constant 0 : i32
      %get3A_587 = arith.index_cast %get3A_586 : i32 to index
      %get3A_588 = arith.index_cast %scan3A_523 : i32 to index
      %get3A_589 = arith.constant 64 : index
      %get3A_590 = tpu.vector_load %arg6[%get3A_587, %get3A_588, %get3A_589] {strides = array<i32>} : memref<6x128x128xf32, #tpu.memory_space<vmem>>, vector<1x1x16xf32>,
      %get3A_591 = vector.shape_cast %get3A_590 : vector<1x1x16xf32> to vector<16xf32>
      %mul3A_592 = arith.constant 11.3137083 : f32
      %mul3A_593 = vector.broadcast %mul3A_592 : f32 to vector<16xf32>
      %mul3A_594 = arith.mulf %get3A_591, %mul3A_593 : vector<16xf32>
      %swap3A_595 = arith.constant 0 : i32
      %swap3A_596 = arith.index_cast %swap3A_595 : i32 to index
      %swap3A_597 = arith.index_cast %scan3A_523 : i32 to index
      %swap3A_598 = arith.constant 64 : index
      %swap3A_599 = tpu.vector_load %arg6[%swap3A_596, %swap3A_597, %swap3A_598] {strides = array<i32>} : memref<6x128x128xf32, #tpu.memory_space<vmem>>, vector<1x1x16xf32>,
      %swap3A_600 = vector.shape_cast %swap3A_599 : vector<1x1x16xf32> to vector<16xf32>
      %swap3A_601 = vector.shape_cast %mul3A_594 : vector<16xf32> to vector<1x1x16xf32>
      tpu.vector_store %arg6[%swap3A_596, %swap3A_597, %swap3A_598], %swap3A_601 {strides = array<i32>} : memref<6x128x128xf32, #tpu.memory_space<vmem>>, vector<1x1x16xf32>,
      %get3A_602 = arith.constant 0 : i32
      %get3A_603 = arith.index_cast %get3A_602 : i32 to index
      %get3A_604 = arith.index_cast %scan3A_523 : i32 to index
      %get3A_605 = arith.constant 80 : index
      %get3A_606 = tpu.vector_load %arg6[%get3A_603, %get3A_604, %get3A_605] {strides = array<i32>} : memref<6x128x128xf32, #tpu.memory_space<vmem>>, vector<1x1x16xf32>,
      %get3A_607 = vector.shape_cast %get3A_606 : vector<1x1x16xf32> to vector<16xf32>
      %mul3A_608 = arith.constant 11.3137083 : f32
      %mul3A_609 = vector.broadcast %mul3A_608 : f32 to vector<16xf32>
      %mul3A_610 = arith.mulf %get3A_607, %mul3A_609 : vector<16xf32>
      %swap3A_611 = arith.constant 0 : i32
      %swap3A_612 = arith.index_cast %swap3A_611 : i32 to index
      %swap3A_613 = arith.index_cast %scan3A_523 : i32 to index
      %swap3A_614 = arith.constant 80 : index
      %swap3A_615 = tpu.vector_load %arg6[%swap3A_612, %swap3A_613, %swap3A_614] {strides = array<i32>} : memref<6x128x128xf32, #tpu.memory_space<vmem>>, vector<1x1x16xf32>,
      %swap3A_616 = vector.shape_cast %swap3A_615 : vector<1x1x16xf32> to vector<16xf32>
      %swap3A_617 = vector.shape_cast %mul3A_610 : vector<16xf32> to vector<1x1x16xf32>
      tpu.vector_store %arg6[%swap3A_612, %swap3A_613, %swap3A_614], %swap3A_617 {strides = array<i32>} : memref<6x128x128xf32, #tpu.memory_space<vmem>>, vector<1x1x16xf32>,
      %get3A_618 = arith.constant 0 : i32
      %get3A_619 = arith.index_cast %get3A_618 : i32 to index
      %get3A_620 = arith.index_cast %scan3A_523 : i32 to index
      %get3A_621 = arith.constant 96 : index
      %get3A_622 = tpu.vector_load %arg6[%get3A_619, %get3A_620, %get3A_621] {strides = array<i32>} : memref<6x128x128xf32, #tpu.memory_space<vmem>>, vector<1x1x16xf32>,
      %get3A_623 = vector.shape_cast %get3A_622 : vector<1x1x16xf32> to vector<16xf32>
      %mul3A_624 = arith.constant 11.3137083 : f32
      %mul3A_625 = vector.broadcast %mul3A_624 : f32 to vector<16xf32>
      %mul3A_626 = arith.mulf %get3A_623, %mul3A_625 : vector<16xf32>
      %swap3A_627 = arith.constant 0 : i32
      %swap3A_628 = arith.index_cast %swap3A_627 : i32 to index
      %swap3A_629 = arith.index_cast %scan3A_523 : i32 to index
      %swap3A_630 = arith.constant 96 : index
      %swap3A_631 = tpu.vector_load %arg6[%swap3A_628, %swap3A_629, %swap3A_630] {strides = array<i32>} : memref<6x128x128xf32, #tpu.memory_space<vmem>>, vector<1x1x16xf32>,
      %swap3A_632 = vector.shape_cast %swap3A_631 : vector<1x1x16xf32> to vector<16xf32>
      %swap3A_633 = vector.shape_cast %mul3A_626 : vector<16xf32> to vector<1x1x16xf32>
      tpu.vector_store %arg6[%swap3A_628, %swap3A_629, %swap3A_630], %swap3A_633 {strides = array<i32>} : memref<6x128x128xf32, #tpu.memory_space<vmem>>, vector<1x1x16xf32>,
      %get3A_634 = arith.constant 0 : i32
      %get3A_635 = arith.index_cast %get3A_634 : i32 to index
      %get3A_636 = arith.index_cast %scan3A_523 : i32 to index
      %get3A_637 = arith.constant 112 : index
      %get3A_638 = tpu.vector_load %arg6[%get3A_635, %get3A_636, %get3A_637] {strides = array<i32>} : memref<6x128x128xf32, #tpu.memory_space<vmem>>, vector<1x1x16xf32>,
      %get3A_639 = vector.shape_cast %get3A_638 : vector<1x1x16xf32> to vector<16xf32>
      %mul3A_640 = arith.constant 11.3137083 : f32
      %mul3A_641 = vector.broadcast %mul3A_640 : f32 to vector<16xf32>
      %mul3A_642 = arith.mulf %get3A_639, %mul3A_641 : vector<16xf32>
      %swap3A_643 = arith.constant 0 : i32
      %swap3A_644 = arith.index_cast %swap3A_643 : i32 to index
      %swap3A_645 = arith.index_cast %scan3A_523 : i32 to index
      %swap3A_646 = arith.constant 112 : index
      %swap3A_647 = tpu.vector_load %arg6[%swap3A_644, %swap3A_645, %swap3A_646] {strides = array<i32>} : memref<6x128x128xf32, #tpu.memory_space<vmem>>, vector<1x1x16xf32>,
      %swap3A_648 = vector.shape_cast %swap3A_647 : vector<1x1x16xf32> to vector<16xf32>
      %swap3A_649 = vector.shape_cast %mul3A_642 : vector<16xf32> to vector<1x1x16xf32>
      tpu.vector_store %arg6[%swap3A_644, %swap3A_645, %swap3A_646], %swap3A_649 {strides = array<i32>} : memref<6x128x128xf32, #tpu.memory_space<vmem>>, vector<1x1x16xf32>,
      %scan3A_650 = arith.constant 1 : i32
      %scan3A_651 = arith.addi %scan3A_523, %scan3A_650 : i32
      %get3A_652 = arith.constant 0 : i32
      %get3A_653 = arith.index_cast %get3A_652 : i32 to index
      %get3A_654 = arith.index_cast %scan3A_651 : i32 to index
      %get3A_655 = arith.constant 0 : index
      %get3A_656 = tpu.vector_load %arg6[%get3A_653, %get3A_654, %get3A_655] {strides = array<i32>} : memref<6x128x128xf32, #tpu.memory_space<vmem>>, vector<1x1x16xf32>,
      %get3A_657 = vector.shape_cast %get3A_656 : vector<1x1x16xf32> to vector<16xf32>
      %mul3A_658 = arith.constant 11.3137083 : f32
      %mul3A_659 = vector.broadcast %mul3A_658 : f32 to vector<16xf32>
      %mul3A_660 = arith.mulf %get3A_657, %mul3A_659 : vector<16xf32>
      %swap3A_661 = arith.constant 0 : i32
      %swap3A_662 = arith.index_cast %swap3A_661 : i32 to index
      %swap3A_663 = arith.index_cast %scan3A_651 : i32 to index
      %swap3A_664 = arith.constant 0 : index
      %swap3A_665 = tpu.vector_load %arg6[%swap3A_662, %swap3A_663, %swap3A_664] {strides = array<i32>} : memref<6x128x128xf32, #tpu.memory_space<vmem>>, vector<1x1x16xf32>,
      %swap3A_666 = vector.shape_cast %swap3A_665 : vector<1x1x16xf32> to vector<16xf32>
      %swap3A_667 = vector.shape_cast %mul3A_660 : vector<16xf32> to vector<1x1x16xf32>
      tpu.vector_store %arg6[%swap3A_662, %swap3A_663, %swap3A_664], %swap3A_667 {strides = array<i32>} : memref<6x128x128xf32, #tpu.memory_space<vmem>>, vector<1x1x16xf32>,
      %get3A_668 = arith.constant 0 : i32
      %get3A_669 = arith.index_cast %get3A_668 : i32 to index
      %get3A_670 = arith.index_cast %scan3A_651 : i32 to index
      %get3A_671 = arith.constant 16 : index
      %get3A_672 = tpu.vector_load %arg6[%get3A_669, %get3A_670, %get3A_671] {strides = array<i32>} : memref<6x128x128xf32, #tpu.memory_space<vmem>>, vector<1x1x16xf32>,
      %get3A_673 = vector.shape_cast %get3A_672 : vector<1x1x16xf32> to vector<16xf32>
      %mul3A_674 = arith.constant 11.3137083 : f32
      %mul3A_675 = vector.broadcast %mul3A_674 : f32 to vector<16xf32>
      %mul3A_676 = arith.mulf %get3A_673, %mul3A_675 : vector<16xf32>
      %swap3A_677 = arith.constant 0 : i32
      %swap3A_678 = arith.index_cast %swap3A_677 : i32 to index
      %swap3A_679 = arith.index_cast %scan3A_651 : i32 to index
      %swap3A_680 = arith.constant 16 : index
      %swap3A_681 = tpu.vector_load %arg6[%swap3A_678, %swap3A_679, %swap3A_680] {strides = array<i32>} : memref<6x128x128xf32, #tpu.memory_space<vmem>>, vector<1x1x16xf32>,
      %swap3A_682 = vector.shape_cast %swap3A_681 : vector<1x1x16xf32> to vector<16xf32>
      %swap3A_683 = vector.shape_cast %mul3A_676 : vector<16xf32> to vector<1x1x16xf32>
      tpu.vector_store %arg6[%swap3A_678, %swap3A_679, %swap3A_680], %swap3A_683 {strides = array<i32>} : memref<6x128x128xf32, #tpu.memory_space<vmem>>, vector<1x1x16xf32>,
      %get3A_684 = arith.constant 0 : i32
      %get3A_685 = arith.index_cast %get3A_684 : i32 to index
      %get3A_686 = arith.index_cast %scan3A_651 : i32 to index
      %get3A_687 = arith.constant 32 : index
      %get3A_688 = tpu.vector_load %arg6[%get3A_685, %get3A_686, %get3A_687] {strides = array<i32>} : memref<6x128x128xf32, #tpu.memory_space<vmem>>, vector<1x1x16xf32>,
      %get3A_689 = vector.shape_cast %get3A_688 : vector<1x1x16xf32> to vector<16xf32>
      %mul3A_690 = arith.constant 11.3137083 : f32
      %mul3A_691 = vector.broadcast %mul3A_690 : f32 to vector<16xf32>
      %mul3A_692 = arith.mulf %get3A_689, %mul3A_691 : vector<16xf32>
      %swap3A_693 = arith.constant 0 : i32
      %swap3A_694 = arith.index_cast %swap3A_693 : i32 to index
      %swap3A_695 = arith.index_cast %scan3A_651 : i32 to index
      %swap3A_696 = arith.constant 32 : index
      %swap3A_697 = tpu.vector_load %arg6[%swap3A_694, %swap3A_695, %swap3A_696] {strides = array<i32>} : memref<6x128x128xf32, #tpu.memory_space<vmem>>, vector<1x1x16xf32>,
      %swap3A_698 = vector.shape_cast %swap3A_697 : vector<1x1x16xf32> to vector<16xf32>
      %swap3A_699 = vector.shape_cast %mul3A_692 : vector<16xf32> to vector<1x1x16xf32>
      tpu.vector_store %arg6[%swap3A_694, %swap3A_695, %swap3A_696], %swap3A_699 {strides = array<i32>} : memref<6x128x128xf32, #tpu.memory_space<vmem>>, vector<1x1x16xf32>,
      %get3A_700 = arith.constant 0 : i32
      %get3A_701 = arith.index_cast %get3A_700 : i32 to index
      %get3A_702 = arith.index_cast %scan3A_651 : i32 to index
      %get3A_703 = arith.constant 48 : index
      %get3A_704 = tpu.vector_load %arg6[%get3A_701, %get3A_702, %get3A_703] {strides = array<i32>} : memref<6x128x128xf32, #tpu.memory_space<vmem>>, vector<1x1x16xf32>,
      %get3A_705 = vector.shape_cast %get3A_704 : vector<1x1x16xf32> to vector<16xf32>
      %mul3A_706 = arith.constant 11.3137083 : f32
      %mul3A_707 = vector.broadcast %mul3A_706 : f32 to vector<16xf32>
      %mul3A_708 = arith.mulf %get3A_705, %mul3A_707 : vector<16xf32>
      %swap3A_709 = arith.constant 0 : i32
      %swap3A_710 = arith.index_cast %swap3A_709 : i32 to index
      %swap3A_711 = arith.index_cast %scan3A_651 : i32 to index
      %swap3A_712 = arith.constant 48 : index
      %swap3A_713 = tpu.vector_load %arg6[%swap3A_710, %swap3A_711, %swap3A_712] {strides = array<i32>} : memref<6x128x128xf32, #tpu.memory_space<vmem>>, vector<1x1x16xf32>,
      %swap3A_714 = vector.shape_cast %swap3A_713 : vector<1x1x16xf32> to vector<16xf32>
      %swap3A_715 = vector.shape_cast %mul3A_708 : vector<16xf32> to vector<1x1x16xf32>
      tpu.vector_store %arg6[%swap3A_710, %swap3A_711, %swap3A_712], %swap3A_715 {strides = array<i32>} : memref<6x128x128xf32, #tpu.memory_space<vmem>>, vector<1x1x16xf32>,
      %get3A_716 = arith.constant 0 : i32
      %get3A_717 = arith.index_cast %get3A_716 : i32 to index
      %get3A_718 = arith.index_cast %scan3A_651 : i32 to index
      %get3A_719 = arith.constant 64 : index
      %get3A_720 = tpu.vector_load %arg6[%get3A_717, %get3A_718, %get3A_719] {strides = array<i32>} : memref<6x128x128xf32, #tpu.memory_space<vmem>>, vector<1x1x16xf32>,
      %get3A_721 = vector.shape_cast %get3A_720 : vector<1x1x16xf32> to vector<16xf32>
      %mul3A_722 = arith.constant 11.3137083 : f32
      %mul3A_723 = vector.broadcast %mul3A_722 : f32 to vector<16xf32>
      %mul3A_724 = arith.mulf %get3A_721, %mul3A_723 : vector<16xf32>
      %swap3A_725 = arith.constant 0 : i32
      %swap3A_726 = arith.index_cast %swap3A_725 : i32 to index
      %swap3A_727 = arith.index_cast %scan3A_651 : i32 to index
      %swap3A_728 = arith.constant 64 : index
      %swap3A_729 = tpu.vector_load %arg6[%swap3A_726, %swap3A_727, %swap3A_728] {strides = array<i32>} : memref<6x128x128xf32, #tpu.memory_space<vmem>>, vector<1x1x16xf32>,
      %swap3A_730 = vector.shape_cast %swap3A_729 : vector<1x1x16xf32> to vector<16xf32>
      %swap3A_731 = vector.shape_cast %mul3A_724 : vector<16xf32> to vector<1x1x16xf32>
      tpu.vector_store %arg6[%swap3A_726, %swap3A_727, %swap3A_728], %swap3A_731 {strides = array<i32>} : memref<6x128x128xf32, #tpu.memory_space<vmem>>, vector<1x1x16xf32>,
      %get3A_732 = arith.constant 0 : i32
      %get3A_733 = arith.index_cast %get3A_732 : i32 to index
      %get3A_734 = arith.index_cast %scan3A_651 : i32 to index
      %get3A_735 = arith.constant 80 : index
      %get3A_736 = tpu.vector_load %arg6[%get3A_733, %get3A_734, %get3A_735] {strides = array<i32>} : memref<6x128x128xf32, #tpu.memory_space<vmem>>, vector<1x1x16xf32>,
      %get3A_737 = vector.shape_cast %get3A_736 : vector<1x1x16xf32> to vector<16xf32>
      %mul3A_738 = arith.constant 11.3137083 : f32
      %mul3A_739 = vector.broadcast %mul3A_738 : f32 to vector<16xf32>
      %mul3A_740 = arith.mulf %get3A_737, %mul3A_739 : vector<16xf32>
      %swap3A_741 = arith.constant 0 : i32
      %swap3A_742 = arith.index_cast %swap3A_741 : i32 to index
      %swap3A_743 = arith.index_cast %scan3A_651 : i32 to index
      %swap3A_744 = arith.constant 80 : index
      %swap3A_745 = tpu.vector_load %arg6[%swap3A_742, %swap3A_743, %swap3A_744] {strides = array<i32>} : memref<6x128x128xf32, #tpu.memory_space<vmem>>, vector<1x1x16xf32>,
      %swap3A_746 = vector.shape_cast %swap3A_745 : vector<1x1x16xf32> to vector<16xf32>
      %swap3A_747 = vector.shape_cast %mul3A_740 : vector<16xf32> to vector<1x1x16xf32>
      tpu.vector_store %arg6[%swap3A_742, %swap3A_743, %swap3A_744], %swap3A_747 {strides = array<i32>} : memref<6x128x128xf32, #tpu.memory_space<vmem>>, vector<1x1x16xf32>,
      %get3A_748 = arith.constant 0 : i32
      %get3A_749 = arith.index_cast %get3A_748 : i32 to index
      %get3A_750 = arith.index_cast %scan3A_651 : i32 to index
      %get3A_751 = arith.constant 96 : index
      %get3A_752 = tpu.vector_load %arg6[%get3A_749, %get3A_750, %get3A_751] {strides = array<i32>} : memref<6x128x128xf32, #tpu.memory_space<vmem>>, vector<1x1x16xf32>,
      %get3A_753 = vector.shape_cast %get3A_752 : vector<1x1x16xf32> to vector<16xf32>
      %mul3A_754 = arith.constant 11.3137083 : f32
      %mul3A_755 = vector.broadcast %mul3A_754 : f32 to vector<16xf32>
      %mul3A_756 = arith.mulf %get3A_753, %mul3A_755 : vector<16xf32>
      %swap3A_757 = arith.constant 0 : i32
      %swap3A_758 = arith.index_cast %swap3A_757 : i32 to index
      %swap3A_759 = arith.index_cast %scan3A_651 : i32 to index
      %swap3A_760 = arith.constant 96 : index
      %swap3A_761 = tpu.vector_load %arg6[%swap3A_758, %swap3A_759, %swap3A_760] {strides = array<i32>} : memref<6x128x128xf32, #tpu.memory_space<vmem>>, vector<1x1x16xf32>,
      %swap3A_762 = vector.shape_cast %swap3A_761 : vector<1x1x16xf32> to vector<16xf32>
      %swap3A_763 = vector.shape_cast %mul3A_756 : vector<16xf32> to vector<1x1x16xf32>
      tpu.vector_store %arg6[%swap3A_758, %swap3A_759, %swap3A_760], %swap3A_763 {strides = array<i32>} : memref<6x128x128xf32, #tpu.memory_space<vmem>>, vector<1x1x16xf32>,
      %get3A_764 = arith.constant 0 : i32
      %get3A_765 = arith.index_cast %get3A_764 : i32 to index
      %get3A_766 = arith.index_cast %scan3A_651 : i32 to index
      %get3A_767 = arith.constant 112 : index
      %get3A_768 = tpu.vector_load %arg6[%get3A_765, %get3A_766, %get3A_767] {strides = array<i32>} : memref<6x128x128xf32, #tpu.memory_space<vmem>>, vector<1x1x16xf32>,
      %get3A_769 = vector.shape_cast %get3A_768 : vector<1x1x16xf32> to vector<16xf32>
      %mul3A_770 = arith.constant 11.3137083 : f32
      %mul3A_771 = vector.broadcast %mul3A_770 : f32 to vector<16xf32>
      %mul3A_772 = arith.mulf %get3A_769, %mul3A_771 : vector<16xf32>
      %swap3A_773 = arith.constant 0 : i32
      %swap3A_774 = arith.index_cast %swap3A_773 : i32 to index
      %swap3A_775 = arith.index_cast %scan3A_651 : i32 to index
      %swap3A_776 = arith.constant 112 : index
      %swap3A_777 = tpu.vector_load %arg6[%swap3A_774, %swap3A_775, %swap3A_776] {strides = array<i32>} : memref<6x128x128xf32, #tpu.memory_space<vmem>>, vector<1x1x16xf32>,
      %swap3A_778 = vector.shape_cast %swap3A_777 : vector<1x1x16xf32> to vector<16xf32>
      %swap3A_779 = vector.shape_cast %mul3A_772 : vector<16xf32> to vector<1x1x16xf32>
      tpu.vector_store %arg6[%swap3A_774, %swap3A_775, %swap3A_776], %swap3A_779 {strides = array<i32>} : memref<6x128x128xf32, #tpu.memory_space<vmem>>, vector<1x1x16xf32>,
    }
    %scan3A_62 = arith.constant 128 : i32
    %dma_start3A_63 = arith.constant 0 : i32
    %dma_start3A_64 = arith.constant 0 : i32
    %dma_start3A_65 = arith.constant 0 : i32
    %dma_start3A_66 = arith.constant 0 : i32
    %dma_start3A_67 = tpu.memref_slice %arg6[%dma_start3A_63, %dma_start3A_65, %dma_start3A_66] : memref<6x128x128xf32, #tpu.memory_space<vmem>> -> memref<1x128x128xf32, #tpu.memory_space<vmem>>
    %dma_start3A_68 = tpu.memref_squeeze %dma_start3A_67 : memref<1x128x128xf32, #tpu.memory_space<vmem>> -> memref<128x128xf32, #tpu.memory_space<vmem>>
    %dma_start3A_69 = arith.constant 0 : i32
    %dma_start3A_70 = arith.constant 0 : i32
    %dma_start3A_71 = tpu.memref_slice %arg4[%add3A, %dma_start3A_64, %dma_start3A_69, %dma_start3A_70] : memref<32x200x128x128xf32, #tpu.memory_space<hbm>> -> memref<1x1x128x128xf32, #tpu.memory_space<hbm>>
    %dma_start3A_72 = tpu.memref_squeeze %dma_start3A_71 : memref<1x1x128x128xf32, #tpu.memory_space<hbm>> -> memref<128x128xf32, #tpu.memory_space<hbm>>
    %dma_start3A_73 = arith.constant 0 : i32
    %dma_start3A_74 = arith.constant 0 : i32
    %dma_start3A_75 = tpu.memref_slice %arg4[%add3A, %dma_start3A_64, %dma_start3A_73, %dma_start3A_74] : memref<32x200x128x128xf32, #tpu.memory_space<hbm>> -> memref<1x1x128x128xf32, #tpu.memory_space<hbm>>
    %dma_start3A_76 = tpu.memref_squeeze %dma_start3A_75 : memref<1x1x128x128xf32, #tpu.memory_space<hbm>> -> memref<128x128xf32, #tpu.memory_space<hbm>>
    %dma_start3A_77 = arith.constant 0 : i32
    %dma_start3A_78 = arith.constant 0 : i32
    %dma_start3A_79 = tpu.memref_slice %arg6[%dma_start3A_63, %dma_start3A_77, %dma_start3A_78] : memref<6x128x128xf32, #tpu.memory_space<vmem>> -> memref<1x128x128xf32, #tpu.memory_space<vmem>>
    %dma_start3A_80 = tpu.memref_squeeze %dma_start3A_79 : memref<1x128x128xf32, #tpu.memory_space<vmem>> -> memref<128x128xf32, #tpu.memory_space<vmem>>
    tpu.enqueue_dma source(%dma_start3A_80 : memref<128x128xf32, #tpu.memory_space<vmem>>) target(%dma_start3A_76 : memref<128x128xf32, #tpu.memory_space<hbm>>) target_semaphore(%arg13 : memref<!tpu.dma_semaphore, #tpu.memory_space<semaphore_mem>>)
    %dma_start3A_81 = arith.constant 4 : i32
    %dma_start3A_82 = arith.constant 4 : i32
    %dma_start3A_83 = arith.constant 0 : i32
    %dma_start3A_84 = arith.constant 0 : i32
    %dma_start3A_85 = tpu.memref_slice %arg6[%dma_start3A_82, %dma_start3A_83, %dma_start3A_84] : memref<6x128x128xf32, #tpu.memory_space<vmem>> -> memref<1x128x128xf32, #tpu.memory_space<vmem>>
    %dma_start3A_86 = tpu.memref_squeeze %dma_start3A_85 : memref<1x128x128xf32, #tpu.memory_space<vmem>> -> memref<128x128xf32, #tpu.memory_space<vmem>>
    %dma_start3A_87 = arith.constant 0 : i32
    %dma_start3A_88 = tpu.memref_slice %arg5[%dma_start3A_81, %dma_start3A_87] : memref<200x128xi32, #tpu.memory_space<vmem>> -> memref<1x128xi32, #tpu.memory_space<vmem>>
    %dma_start3A_89 = tpu.memref_squeeze %dma_start3A_88 : memref<1x128xi32, #tpu.memory_space<vmem>> -> memref<128xi32, #tpu.memory_space<vmem>>
    %dma_start3A_90 = arith.constant 0 : i32
    %dma_start3A_91 = arith.constant 0 : i32
    %dma_start3A_92 = tpu.memref_slice %arg3[%dma_start3A_90, %dma_start3A_91] : memref<100000x128xf32, #tpu.memory_space<hbm>> -> memref<100000x128xf32, #tpu.memory_space<hbm>>
    tpu.enqueue_indirect_dma source(%dma_start3A_92 : memref<100000x128xf32, #tpu.memory_space<hbm>>) target(%dma_start3A_86 : memref<128x128xf32, #tpu.memory_space<vmem>>) offsets(%dma_start3A_89 : memref<128xi32, #tpu.memory_space<vmem>>) semaphore(%arg11 : memref<!tpu.dma_semaphore, #tpu.memory_space<semaphore_mem>>)
    %dma_wait3A_93 = arith.constant 1 : i32
    %dma_wait3A_94 = arith.constant 1 : i32
    %dma_wait3A_95 = arith.constant 0 : i32
    %dma_wait3A_96 = arith.constant 0 : i32
    %dma_wait3A_97 = tpu.memref_slice %arg6[%dma_wait3A_94, %dma_wait3A_95, %dma_wait3A_96] : memref<6x128x128xf32, #tpu.memory_space<vmem>> -> memref<1x128x128xf32, #tpu.memory_space<vmem>>
    %dma_wait3A_98 = tpu.memref_squeeze %dma_wait3A_97 : memref<1x128x128xf32, #tpu.memory_space<vmem>> -> memref<128x128xf32, #tpu.memory_space<vmem>>
    %dma_wait3A_99 = arith.constant 0 : i32
    %dma_wait3A_100 = tpu.memref_slice %arg5[%dma_wait3A_93, %dma_wait3A_99] : memref<200x128xi32, #tpu.memory_space<vmem>> -> memref<1x128xi32, #tpu.memory_space<vmem>>
    %dma_wait3A_101 = tpu.memref_squeeze %dma_wait3A_100 : memref<1x128xi32, #tpu.memory_space<vmem>> -> memref<128xi32, #tpu.memory_space<vmem>>
    %dma_wait3A_102 = arith.constant 0 : i32
    %dma_wait3A_103 = arith.constant 0 : i32
    %dma_wait3A_104 = tpu.memref_slice %arg3[%dma_wait3A_102, %dma_wait3A_103] : memref<100000x128xf32, #tpu.memory_space<hbm>> -> memref<100000x128xf32, #tpu.memory_space<hbm>>
    tpu.wait_indirect_dma semaphore(%arg8 : memref<!tpu.dma_semaphore, #tpu.memory_space<semaphore_mem>>) src(%dma_wait3A_104 : memref<100000x128xf32, #tpu.memory_space<hbm>>) dst(%dma_wait3A_98 : memref<128x128xf32, #tpu.memory_space<vmem>>)
    %scan3A_105 = arith.constant 0 : i32
    %scan3A_106 = arith.constant 128 : i32
    %scan3A_107 = arith.addi %scan3A_105, %scan3A_106 : i32
    %scan3A_108 = arith.constant 2 : i32
    scf.for %scan3A_523 = %scan3A_105 to %scan3A_107 step %scan3A_108  : i32 {
      %get3A = arith.constant 1 : i32
      %get3A_524 = arith.index_cast %get3A : i32 to index
      %get3A_525 = arith.index_cast %scan3A_523 : i32 to index
      %get3A_526 = arith.constant 0 : index
      %get3A_527 = tpu.vector_load %arg6[%get3A_524, %get3A_525, %get3A_526] {strides = array<i32>} : memref<6x128x128xf32, #tpu.memory_space<vmem>>, vector<1x1x16xf32>,
      %get3A_528 = vector.shape_cast %get3A_527 : vector<1x1x16xf32> to vector<16xf32>
      %mul3A_529 = arith.constant 11.3137083 : f32
      %mul3A_530 = vector.broadcast %mul3A_529 : f32 to vector<16xf32>
      %mul3A_531 = arith.mulf %get3A_528, %mul3A_530 : vector<16xf32>
      %swap3A = arith.constant 1 : i32
      %swap3A_532 = arith.index_cast %swap3A : i32 to index
      %swap3A_533 = arith.index_cast %scan3A_523 : i32 to index
      %swap3A_534 = arith.constant 0 : index
      %swap3A_535 = tpu.vector_load %arg6[%swap3A_532, %swap3A_533, %swap3A_534] {strides = array<i32>} : memref<6x128x128xf32, #tpu.memory_space<vmem>>, vector<1x1x16xf32>,
      %swap3A_536 = vector.shape_cast %swap3A_535 : vector<1x1x16xf32> to vector<16xf32>
      %swap3A_537 = vector.shape_cast %mul3A_531 : vector<16xf32> to vector<1x1x16xf32>
      tpu.vector_store %arg6[%swap3A_532, %swap3A_533, %swap3A_534], %swap3A_537 {strides = array<i32>} : memref<6x128x128xf32, #tpu.memory_space<vmem>>, vector<1x1x16xf32>,
      %get3A_538 = arith.constant 1 : i32
      %get3A_539 = arith.index_cast %get3A_538 : i32 to index
      %get3A_540 = arith.index_cast %scan3A_523 : i32 to index
      %get3A_541 = arith.constant 16 : index
      %get3A_542 = tpu.vector_load %arg6[%get3A_539, %get3A_540, %get3A_541] {strides = array<i32>} : memref<6x128x128xf32, #tpu.memory_space<vmem>>, vector<1x1x16xf32>,
      %get3A_543 = vector.shape_cast %get3A_542 : vector<1x1x16xf32> to vector<16xf32>
      %mul3A_544 = arith.constant 11.3137083 : f32
      %mul3A_545 = vector.broadcast %mul3A_544 : f32 to vector<16xf32>
      %mul3A_546 = arith.mulf %get3A_543, %mul3A_545 : vector<16xf32>
      %swap3A_547 = arith.constant 1 : i32
      %swap3A_548 = arith.index_cast %swap3A_547 : i32 to index
      %swap3A_549 = arith.index_cast %scan3A_523 : i32 to index
      %swap3A_550 = arith.constant 16 : index
      %swap3A_551 = tpu.vector_load %arg6[%swap3A_548, %swap3A_549, %swap3A_550] {strides = array<i32>} : memref<6x128x128xf32, #tpu.memory_space<vmem>>, vector<1x1x16xf32>,
      %swap3A_552 = vector.shape_cast %swap3A_551 : vector<1x1x16xf32> to vector<16xf32>
      %swap3A_553 = vector.shape_cast %mul3A_546 : vector<16xf32> to vector<1x1x16xf32>
      tpu.vector_store %arg6[%swap3A_548, %swap3A_549, %swap3A_550], %swap3A_553 {strides = array<i32>} : memref<6x128x128xf32, #tpu.memory_space<vmem>>, vector<1x1x16xf32>,
      %get3A_554 = arith.constant 1 : i32
      %get3A_555 = arith.index_cast %get3A_554 : i32 to index
      %get3A_556 = arith.index_cast %scan3A_523 : i32 to index
      %get3A_557 = arith.constant 32 : index
      %get3A_558 = tpu.vector_load %arg6[%get3A_555, %get3A_556, %get3A_557] {strides = array<i32>} : memref<6x128x128xf32, #tpu.memory_space<vmem>>, vector<1x1x16xf32>,
      %get3A_559 = vector.shape_cast %get3A_558 : vector<1x1x16xf32> to vector<16xf32>
      %mul3A_560 = arith.constant 11.3137083 : f32
      %mul3A_561 = vector.broadcast %mul3A_560 : f32 to vector<16xf32>
      %mul3A_562 = arith.mulf %get3A_559, %mul3A_561 : vector<16xf32>
      %swap3A_563 = arith.constant 1 : i32
      %swap3A_564 = arith.index_cast %swap3A_563 : i32 to index
      %swap3A_565 = arith.index_cast %scan3A_523 : i32 to index
      %swap3A_566 = arith.constant 32 : index
      %swap3A_567 = tpu.vector_load %arg6[%swap3A_564, %swap3A_565, %swap3A_566] {strides = array<i32>} : memref<6x128x128xf32, #tpu.memory_space<vmem>>, vector<1x1x16xf32>,
      %swap3A_568 = vector.shape_cast %swap3A_567 : vector<1x1x16xf32> to vector<16xf32>
      %swap3A_569 = vector.shape_cast %mul3A_562 : vector<16xf32> to vector<1x1x16xf32>
      tpu.vector_store %arg6[%swap3A_564, %swap3A_565, %swap3A_566], %swap3A_569 {strides = array<i32>} : memref<6x128x128xf32, #tpu.memory_space<vmem>>, vector<1x1x16xf32>,
      %get3A_570 = arith.constant 1 : i32
      %get3A_571 = arith.index_cast %get3A_570 : i32 to index
      %get3A_572 = arith.index_cast %scan3A_523 : i32 to index
      %get3A_573 = arith.constant 48 : index
      %get3A_574 = tpu.vector_load %arg6[%get3A_571, %get3A_572, %get3A_573] {strides = array<i32>} : memref<6x128x128xf32, #tpu.memory_space<vmem>>, vector<1x1x16xf32>,
      %get3A_575 = vector.shape_cast %get3A_574 : vector<1x1x16xf32> to vector<16xf32>
      %mul3A_576 = arith.constant 11.3137083 : f32
      %mul3A_577 = vector.broadcast %mul3A_576 : f32 to vector<16xf32>
      %mul3A_578 = arith.mulf %get3A_575, %mul3A_577 : vector<16xf32>
      %swap3A_579 = arith.constant 1 : i32
      %swap3A_580 = arith.index_cast %swap3A_579 : i32 to index
      %swap3A_581 = arith.index_cast %scan3A_523 : i32 to index
      %swap3A_582 = arith.constant 48 : index
      %swap3A_583 = tpu.vector_load %arg6[%swap3A_580, %swap3A_581, %swap3A_582] {strides = array<i32>} : memref<6x128x128xf32, #tpu.memory_space<vmem>>, vector<1x1x16xf32>,
      %swap3A_584 = vector.shape_cast %swap3A_583 : vector<1x1x16xf32> to vector<16xf32>
      %swap3A_585 = vector.shape_cast %mul3A_578 : vector<16xf32> to vector<1x1x16xf32>
      tpu.vector_store %arg6[%swap3A_580, %swap3A_581, %swap3A_582], %swap3A_585 {strides = array<i32>} : memref<6x128x128xf32, #tpu.memory_space<vmem>>, vector<1x1x16xf32>,
      %get3A_586 = arith.constant 1 : i32
      %get3A_587 = arith.index_cast %get3A_586 : i32 to index
      %get3A_588 = arith.index_cast %scan3A_523 : i32 to index
      %get3A_589 = arith.constant 64 : index
      %get3A_590 = tpu.vector_load %arg6[%get3A_587, %get3A_588, %get3A_589] {strides = array<i32>} : memref<6x128x128xf32, #tpu.memory_space<vmem>>, vector<1x1x16xf32>,
      %get3A_591 = vector.shape_cast %get3A_590 : vector<1x1x16xf32> to vector<16xf32>
      %mul3A_592 = arith.constant 11.3137083 : f32
      %mul3A_593 = vector.broadcast %mul3A_592 : f32 to vector<16xf32>
      %mul3A_594 = arith.mulf %get3A_591, %mul3A_593 : vector<16xf32>
      %swap3A_595 = arith.constant 1 : i32
      %swap3A_596 = arith.index_cast %swap3A_595 : i32 to index
      %swap3A_597 = arith.index_cast %scan3A_523 : i32 to index
      %swap3A_598 = arith.constant 64 : index
      %swap3A_599 = tpu.vector_load %arg6[%swap3A_596, %swap3A_597, %swap3A_598] {strides = array<i32>} : memref<6x128x128xf32, #tpu.memory_space<vmem>>, vector<1x1x16xf32>,
      %swap3A_600 = vector.shape_cast %swap3A_599 : vector<1x1x16xf32> to vector<16xf32>
      %swap3A_601 = vector.shape_cast %mul3A_594 : vector<16xf32> to vector<1x1x16xf32>
      tpu.vector_store %arg6[%swap3A_596, %swap3A_597, %swap3A_598], %swap3A_601 {strides = array<i32>} : memref<6x128x128xf32, #tpu.memory_space<vmem>>, vector<1x1x16xf32>,
      %get3A_602 = arith.constant 1 : i32
      %get3A_603 = arith.index_cast %get3A_602 : i32 to index
      %get3A_604 = arith.index_cast %scan3A_523 : i32 to index
      %get3A_605 = arith.constant 80 : index
      %get3A_606 = tpu.vector_load %arg6[%get3A_603, %get3A_604, %get3A_605] {strides = array<i32>} : memref<6x128x128xf32, #tpu.memory_space<vmem>>, vector<1x1x16xf32>,
      %get3A_607 = vector.shape_cast %get3A_606 : vector<1x1x16xf32> to vector<16xf32>
      %mul3A_608 = arith.constant 11.3137083 : f32
      %mul3A_609 = vector.broadcast %mul3A_608 : f32 to vector<16xf32>
      %mul3A_610 = arith.mulf %get3A_607, %mul3A_609 : vector<16xf32>
      %swap3A_611 = arith.constant 1 : i32
      %swap3A_612 = arith.index_cast %swap3A_611 : i32 to index
      %swap3A_613 = arith.index_cast %scan3A_523 : i32 to index
      %swap3A_614 = arith.constant 80 : index
      %swap3A_615 = tpu.vector_load %arg6[%swap3A_612, %swap3A_613, %swap3A_614] {strides = array<i32>} : memref<6x128x128xf32, #tpu.memory_space<vmem>>, vector<1x1x16xf32>,
      %swap3A_616 = vector.shape_cast %swap3A_615 : vector<1x1x16xf32> to vector<16xf32>
      %swap3A_617 = vector.shape_cast %mul3A_610 : vector<16xf32> to vector<1x1x16xf32>
      tpu.vector_store %arg6[%swap3A_612, %swap3A_613, %swap3A_614], %swap3A_617 {strides = array<i32>} : memref<6x128x128xf32, #tpu.memory_space<vmem>>, vector<1x1x16xf32>,
      %get3A_618 = arith.constant 1 : i32
      %get3A_619 = arith.index_cast %get3A_618 : i32 to index
      %get3A_620 = arith.index_cast %scan3A_523 : i32 to index
      %get3A_621 = arith.constant 96 : index
      %get3A_622 = tpu.vector_load %arg6[%get3A_619, %get3A_620, %get3A_621] {strides = array<i32>} : memref<6x128x128xf32, #tpu.memory_space<vmem>>, vector<1x1x16xf32>,
      %get3A_623 = vector.shape_cast %get3A_622 : vector<1x1x16xf32> to vector<16xf32>
      %mul3A_624 = arith.constant 11.3137083 : f32
      %mul3A_625 = vector.broadcast %mul3A_624 : f32 to vector<16xf32>
      %mul3A_626 = arith.mulf %get3A_623, %mul3A_625 : vector<16xf32>
      %swap3A_627 = arith.constant 1 : i32
      %swap3A_628 = arith.index_cast %swap3A_627 : i32 to index
      %swap3A_629 = arith.index_cast %scan3A_523 : i32 to index
      %swap3A_630 = arith.constant 96 : index
      %swap3A_631 = tpu.vector_load %arg6[%swap3A_628, %swap3A_629, %swap3A_630] {strides = array<i32>} : memref<6x128x128xf32, #tpu.memory_space<vmem>>, vector<1x1x16xf32>,
      %swap3A_632 = vector.shape_cast %swap3A_631 : vector<1x1x16xf32> to vector<16xf32>
      %swap3A_633 = vector.shape_cast %mul3A_626 : vector<16xf32> to vector<1x1x16xf32>
      tpu.vector_store %arg6[%swap3A_628, %swap3A_629, %swap3A_630], %swap3A_633 {strides = array<i32>} : memref<6x128x128xf32, #tpu.memory_space<vmem>>, vector<1x1x16xf32>,
      %get3A_634 = arith.constant 1 : i32
      %get3A_635 = arith.index_cast %get3A_634 : i32 to index
      %get3A_636 = arith.index_cast %scan3A_523 : i32 to index
      %get3A_637 = arith.constant 112 : index
      %get3A_638 = tpu.vector_load %arg6[%get3A_635, %get3A_636, %get3A_637] {strides = array<i32>} : memref<6x128x128xf32, #tpu.memory_space<vmem>>, vector<1x1x16xf32>,
      %get3A_639 = vector.shape_cast %get3A_638 : vector<1x1x16xf32> to vector<16xf32>
      %mul3A_640 = arith.constant 11.3137083 : f32
      %mul3A_641 = vector.broadcast %mul3A_640 : f32 to vector<16xf32>
      %mul3A_642 = arith.mulf %get3A_639, %mul3A_641 : vector<16xf32>
      %swap3A_643 = arith.constant 1 : i32
      %swap3A_644 = arith.index_cast %swap3A_643 : i32 to index
      %swap3A_645 = arith.index_cast %scan3A_523 : i32 to index
      %swap3A_646 = arith.constant 112 : index
      %swap3A_647 = tpu.vector_load %arg6[%swap3A_644, %swap3A_645, %swap3A_646] {strides = array<i32>} : memref<6x128x128xf32, #tpu.memory_space<vmem>>, vector<1x1x16xf32>,
      %swap3A_648 = vector.shape_cast %swap3A_647 : vector<1x1x16xf32> to vector<16xf32>
      %swap3A_649 = vector.shape_cast %mul3A_642 : vector<16xf32> to vector<1x1x16xf32>
      tpu.vector_store %arg6[%swap3A_644, %swap3A_645, %swap3A_646], %swap3A_649 {strides = array<i32>} : memref<6x128x128xf32, #tpu.memory_space<vmem>>, vector<1x1x16xf32>,
      %scan3A_650 = arith.constant 1 : i32
      %scan3A_651 = arith.addi %scan3A_523, %scan3A_650 : i32
      %get3A_652 = arith.constant 1 : i32
      %get3A_653 = arith.index_cast %get3A_652 : i32 to index
      %get3A_654 = arith.index_cast %scan3A_651 : i32 to index
      %get3A_655 = arith.constant 0 : index
      %get3A_656 = tpu.vector_load %arg6[%get3A_653, %get3A_654, %get3A_655] {strides = array<i32>} : memref<6x128x128xf32, #tpu.memory_space<vmem>>, vector<1x1x16xf32>,
      %get3A_657 = vector.shape_cast %get3A_656 : vector<1x1x16xf32> to vector<16xf32>
      %mul3A_658 = arith.constant 11.3137083 : f32
      %mul3A_659 = vector.broadcast %mul3A_658 : f32 to vector<16xf32>
      %mul3A_660 = arith.mulf %get3A_657, %mul3A_659 : vector<16xf32>
      %swap3A_661 = arith.constant 1 : i32
      %swap3A_662 = arith.index_cast %swap3A_661 : i32 to index
      %swap3A_663 = arith.index_cast %scan3A_651 : i32 to index
      %swap3A_664 = arith.constant 0 : index
      %swap3A_665 = tpu.vector_load %arg6[%swap3A_662, %swap3A_663, %swap3A_664] {strides = array<i32>} : memref<6x128x128xf32, #tpu.memory_space<vmem>>, vector<1x1x16xf32>,
      %swap3A_666 = vector.shape_cast %swap3A_665 : vector<1x1x16xf32> to vector<16xf32>
      %swap3A_667 = vector.shape_cast %mul3A_660 : vector<16xf32> to vector<1x1x16xf32>
      tpu.vector_store %arg6[%swap3A_662, %swap3A_663, %swap3A_664], %swap3A_667 {strides = array<i32>} : memref<6x128x128xf32, #tpu.memory_space<vmem>>, vector<1x1x16xf32>,
      %get3A_668 = arith.constant 1 : i32
      %get3A_669 = arith.index_cast %get3A_668 : i32 to index
      %get3A_670 = arith.index_cast %scan3A_651 : i32 to index
      %get3A_671 = arith.constant 16 : index
      %get3A_672 = tpu.vector_load %arg6[%get3A_669, %get3A_670, %get3A_671] {strides = array<i32>} : memref<6x128x128xf32, #tpu.memory_space<vmem>>, vector<1x1x16xf32>,
      %get3A_673 = vector.shape_cast %get3A_672 : vector<1x1x16xf32> to vector<16xf32>
      %mul3A_674 = arith.constant 11.3137083 : f32
      %mul3A_675 = vector.broadcast %mul3A_674 : f32 to vector<16xf32>
      %mul3A_676 = arith.mulf %get3A_673, %mul3A_675 : vector<16xf32>
      %swap3A_677 = arith.constant 1 : i32
      %swap3A_678 = arith.index_cast %swap3A_677 : i32 to index
      %swap3A_679 = arith.index_cast %scan3A_651 : i32 to index
      %swap3A_680 = arith.constant 16 : index
      %swap3A_681 = tpu.vector_load %arg6[%swap3A_678, %swap3A_679, %swap3A_680] {strides = array<i32>} : memref<6x128x128xf32, #tpu.memory_space<vmem>>, vector<1x1x16xf32>,
      %swap3A_682 = vector.shape_cast %swap3A_681 : vector<1x1x16xf32> to vector<16xf32>
      %swap3A_683 = vector.shape_cast %mul3A_676 : vector<16xf32> to vector<1x1x16xf32>
      tpu.vector_store %arg6[%swap3A_678, %swap3A_679, %swap3A_680], %swap3A_683 {strides = array<i32>} : memref<6x128x128xf32, #tpu.memory_space<vmem>>, vector<1x1x16xf32>,
      %get3A_684 = arith.constant 1 : i32
      %get3A_685 = arith.index_cast %get3A_684 : i32 to index
      %get3A_686 = arith.index_cast %scan3A_651 : i32 to index
      %get3A_687 = arith.constant 32 : index
      %get3A_688 = tpu.vector_load %arg6[%get3A_685, %get3A_686, %get3A_687] {strides = array<i32>} : memref<6x128x128xf32, #tpu.memory_space<vmem>>, vector<1x1x16xf32>,
      %get3A_689 = vector.shape_cast %get3A_688 : vector<1x1x16xf32> to vector<16xf32>
      %mul3A_690 = arith.constant 11.3137083 : f32
      %mul3A_691 = vector.broadcast %mul3A_690 : f32 to vector<16xf32>
      %mul3A_692 = arith.mulf %get3A_689, %mul3A_691 : vector<16xf32>
      %swap3A_693 = arith.constant 1 : i32
      %swap3A_694 = arith.index_cast %swap3A_693 : i32 to index
      %swap3A_695 = arith.index_cast %scan3A_651 : i32 to index
      %swap3A_696 = arith.constant 32 : index
      %swap3A_697 = tpu.vector_load %arg6[%swap3A_694, %swap3A_695, %swap3A_696] {strides = array<i32>} : memref<6x128x128xf32, #tpu.memory_space<vmem>>, vector<1x1x16xf32>,
      %swap3A_698 = vector.shape_cast %swap3A_697 : vector<1x1x16xf32> to vector<16xf32>
      %swap3A_699 = vector.shape_cast %mul3A_692 : vector<16xf32> to vector<1x1x16xf32>
      tpu.vector_store %arg6[%swap3A_694, %swap3A_695, %swap3A_696], %swap3A_699 {strides = array<i32>} : memref<6x128x128xf32, #tpu.memory_space<vmem>>, vector<1x1x16xf32>,
      %get3A_700 = arith.constant 1 : i32
      %get3A_701 = arith.index_cast %get3A_700 : i32 to index
      %get3A_702 = arith.index_cast %scan3A_651 : i32 to index
      %get3A_703 = arith.constant 48 : index
      %get3A_704 = tpu.vector_load %arg6[%get3A_701, %get3A_702, %get3A_703] {strides = array<i32>} : memref<6x128x128xf32, #tpu.memory_space<vmem>>, vector<1x1x16xf32>,
      %get3A_705 = vector.shape_cast %get3A_704 : vector<1x1x16xf32> to vector<16xf32>
      %mul3A_706 = arith.constant 11.3137083 : f32
      %mul3A_707 = vector.broadcast %mul3A_706 : f32 to vector<16xf32>
      %mul3A_708 = arith.mulf %get3A_705, %mul3A_707 : vector<16xf32>
      %swap3A_709 = arith.constant 1 : i32
      %swap3A_710 = arith.index_cast %swap3A_709 : i32 to index
      %swap3A_711 = arith.index_cast %scan3A_651 : i32 to index
      %swap3A_712 = arith.constant 48 : index
      %swap3A_713 = tpu.vector_load %arg6[%swap3A_710, %swap3A_711, %swap3A_712] {strides = array<i32>} : memref<6x128x128xf32, #tpu.memory_space<vmem>>, vector<1x1x16xf32>,
      %swap3A_714 = vector.shape_cast %swap3A_713 : vector<1x1x16xf32> to vector<16xf32>
      %swap3A_715 = vector.shape_cast %mul3A_708 : vector<16xf32> to vector<1x1x16xf32>
      tpu.vector_store %arg6[%swap3A_710, %swap3A_711, %swap3A_712], %swap3A_715 {strides = array<i32>} : memref<6x128x128xf32, #tpu.memory_space<vmem>>, vector<1x1x16xf32>,
      %get3A_716 = arith.constant 1 : i32
      %get3A_717 = arith.index_cast %get3A_716 : i32 to index
      %get3A_718 = arith.index_cast %scan3A_651 : i32 to index
      %get3A_719 = arith.constant 64 : index
      %get3A_720 = tpu.vector_load %arg6[%get3A_717, %get3A_718, %get3A_719] {strides = array<i32>} : memref<6x128x128xf32, #tpu.memory_space<vmem>>, vector<1x1x16xf32>,
      %get3A_721 = vector.shape_cast %get3A_720 : vector<1x1x16xf32> to vector<16xf32>
      %mul3A_722 = arith.constant 11.3137083 : f32
      %mul3A_723 = vector.broadcast %mul3A_722 : f32 to vector<16xf32>
      %mul3A_724 = arith.mulf %get3A_721, %mul3A_723 : vector<16xf32>
      %swap3A_725 = arith.constant 1 : i32
      %swap3A_726 = arith.index_cast %swap3A_725 : i32 to index
      %swap3A_727 = arith.index_cast %scan3A_651 : i32 to index
      %swap3A_728 = arith.constant 64 : index
      %swap3A_729 = tpu.vector_load %arg6[%swap3A_726, %swap3A_727, %swap3A_728] {strides = array<i32>} : memref<6x128x128xf32, #tpu.memory_space<vmem>>, vector<1x1x16xf32>,
      %swap3A_730 = vector.shape_cast %swap3A_729 : vector<1x1x16xf32> to vector<16xf32>
      %swap3A_731 = vector.shape_cast %mul3A_724 : vector<16xf32> to vector<1x1x16xf32>
      tpu.vector_store %arg6[%swap3A_726, %swap3A_727, %swap3A_728], %swap3A_731 {strides = array<i32>} : memref<6x128x128xf32, #tpu.memory_space<vmem>>, vector<1x1x16xf32>,
      %get3A_732 = arith.constant 1 : i32
      %get3A_733 = arith.index_cast %get3A_732 : i32 to index
      %get3A_734 = arith.index_cast %scan3A_651 : i32 to index
      %get3A_735 = arith.constant 80 : index
      %get3A_736 = tpu.vector_load %arg6[%get3A_733, %get3A_734, %get3A_735] {strides = array<i32>} : memref<6x128x128xf32, #tpu.memory_space<vmem>>, vector<1x1x16xf32>,
      %get3A_737 = vector.shape_cast %get3A_736 : vector<1x1x16xf32> to vector<16xf32>
      %mul3A_738 = arith.constant 11.3137083 : f32
      %mul3A_739 = vector.broadcast %mul3A_738 : f32 to vector<16xf32>
      %mul3A_740 = arith.mulf %get3A_737, %mul3A_739 : vector<16xf32>
      %swap3A_741 = arith.constant 1 : i32
      %swap3A_742 = arith.index_cast %swap3A_741 : i32 to index
      %swap3A_743 = arith.index_cast %scan3A_651 : i32 to index
      %swap3A_744 = arith.constant 80 : index
      %swap3A_745 = tpu.vector_load %arg6[%swap3A_742, %swap3A_743, %swap3A_744] {strides = array<i32>} : memref<6x128x128xf32, #tpu.memory_space<vmem>>, vector<1x1x16xf32>,
      %swap3A_746 = vector.shape_cast %swap3A_745 : vector<1x1x16xf32> to vector<16xf32>
      %swap3A_747 = vector.shape_cast %mul3A_740 : vector<16xf32> to vector<1x1x16xf32>
      tpu.vector_store %arg6[%swap3A_742, %swap3A_743, %swap3A_744], %swap3A_747 {strides = array<i32>} : memref<6x128x128xf32, #tpu.memory_space<vmem>>, vector<1x1x16xf32>,
      %get3A_748 = arith.constant 1 : i32
      %get3A_749 = arith.index_cast %get3A_748 : i32 to index
      %get3A_750 = arith.index_cast %scan3A_651 : i32 to index
      %get3A_751 = arith.constant 96 : index
      %get3A_752 = tpu.vector_load %arg6[%get3A_749, %get3A_750, %get3A_751] {strides = array<i32>} : memref<6x128x128xf32, #tpu.memory_space<vmem>>, vector<1x1x16xf32>,
      %get3A_753 = vector.shape_cast %get3A_752 : vector<1x1x16xf32> to vector<16xf32>
      %mul3A_754 = arith.constant 11.3137083 : f32
      %mul3A_755 = vector.broadcast %mul3A_754 : f32 to vector<16xf32>
      %mul3A_756 = arith.mulf %get3A_753, %mul3A_755 : vector<16xf32>
      %swap3A_757 = arith.constant 1 : i32
      %swap3A_758 = arith.index_cast %swap3A_757 : i32 to index
      %swap3A_759 = arith.index_cast %scan3A_651 : i32 to index
      %swap3A_760 = arith.constant 96 : index
      %swap3A_761 = tpu.vector_load %arg6[%swap3A_758, %swap3A_759, %swap3A_760] {strides = array<i32>} : memref<6x128x128xf32, #tpu.memory_space<vmem>>, vector<1x1x16xf32>,
      %swap3A_762 = vector.shape_cast %swap3A_761 : vector<1x1x16xf32> to vector<16xf32>
      %swap3A_763 = vector.shape_cast %mul3A_756 : vector<16xf32> to vector<1x1x16xf32>
      tpu.vector_store %arg6[%swap3A_758, %swap3A_759, %swap3A_760], %swap3A_763 {strides = array<i32>} : memref<6x128x128xf32, #tpu.memory_space<vmem>>, vector<1x1x16xf32>,
      %get3A_764 = arith.constant 1 : i32
      %get3A_765 = arith.index_cast %get3A_764 : i32 to index
      %get3A_766 = arith.index_cast %scan3A_651 : i32 to index
      %get3A_767 = arith.constant 112 : index
      %get3A_768 = tpu.vector_load %arg6[%get3A_765, %get3A_766, %get3A_767] {strides = array<i32>} : memref<6x128x128xf32, #tpu.memory_space<vmem>>, vector<1x1x16xf32>,
      %get3A_769 = vector.shape_cast %get3A_768 : vector<1x1x16xf32> to vector<16xf32>
      %mul3A_770 = arith.constant 11.3137083 : f32
      %mul3A_771 = vector.broadcast %mul3A_770 : f32 to vector<16xf32>
      %mul3A_772 = arith.mulf %get3A_769, %mul3A_771 : vector<16xf32>
      %swap3A_773 = arith.constant 1 : i32
      %swap3A_774 = arith.index_cast %swap3A_773 : i32 to index
      %swap3A_775 = arith.index_cast %scan3A_651 : i32 to index
      %swap3A_776 = arith.constant 112 : index
      %swap3A_777 = tpu.vector_load %arg6[%swap3A_774, %swap3A_775, %swap3A_776] {strides = array<i32>} : memref<6x128x128xf32, #tpu.memory_space<vmem>>, vector<1x1x16xf32>,
      %swap3A_778 = vector.shape_cast %swap3A_777 : vector<1x1x16xf32> to vector<16xf32>
      %swap3A_779 = vector.shape_cast %mul3A_772 : vector<16xf32> to vector<1x1x16xf32>
      tpu.vector_store %arg6[%swap3A_774, %swap3A_775, %swap3A_776], %swap3A_779 {strides = array<i32>} : memref<6x128x128xf32, #tpu.memory_space<vmem>>, vector<1x1x16xf32>,
    }
    %scan3A_109 = arith.constant 128 : i32
    %dma_start3A_110 = arith.constant 1 : i32
    %dma_start3A_111 = arith.constant 1 : i32
    %dma_start3A_112 = arith.constant 0 : i32
    %dma_start3A_113 = arith.constant 0 : i32
    %dma_start3A_114 = tpu.memref_slice %arg6[%dma_start3A_110, %dma_start3A_112, %dma_start3A_113] : memref<6x128x128xf32, #tpu.memory_space<vmem>> -> memref<1x128x128xf32, #tpu.memory_space<vmem>>
    %dma_start3A_115 = tpu.memref_squeeze %dma_start3A_114 : memref<1x128x128xf32, #tpu.memory_space<vmem>> -> memref<128x128xf32, #tpu.memory_space<vmem>>
    %dma_start3A_116 = arith.constant 0 : i32
    %dma_start3A_117 = arith.constant 0 : i32
    %dma_start3A_118 = tpu.memref_slice %arg4[%add3A, %dma_start3A_111, %dma_start3A_116, %dma_start3A_117] : memref<32x200x128x128xf32, #tpu.memory_space<hbm>> -> memref<1x1x128x128xf32, #tpu.memory_space<hbm>>
    %dma_start3A_119 = tpu.memref_squeeze %dma_start3A_118 : memref<1x1x128x128xf32, #tpu.memory_space<hbm>> -> memref<128x128xf32, #tpu.memory_space<hbm>>
    %dma_start3A_120 = arith.constant 0 : i32
    %dma_start3A_121 = arith.constant 0 : i32
    %dma_start3A_122 = tpu.memref_slice %arg4[%add3A, %dma_start3A_111, %dma_start3A_120, %dma_start3A_121] : memref<32x200x128x128xf32, #tpu.memory_space<hbm>> -> memref<1x1x128x128xf32, #tpu.memory_space<hbm>>
    %dma_start3A_123 = tpu.memref_squeeze %dma_start3A_122 : memref<1x1x128x128xf32, #tpu.memory_space<hbm>> -> memref<128x128xf32, #tpu.memory_space<hbm>>
    %dma_start3A_124 = arith.constant 0 : i32
    %dma_start3A_125 = arith.constant 0 : i32
    %dma_start3A_126 = tpu.memref_slice %arg6[%dma_start3A_110, %dma_start3A_124, %dma_start3A_125] : memref<6x128x128xf32, #tpu.memory_space<vmem>> -> memref<1x128x128xf32, #tpu.memory_space<vmem>>
    %dma_start3A_127 = tpu.memref_squeeze %dma_start3A_126 : memref<1x128x128xf32, #tpu.memory_space<vmem>> -> memref<128x128xf32, #tpu.memory_space<vmem>>
    tpu.enqueue_dma source(%dma_start3A_127 : memref<128x128xf32, #tpu.memory_space<vmem>>) target(%dma_start3A_123 : memref<128x128xf32, #tpu.memory_space<hbm>>) target_semaphore(%arg14 : memref<!tpu.dma_semaphore, #tpu.memory_space<semaphore_mem>>)
    %dma_start3A_128 = arith.constant 5 : i32
    %dma_start3A_129 = arith.constant 5 : i32
    %dma_start3A_130 = arith.constant 0 : i32
    %dma_start3A_131 = arith.constant 0 : i32
    %dma_start3A_132 = tpu.memref_slice %arg6[%dma_start3A_129, %dma_start3A_130, %dma_start3A_131] : memref<6x128x128xf32, #tpu.memory_space<vmem>> -> memref<1x128x128xf32, #tpu.memory_space<vmem>>
    %dma_start3A_133 = tpu.memref_squeeze %dma_start3A_132 : memref<1x128x128xf32, #tpu.memory_space<vmem>> -> memref<128x128xf32, #tpu.memory_space<vmem>>
    %dma_start3A_134 = arith.constant 0 : i32
    %dma_start3A_135 = tpu.memref_slice %arg5[%dma_start3A_128, %dma_start3A_134] : memref<200x128xi32, #tpu.memory_space<vmem>> -> memref<1x128xi32, #tpu.memory_space<vmem>>
    %dma_start3A_136 = tpu.memref_squeeze %dma_start3A_135 : memref<1x128xi32, #tpu.memory_space<vmem>> -> memref<128xi32, #tpu.memory_space<vmem>>
    %dma_start3A_137 = arith.constant 0 : i32
    %dma_start3A_138 = arith.constant 0 : i32
    %dma_start3A_139 = tpu.memref_slice %arg3[%dma_start3A_137, %dma_start3A_138] : memref<100000x128xf32, #tpu.memory_space<hbm>> -> memref<100000x128xf32, #tpu.memory_space<hbm>>
    tpu.enqueue_indirect_dma source(%dma_start3A_139 : memref<100000x128xf32, #tpu.memory_space<hbm>>) target(%dma_start3A_133 : memref<128x128xf32, #tpu.memory_space<vmem>>) offsets(%dma_start3A_136 : memref<128xi32, #tpu.memory_space<vmem>>) semaphore(%arg12 : memref<!tpu.dma_semaphore, #tpu.memory_space<semaphore_mem>>)
    %dma_wait3A_140 = arith.constant 2 : i32
    %dma_wait3A_141 = arith.constant 2 : i32
    %dma_wait3A_142 = arith.constant 0 : i32
    %dma_wait3A_143 = arith.constant 0 : i32
    %dma_wait3A_144 = tpu.memref_slice %arg6[%dma_wait3A_141, %dma_wait3A_142, %dma_wait3A_143] : memref<6x128x128xf32, #tpu.memory_space<vmem>> -> memref<1x128x128xf32, #tpu.memory_space<vmem>>
    %dma_wait3A_145 = tpu.memref_squeeze %dma_wait3A_144 : memref<1x128x128xf32, #tpu.memory_space<vmem>> -> memref<128x128xf32, #tpu.memory_space<vmem>>
    %dma_wait3A_146 = arith.constant 0 : i32
    %dma_wait3A_147 = tpu.memref_slice %arg5[%dma_wait3A_140, %dma_wait3A_146] : memref<200x128xi32, #tpu.memory_space<vmem>> -> memref<1x128xi32, #tpu.memory_space<vmem>>
    %dma_wait3A_148 = tpu.memref_squeeze %dma_wait3A_147 : memref<1x128xi32, #tpu.memory_space<vmem>> -> memref<128xi32, #tpu.memory_space<vmem>>
    %dma_wait3A_149 = arith.constant 0 : i32
    %dma_wait3A_150 = arith.constant 0 : i32
    %dma_wait3A_151 = tpu.memref_slice %arg3[%dma_wait3A_149, %dma_wait3A_150] : memref<100000x128xf32, #tpu.memory_space<hbm>> -> memref<100000x128xf32, #tpu.memory_space<hbm>>
    tpu.wait_indirect_dma semaphore(%arg9 : memref<!tpu.dma_semaphore, #tpu.memory_space<semaphore_mem>>) src(%dma_wait3A_151 : memref<100000x128xf32, #tpu.memory_space<hbm>>) dst(%dma_wait3A_145 : memref<128x128xf32, #tpu.memory_space<vmem>>)
    %scan3A_152 = arith.constant 0 : i32
    %scan3A_153 = arith.constant 128 : i32
    %scan3A_154 = arith.addi %scan3A_152, %scan3A_153 : i32
    %scan3A_155 = arith.constant 2 : i32
    scf.for %scan3A_523 = %scan3A_152 to %scan3A_154 step %scan3A_155  : i32 {
      %get3A = arith.constant 2 : i32
      %get3A_524 = arith.index_cast %get3A : i32 to index
      %get3A_525 = arith.index_cast %scan3A_523 : i32 to index
      %get3A_526 = arith.constant 0 : index
      %get3A_527 = tpu.vector_load %arg6[%get3A_524, %get3A_525, %get3A_526] {strides = array<i32>} : memref<6x128x128xf32, #tpu.memory_space<vmem>>, vector<1x1x16xf32>,
      %get3A_528 = vector.shape_cast %get3A_527 : vector<1x1x16xf32> to vector<16xf32>
      %mul3A_529 = arith.constant 11.3137083 : f32
      %mul3A_530 = vector.broadcast %mul3A_529 : f32 to vector<16xf32>
      %mul3A_531 = arith.mulf %get3A_528, %mul3A_530 : vector<16xf32>
      %swap3A = arith.constant 2 : i32
      %swap3A_532 = arith.index_cast %swap3A : i32 to index
      %swap3A_533 = arith.index_cast %scan3A_523 : i32 to index
      %swap3A_534 = arith.constant 0 : index
      %swap3A_535 = tpu.vector_load %arg6[%swap3A_532, %swap3A_533, %swap3A_534] {strides = array<i32>} : memref<6x128x128xf32, #tpu.memory_space<vmem>>, vector<1x1x16xf32>,
      %swap3A_536 = vector.shape_cast %swap3A_535 : vector<1x1x16xf32> to vector<16xf32>
      %swap3A_537 = vector.shape_cast %mul3A_531 : vector<16xf32> to vector<1x1x16xf32>
      tpu.vector_store %arg6[%swap3A_532, %swap3A_533, %swap3A_534], %swap3A_537 {strides = array<i32>} : memref<6x128x128xf32, #tpu.memory_space<vmem>>, vector<1x1x16xf32>,
      %get3A_538 = arith.constant 2 : i32
      %get3A_539 = arith.index_cast %get3A_538 : i32 to index
      %get3A_540 = arith.index_cast %scan3A_523 : i32 to index
      %get3A_541 = arith.constant 16 : index
      %get3A_542 = tpu.vector_load %arg6[%get3A_539, %get3A_540, %get3A_541] {strides = array<i32>} : memref<6x128x128xf32, #tpu.memory_space<vmem>>, vector<1x1x16xf32>,
      %get3A_543 = vector.shape_cast %get3A_542 : vector<1x1x16xf32> to vector<16xf32>
      %mul3A_544 = arith.constant 11.3137083 : f32
      %mul3A_545 = vector.broadcast %mul3A_544 : f32 to vector<16xf32>
      %mul3A_546 = arith.mulf %get3A_543, %mul3A_545 : vector<16xf32>
      %swap3A_547 = arith.constant 2 : i32
      %swap3A_548 = arith.index_cast %swap3A_547 : i32 to index
      %swap3A_549 = arith.index_cast %scan3A_523 : i32 to index
      %swap3A_550 = arith.constant 16 : index
      %swap3A_551 = tpu.vector_load %arg6[%swap3A_548, %swap3A_549, %swap3A_550] {strides = array<i32>} : memref<6x128x128xf32, #tpu.memory_space<vmem>>, vector<1x1x16xf32>,
      %swap3A_552 = vector.shape_cast %swap3A_551 : vector<1x1x16xf32> to vector<16xf32>
      %swap3A_553 = vector.shape_cast %mul3A_546 : vector<16xf32> to vector<1x1x16xf32>
      tpu.vector_store %arg6[%swap3A_548, %swap3A_549, %swap3A_550], %swap3A_553 {strides = array<i32>} : memref<6x128x128xf32, #tpu.memory_space<vmem>>, vector<1x1x16xf32>,
      %get3A_554 = arith.constant 2 : i32
      %get3A_555 = arith.index_cast %get3A_554 : i32 to index
      %get3A_556 = arith.index_cast %scan3A_523 : i32 to index
      %get3A_557 = arith.constant 32 : index
      %get3A_558 = tpu.vector_load %arg6[%get3A_555, %get3A_556, %get3A_557] {strides = array<i32>} : memref<6x128x128xf32, #tpu.memory_space<vmem>>, vector<1x1x16xf32>,
      %get3A_559 = vector.shape_cast %get3A_558 : vector<1x1x16xf32> to vector<16xf32>
      %mul3A_560 = arith.constant 11.3137083 : f32
      %mul3A_561 = vector.broadcast %mul3A_560 : f32 to vector<16xf32>
      %mul3A_562 = arith.mulf %get3A_559, %mul3A_561 : vector<16xf32>
      %swap3A_563 = arith.constant 2 : i32
      %swap3A_564 = arith.index_cast %swap3A_563 : i32 to index
      %swap3A_565 = arith.index_cast %scan3A_523 : i32 to index
      %swap3A_566 = arith.constant 32 : index
      %swap3A_567 = tpu.vector_load %arg6[%swap3A_564, %swap3A_565, %swap3A_566] {strides = array<i32>} : memref<6x128x128xf32, #tpu.memory_space<vmem>>, vector<1x1x16xf32>,
      %swap3A_568 = vector.shape_cast %swap3A_567 : vector<1x1x16xf32> to vector<16xf32>
      %swap3A_569 = vector.shape_cast %mul3A_562 : vector<16xf32> to vector<1x1x16xf32>
      tpu.vector_store %arg6[%swap3A_564, %swap3A_565, %swap3A_566], %swap3A_569 {strides = array<i32>} : memref<6x128x128xf32, #tpu.memory_space<vmem>>, vector<1x1x16xf32>,
      %get3A_570 = arith.constant 2 : i32
      %get3A_571 = arith.index_cast %get3A_570 : i32 to index
      %get3A_572 = arith.index_cast %scan3A_523 : i32 to index
      %get3A_573 = arith.constant 48 : index
      %get3A_574 = tpu.vector_load %arg6[%get3A_571, %get3A_572, %get3A_573] {strides = array<i32>} : memref<6x128x128xf32, #tpu.memory_space<vmem>>, vector<1x1x16xf32>,
      %get3A_575 = vector.shape_cast %get3A_574 : vector<1x1x16xf32> to vector<16xf32>
      %mul3A_576 = arith.constant 11.3137083 : f32
      %mul3A_577 = vector.broadcast %mul3A_576 : f32 to vector<16xf32>
      %mul3A_578 = arith.mulf %get3A_575, %mul3A_577 : vector<16xf32>
      %swap3A_579 = arith.constant 2 : i32
      %swap3A_580 = arith.index_cast %swap3A_579 : i32 to index
      %swap3A_581 = arith.index_cast %scan3A_523 : i32 to index
      %swap3A_582 = arith.constant 48 : index
      %swap3A_583 = tpu.vector_load %arg6[%swap3A_580, %swap3A_581, %swap3A_582] {strides = array<i32>} : memref<6x128x128xf32, #tpu.memory_space<vmem>>, vector<1x1x16xf32>,
      %swap3A_584 = vector.shape_cast %swap3A_583 : vector<1x1x16xf32> to vector<16xf32>
      %swap3A_585 = vector.shape_cast %mul3A_578 : vector<16xf32> to vector<1x1x16xf32>
      tpu.vector_store %arg6[%swap3A_580, %swap3A_581, %swap3A_582], %swap3A_585 {strides = array<i32>} : memref<6x128x128xf32, #tpu.memory_space<vmem>>, vector<1x1x16xf32>,
      %get3A_586 = arith.constant 2 : i32
      %get3A_587 = arith.index_cast %get3A_586 : i32 to index
      %get3A_588 = arith.index_cast %scan3A_523 : i32 to index
      %get3A_589 = arith.constant 64 : index
      %get3A_590 = tpu.vector_load %arg6[%get3A_587, %get3A_588, %get3A_589] {strides = array<i32>} : memref<6x128x128xf32, #tpu.memory_space<vmem>>, vector<1x1x16xf32>,
      %get3A_591 = vector.shape_cast %get3A_590 : vector<1x1x16xf32> to vector<16xf32>
      %mul3A_592 = arith.constant 11.3137083 : f32
      %mul3A_593 = vector.broadcast %mul3A_592 : f32 to vector<16xf32>
      %mul3A_594 = arith.mulf %get3A_591, %mul3A_593 : vector<16xf32>
      %swap3A_595 = arith.constant 2 : i32
      %swap3A_596 = arith.index_cast %swap3A_595 : i32 to index
      %swap3A_597 = arith.index_cast %scan3A_523 : i32 to index
      %swap3A_598 = arith.constant 64 : index
      %swap3A_599 = tpu.vector_load %arg6[%swap3A_596, %swap3A_597, %swap3A_598] {strides = array<i32>} : memref<6x128x128xf32, #tpu.memory_space<vmem>>, vector<1x1x16xf32>,
      %swap3A_600 = vector.shape_cast %swap3A_599 : vector<1x1x16xf32> to vector<16xf32>
      %swap3A_601 = vector.shape_cast %mul3A_594 : vector<16xf32> to vector<1x1x16xf32>
      tpu.vector_store %arg6[%swap3A_596, %swap3A_597, %swap3A_598], %swap3A_601 {strides = array<i32>} : memref<6x128x128xf32, #tpu.memory_space<vmem>>, vector<1x1x16xf32>,
      %get3A_602 = arith.constant 2 : i32
      %get3A_603 = arith.index_cast %get3A_602 : i32 to index
      %get3A_604 = arith.index_cast %scan3A_523 : i32 to index
      %get3A_605 = arith.constant 80 : index
      %get3A_606 = tpu.vector_load %arg6[%get3A_603, %get3A_604, %get3A_605] {strides = array<i32>} : memref<6x128x128xf32, #tpu.memory_space<vmem>>, vector<1x1x16xf32>,
      %get3A_607 = vector.shape_cast %get3A_606 : vector<1x1x16xf32> to vector<16xf32>
      %mul3A_608 = arith.constant 11.3137083 : f32
      %mul3A_609 = vector.broadcast %mul3A_608 : f32 to vector<16xf32>
      %mul3A_610 = arith.mulf %get3A_607, %mul3A_609 : vector<16xf32>
      %swap3A_611 = arith.constant 2 : i32
      %swap3A_612 = arith.index_cast %swap3A_611 : i32 to index
      %swap3A_613 = arith.index_cast %scan3A_523 : i32 to index
      %swap3A_614 = arith.constant 80 : index
      %swap3A_615 = tpu.vector_load %arg6[%swap3A_612, %swap3A_613, %swap3A_614] {strides = array<i32>} : memref<6x128x128xf32, #tpu.memory_space<vmem>>, vector<1x1x16xf32>,
      %swap3A_616 = vector.shape_cast %swap3A_615 : vector<1x1x16xf32> to vector<16xf32>
      %swap3A_617 = vector.shape_cast %mul3A_610 : vector<16xf32> to vector<1x1x16xf32>
      tpu.vector_store %arg6[%swap3A_612, %swap3A_613, %swap3A_614], %swap3A_617 {strides = array<i32>} : memref<6x128x128xf32, #tpu.memory_space<vmem>>, vector<1x1x16xf32>,
      %get3A_618 = arith.constant 2 : i32
      %get3A_619 = arith.index_cast %get3A_618 : i32 to index
      %get3A_620 = arith.index_cast %scan3A_523 : i32 to index
      %get3A_621 = arith.constant 96 : index
      %get3A_622 = tpu.vector_load %arg6[%get3A_619, %get3A_620, %get3A_621] {strides = array<i32>} : memref<6x128x128xf32, #tpu.memory_space<vmem>>, vector<1x1x16xf32>,
      %get3A_623 = vector.shape_cast %get3A_622 : vector<1x1x16xf32> to vector<16xf32>
      %mul3A_624 = arith.constant 11.3137083 : f32
      %mul3A_625 = vector.broadcast %mul3A_624 : f32 to vector<16xf32>
      %mul3A_626 = arith.mulf %get3A_623, %mul3A_625 : vector<16xf32>
      %swap3A_627 = arith.constant 2 : i32
      %swap3A_628 = arith.index_cast %swap3A_627 : i32 to index
      %swap3A_629 = arith.index_cast %scan3A_523 : i32 to index
      %swap3A_630 = arith.constant 96 : index
      %swap3A_631 = tpu.vector_load %arg6[%swap3A_628, %swap3A_629, %swap3A_630] {strides = array<i32>} : memref<6x128x128xf32, #tpu.memory_space<vmem>>, vector<1x1x16xf32>,
      %swap3A_632 = vector.shape_cast %swap3A_631 : vector<1x1x16xf32> to vector<16xf32>
      %swap3A_633 = vector.shape_cast %mul3A_626 : vector<16xf32> to vector<1x1x16xf32>
      tpu.vector_store %arg6[%swap3A_628, %swap3A_629, %swap3A_630], %swap3A_633 {strides = array<i32>} : memref<6x128x128xf32, #tpu.memory_space<vmem>>, vector<1x1x16xf32>,
      %get3A_634 = arith.constant 2 : i32
      %get3A_635 = arith.index_cast %get3A_634 : i32 to index
      %get3A_636 = arith.index_cast %scan3A_523 : i32 to index
      %get3A_637 = arith.constant 112 : index
      %get3A_638 = tpu.vector_load %arg6[%get3A_635, %get3A_636, %get3A_637] {strides = array<i32>} : memref<6x128x128xf32, #tpu.memory_space<vmem>>, vector<1x1x16xf32>,
      %get3A_639 = vector.shape_cast %get3A_638 : vector<1x1x16xf32> to vector<16xf32>
      %mul3A_640 = arith.constant 11.3137083 : f32
      %mul3A_641 = vector.broadcast %mul3A_640 : f32 to vector<16xf32>
      %mul3A_642 = arith.mulf %get3A_639, %mul3A_641 : vector<16xf32>
      %swap3A_643 = arith.constant 2 : i32
      %swap3A_644 = arith.index_cast %swap3A_643 : i32 to index
      %swap3A_645 = arith.index_cast %scan3A_523 : i32 to index
      %swap3A_646 = arith.constant 112 : index
      %swap3A_647 = tpu.vector_load %arg6[%swap3A_644, %swap3A_645, %swap3A_646] {strides = array<i32>} : memref<6x128x128xf32, #tpu.memory_space<vmem>>, vector<1x1x16xf32>,
      %swap3A_648 = vector.shape_cast %swap3A_647 : vector<1x1x16xf32> to vector<16xf32>
      %swap3A_649 = vector.shape_cast %mul3A_642 : vector<16xf32> to vector<1x1x16xf32>
      tpu.vector_store %arg6[%swap3A_644, %swap3A_645, %swap3A_646], %swap3A_649 {strides = array<i32>} : memref<6x128x128xf32, #tpu.memory_space<vmem>>, vector<1x1x16xf32>,
      %scan3A_650 = arith.constant 1 : i32
      %scan3A_651 = arith.addi %scan3A_523, %scan3A_650 : i32
      %get3A_652 = arith.constant 2 : i32
      %get3A_653 = arith.index_cast %get3A_652 : i32 to index
      %get3A_654 = arith.index_cast %scan3A_651 : i32 to index
      %get3A_655 = arith.constant 0 : index
      %get3A_656 = tpu.vector_load %arg6[%get3A_653, %get3A_654, %get3A_655] {strides = array<i32>} : memref<6x128x128xf32, #tpu.memory_space<vmem>>, vector<1x1x16xf32>,
      %get3A_657 = vector.shape_cast %get3A_656 : vector<1x1x16xf32> to vector<16xf32>
      %mul3A_658 = arith.constant 11.3137083 : f32
      %mul3A_659 = vector.broadcast %mul3A_658 : f32 to vector<16xf32>
      %mul3A_660 = arith.mulf %get3A_657, %mul3A_659 : vector<16xf32>
      %swap3A_661 = arith.constant 2 : i32
      %swap3A_662 = arith.index_cast %swap3A_661 : i32 to index
      %swap3A_663 = arith.index_cast %scan3A_651 : i32 to index
      %swap3A_664 = arith.constant 0 : index
      %swap3A_665 = tpu.vector_load %arg6[%swap3A_662, %swap3A_663, %swap3A_664] {strides = array<i32>} : memref<6x128x128xf32, #tpu.memory_space<vmem>>, vector<1x1x16xf32>,
      %swap3A_666 = vector.shape_cast %swap3A_665 : vector<1x1x16xf32> to vector<16xf32>
      %swap3A_667 = vector.shape_cast %mul3A_660 : vector<16xf32> to vector<1x1x16xf32>
      tpu.vector_store %arg6[%swap3A_662, %swap3A_663, %swap3A_664], %swap3A_667 {strides = array<i32>} : memref<6x128x128xf32, #tpu.memory_space<vmem>>, vector<1x1x16xf32>,
      %get3A_668 = arith.constant 2 : i32
      %get3A_669 = arith.index_cast %get3A_668 : i32 to index
      %get3A_670 = arith.index_cast %scan3A_651 : i32 to index
      %get3A_671 = arith.constant 16 : index
      %get3A_672 = tpu.vector_load %arg6[%get3A_669, %get3A_670, %get3A_671] {strides = array<i32>} : memref<6x128x128xf32, #tpu.memory_space<vmem>>, vector<1x1x16xf32>,
      %get3A_673 = vector.shape_cast %get3A_672 : vector<1x1x16xf32> to vector<16xf32>
      %mul3A_674 = arith.constant 11.3137083 : f32
      %mul3A_675 = vector.broadcast %mul3A_674 : f32 to vector<16xf32>
      %mul3A_676 = arith.mulf %get3A_673, %mul3A_675 : vector<16xf32>
      %swap3A_677 = arith.constant 2 : i32
      %swap3A_678 = arith.index_cast %swap3A_677 : i32 to index
      %swap3A_679 = arith.index_cast %scan3A_651 : i32 to index
      %swap3A_680 = arith.constant 16 : index
      %swap3A_681 = tpu.vector_load %arg6[%swap3A_678, %swap3A_679, %swap3A_680] {strides = array<i32>} : memref<6x128x128xf32, #tpu.memory_space<vmem>>, vector<1x1x16xf32>,
      %swap3A_682 = vector.shape_cast %swap3A_681 : vector<1x1x16xf32> to vector<16xf32>
      %swap3A_683 = vector.shape_cast %mul3A_676 : vector<16xf32> to vector<1x1x16xf32>
      tpu.vector_store %arg6[%swap3A_678, %swap3A_679, %swap3A_680], %swap3A_683 {strides = array<i32>} : memref<6x128x128xf32, #tpu.memory_space<vmem>>, vector<1x1x16xf32>,
      %get3A_684 = arith.constant 2 : i32
      %get3A_685 = arith.index_cast %get3A_684 : i32 to index
      %get3A_686 = arith.index_cast %scan3A_651 : i32 to index
      %get3A_687 = arith.constant 32 : index
      %get3A_688 = tpu.vector_load %arg6[%get3A_685, %get3A_686, %get3A_687] {strides = array<i32>} : memref<6x128x128xf32, #tpu.memory_space<vmem>>, vector<1x1x16xf32>,
      %get3A_689 = vector.shape_cast %get3A_688 : vector<1x1x16xf32> to vector<16xf32>
      %mul3A_690 = arith.constant 11.3137083 : f32
      %mul3A_691 = vector.broadcast %mul3A_690 : f32 to vector<16xf32>
      %mul3A_692 = arith.mulf %get3A_689, %mul3A_691 : vector<16xf32>
      %swap3A_693 = arith.constant 2 : i32
      %swap3A_694 = arith.index_cast %swap3A_693 : i32 to index
      %swap3A_695 = arith.index_cast %scan3A_651 : i32 to index
      %swap3A_696 = arith.constant 32 : index
      %swap3A_697 = tpu.vector_load %arg6[%swap3A_694, %swap3A_695, %swap3A_696] {strides = array<i32>} : memref<6x128x128xf32, #tpu.memory_space<vmem>>, vector<1x1x16xf32>,
      %swap3A_698 = vector.shape_cast %swap3A_697 : vector<1x1x16xf32> to vector<16xf32>
      %swap3A_699 = vector.shape_cast %mul3A_692 : vector<16xf32> to vector<1x1x16xf32>
      tpu.vector_store %arg6[%swap3A_694, %swap3A_695, %swap3A_696], %swap3A_699 {strides = array<i32>} : memref<6x128x128xf32, #tpu.memory_space<vmem>>, vector<1x1x16xf32>,
      %get3A_700 = arith.constant 2 : i32
      %get3A_701 = arith.index_cast %get3A_700 : i32 to index
      %get3A_702 = arith.index_cast %scan3A_651 : i32 to index
      %get3A_703 = arith.constant 48 : index
      %get3A_704 = tpu.vector_load %arg6[%get3A_701, %get3A_702, %get3A_703] {strides = array<i32>} : memref<6x128x128xf32, #tpu.memory_space<vmem>>, vector<1x1x16xf32>,
      %get3A_705 = vector.shape_cast %get3A_704 : vector<1x1x16xf32> to vector<16xf32>
      %mul3A_706 = arith.constant 11.3137083 : f32
      %mul3A_707 = vector.broadcast %mul3A_706 : f32 to vector<16xf32>
      %mul3A_708 = arith.mulf %get3A_705, %mul3A_707 : vector<16xf32>
      %swap3A_709 = arith.constant 2 : i32
      %swap3A_710 = arith.index_cast %swap3A_709 : i32 to index
      %swap3A_711 = arith.index_cast %scan3A_651 : i32 to index
      %swap3A_712 = arith.constant 48 : index
      %swap3A_713 = tpu.vector_load %arg6[%swap3A_710, %swap3A_711, %swap3A_712] {strides = array<i32>} : memref<6x128x128xf32, #tpu.memory_space<vmem>>, vector<1x1x16xf32>,
      %swap3A_714 = vector.shape_cast %swap3A_713 : vector<1x1x16xf32> to vector<16xf32>
      %swap3A_715 = vector.shape_cast %mul3A_708 : vector<16xf32> to vector<1x1x16xf32>
      tpu.vector_store %arg6[%swap3A_710, %swap3A_711, %swap3A_712], %swap3A_715 {strides = array<i32>} : memref<6x128x128xf32, #tpu.memory_space<vmem>>, vector<1x1x16xf32>,
      %get3A_716 = arith.constant 2 : i32
      %get3A_717 = arith.index_cast %get3A_716 : i32 to index
      %get3A_718 = arith.index_cast %scan3A_651 : i32 to index
      %get3A_719 = arith.constant 64 : index
      %get3A_720 = tpu.vector_load %arg6[%get3A_717, %get3A_718, %get3A_719] {strides = array<i32>} : memref<6x128x128xf32, #tpu.memory_space<vmem>>, vector<1x1x16xf32>,
      %get3A_721 = vector.shape_cast %get3A_720 : vector<1x1x16xf32> to vector<16xf32>
      %mul3A_722 = arith.constant 11.3137083 : f32
      %mul3A_723 = vector.broadcast %mul3A_722 : f32 to vector<16xf32>
      %mul3A_724 = arith.mulf %get3A_721, %mul3A_723 : vector<16xf32>
      %swap3A_725 = arith.constant 2 : i32
      %swap3A_726 = arith.index_cast %swap3A_725 : i32 to index
      %swap3A_727 = arith.index_cast %scan3A_651 : i32 to index
      %swap3A_728 = arith.constant 64 : index
      %swap3A_729 = tpu.vector_load %arg6[%swap3A_726, %swap3A_727, %swap3A_728] {strides = array<i32>} : memref<6x128x128xf32, #tpu.memory_space<vmem>>, vector<1x1x16xf32>,
      %swap3A_730 = vector.shape_cast %swap3A_729 : vector<1x1x16xf32> to vector<16xf32>
      %swap3A_731 = vector.shape_cast %mul3A_724 : vector<16xf32> to vector<1x1x16xf32>
      tpu.vector_store %arg6[%swap3A_726, %swap3A_727, %swap3A_728], %swap3A_731 {strides = array<i32>} : memref<6x128x128xf32, #tpu.memory_space<vmem>>, vector<1x1x16xf32>,
      %get3A_732 = arith.constant 2 : i32
      %get3A_733 = arith.index_cast %get3A_732 : i32 to index
      %get3A_734 = arith.index_cast %scan3A_651 : i32 to index
      %get3A_735 = arith.constant 80 : index
      %get3A_736 = tpu.vector_load %arg6[%get3A_733, %get3A_734, %get3A_735] {strides = array<i32>} : memref<6x128x128xf32, #tpu.memory_space<vmem>>, vector<1x1x16xf32>,
      %get3A_737 = vector.shape_cast %get3A_736 : vector<1x1x16xf32> to vector<16xf32>
      %mul3A_738 = arith.constant 11.3137083 : f32
      %mul3A_739 = vector.broadcast %mul3A_738 : f32 to vector<16xf32>
      %mul3A_740 = arith.mulf %get3A_737, %mul3A_739 : vector<16xf32>
      %swap3A_741 = arith.constant 2 : i32
      %swap3A_742 = arith.index_cast %swap3A_741 : i32 to index
      %swap3A_743 = arith.index_cast %scan3A_651 : i32 to index
      %swap3A_744 = arith.constant 80 : index
      %swap3A_745 = tpu.vector_load %arg6[%swap3A_742, %swap3A_743, %swap3A_744] {strides = array<i32>} : memref<6x128x128xf32, #tpu.memory_space<vmem>>, vector<1x1x16xf32>,
      %swap3A_746 = vector.shape_cast %swap3A_745 : vector<1x1x16xf32> to vector<16xf32>
      %swap3A_747 = vector.shape_cast %mul3A_740 : vector<16xf32> to vector<1x1x16xf32>
      tpu.vector_store %arg6[%swap3A_742, %swap3A_743, %swap3A_744], %swap3A_747 {strides = array<i32>} : memref<6x128x128xf32, #tpu.memory_space<vmem>>, vector<1x1x16xf32>,
      %get3A_748 = arith.constant 2 : i32
      %get3A_749 = arith.index_cast %get3A_748 : i32 to index
      %get3A_750 = arith.index_cast %scan3A_651 : i32 to index
      %get3A_751 = arith.constant 96 : index
      %get3A_752 = tpu.vector_load %arg6[%get3A_749, %get3A_750, %get3A_751] {strides = array<i32>} : memref<6x128x128xf32, #tpu.memory_space<vmem>>, vector<1x1x16xf32>,
      %get3A_753 = vector.shape_cast %get3A_752 : vector<1x1x16xf32> to vector<16xf32>
      %mul3A_754 = arith.constant 11.3137083 : f32
      %mul3A_755 = vector.broadcast %mul3A_754 : f32 to vector<16xf32>
      %mul3A_756 = arith.mulf %get3A_753, %mul3A_755 : vector<16xf32>
      %swap3A_757 = arith.constant 2 : i32
      %swap3A_758 = arith.index_cast %swap3A_757 : i32 to index
      %swap3A_759 = arith.index_cast %scan3A_651 : i32 to index
      %swap3A_760 = arith.constant 96 : index
      %swap3A_761 = tpu.vector_load %arg6[%swap3A_758, %swap3A_759, %swap3A_760] {strides = array<i32>} : memref<6x128x128xf32, #tpu.memory_space<vmem>>, vector<1x1x16xf32>,
      %swap3A_762 = vector.shape_cast %swap3A_761 : vector<1x1x16xf32> to vector<16xf32>
      %swap3A_763 = vector.shape_cast %mul3A_756 : vector<16xf32> to vector<1x1x16xf32>
      tpu.vector_store %arg6[%swap3A_758, %swap3A_759, %swap3A_760], %swap3A_763 {strides = array<i32>} : memref<6x128x128xf32, #tpu.memory_space<vmem>>, vector<1x1x16xf32>,
      %get3A_764 = arith.constant 2 : i32
      %get3A_765 = arith.index_cast %get3A_764 : i32 to index
      %get3A_766 = arith.index_cast %scan3A_651 : i32 to index
      %get3A_767 = arith.constant 112 : index
      %get3A_768 = tpu.vector_load %arg6[%get3A_765, %get3A_766, %get3A_767] {strides = array<i32>} : memref<6x128x128xf32, #tpu.memory_space<vmem>>, vector<1x1x16xf32>,
      %get3A_769 = vector.shape_cast %get3A_768 : vector<1x1x16xf32> to vector<16xf32>
      %mul3A_770 = arith.constant 11.3137083 : f32
      %mul3A_771 = vector.broadcast %mul3A_770 : f32 to vector<16xf32>
      %mul3A_772 = arith.mulf %get3A_769, %mul3A_771 : vector<16xf32>
      %swap3A_773 = arith.constant 2 : i32
      %swap3A_774 = arith.index_cast %swap3A_773 : i32 to index
      %swap3A_775 = arith.index_cast %scan3A_651 : i32 to index
      %swap3A_776 = arith.constant 112 : index
      %swap3A_777 = tpu.vector_load %arg6[%swap3A_774, %swap3A_775, %swap3A_776] {strides = array<i32>} : memref<6x128x128xf32, #tpu.memory_space<vmem>>, vector<1x1x16xf32>,
      %swap3A_778 = vector.shape_cast %swap3A_777 : vector<1x1x16xf32> to vector<16xf32>
      %swap3A_779 = vector.shape_cast %mul3A_772 : vector<16xf32> to vector<1x1x16xf32>
      tpu.vector_store %arg6[%swap3A_774, %swap3A_775, %swap3A_776], %swap3A_779 {strides = array<i32>} : memref<6x128x128xf32, #tpu.memory_space<vmem>>, vector<1x1x16xf32>,
    }
    %scan3A_156 = arith.constant 128 : i32
    %dma_start3A_157 = arith.constant 2 : i32
    %dma_start3A_158 = arith.constant 2 : i32
    %dma_start3A_159 = arith.constant 0 : i32
    %dma_start3A_160 = arith.constant 0 : i32
    %dma_start3A_161 = tpu.memref_slice %arg6[%dma_start3A_157, %dma_start3A_159, %dma_start3A_160] : memref<6x128x128xf32, #tpu.memory_space<vmem>> -> memref<1x128x128xf32, #tpu.memory_space<vmem>>
    %dma_start3A_162 = tpu.memref_squeeze %dma_start3A_161 : memref<1x128x128xf32, #tpu.memory_space<vmem>> -> memref<128x128xf32, #tpu.memory_space<vmem>>
    %dma_start3A_163 = arith.constant 0 : i32
    %dma_start3A_164 = arith.constant 0 : i32
    %dma_start3A_165 = tpu.memref_slice %arg4[%add3A, %dma_start3A_158, %dma_start3A_163, %dma_start3A_164] : memref<32x200x128x128xf32, #tpu.memory_space<hbm>> -> memref<1x1x128x128xf32, #tpu.memory_space<hbm>>
    %dma_start3A_166 = tpu.memref_squeeze %dma_start3A_165 : memref<1x1x128x128xf32, #tpu.memory_space<hbm>> -> memref<128x128xf32, #tpu.memory_space<hbm>>
    %dma_start3A_167 = arith.constant 0 : i32
    %dma_start3A_168 = arith.constant 0 : i32
    %dma_start3A_169 = tpu.memref_slice %arg4[%add3A, %dma_start3A_158, %dma_start3A_167, %dma_start3A_168] : memref<32x200x128x128xf32, #tpu.memory_space<hbm>> -> memref<1x1x128x128xf32, #tpu.memory_space<hbm>>
    %dma_start3A_170 = tpu.memref_squeeze %dma_start3A_169 : memref<1x1x128x128xf32, #tpu.memory_space<hbm>> -> memref<128x128xf32, #tpu.memory_space<hbm>>
    %dma_start3A_171 = arith.constant 0 : i32
    %dma_start3A_172 = arith.constant 0 : i32
    %dma_start3A_173 = tpu.memref_slice %arg6[%dma_start3A_157, %dma_start3A_171, %dma_start3A_172] : memref<6x128x128xf32, #tpu.memory_space<vmem>> -> memref<1x128x128xf32, #tpu.memory_space<vmem>>
    %dma_start3A_174 = tpu.memref_squeeze %dma_start3A_173 : memref<1x128x128xf32, #tpu.memory_space<vmem>> -> memref<128x128xf32, #tpu.memory_space<vmem>>
    tpu.enqueue_dma source(%dma_start3A_174 : memref<128x128xf32, #tpu.memory_space<vmem>>) target(%dma_start3A_170 : memref<128x128xf32, #tpu.memory_space<hbm>>) target_semaphore(%arg15 : memref<!tpu.dma_semaphore, #tpu.memory_space<semaphore_mem>>)
    %scan3A_175 = arith.constant 1 : i32
    %scan3A_176 = arith.constant 32 : i32
    %scan3A_177 = arith.addi %scan3A_175, %scan3A_176 : i32
    %scan3A_178 = arith.constant 1 : i32
    scf.for %scan3A_523 = %scan3A_175 to %scan3A_177 step %scan3A_178  : i32 {
      %mul3A_524 = arith.constant 6 : i32
      %mul3A_525 = arith.muli %scan3A_523, %mul3A_524 : i32
      %add3A_526 = arith.constant 0 : i32
      %add3A_527 = arith.addi %mul3A_525, %add3A_526 : i32
      %sub3A = arith.constant 6 : i32
      %sub3A_528 = arith.subi %add3A_527, %sub3A : i32
      %dma_wait3A_529 = arith.constant 0 : i32
      %dma_wait3A_530 = arith.constant 0 : i32
      %dma_wait3A_531 = arith.constant 0 : i32
      %dma_wait3A_532 = tpu.memref_slice %arg6[%dma_wait3A_529, %dma_wait3A_530, %dma_wait3A_531] : memref<6x128x128xf32, #tpu.memory_space<vmem>> -> memref<1x128x128xf32, #tpu.memory_space<vmem>>
      %dma_wait3A_533 = tpu.memref_squeeze %dma_wait3A_532 : memref<1x128x128xf32, #tpu.memory_space<vmem>> -> memref<128x128xf32, #tpu.memory_space<vmem>>
      %dma_wait3A_534 = arith.constant 0 : i32
      %dma_wait3A_535 = arith.constant 0 : i32
      %dma_wait3A_536 = tpu.memref_slice %arg4[%add3A, %sub3A_528, %dma_wait3A_534, %dma_wait3A_535] : memref<32x200x128x128xf32, #tpu.memory_space<hbm>> -> memref<1x1x128x128xf32, #tpu.memory_space<hbm>>
      %dma_wait3A_537 = tpu.memref_squeeze %dma_wait3A_536 : memref<1x1x128x128xf32, #tpu.memory_space<hbm>> -> memref<128x128xf32, #tpu.memory_space<hbm>>
      %dma_wait3A_538 = arith.constant 0 : i32
      %dma_wait3A_539 = arith.constant 0 : i32
      %dma_wait3A_540 = tpu.memref_slice %arg4[%add3A, %sub3A_528, %dma_wait3A_538, %dma_wait3A_539] : memref<32x200x128x128xf32, #tpu.memory_space<hbm>> -> memref<1x1x128x128xf32, #tpu.memory_space<hbm>>
      %dma_wait3A_541 = tpu.memref_squeeze %dma_wait3A_540 : memref<1x1x128x128xf32, #tpu.memory_space<hbm>> -> memref<128x128xf32, #tpu.memory_space<hbm>>
      %dma_wait3A_542 = arith.constant 0 : i32
      %dma_wait3A_543 = arith.constant 0 : i32
      %dma_wait3A_544 = tpu.memref_slice %arg6[%dma_wait3A_529, %dma_wait3A_542, %dma_wait3A_543] : memref<6x128x128xf32, #tpu.memory_space<vmem>> -> memref<1x128x128xf32, #tpu.memory_space<vmem>>
      %dma_wait3A_545 = tpu.memref_squeeze %dma_wait3A_544 : memref<1x128x128xf32, #tpu.memory_space<vmem>> -> memref<128x128xf32, #tpu.memory_space<vmem>>
      tpu.wait_dma2 semaphore(%arg13 : memref<!tpu.dma_semaphore, #tpu.memory_space<semaphore_mem>>) src(%dma_wait3A_545 : memref<128x128xf32, #tpu.memory_space<vmem>>) dst(%dma_wait3A_541 : memref<128x128xf32, #tpu.memory_space<hbm>>)
      %dma_start3A_546 = arith.constant 0 : i32
      %dma_start3A_547 = arith.constant 0 : i32
      %dma_start3A_548 = arith.constant 0 : i32
      %dma_start3A_549 = tpu.memref_slice %arg6[%dma_start3A_546, %dma_start3A_547, %dma_start3A_548] : memref<6x128x128xf32, #tpu.memory_space<vmem>> -> memref<1x128x128xf32, #tpu.memory_space<vmem>>
      %dma_start3A_550 = tpu.memref_squeeze %dma_start3A_549 : memref<1x128x128xf32, #tpu.memory_space<vmem>> -> memref<128x128xf32, #tpu.memory_space<vmem>>
      %dma_start3A_551 = arith.constant 0 : i32
      %dma_start3A_552 = tpu.memref_slice %arg5[%add3A_527, %dma_start3A_551] : memref<200x128xi32, #tpu.memory_space<vmem>> -> memref<1x128xi32, #tpu.memory_space<vmem>>
      %dma_start3A_553 = tpu.memref_squeeze %dma_start3A_552 : memref<1x128xi32, #tpu.memory_space<vmem>> -> memref<128xi32, #tpu.memory_space<vmem>>
      %dma_start3A_554 = arith.constant 0 : i32
      %dma_start3A_555 = arith.constant 0 : i32
      %dma_start3A_556 = tpu.memref_slice %arg3[%dma_start3A_554, %dma_start3A_555] : memref<100000x128xf32, #tpu.memory_space<hbm>> -> memref<100000x128xf32, #tpu.memory_space<hbm>>
      tpu.enqueue_indirect_dma source(%dma_start3A_556 : memref<100000x128xf32, #tpu.memory_space<hbm>>) target(%dma_start3A_550 : memref<128x128xf32, #tpu.memory_space<vmem>>) offsets(%dma_start3A_553 : memref<128xi32, #tpu.memory_space<vmem>>) semaphore(%arg7 : memref<!tpu.dma_semaphore, #tpu.memory_space<semaphore_mem>>)
      %sub3A_557 = arith.constant 3 : i32
      %sub3A_558 = arith.subi %add3A_527, %sub3A_557 : i32
      %dma_wait3A_559 = arith.constant 3 : i32
      %dma_wait3A_560 = arith.constant 0 : i32
      %dma_wait3A_561 = arith.constant 0 : i32
      %dma_wait3A_562 = tpu.memref_slice %arg6[%dma_wait3A_559, %dma_wait3A_560, %dma_wait3A_561] : memref<6x128x128xf32, #tpu.memory_space<vmem>> -> memref<1x128x128xf32, #tpu.memory_space<vmem>>
      %dma_wait3A_563 = tpu.memref_squeeze %dma_wait3A_562 : memref<1x128x128xf32, #tpu.memory_space<vmem>> -> memref<128x128xf32, #tpu.memory_space<vmem>>
      %dma_wait3A_564 = arith.constant 0 : i32
      %dma_wait3A_565 = tpu.memref_slice %arg5[%sub3A_558, %dma_wait3A_564] : memref<200x128xi32, #tpu.memory_space<vmem>> -> memref<1x128xi32, #tpu.memory_space<vmem>>
      %dma_wait3A_566 = tpu.memref_squeeze %dma_wait3A_565 : memref<1x128xi32, #tpu.memory_space<vmem>> -> memref<128xi32, #tpu.memory_space<vmem>>
      %dma_wait3A_567 = arith.constant 0 : i32
      %dma_wait3A_568 = arith.constant 0 : i32
      %dma_wait3A_569 = tpu.memref_slice %arg3[%dma_wait3A_567, %dma_wait3A_568] : memref<100000x128xf32, #tpu.memory_space<hbm>> -> memref<100000x128xf32, #tpu.memory_space<hbm>>
      tpu.wait_indirect_dma semaphore(%arg10 : memref<!tpu.dma_semaphore, #tpu.memory_space<semaphore_mem>>) src(%dma_wait3A_569 : memref<100000x128xf32, #tpu.memory_space<hbm>>) dst(%dma_wait3A_563 : memref<128x128xf32, #tpu.memory_space<vmem>>)
      %scan3A_570 = arith.constant 0 : i32
      %scan3A_571 = arith.constant 128 : i32
      %scan3A_572 = arith.addi %scan3A_570, %scan3A_571 : i32
      %scan3A_573 = arith.constant 2 : i32
      scf.for %scan3A_937 = %scan3A_570 to %scan3A_572 step %scan3A_573  : i32 {
        %get3A = arith.constant 3 : i32
        %get3A_938 = arith.index_cast %get3A : i32 to index
        %get3A_939 = arith.index_cast %scan3A_937 : i32 to index
        %get3A_940 = arith.constant 0 : index
        %get3A_941 = tpu.vector_load %arg6[%get3A_938, %get3A_939, %get3A_940] {strides = array<i32>} : memref<6x128x128xf32, #tpu.memory_space<vmem>>, vector<1x1x16xf32>,
        %get3A_942 = vector.shape_cast %get3A_941 : vector<1x1x16xf32> to vector<16xf32>
        %mul3A_943 = arith.constant 11.3137083 : f32
        %mul3A_944 = vector.broadcast %mul3A_943 : f32 to vector<16xf32>
        %mul3A_945 = arith.mulf %get3A_942, %mul3A_944 : vector<16xf32>
        %swap3A = arith.constant 3 : i32
        %swap3A_946 = arith.index_cast %swap3A : i32 to index
        %swap3A_947 = arith.index_cast %scan3A_937 : i32 to index
        %swap3A_948 = arith.constant 0 : index
        %swap3A_949 = tpu.vector_load %arg6[%swap3A_946, %swap3A_947, %swap3A_948] {strides = array<i32>} : memref<6x128x128xf32, #tpu.memory_space<vmem>>, vector<1x1x16xf32>,
        %swap3A_950 = vector.shape_cast %swap3A_949 : vector<1x1x16xf32> to vector<16xf32>
        %swap3A_951 = vector.shape_cast %mul3A_945 : vector<16xf32> to vector<1x1x16xf32>
        tpu.vector_store %arg6[%swap3A_946, %swap3A_947, %swap3A_948], %swap3A_951 {strides = array<i32>} : memref<6x128x128xf32, #tpu.memory_space<vmem>>, vector<1x1x16xf32>,
        %get3A_952 = arith.constant 3 : i32
        %get3A_953 = arith.index_cast %get3A_952 : i32 to index
        %get3A_954 = arith.index_cast %scan3A_937 : i32 to index
        %get3A_955 = arith.constant 16 : index
        %get3A_956 = tpu.vector_load %arg6[%get3A_953, %get3A_954, %get3A_955] {strides = array<i32>} : memref<6x128x128xf32, #tpu.memory_space<vmem>>, vector<1x1x16xf32>,
        %get3A_957 = vector.shape_cast %get3A_956 : vector<1x1x16xf32> to vector<16xf32>
        %mul3A_958 = arith.constant 11.3137083 : f32
        %mul3A_959 = vector.broadcast %mul3A_958 : f32 to vector<16xf32>
        %mul3A_960 = arith.mulf %get3A_957, %mul3A_959 : vector<16xf32>
        %swap3A_961 = arith.constant 3 : i32
        %swap3A_962 = arith.index_cast %swap3A_961 : i32 to index
        %swap3A_963 = arith.index_cast %scan3A_937 : i32 to index
        %swap3A_964 = arith.constant 16 : index
        %swap3A_965 = tpu.vector_load %arg6[%swap3A_962, %swap3A_963, %swap3A_964] {strides = array<i32>} : memref<6x128x128xf32, #tpu.memory_space<vmem>>, vector<1x1x16xf32>,
        %swap3A_966 = vector.shape_cast %swap3A_965 : vector<1x1x16xf32> to vector<16xf32>
        %swap3A_967 = vector.shape_cast %mul3A_960 : vector<16xf32> to vector<1x1x16xf32>
        tpu.vector_store %arg6[%swap3A_962, %swap3A_963, %swap3A_964], %swap3A_967 {strides = array<i32>} : memref<6x128x128xf32, #tpu.memory_space<vmem>>, vector<1x1x16xf32>,
        %get3A_968 = arith.constant 3 : i32
        %get3A_969 = arith.index_cast %get3A_968 : i32 to index
        %get3A_970 = arith.index_cast %scan3A_937 : i32 to index
        %get3A_971 = arith.constant 32 : index
        %get3A_972 = tpu.vector_load %arg6[%get3A_969, %get3A_970, %get3A_971] {strides = array<i32>} : memref<6x128x128xf32, #tpu.memory_space<vmem>>, vector<1x1x16xf32>,
        %get3A_973 = vector.shape_cast %get3A_972 : vector<1x1x16xf32> to vector<16xf32>
        %mul3A_974 = arith.constant 11.3137083 : f32
        %mul3A_975 = vector.broadcast %mul3A_974 : f32 to vector<16xf32>
        %mul3A_976 = arith.mulf %get3A_973, %mul3A_975 : vector<16xf32>
        %swap3A_977 = arith.constant 3 : i32
        %swap3A_978 = arith.index_cast %swap3A_977 : i32 to index
        %swap3A_979 = arith.index_cast %scan3A_937 : i32 to index
        %swap3A_980 = arith.constant 32 : index
        %swap3A_981 = tpu.vector_load %arg6[%swap3A_978, %swap3A_979, %swap3A_980] {strides = array<i32>} : memref<6x128x128xf32, #tpu.memory_space<vmem>>, vector<1x1x16xf32>,
        %swap3A_982 = vector.shape_cast %swap3A_981 : vector<1x1x16xf32> to vector<16xf32>
        %swap3A_983 = vector.shape_cast %mul3A_976 : vector<16xf32> to vector<1x1x16xf32>
        tpu.vector_store %arg6[%swap3A_978, %swap3A_979, %swap3A_980], %swap3A_983 {strides = array<i32>} : memref<6x128x128xf32, #tpu.memory_space<vmem>>, vector<1x1x16xf32>,
        %get3A_984 = arith.constant 3 : i32
        %get3A_985 = arith.index_cast %get3A_984 : i32 to index
        %get3A_986 = arith.index_cast %scan3A_937 : i32 to index
        %get3A_987 = arith.constant 48 : index
        %get3A_988 = tpu.vector_load %arg6[%get3A_985, %get3A_986, %get3A_987] {strides = array<i32>} : memref<6x128x128xf32, #tpu.memory_space<vmem>>, vector<1x1x16xf32>,
        %get3A_989 = vector.shape_cast %get3A_988 : vector<1x1x16xf32> to vector<16xf32>
        %mul3A_990 = arith.constant 11.3137083 : f32
        %mul3A_991 = vector.broadcast %mul3A_990 : f32 to vector<16xf32>
        %mul3A_992 = arith.mulf %get3A_989, %mul3A_991 : vector<16xf32>
        %swap3A_993 = arith.constant 3 : i32
        %swap3A_994 = arith.index_cast %swap3A_993 : i32 to index
        %swap3A_995 = arith.index_cast %scan3A_937 : i32 to index
        %swap3A_996 = arith.constant 48 : index
        %swap3A_997 = tpu.vector_load %arg6[%swap3A_994, %swap3A_995, %swap3A_996] {strides = array<i32>} : memref<6x128x128xf32, #tpu.memory_space<vmem>>, vector<1x1x16xf32>,
        %swap3A_998 = vector.shape_cast %swap3A_997 : vector<1x1x16xf32> to vector<16xf32>
        %swap3A_999 = vector.shape_cast %mul3A_992 : vector<16xf32> to vector<1x1x16xf32>
        tpu.vector_store %arg6[%swap3A_994, %swap3A_995, %swap3A_996], %swap3A_999 {strides = array<i32>} : memref<6x128x128xf32, #tpu.memory_space<vmem>>, vector<1x1x16xf32>,
        %get3A_1000 = arith.constant 3 : i32
        %get3A_1001 = arith.index_cast %get3A_1000 : i32 to index
        %get3A_1002 = arith.index_cast %scan3A_937 : i32 to index
        %get3A_1003 = arith.constant 64 : index
        %get3A_1004 = tpu.vector_load %arg6[%get3A_1001, %get3A_1002, %get3A_1003] {strides = array<i32>} : memref<6x128x128xf32, #tpu.memory_space<vmem>>, vector<1x1x16xf32>,
        %get3A_1005 = vector.shape_cast %get3A_1004 : vector<1x1x16xf32> to vector<16xf32>
        %mul3A_1006 = arith.constant 11.3137083 : f32
        %mul3A_1007 = vector.broadcast %mul3A_1006 : f32 to vector<16xf32>
        %mul3A_1008 = arith.mulf %get3A_1005, %mul3A_1007 : vector<16xf32>
        %swap3A_1009 = arith.constant 3 : i32
        %swap3A_1010 = arith.index_cast %swap3A_1009 : i32 to index
        %swap3A_1011 = arith.index_cast %scan3A_937 : i32 to index
        %swap3A_1012 = arith.constant 64 : index
        %swap3A_1013 = tpu.vector_load %arg6[%swap3A_1010, %swap3A_1011, %swap3A_1012] {strides = array<i32>} : memref<6x128x128xf32, #tpu.memory_space<vmem>>, vector<1x1x16xf32>,
        %swap3A_1014 = vector.shape_cast %swap3A_1013 : vector<1x1x16xf32> to vector<16xf32>
        %swap3A_1015 = vector.shape_cast %mul3A_1008 : vector<16xf32> to vector<1x1x16xf32>
        tpu.vector_store %arg6[%swap3A_1010, %swap3A_1011, %swap3A_1012], %swap3A_1015 {strides = array<i32>} : memref<6x128x128xf32, #tpu.memory_space<vmem>>, vector<1x1x16xf32>,
        %get3A_1016 = arith.constant 3 : i32
        %get3A_1017 = arith.index_cast %get3A_1016 : i32 to index
        %get3A_1018 = arith.index_cast %scan3A_937 : i32 to index
        %get3A_1019 = arith.constant 80 : index
        %get3A_1020 = tpu.vector_load %arg6[%get3A_1017, %get3A_1018, %get3A_1019] {strides = array<i32>} : memref<6x128x128xf32, #tpu.memory_space<vmem>>, vector<1x1x16xf32>,
        %get3A_1021 = vector.shape_cast %get3A_1020 : vector<1x1x16xf32> to vector<16xf32>
        %mul3A_1022 = arith.constant 11.3137083 : f32
        %mul3A_1023 = vector.broadcast %mul3A_1022 : f32 to vector<16xf32>
        %mul3A_1024 = arith.mulf %get3A_1021, %mul3A_1023 : vector<16xf32>
        %swap3A_1025 = arith.constant 3 : i32
        %swap3A_1026 = arith.index_cast %swap3A_1025 : i32 to index
        %swap3A_1027 = arith.index_cast %scan3A_937 : i32 to index
        %swap3A_1028 = arith.constant 80 : index
        %swap3A_1029 = tpu.vector_load %arg6[%swap3A_1026, %swap3A_1027, %swap3A_1028] {strides = array<i32>} : memref<6x128x128xf32, #tpu.memory_space<vmem>>, vector<1x1x16xf32>,
        %swap3A_1030 = vector.shape_cast %swap3A_1029 : vector<1x1x16xf32> to vector<16xf32>
        %swap3A_1031 = vector.shape_cast %mul3A_1024 : vector<16xf32> to vector<1x1x16xf32>
        tpu.vector_store %arg6[%swap3A_1026, %swap3A_1027, %swap3A_1028], %swap3A_1031 {strides = array<i32>} : memref<6x128x128xf32, #tpu.memory_space<vmem>>, vector<1x1x16xf32>,
        %get3A_1032 = arith.constant 3 : i32
        %get3A_1033 = arith.index_cast %get3A_1032 : i32 to index
        %get3A_1034 = arith.index_cast %scan3A_937 : i32 to index
        %get3A_1035 = arith.constant 96 : index
        %get3A_1036 = tpu.vector_load %arg6[%get3A_1033, %get3A_1034, %get3A_1035] {strides = array<i32>} : memref<6x128x128xf32, #tpu.memory_space<vmem>>, vector<1x1x16xf32>,
        %get3A_1037 = vector.shape_cast %get3A_1036 : vector<1x1x16xf32> to vector<16xf32>
        %mul3A_1038 = arith.constant 11.3137083 : f32
        %mul3A_1039 = vector.broadcast %mul3A_1038 : f32 to vector<16xf32>
        %mul3A_1040 = arith.mulf %get3A_1037, %mul3A_1039 : vector<16xf32>
        %swap3A_1041 = arith.constant 3 : i32
        %swap3A_1042 = arith.index_cast %swap3A_1041 : i32 to index
        %swap3A_1043 = arith.index_cast %scan3A_937 : i32 to index
        %swap3A_1044 = arith.constant 96 : index
        %swap3A_1045 = tpu.vector_load %arg6[%swap3A_1042, %swap3A_1043, %swap3A_1044] {strides = array<i32>} : memref<6x128x128xf32, #tpu.memory_space<vmem>>, vector<1x1x16xf32>,
        %swap3A_1046 = vector.shape_cast %swap3A_1045 : vector<1x1x16xf32> to vector<16xf32>
        %swap3A_1047 = vector.shape_cast %mul3A_1040 : vector<16xf32> to vector<1x1x16xf32>
        tpu.vector_store %arg6[%swap3A_1042, %swap3A_1043, %swap3A_1044], %swap3A_1047 {strides = array<i32>} : memref<6x128x128xf32, #tpu.memory_space<vmem>>, vector<1x1x16xf32>,
        %get3A_1048 = arith.constant 3 : i32
        %get3A_1049 = arith.index_cast %get3A_1048 : i32 to index
        %get3A_1050 = arith.index_cast %scan3A_937 : i32 to index
        %get3A_1051 = arith.constant 112 : index
        %get3A_1052 = tpu.vector_load %arg6[%get3A_1049, %get3A_1050, %get3A_1051] {strides = array<i32>} : memref<6x128x128xf32, #tpu.memory_space<vmem>>, vector<1x1x16xf32>,
        %get3A_1053 = vector.shape_cast %get3A_1052 : vector<1x1x16xf32> to vector<16xf32>
        %mul3A_1054 = arith.constant 11.3137083 : f32
        %mul3A_1055 = vector.broadcast %mul3A_1054 : f32 to vector<16xf32>
        %mul3A_1056 = arith.mulf %get3A_1053, %mul3A_1055 : vector<16xf32>
        %swap3A_1057 = arith.constant 3 : i32
        %swap3A_1058 = arith.index_cast %swap3A_1057 : i32 to index
        %swap3A_1059 = arith.index_cast %scan3A_937 : i32 to index
        %swap3A_1060 = arith.constant 112 : index
        %swap3A_1061 = tpu.vector_load %arg6[%swap3A_1058, %swap3A_1059, %swap3A_1060] {strides = array<i32>} : memref<6x128x128xf32, #tpu.memory_space<vmem>>, vector<1x1x16xf32>,
        %swap3A_1062 = vector.shape_cast %swap3A_1061 : vector<1x1x16xf32> to vector<16xf32>
        %swap3A_1063 = vector.shape_cast %mul3A_1056 : vector<16xf32> to vector<1x1x16xf32>
        tpu.vector_store %arg6[%swap3A_1058, %swap3A_1059, %swap3A_1060], %swap3A_1063 {strides = array<i32>} : memref<6x128x128xf32, #tpu.memory_space<vmem>>, vector<1x1x16xf32>,
        %scan3A_1064 = arith.constant 1 : i32
        %scan3A_1065 = arith.addi %scan3A_937, %scan3A_1064 : i32
        %get3A_1066 = arith.constant 3 : i32
        %get3A_1067 = arith.index_cast %get3A_1066 : i32 to index
        %get3A_1068 = arith.index_cast %scan3A_1065 : i32 to index
        %get3A_1069 = arith.constant 0 : index
        %get3A_1070 = tpu.vector_load %arg6[%get3A_1067, %get3A_1068, %get3A_1069] {strides = array<i32>} : memref<6x128x128xf32, #tpu.memory_space<vmem>>, vector<1x1x16xf32>,
        %get3A_1071 = vector.shape_cast %get3A_1070 : vector<1x1x16xf32> to vector<16xf32>
        %mul3A_1072 = arith.constant 11.3137083 : f32
        %mul3A_1073 = vector.broadcast %mul3A_1072 : f32 to vector<16xf32>
        %mul3A_1074 = arith.mulf %get3A_1071, %mul3A_1073 : vector<16xf32>
        %swap3A_1075 = arith.constant 3 : i32
        %swap3A_1076 = arith.index_cast %swap3A_1075 : i32 to index
        %swap3A_1077 = arith.index_cast %scan3A_1065 : i32 to index
        %swap3A_1078 = arith.constant 0 : index
        %swap3A_1079 = tpu.vector_load %arg6[%swap3A_1076, %swap3A_1077, %swap3A_1078] {strides = array<i32>} : memref<6x128x128xf32, #tpu.memory_space<vmem>>, vector<1x1x16xf32>,
        %swap3A_1080 = vector.shape_cast %swap3A_1079 : vector<1x1x16xf32> to vector<16xf32>
        %swap3A_1081 = vector.shape_cast %mul3A_1074 : vector<16xf32> to vector<1x1x16xf32>
        tpu.vector_store %arg6[%swap3A_1076, %swap3A_1077, %swap3A_1078], %swap3A_1081 {strides = array<i32>} : memref<6x128x128xf32, #tpu.memory_space<vmem>>, vector<1x1x16xf32>,
        %get3A_1082 = arith.constant 3 : i32
        %get3A_1083 = arith.index_cast %get3A_1082 : i32 to index
        %get3A_1084 = arith.index_cast %scan3A_1065 : i32 to index
        %get3A_1085 = arith.constant 16 : index
        %get3A_1086 = tpu.vector_load %arg6[%get3A_1083, %get3A_1084, %get3A_1085] {strides = array<i32>} : memref<6x128x128xf32, #tpu.memory_space<vmem>>, vector<1x1x16xf32>,
        %get3A_1087 = vector.shape_cast %get3A_1086 : vector<1x1x16xf32> to vector<16xf32>
        %mul3A_1088 = arith.constant 11.3137083 : f32
        %mul3A_1089 = vector.broadcast %mul3A_1088 : f32 to vector<16xf32>
        %mul3A_1090 = arith.mulf %get3A_1087, %mul3A_1089 : vector<16xf32>
        %swap3A_1091 = arith.constant 3 : i32
        %swap3A_1092 = arith.index_cast %swap3A_1091 : i32 to index
        %swap3A_1093 = arith.index_cast %scan3A_1065 : i32 to index
        %swap3A_1094 = arith.constant 16 : index
        %swap3A_1095 = tpu.vector_load %arg6[%swap3A_1092, %swap3A_1093, %swap3A_1094] {strides = array<i32>} : memref<6x128x128xf32, #tpu.memory_space<vmem>>, vector<1x1x16xf32>,
        %swap3A_1096 = vector.shape_cast %swap3A_1095 : vector<1x1x16xf32> to vector<16xf32>
        %swap3A_1097 = vector.shape_cast %mul3A_1090 : vector<16xf32> to vector<1x1x16xf32>
        tpu.vector_store %arg6[%swap3A_1092, %swap3A_1093, %swap3A_1094], %swap3A_1097 {strides = array<i32>} : memref<6x128x128xf32, #tpu.memory_space<vmem>>, vector<1x1x16xf32>,
        %get3A_1098 = arith.constant 3 : i32
        %get3A_1099 = arith.index_cast %get3A_1098 : i32 to index
        %get3A_1100 = arith.index_cast %scan3A_1065 : i32 to index
        %get3A_1101 = arith.constant 32 : index
        %get3A_1102 = tpu.vector_load %arg6[%get3A_1099, %get3A_1100, %get3A_1101] {strides = array<i32>} : memref<6x128x128xf32, #tpu.memory_space<vmem>>, vector<1x1x16xf32>,
        %get3A_1103 = vector.shape_cast %get3A_1102 : vector<1x1x16xf32> to vector<16xf32>
        %mul3A_1104 = arith.constant 11.3137083 : f32
        %mul3A_1105 = vector.broadcast %mul3A_1104 : f32 to vector<16xf32>
        %mul3A_1106 = arith.mulf %get3A_1103, %mul3A_1105 : vector<16xf32>
        %swap3A_1107 = arith.constant 3 : i32
        %swap3A_1108 = arith.index_cast %swap3A_1107 : i32 to index
        %swap3A_1109 = arith.index_cast %scan3A_1065 : i32 to index
        %swap3A_1110 = arith.constant 32 : index
        %swap3A_1111 = tpu.vector_load %arg6[%swap3A_1108, %swap3A_1109, %swap3A_1110] {strides = array<i32>} : memref<6x128x128xf32, #tpu.memory_space<vmem>>, vector<1x1x16xf32>,
        %swap3A_1112 = vector.shape_cast %swap3A_1111 : vector<1x1x16xf32> to vector<16xf32>
        %swap3A_1113 = vector.shape_cast %mul3A_1106 : vector<16xf32> to vector<1x1x16xf32>
        tpu.vector_store %arg6[%swap3A_1108, %swap3A_1109, %swap3A_1110], %swap3A_1113 {strides = array<i32>} : memref<6x128x128xf32, #tpu.memory_space<vmem>>, vector<1x1x16xf32>,
        %get3A_1114 = arith.constant 3 : i32
        %get3A_1115 = arith.index_cast %get3A_1114 : i32 to index
        %get3A_1116 = arith.index_cast %scan3A_1065 : i32 to index
        %get3A_1117 = arith.constant 48 : index
        %get3A_1118 = tpu.vector_load %arg6[%get3A_1115, %get3A_1116, %get3A_1117] {strides = array<i32>} : memref<6x128x128xf32, #tpu.memory_space<vmem>>, vector<1x1x16xf32>,
        %get3A_1119 = vector.shape_cast %get3A_1118 : vector<1x1x16xf32> to vector<16xf32>
        %mul3A_1120 = arith.constant 11.3137083 : f32
        %mul3A_1121 = vector.broadcast %mul3A_1120 : f32 to vector<16xf32>
        %mul3A_1122 = arith.mulf %get3A_1119, %mul3A_1121 : vector<16xf32>
        %swap3A_1123 = arith.constant 3 : i32
        %swap3A_1124 = arith.index_cast %swap3A_1123 : i32 to index
        %swap3A_1125 = arith.index_cast %scan3A_1065 : i32 to index
        %swap3A_1126 = arith.constant 48 : index
        %swap3A_1127 = tpu.vector_load %arg6[%swap3A_1124, %swap3A_1125, %swap3A_1126] {strides = array<i32>} : memref<6x128x128xf32, #tpu.memory_space<vmem>>, vector<1x1x16xf32>,
        %swap3A_1128 = vector.shape_cast %swap3A_1127 : vector<1x1x16xf32> to vector<16xf32>
        %swap3A_1129 = vector.shape_cast %mul3A_1122 : vector<16xf32> to vector<1x1x16xf32>
        tpu.vector_store %arg6[%swap3A_1124, %swap3A_1125, %swap3A_1126], %swap3A_1129 {strides = array<i32>} : memref<6x128x128xf32, #tpu.memory_space<vmem>>, vector<1x1x16xf32>,
        %get3A_1130 = arith.constant 3 : i32
        %get3A_1131 = arith.index_cast %get3A_1130 : i32 to index
        %get3A_1132 = arith.index_cast %scan3A_1065 : i32 to index
        %get3A_1133 = arith.constant 64 : index
        %get3A_1134 = tpu.vector_load %arg6[%get3A_1131, %get3A_1132, %get3A_1133] {strides = array<i32>} : memref<6x128x128xf32, #tpu.memory_space<vmem>>, vector<1x1x16xf32>,
        %get3A_1135 = vector.shape_cast %get3A_1134 : vector<1x1x16xf32> to vector<16xf32>
        %mul3A_1136 = arith.constant 11.3137083 : f32
        %mul3A_1137 = vector.broadcast %mul3A_1136 : f32 to vector<16xf32>
        %mul3A_1138 = arith.mulf %get3A_1135, %mul3A_1137 : vector<16xf32>
        %swap3A_1139 = arith.constant 3 : i32
        %swap3A_1140 = arith.index_cast %swap3A_1139 : i32 to index
        %swap3A_1141 = arith.index_cast %scan3A_1065 : i32 to index
        %swap3A_1142 = arith.constant 64 : index
        %swap3A_1143 = tpu.vector_load %arg6[%swap3A_1140, %swap3A_1141, %swap3A_1142] {strides = array<i32>} : memref<6x128x128xf32, #tpu.memory_space<vmem>>, vector<1x1x16xf32>,
        %swap3A_1144 = vector.shape_cast %swap3A_1143 : vector<1x1x16xf32> to vector<16xf32>
        %swap3A_1145 = vector.shape_cast %mul3A_1138 : vector<16xf32> to vector<1x1x16xf32>
        tpu.vector_store %arg6[%swap3A_1140, %swap3A_1141, %swap3A_1142], %swap3A_1145 {strides = array<i32>} : memref<6x128x128xf32, #tpu.memory_space<vmem>>, vector<1x1x16xf32>,
        %get3A_1146 = arith.constant 3 : i32
        %get3A_1147 = arith.index_cast %get3A_1146 : i32 to index
        %get3A_1148 = arith.index_cast %scan3A_1065 : i32 to index
        %get3A_1149 = arith.constant 80 : index
        %get3A_1150 = tpu.vector_load %arg6[%get3A_1147, %get3A_1148, %get3A_1149] {strides = array<i32>} : memref<6x128x128xf32, #tpu.memory_space<vmem>>, vector<1x1x16xf32>,
        %get3A_1151 = vector.shape_cast %get3A_1150 : vector<1x1x16xf32> to vector<16xf32>
        %mul3A_1152 = arith.constant 11.3137083 : f32
        %mul3A_1153 = vector.broadcast %mul3A_1152 : f32 to vector<16xf32>
        %mul3A_1154 = arith.mulf %get3A_1151, %mul3A_1153 : vector<16xf32>
        %swap3A_1155 = arith.constant 3 : i32
        %swap3A_1156 = arith.index_cast %swap3A_1155 : i32 to index
        %swap3A_1157 = arith.index_cast %scan3A_1065 : i32 to index
        %swap3A_1158 = arith.constant 80 : index
        %swap3A_1159 = tpu.vector_load %arg6[%swap3A_1156, %swap3A_1157, %swap3A_1158] {strides = array<i32>} : memref<6x128x128xf32, #tpu.memory_space<vmem>>, vector<1x1x16xf32>,
        %swap3A_1160 = vector.shape_cast %swap3A_1159 : vector<1x1x16xf32> to vector<16xf32>
        %swap3A_1161 = vector.shape_cast %mul3A_1154 : vector<16xf32> to vector<1x1x16xf32>
        tpu.vector_store %arg6[%swap3A_1156, %swap3A_1157, %swap3A_1158], %swap3A_1161 {strides = array<i32>} : memref<6x128x128xf32, #tpu.memory_space<vmem>>, vector<1x1x16xf32>,
        %get3A_1162 = arith.constant 3 : i32
        %get3A_1163 = arith.index_cast %get3A_1162 : i32 to index
        %get3A_1164 = arith.index_cast %scan3A_1065 : i32 to index
        %get3A_1165 = arith.constant 96 : index
        %get3A_1166 = tpu.vector_load %arg6[%get3A_1163, %get3A_1164, %get3A_1165] {strides = array<i32>} : memref<6x128x128xf32, #tpu.memory_space<vmem>>, vector<1x1x16xf32>,
        %get3A_1167 = vector.shape_cast %get3A_1166 : vector<1x1x16xf32> to vector<16xf32>
        %mul3A_1168 = arith.constant 11.3137083 : f32
        %mul3A_1169 = vector.broadcast %mul3A_1168 : f32 to vector<16xf32>
        %mul3A_1170 = arith.mulf %get3A_1167, %mul3A_1169 : vector<16xf32>
        %swap3A_1171 = arith.constant 3 : i32
        %swap3A_1172 = arith.index_cast %swap3A_1171 : i32 to index
        %swap3A_1173 = arith.index_cast %scan3A_1065 : i32 to index
        %swap3A_1174 = arith.constant 96 : index
        %swap3A_1175 = tpu.vector_load %arg6[%swap3A_1172, %swap3A_1173, %swap3A_1174] {strides = array<i32>} : memref<6x128x128xf32, #tpu.memory_space<vmem>>, vector<1x1x16xf32>,
        %swap3A_1176 = vector.shape_cast %swap3A_1175 : vector<1x1x16xf32> to vector<16xf32>
        %swap3A_1177 = vector.shape_cast %mul3A_1170 : vector<16xf32> to vector<1x1x16xf32>
        tpu.vector_store %arg6[%swap3A_1172, %swap3A_1173, %swap3A_1174], %swap3A_1177 {strides = array<i32>} : memref<6x128x128xf32, #tpu.memory_space<vmem>>, vector<1x1x16xf32>,
        %get3A_1178 = arith.constant 3 : i32
        %get3A_1179 = arith.index_cast %get3A_1178 : i32 to index
        %get3A_1180 = arith.index_cast %scan3A_1065 : i32 to index
        %get3A_1181 = arith.constant 112 : index
        %get3A_1182 = tpu.vector_load %arg6[%get3A_1179, %get3A_1180, %get3A_1181] {strides = array<i32>} : memref<6x128x128xf32, #tpu.memory_space<vmem>>, vector<1x1x16xf32>,
        %get3A_1183 = vector.shape_cast %get3A_1182 : vector<1x1x16xf32> to vector<16xf32>
        %mul3A_1184 = arith.constant 11.3137083 : f32
        %mul3A_1185 = vector.broadcast %mul3A_1184 : f32 to vector<16xf32>
        %mul3A_1186 = arith.mulf %get3A_1183, %mul3A_1185 : vector<16xf32>
        %swap3A_1187 = arith.constant 3 : i32
        %swap3A_1188 = arith.index_cast %swap3A_1187 : i32 to index
        %swap3A_1189 = arith.index_cast %scan3A_1065 : i32 to index
        %swap3A_1190 = arith.constant 112 : index
        %swap3A_1191 = tpu.vector_load %arg6[%swap3A_1188, %swap3A_1189, %swap3A_1190] {strides = array<i32>} : memref<6x128x128xf32, #tpu.memory_space<vmem>>, vector<1x1x16xf32>,
        %swap3A_1192 = vector.shape_cast %swap3A_1191 : vector<1x1x16xf32> to vector<16xf32>
        %swap3A_1193 = vector.shape_cast %mul3A_1186 : vector<16xf32> to vector<1x1x16xf32>
        tpu.vector_store %arg6[%swap3A_1188, %swap3A_1189, %swap3A_1190], %swap3A_1193 {strides = array<i32>} : memref<6x128x128xf32, #tpu.memory_space<vmem>>, vector<1x1x16xf32>,
      }
      %scan3A_574 = arith.constant 128 : i32
      %dma_start3A_575 = arith.constant 3 : i32
      %dma_start3A_576 = arith.constant 0 : i32
      %dma_start3A_577 = arith.constant 0 : i32
      %dma_start3A_578 = tpu.memref_slice %arg6[%dma_start3A_575, %dma_start3A_576, %dma_start3A_577] : memref<6x128x128xf32, #tpu.memory_space<vmem>> -> memref<1x128x128xf32, #tpu.memory_space<vmem>>
      %dma_start3A_579 = tpu.memref_squeeze %dma_start3A_578 : memref<1x128x128xf32, #tpu.memory_space<vmem>> -> memref<128x128xf32, #tpu.memory_space<vmem>>
      %dma_start3A_580 = arith.constant 0 : i32
      %dma_start3A_581 = arith.constant 0 : i32
      %dma_start3A_582 = tpu.memref_slice %arg4[%add3A, %sub3A_558, %dma_start3A_580, %dma_start3A_581] : memref<32x200x128x128xf32, #tpu.memory_space<hbm>> -> memref<1x1x128x128xf32, #tpu.memory_space<hbm>>
      %dma_start3A_583 = tpu.memref_squeeze %dma_start3A_582 : memref<1x1x128x128xf32, #tpu.memory_space<hbm>> -> memref<128x128xf32, #tpu.memory_space<hbm>>
      %dma_start3A_584 = arith.constant 0 : i32
      %dma_start3A_585 = arith.constant 0 : i32
      %dma_start3A_586 = tpu.memref_slice %arg4[%add3A, %sub3A_558, %dma_start3A_584, %dma_start3A_585] : memref<32x200x128x128xf32, #tpu.memory_space<hbm>> -> memref<1x1x128x128xf32, #tpu.memory_space<hbm>>
      %dma_start3A_587 = tpu.memref_squeeze %dma_start3A_586 : memref<1x1x128x128xf32, #tpu.memory_space<hbm>> -> memref<128x128xf32, #tpu.memory_space<hbm>>
      %dma_start3A_588 = arith.constant 0 : i32
      %dma_start3A_589 = arith.constant 0 : i32
      %dma_start3A_590 = tpu.memref_slice %arg6[%dma_start3A_575, %dma_start3A_588, %dma_start3A_589] : memref<6x128x128xf32, #tpu.memory_space<vmem>> -> memref<1x128x128xf32, #tpu.memory_space<vmem>>
      %dma_start3A_591 = tpu.memref_squeeze %dma_start3A_590 : memref<1x128x128xf32, #tpu.memory_space<vmem>> -> memref<128x128xf32, #tpu.memory_space<vmem>>
      tpu.enqueue_dma source(%dma_start3A_591 : memref<128x128xf32, #tpu.memory_space<vmem>>) target(%dma_start3A_587 : memref<128x128xf32, #tpu.memory_space<hbm>>) target_semaphore(%arg16 : memref<!tpu.dma_semaphore, #tpu.memory_space<semaphore_mem>>)
      %mul3A_592 = arith.constant 6 : i32
      %mul3A_593 = arith.muli %scan3A_523, %mul3A_592 : i32
      %add3A_594 = arith.constant 1 : i32
      %add3A_595 = arith.addi %mul3A_593, %add3A_594 : i32
      %sub3A_596 = arith.constant 6 : i32
      %sub3A_597 = arith.subi %add3A_595, %sub3A_596 : i32
      %dma_wait3A_598 = arith.constant 1 : i32
      %dma_wait3A_599 = arith.constant 0 : i32
      %dma_wait3A_600 = arith.constant 0 : i32
      %dma_wait3A_601 = tpu.memref_slice %arg6[%dma_wait3A_598, %dma_wait3A_599, %dma_wait3A_600] : memref<6x128x128xf32, #tpu.memory_space<vmem>> -> memref<1x128x128xf32, #tpu.memory_space<vmem>>
      %dma_wait3A_602 = tpu.memref_squeeze %dma_wait3A_601 : memref<1x128x128xf32, #tpu.memory_space<vmem>> -> memref<128x128xf32, #tpu.memory_space<vmem>>
      %dma_wait3A_603 = arith.constant 0 : i32
      %dma_wait3A_604 = arith.constant 0 : i32
      %dma_wait3A_605 = tpu.memref_slice %arg4[%add3A, %sub3A_597, %dma_wait3A_603, %dma_wait3A_604] : memref<32x200x128x128xf32, #tpu.memory_space<hbm>> -> memref<1x1x128x128xf32, #tpu.memory_space<hbm>>
      %dma_wait3A_606 = tpu.memref_squeeze %dma_wait3A_605 : memref<1x1x128x128xf32, #tpu.memory_space<hbm>> -> memref<128x128xf32, #tpu.memory_space<hbm>>
      %dma_wait3A_607 = arith.constant 0 : i32
      %dma_wait3A_608 = arith.constant 0 : i32
      %dma_wait3A_609 = tpu.memref_slice %arg4[%add3A, %sub3A_597, %dma_wait3A_607, %dma_wait3A_608] : memref<32x200x128x128xf32, #tpu.memory_space<hbm>> -> memref<1x1x128x128xf32, #tpu.memory_space<hbm>>
      %dma_wait3A_610 = tpu.memref_squeeze %dma_wait3A_609 : memref<1x1x128x128xf32, #tpu.memory_space<hbm>> -> memref<128x128xf32, #tpu.memory_space<hbm>>
      %dma_wait3A_611 = arith.constant 0 : i32
      %dma_wait3A_612 = arith.constant 0 : i32
      %dma_wait3A_613 = tpu.memref_slice %arg6[%dma_wait3A_598, %dma_wait3A_611, %dma_wait3A_612] : memref<6x128x128xf32, #tpu.memory_space<vmem>> -> memref<1x128x128xf32, #tpu.memory_space<vmem>>
      %dma_wait3A_614 = tpu.memref_squeeze %dma_wait3A_613 : memref<1x128x128xf32, #tpu.memory_space<vmem>> -> memref<128x128xf32, #tpu.memory_space<vmem>>
      tpu.wait_dma2 semaphore(%arg14 : memref<!tpu.dma_semaphore, #tpu.memory_space<semaphore_mem>>) src(%dma_wait3A_614 : memref<128x128xf32, #tpu.memory_space<vmem>>) dst(%dma_wait3A_610 : memref<128x128xf32, #tpu.memory_space<hbm>>)
      %dma_start3A_615 = arith.constant 1 : i32
      %dma_start3A_616 = arith.constant 0 : i32
      %dma_start3A_617 = arith.constant 0 : i32
      %dma_start3A_618 = tpu.memref_slice %arg6[%dma_start3A_615, %dma_start3A_616, %dma_start3A_617] : memref<6x128x128xf32, #tpu.memory_space<vmem>> -> memref<1x128x128xf32, #tpu.memory_space<vmem>>
      %dma_start3A_619 = tpu.memref_squeeze %dma_start3A_618 : memref<1x128x128xf32, #tpu.memory_space<vmem>> -> memref<128x128xf32, #tpu.memory_space<vmem>>
      %dma_start3A_620 = arith.constant 0 : i32
      %dma_start3A_621 = tpu.memref_slice %arg5[%add3A_595, %dma_start3A_620] : memref<200x128xi32, #tpu.memory_space<vmem>> -> memref<1x128xi32, #tpu.memory_space<vmem>>
      %dma_start3A_622 = tpu.memref_squeeze %dma_start3A_621 : memref<1x128xi32, #tpu.memory_space<vmem>> -> memref<128xi32, #tpu.memory_space<vmem>>
      %dma_start3A_623 = arith.constant 0 : i32
      %dma_start3A_624 = arith.constant 0 : i32
      %dma_start3A_625 = tpu.memref_slice %arg3[%dma_start3A_623, %dma_start3A_624] : memref<100000x128xf32, #tpu.memory_space<hbm>> -> memref<100000x128xf32, #tpu.memory_space<hbm>>
      tpu.enqueue_indirect_dma source(%dma_start3A_625 : memref<100000x128xf32, #tpu.memory_space<hbm>>) target(%dma_start3A_619 : memref<128x128xf32, #tpu.memory_space<vmem>>) offsets(%dma_start3A_622 : memref<128xi32, #tpu.memory_space<vmem>>) semaphore(%arg8 : memref<!tpu.dma_semaphore, #tpu.memory_space<semaphore_mem>>)
      %sub3A_626 = arith.constant 3 : i32
      %sub3A_627 = arith.subi %add3A_595, %sub3A_626 : i32
      %dma_wait3A_628 = arith.constant 4 : i32
      %dma_wait3A_629 = arith.constant 0 : i32
      %dma_wait3A_630 = arith.constant 0 : i32
      %dma_wait3A_631 = tpu.memref_slice %arg6[%dma_wait3A_628, %dma_wait3A_629, %dma_wait3A_630] : memref<6x128x128xf32, #tpu.memory_space<vmem>> -> memref<1x128x128xf32, #tpu.memory_space<vmem>>
      %dma_wait3A_632 = tpu.memref_squeeze %dma_wait3A_631 : memref<1x128x128xf32, #tpu.memory_space<vmem>> -> memref<128x128xf32, #tpu.memory_space<vmem>>
      %dma_wait3A_633 = arith.constant 0 : i32
      %dma_wait3A_634 = tpu.memref_slice %arg5[%sub3A_627, %dma_wait3A_633] : memref<200x128xi32, #tpu.memory_space<vmem>> -> memref<1x128xi32, #tpu.memory_space<vmem>>
      %dma_wait3A_635 = tpu.memref_squeeze %dma_wait3A_634 : memref<1x128xi32, #tpu.memory_space<vmem>> -> memref<128xi32, #tpu.memory_space<vmem>>
      %dma_wait3A_636 = arith.constant 0 : i32
      %dma_wait3A_637 = arith.constant 0 : i32
      %dma_wait3A_638 = tpu.memref_slice %arg3[%dma_wait3A_636, %dma_wait3A_637] : memref<100000x128xf32, #tpu.memory_space<hbm>> -> memref<100000x128xf32, #tpu.memory_space<hbm>>
      tpu.wait_indirect_dma semaphore(%arg11 : memref<!tpu.dma_semaphore, #tpu.memory_space<semaphore_mem>>) src(%dma_wait3A_638 : memref<100000x128xf32, #tpu.memory_space<hbm>>) dst(%dma_wait3A_632 : memref<128x128xf32, #tpu.memory_space<vmem>>)
      %scan3A_639 = arith.constant 0 : i32
      %scan3A_640 = arith.constant 128 : i32
      %scan3A_641 = arith.addi %scan3A_639, %scan3A_640 : i32
      %scan3A_642 = arith.constant 2 : i32
      scf.for %scan3A_937 = %scan3A_639 to %scan3A_641 step %scan3A_642  : i32 {
        %get3A = arith.constant 4 : i32
        %get3A_938 = arith.index_cast %get3A : i32 to index
        %get3A_939 = arith.index_cast %scan3A_937 : i32 to index
        %get3A_940 = arith.constant 0 : index
        %get3A_941 = tpu.vector_load %arg6[%get3A_938, %get3A_939, %get3A_940] {strides = array<i32>} : memref<6x128x128xf32, #tpu.memory_space<vmem>>, vector<1x1x16xf32>,
        %get3A_942 = vector.shape_cast %get3A_941 : vector<1x1x16xf32> to vector<16xf32>
        %mul3A_943 = arith.constant 11.3137083 : f32
        %mul3A_944 = vector.broadcast %mul3A_943 : f32 to vector<16xf32>
        %mul3A_945 = arith.mulf %get3A_942, %mul3A_944 : vector<16xf32>
        %swap3A = arith.constant 4 : i32
        %swap3A_946 = arith.index_cast %swap3A : i32 to index
        %swap3A_947 = arith.index_cast %scan3A_937 : i32 to index
        %swap3A_948 = arith.constant 0 : index
        %swap3A_949 = tpu.vector_load %arg6[%swap3A_946, %swap3A_947, %swap3A_948] {strides = array<i32>} : memref<6x128x128xf32, #tpu.memory_space<vmem>>, vector<1x1x16xf32>,
        %swap3A_950 = vector.shape_cast %swap3A_949 : vector<1x1x16xf32> to vector<16xf32>
        %swap3A_951 = vector.shape_cast %mul3A_945 : vector<16xf32> to vector<1x1x16xf32>
        tpu.vector_store %arg6[%swap3A_946, %swap3A_947, %swap3A_948], %swap3A_951 {strides = array<i32>} : memref<6x128x128xf32, #tpu.memory_space<vmem>>, vector<1x1x16xf32>,
        %get3A_952 = arith.constant 4 : i32
        %get3A_953 = arith.index_cast %get3A_952 : i32 to index
        %get3A_954 = arith.index_cast %scan3A_937 : i32 to index
        %get3A_955 = arith.constant 16 : index
        %get3A_956 = tpu.vector_load %arg6[%get3A_953, %get3A_954, %get3A_955] {strides = array<i32>} : memref<6x128x128xf32, #tpu.memory_space<vmem>>, vector<1x1x16xf32>,
        %get3A_957 = vector.shape_cast %get3A_956 : vector<1x1x16xf32> to vector<16xf32>
        %mul3A_958 = arith.constant 11.3137083 : f32
        %mul3A_959 = vector.broadcast %mul3A_958 : f32 to vector<16xf32>
        %mul3A_960 = arith.mulf %get3A_957, %mul3A_959 : vector<16xf32>
        %swap3A_961 = arith.constant 4 : i32
        %swap3A_962 = arith.index_cast %swap3A_961 : i32 to index
        %swap3A_963 = arith.index_cast %scan3A_937 : i32 to index
        %swap3A_964 = arith.constant 16 : index
        %swap3A_965 = tpu.vector_load %arg6[%swap3A_962, %swap3A_963, %swap3A_964] {strides = array<i32>} : memref<6x128x128xf32, #tpu.memory_space<vmem>>, vector<1x1x16xf32>,
        %swap3A_966 = vector.shape_cast %swap3A_965 : vector<1x1x16xf32> to vector<16xf32>
        %swap3A_967 = vector.shape_cast %mul3A_960 : vector<16xf32> to vector<1x1x16xf32>
        tpu.vector_store %arg6[%swap3A_962, %swap3A_963, %swap3A_964], %swap3A_967 {strides = array<i32>} : memref<6x128x128xf32, #tpu.memory_space<vmem>>, vector<1x1x16xf32>,
        %get3A_968 = arith.constant 4 : i32
        %get3A_969 = arith.index_cast %get3A_968 : i32 to index
        %get3A_970 = arith.index_cast %scan3A_937 : i32 to index
        %get3A_971 = arith.constant 32 : index
        %get3A_972 = tpu.vector_load %arg6[%get3A_969, %get3A_970, %get3A_971] {strides = array<i32>} : memref<6x128x128xf32, #tpu.memory_space<vmem>>, vector<1x1x16xf32>,
        %get3A_973 = vector.shape_cast %get3A_972 : vector<1x1x16xf32> to vector<16xf32>
        %mul3A_974 = arith.constant 11.3137083 : f32
        %mul3A_975 = vector.broadcast %mul3A_974 : f32 to vector<16xf32>
        %mul3A_976 = arith.mulf %get3A_973, %mul3A_975 : vector<16xf32>
        %swap3A_977 = arith.constant 4 : i32
        %swap3A_978 = arith.index_cast %swap3A_977 : i32 to index
        %swap3A_979 = arith.index_cast %scan3A_937 : i32 to index
        %swap3A_980 = arith.constant 32 : index
        %swap3A_981 = tpu.vector_load %arg6[%swap3A_978, %swap3A_979, %swap3A_980] {strides = array<i32>} : memref<6x128x128xf32, #tpu.memory_space<vmem>>, vector<1x1x16xf32>,
        %swap3A_982 = vector.shape_cast %swap3A_981 : vector<1x1x16xf32> to vector<16xf32>
        %swap3A_983 = vector.shape_cast %mul3A_976 : vector<16xf32> to vector<1x1x16xf32>
        tpu.vector_store %arg6[%swap3A_978, %swap3A_979, %swap3A_980], %swap3A_983 {strides = array<i32>} : memref<6x128x128xf32, #tpu.memory_space<vmem>>, vector<1x1x16xf32>,
        %get3A_984 = arith.constant 4 : i32
        %get3A_985 = arith.index_cast %get3A_984 : i32 to index
        %get3A_986 = arith.index_cast %scan3A_937 : i32 to index
        %get3A_987 = arith.constant 48 : index
        %get3A_988 = tpu.vector_load %arg6[%get3A_985, %get3A_986, %get3A_987] {strides = array<i32>} : memref<6x128x128xf32, #tpu.memory_space<vmem>>, vector<1x1x16xf32>,
        %get3A_989 = vector.shape_cast %get3A_988 : vector<1x1x16xf32> to vector<16xf32>
        %mul3A_990 = arith.constant 11.3137083 : f32
        %mul3A_991 = vector.broadcast %mul3A_990 : f32 to vector<16xf32>
        %mul3A_992 = arith.mulf %get3A_989, %mul3A_991 : vector<16xf32>
        %swap3A_993 = arith.constant 4 : i32
        %swap3A_994 = arith.index_cast %swap3A_993 : i32 to index
        %swap3A_995 = arith.index_cast %scan3A_937 : i32 to index
        %swap3A_996 = arith.constant 48 : index
        %swap3A_997 = tpu.vector_load %arg6[%swap3A_994, %swap3A_995, %swap3A_996] {strides = array<i32>} : memref<6x128x128xf32, #tpu.memory_space<vmem>>, vector<1x1x16xf32>,
        %swap3A_998 = vector.shape_cast %swap3A_997 : vector<1x1x16xf32> to vector<16xf32>
        %swap3A_999 = vector.shape_cast %mul3A_992 : vector<16xf32> to vector<1x1x16xf32>
        tpu.vector_store %arg6[%swap3A_994, %swap3A_995, %swap3A_996], %swap3A_999 {strides = array<i32>} : memref<6x128x128xf32, #tpu.memory_space<vmem>>, vector<1x1x16xf32>,
        %get3A_1000 = arith.constant 4 : i32
        %get3A_1001 = arith.index_cast %get3A_1000 : i32 to index
        %get3A_1002 = arith.index_cast %scan3A_937 : i32 to index
        %get3A_1003 = arith.constant 64 : index
        %get3A_1004 = tpu.vector_load %arg6[%get3A_1001, %get3A_1002, %get3A_1003] {strides = array<i32>} : memref<6x128x128xf32, #tpu.memory_space<vmem>>, vector<1x1x16xf32>,
        %get3A_1005 = vector.shape_cast %get3A_1004 : vector<1x1x16xf32> to vector<16xf32>
        %mul3A_1006 = arith.constant 11.3137083 : f32
        %mul3A_1007 = vector.broadcast %mul3A_1006 : f32 to vector<16xf32>
        %mul3A_1008 = arith.mulf %get3A_1005, %mul3A_1007 : vector<16xf32>
        %swap3A_1009 = arith.constant 4 : i32
        %swap3A_1010 = arith.index_cast %swap3A_1009 : i32 to index
        %swap3A_1011 = arith.index_cast %scan3A_937 : i32 to index
        %swap3A_1012 = arith.constant 64 : index
        %swap3A_1013 = tpu.vector_load %arg6[%swap3A_1010, %swap3A_1011, %swap3A_1012] {strides = array<i32>} : memref<6x128x128xf32, #tpu.memory_space<vmem>>, vector<1x1x16xf32>,
        %swap3A_1014 = vector.shape_cast %swap3A_1013 : vector<1x1x16xf32> to vector<16xf32>
        %swap3A_1015 = vector.shape_cast %mul3A_1008 : vector<16xf32> to vector<1x1x16xf32>
        tpu.vector_store %arg6[%swap3A_1010, %swap3A_1011, %swap3A_1012], %swap3A_1015 {strides = array<i32>} : memref<6x128x128xf32, #tpu.memory_space<vmem>>, vector<1x1x16xf32>,
        %get3A_1016 = arith.constant 4 : i32
        %get3A_1017 = arith.index_cast %get3A_1016 : i32 to index
        %get3A_1018 = arith.index_cast %scan3A_937 : i32 to index
        %get3A_1019 = arith.constant 80 : index
        %get3A_1020 = tpu.vector_load %arg6[%get3A_1017, %get3A_1018, %get3A_1019] {strides = array<i32>} : memref<6x128x128xf32, #tpu.memory_space<vmem>>, vector<1x1x16xf32>,
        %get3A_1021 = vector.shape_cast %get3A_1020 : vector<1x1x16xf32> to vector<16xf32>
        %mul3A_1022 = arith.constant 11.3137083 : f32
        %mul3A_1023 = vector.broadcast %mul3A_1022 : f32 to vector<16xf32>
        %mul3A_1024 = arith.mulf %get3A_1021, %mul3A_1023 : vector<16xf32>
        %swap3A_1025 = arith.constant 4 : i32
        %swap3A_1026 = arith.index_cast %swap3A_1025 : i32 to index
        %swap3A_1027 = arith.index_cast %scan3A_937 : i32 to index
        %swap3A_1028 = arith.constant 80 : index
        %swap3A_1029 = tpu.vector_load %arg6[%swap3A_1026, %swap3A_1027, %swap3A_1028] {strides = array<i32>} : memref<6x128x128xf32, #tpu.memory_space<vmem>>, vector<1x1x16xf32>,
        %swap3A_1030 = vector.shape_cast %swap3A_1029 : vector<1x1x16xf32> to vector<16xf32>
        %swap3A_1031 = vector.shape_cast %mul3A_1024 : vector<16xf32> to vector<1x1x16xf32>
        tpu.vector_store %arg6[%swap3A_1026, %swap3A_1027, %swap3A_1028], %swap3A_1031 {strides = array<i32>} : memref<6x128x128xf32, #tpu.memory_space<vmem>>, vector<1x1x16xf32>,
        %get3A_1032 = arith.constant 4 : i32
        %get3A_1033 = arith.index_cast %get3A_1032 : i32 to index
        %get3A_1034 = arith.index_cast %scan3A_937 : i32 to index
        %get3A_1035 = arith.constant 96 : index
        %get3A_1036 = tpu.vector_load %arg6[%get3A_1033, %get3A_1034, %get3A_1035] {strides = array<i32>} : memref<6x128x128xf32, #tpu.memory_space<vmem>>, vector<1x1x16xf32>,
        %get3A_1037 = vector.shape_cast %get3A_1036 : vector<1x1x16xf32> to vector<16xf32>
        %mul3A_1038 = arith.constant 11.3137083 : f32
        %mul3A_1039 = vector.broadcast %mul3A_1038 : f32 to vector<16xf32>
        %mul3A_1040 = arith.mulf %get3A_1037, %mul3A_1039 : vector<16xf32>
        %swap3A_1041 = arith.constant 4 : i32
        %swap3A_1042 = arith.index_cast %swap3A_1041 : i32 to index
        %swap3A_1043 = arith.index_cast %scan3A_937 : i32 to index
        %swap3A_1044 = arith.constant 96 : index
        %swap3A_1045 = tpu.vector_load %arg6[%swap3A_1042, %swap3A_1043, %swap3A_1044] {strides = array<i32>} : memref<6x128x128xf32, #tpu.memory_space<vmem>>, vector<1x1x16xf32>,
        %swap3A_1046 = vector.shape_cast %swap3A_1045 : vector<1x1x16xf32> to vector<16xf32>
        %swap3A_1047 = vector.shape_cast %mul3A_1040 : vector<16xf32> to vector<1x1x16xf32>
        tpu.vector_store %arg6[%swap3A_1042, %swap3A_1043, %swap3A_1044], %swap3A_1047 {strides = array<i32>} : memref<6x128x128xf32, #tpu.memory_space<vmem>>, vector<1x1x16xf32>,
        %get3A_1048 = arith.constant 4 : i32
        %get3A_1049 = arith.index_cast %get3A_1048 : i32 to index
        %get3A_1050 = arith.index_cast %scan3A_937 : i32 to index
        %get3A_1051 = arith.constant 112 : index
        %get3A_1052 = tpu.vector_load %arg6[%get3A_1049, %get3A_1050, %get3A_1051] {strides = array<i32>} : memref<6x128x128xf32, #tpu.memory_space<vmem>>, vector<1x1x16xf32>,
        %get3A_1053 = vector.shape_cast %get3A_1052 : vector<1x1x16xf32> to vector<16xf32>
        %mul3A_1054 = arith.constant 11.3137083 : f32
        %mul3A_1055 = vector.broadcast %mul3A_1054 : f32 to vector<16xf32>
        %mul3A_1056 = arith.mulf %get3A_1053, %mul3A_1055 : vector<16xf32>
        %swap3A_1057 = arith.constant 4 : i32
        %swap3A_1058 = arith.index_cast %swap3A_1057 : i32 to index
        %swap3A_1059 = arith.index_cast %scan3A_937 : i32 to index
        %swap3A_1060 = arith.constant 112 : index
        %swap3A_1061 = tpu.vector_load %arg6[%swap3A_1058, %swap3A_1059, %swap3A_1060] {strides = array<i32>} : memref<6x128x128xf32, #tpu.memory_space<vmem>>, vector<1x1x16xf32>,
        %swap3A_1062 = vector.shape_cast %swap3A_1061 : vector<1x1x16xf32> to vector<16xf32>
        %swap3A_1063 = vector.shape_cast %mul3A_1056 : vector<16xf32> to vector<1x1x16xf32>
        tpu.vector_store %arg6[%swap3A_1058, %swap3A_1059, %swap3A_1060], %swap3A_1063 {strides = array<i32>} : memref<6x128x128xf32, #tpu.memory_space<vmem>>, vector<1x1x16xf32>,
        %scan3A_1064 = arith.constant 1 : i32
        %scan3A_1065 = arith.addi %scan3A_937, %scan3A_1064 : i32
        %get3A_1066 = arith.constant 4 : i32
        %get3A_1067 = arith.index_cast %get3A_1066 : i32 to index
        %get3A_1068 = arith.index_cast %scan3A_1065 : i32 to index
        %get3A_1069 = arith.constant 0 : index
        %get3A_1070 = tpu.vector_load %arg6[%get3A_1067, %get3A_1068, %get3A_1069] {strides = array<i32>} : memref<6x128x128xf32, #tpu.memory_space<vmem>>, vector<1x1x16xf32>,
        %get3A_1071 = vector.shape_cast %get3A_1070 : vector<1x1x16xf32> to vector<16xf32>
        %mul3A_1072 = arith.constant 11.3137083 : f32
        %mul3A_1073 = vector.broadcast %mul3A_1072 : f32 to vector<16xf32>
        %mul3A_1074 = arith.mulf %get3A_1071, %mul3A_1073 : vector<16xf32>
        %swap3A_1075 = arith.constant 4 : i32
        %swap3A_1076 = arith.index_cast %swap3A_1075 : i32 to index
        %swap3A_1077 = arith.index_cast %scan3A_1065 : i32 to index
        %swap3A_1078 = arith.constant 0 : index
        %swap3A_1079 = tpu.vector_load %arg6[%swap3A_1076, %swap3A_1077, %swap3A_1078] {strides = array<i32>} : memref<6x128x128xf32, #tpu.memory_space<vmem>>, vector<1x1x16xf32>,
        %swap3A_1080 = vector.shape_cast %swap3A_1079 : vector<1x1x16xf32> to vector<16xf32>
        %swap3A_1081 = vector.shape_cast %mul3A_1074 : vector<16xf32> to vector<1x1x16xf32>
        tpu.vector_store %arg6[%swap3A_1076, %swap3A_1077, %swap3A_1078], %swap3A_1081 {strides = array<i32>} : memref<6x128x128xf32, #tpu.memory_space<vmem>>, vector<1x1x16xf32>,
        %get3A_1082 = arith.constant 4 : i32
        %get3A_1083 = arith.index_cast %get3A_1082 : i32 to index
        %get3A_1084 = arith.index_cast %scan3A_1065 : i32 to index
        %get3A_1085 = arith.constant 16 : index
        %get3A_1086 = tpu.vector_load %arg6[%get3A_1083, %get3A_1084, %get3A_1085] {strides = array<i32>} : memref<6x128x128xf32, #tpu.memory_space<vmem>>, vector<1x1x16xf32>,
        %get3A_1087 = vector.shape_cast %get3A_1086 : vector<1x1x16xf32> to vector<16xf32>
        %mul3A_1088 = arith.constant 11.3137083 : f32
        %mul3A_1089 = vector.broadcast %mul3A_1088 : f32 to vector<16xf32>
        %mul3A_1090 = arith.mulf %get3A_1087, %mul3A_1089 : vector<16xf32>
        %swap3A_1091 = arith.constant 4 : i32
        %swap3A_1092 = arith.index_cast %swap3A_1091 : i32 to index
        %swap3A_1093 = arith.index_cast %scan3A_1065 : i32 to index
        %swap3A_1094 = arith.constant 16 : index
        %swap3A_1095 = tpu.vector_load %arg6[%swap3A_1092, %swap3A_1093, %swap3A_1094] {strides = array<i32>} : memref<6x128x128xf32, #tpu.memory_space<vmem>>, vector<1x1x16xf32>,
        %swap3A_1096 = vector.shape_cast %swap3A_1095 : vector<1x1x16xf32> to vector<16xf32>
        %swap3A_1097 = vector.shape_cast %mul3A_1090 : vector<16xf32> to vector<1x1x16xf32>
        tpu.vector_store %arg6[%swap3A_1092, %swap3A_1093, %swap3A_1094], %swap3A_1097 {strides = array<i32>} : memref<6x128x128xf32, #tpu.memory_space<vmem>>, vector<1x1x16xf32>,
        %get3A_1098 = arith.constant 4 : i32
        %get3A_1099 = arith.index_cast %get3A_1098 : i32 to index
        %get3A_1100 = arith.index_cast %scan3A_1065 : i32 to index
        %get3A_1101 = arith.constant 32 : index
        %get3A_1102 = tpu.vector_load %arg6[%get3A_1099, %get3A_1100, %get3A_1101] {strides = array<i32>} : memref<6x128x128xf32, #tpu.memory_space<vmem>>, vector<1x1x16xf32>,
        %get3A_1103 = vector.shape_cast %get3A_1102 : vector<1x1x16xf32> to vector<16xf32>
        %mul3A_1104 = arith.constant 11.3137083 : f32
        %mul3A_1105 = vector.broadcast %mul3A_1104 : f32 to vector<16xf32>
        %mul3A_1106 = arith.mulf %get3A_1103, %mul3A_1105 : vector<16xf32>
        %swap3A_1107 = arith.constant 4 : i32
        %swap3A_1108 = arith.index_cast %swap3A_1107 : i32 to index
        %swap3A_1109 = arith.index_cast %scan3A_1065 : i32 to index
        %swap3A_1110 = arith.constant 32 : index
        %swap3A_1111 = tpu.vector_load %arg6[%swap3A_1108, %swap3A_1109, %swap3A_1110] {strides = array<i32>} : memref<6x128x128xf32, #tpu.memory_space<vmem>>, vector<1x1x16xf32>,
        %swap3A_1112 = vector.shape_cast %swap3A_1111 : vector<1x1x16xf32> to vector<16xf32>
        %swap3A_1113 = vector.shape_cast %mul3A_1106 : vector<16xf32> to vector<1x1x16xf32>
        tpu.vector_store %arg6[%swap3A_1108, %swap3A_1109, %swap3A_1110], %swap3A_1113 {strides = array<i32>} : memref<6x128x128xf32, #tpu.memory_space<vmem>>, vector<1x1x16xf32>,
        %get3A_1114 = arith.constant 4 : i32
        %get3A_1115 = arith.index_cast %get3A_1114 : i32 to index
        %get3A_1116 = arith.index_cast %scan3A_1065 : i32 to index
        %get3A_1117 = arith.constant 48 : index
        %get3A_1118 = tpu.vector_load %arg6[%get3A_1115, %get3A_1116, %get3A_1117] {strides = array<i32>} : memref<6x128x128xf32, #tpu.memory_space<vmem>>, vector<1x1x16xf32>,
        %get3A_1119 = vector.shape_cast %get3A_1118 : vector<1x1x16xf32> to vector<16xf32>
        %mul3A_1120 = arith.constant 11.3137083 : f32
        %mul3A_1121 = vector.broadcast %mul3A_1120 : f32 to vector<16xf32>
        %mul3A_1122 = arith.mulf %get3A_1119, %mul3A_1121 : vector<16xf32>
        %swap3A_1123 = arith.constant 4 : i32
        %swap3A_1124 = arith.index_cast %swap3A_1123 : i32 to index
        %swap3A_1125 = arith.index_cast %scan3A_1065 : i32 to index
        %swap3A_1126 = arith.constant 48 : index
        %swap3A_1127 = tpu.vector_load %arg6[%swap3A_1124, %swap3A_1125, %swap3A_1126] {strides = array<i32>} : memref<6x128x128xf32, #tpu.memory_space<vmem>>, vector<1x1x16xf32>,
        %swap3A_1128 = vector.shape_cast %swap3A_1127 : vector<1x1x16xf32> to vector<16xf32>
        %swap3A_1129 = vector.shape_cast %mul3A_1122 : vector<16xf32> to vector<1x1x16xf32>
        tpu.vector_store %arg6[%swap3A_1124, %swap3A_1125, %swap3A_1126], %swap3A_1129 {strides = array<i32>} : memref<6x128x128xf32, #tpu.memory_space<vmem>>, vector<1x1x16xf32>,
        %get3A_1130 = arith.constant 4 : i32
        %get3A_1131 = arith.index_cast %get3A_1130 : i32 to index
        %get3A_1132 = arith.index_cast %scan3A_1065 : i32 to index
        %get3A_1133 = arith.constant 64 : index
        %get3A_1134 = tpu.vector_load %arg6[%get3A_1131, %get3A_1132, %get3A_1133] {strides = array<i32>} : memref<6x128x128xf32, #tpu.memory_space<vmem>>, vector<1x1x16xf32>,
        %get3A_1135 = vector.shape_cast %get3A_1134 : vector<1x1x16xf32> to vector<16xf32>
        %mul3A_1136 = arith.constant 11.3137083 : f32
        %mul3A_1137 = vector.broadcast %mul3A_1136 : f32 to vector<16xf32>
        %mul3A_1138 = arith.mulf %get3A_1135, %mul3A_1137 : vector<16xf32>
        %swap3A_1139 = arith.constant 4 : i32
        %swap3A_1140 = arith.index_cast %swap3A_1139 : i32 to index
        %swap3A_1141 = arith.index_cast %scan3A_1065 : i32 to index
        %swap3A_1142 = arith.constant 64 : index
        %swap3A_1143 = tpu.vector_load %arg6[%swap3A_1140, %swap3A_1141, %swap3A_1142] {strides = array<i32>} : memref<6x128x128xf32, #tpu.memory_space<vmem>>, vector<1x1x16xf32>,
        %swap3A_1144 = vector.shape_cast %swap3A_1143 : vector<1x1x16xf32> to vector<16xf32>
        %swap3A_1145 = vector.shape_cast %mul3A_1138 : vector<16xf32> to vector<1x1x16xf32>
        tpu.vector_store %arg6[%swap3A_1140, %swap3A_1141, %swap3A_1142], %swap3A_1145 {strides = array<i32>} : memref<6x128x128xf32, #tpu.memory_space<vmem>>, vector<1x1x16xf32>,
        %get3A_1146 = arith.constant 4 : i32
        %get3A_1147 = arith.index_cast %get3A_1146 : i32 to index
        %get3A_1148 = arith.index_cast %scan3A_1065 : i32 to index
        %get3A_1149 = arith.constant 80 : index
        %get3A_1150 = tpu.vector_load %arg6[%get3A_1147, %get3A_1148, %get3A_1149] {strides = array<i32>} : memref<6x128x128xf32, #tpu.memory_space<vmem>>, vector<1x1x16xf32>,
        %get3A_1151 = vector.shape_cast %get3A_1150 : vector<1x1x16xf32> to vector<16xf32>
        %mul3A_1152 = arith.constant 11.3137083 : f32
        %mul3A_1153 = vector.broadcast %mul3A_1152 : f32 to vector<16xf32>
        %mul3A_1154 = arith.mulf %get3A_1151, %mul3A_1153 : vector<16xf32>
        %swap3A_1155 = arith.constant 4 : i32
        %swap3A_1156 = arith.index_cast %swap3A_1155 : i32 to index
        %swap3A_1157 = arith.index_cast %scan3A_1065 : i32 to index
        %swap3A_1158 = arith.constant 80 : index
        %swap3A_1159 = tpu.vector_load %arg6[%swap3A_1156, %swap3A_1157, %swap3A_1158] {strides = array<i32>} : memref<6x128x128xf32, #tpu.memory_space<vmem>>, vector<1x1x16xf32>,
        %swap3A_1160 = vector.shape_cast %swap3A_1159 : vector<1x1x16xf32> to vector<16xf32>
        %swap3A_1161 = vector.shape_cast %mul3A_1154 : vector<16xf32> to vector<1x1x16xf32>
        tpu.vector_store %arg6[%swap3A_1156, %swap3A_1157, %swap3A_1158], %swap3A_1161 {strides = array<i32>} : memref<6x128x128xf32, #tpu.memory_space<vmem>>, vector<1x1x16xf32>,
        %get3A_1162 = arith.constant 4 : i32
        %get3A_1163 = arith.index_cast %get3A_1162 : i32 to index
        %get3A_1164 = arith.index_cast %scan3A_1065 : i32 to index
        %get3A_1165 = arith.constant 96 : index
        %get3A_1166 = tpu.vector_load %arg6[%get3A_1163, %get3A_1164, %get3A_1165] {strides = array<i32>} : memref<6x128x128xf32, #tpu.memory_space<vmem>>, vector<1x1x16xf32>,
        %get3A_1167 = vector.shape_cast %get3A_1166 : vector<1x1x16xf32> to vector<16xf32>
        %mul3A_1168 = arith.constant 11.3137083 : f32
        %mul3A_1169 = vector.broadcast %mul3A_1168 : f32 to vector<16xf32>
        %mul3A_1170 = arith.mulf %get3A_1167, %mul3A_1169 : vector<16xf32>
        %swap3A_1171 = arith.constant 4 : i32
        %swap3A_1172 = arith.index_cast %swap3A_1171 : i32 to index
        %swap3A_1173 = arith.index_cast %scan3A_1065 : i32 to index
        %swap3A_1174 = arith.constant 96 : index
        %swap3A_1175 = tpu.vector_load %arg6[%swap3A_1172, %swap3A_1173, %swap3A_1174] {strides = array<i32>} : memref<6x128x128xf32, #tpu.memory_space<vmem>>, vector<1x1x16xf32>,
        %swap3A_1176 = vector.shape_cast %swap3A_1175 : vector<1x1x16xf32> to vector<16xf32>
        %swap3A_1177 = vector.shape_cast %mul3A_1170 : vector<16xf32> to vector<1x1x16xf32>
        tpu.vector_store %arg6[%swap3A_1172, %swap3A_1173, %swap3A_1174], %swap3A_1177 {strides = array<i32>} : memref<6x128x128xf32, #tpu.memory_space<vmem>>, vector<1x1x16xf32>,
        %get3A_1178 = arith.constant 4 : i32
        %get3A_1179 = arith.index_cast %get3A_1178 : i32 to index
        %get3A_1180 = arith.index_cast %scan3A_1065 : i32 to index
        %get3A_1181 = arith.constant 112 : index
        %get3A_1182 = tpu.vector_load %arg6[%get3A_1179, %get3A_1180, %get3A_1181] {strides = array<i32>} : memref<6x128x128xf32, #tpu.memory_space<vmem>>, vector<1x1x16xf32>,
        %get3A_1183 = vector.shape_cast %get3A_1182 : vector<1x1x16xf32> to vector<16xf32>
        %mul3A_1184 = arith.constant 11.3137083 : f32
        %mul3A_1185 = vector.broadcast %mul3A_1184 : f32 to vector<16xf32>
        %mul3A_1186 = arith.mulf %get3A_1183, %mul3A_1185 : vector<16xf32>
        %swap3A_1187 = arith.constant 4 : i32
        %swap3A_1188 = arith.index_cast %swap3A_1187 : i32 to index
        %swap3A_1189 = arith.index_cast %scan3A_1065 : i32 to index
        %swap3A_1190 = arith.constant 112 : index
        %swap3A_1191 = tpu.vector_load %arg6[%swap3A_1188, %swap3A_1189, %swap3A_1190] {strides = array<i32>} : memref<6x128x128xf32, #tpu.memory_space<vmem>>, vector<1x1x16xf32>,
        %swap3A_1192 = vector.shape_cast %swap3A_1191 : vector<1x1x16xf32> to vector<16xf32>
        %swap3A_1193 = vector.shape_cast %mul3A_1186 : vector<16xf32> to vector<1x1x16xf32>
        tpu.vector_store %arg6[%swap3A_1188, %swap3A_1189, %swap3A_1190], %swap3A_1193 {strides = array<i32>} : memref<6x128x128xf32, #tpu.memory_space<vmem>>, vector<1x1x16xf32>,
      }
      %scan3A_643 = arith.constant 128 : i32
      %dma_start3A_644 = arith.constant 4 : i32
      %dma_start3A_645 = arith.constant 0 : i32
      %dma_start3A_646 = arith.constant 0 : i32
      %dma_start3A_647 = tpu.memref_slice %arg6[%dma_start3A_644, %dma_start3A_645, %dma_start3A_646] : memref<6x128x128xf32, #tpu.memory_space<vmem>> -> memref<1x128x128xf32, #tpu.memory_space<vmem>>
      %dma_start3A_648 = tpu.memref_squeeze %dma_start3A_647 : memref<1x128x128xf32, #tpu.memory_space<vmem>> -> memref<128x128xf32, #tpu.memory_space<vmem>>
      %dma_start3A_649 = arith.constant 0 : i32
      %dma_start3A_650 = arith.constant 0 : i32
      %dma_start3A_651 = tpu.memref_slice %arg4[%add3A, %sub3A_627, %dma_start3A_649, %dma_start3A_650] : memref<32x200x128x128xf32, #tpu.memory_space<hbm>> -> memref<1x1x128x128xf32, #tpu.memory_space<hbm>>
      %dma_start3A_652 = tpu.memref_squeeze %dma_start3A_651 : memref<1x1x128x128xf32, #tpu.memory_space<hbm>> -> memref<128x128xf32, #tpu.memory_space<hbm>>
      %dma_start3A_653 = arith.constant 0 : i32
      %dma_start3A_654 = arith.constant 0 : i32
      %dma_start3A_655 = tpu.memref_slice %arg4[%add3A, %sub3A_627, %dma_start3A_653, %dma_start3A_654] : memref<32x200x128x128xf32, #tpu.memory_space<hbm>> -> memref<1x1x128x128xf32, #tpu.memory_space<hbm>>
      %dma_start3A_656 = tpu.memref_squeeze %dma_start3A_655 : memref<1x1x128x128xf32, #tpu.memory_space<hbm>> -> memref<128x128xf32, #tpu.memory_space<hbm>>
      %dma_start3A_657 = arith.constant 0 : i32
      %dma_start3A_658 = arith.constant 0 : i32
      %dma_start3A_659 = tpu.memref_slice %arg6[%dma_start3A_644, %dma_start3A_657, %dma_start3A_658] : memref<6x128x128xf32, #tpu.memory_space<vmem>> -> memref<1x128x128xf32, #tpu.memory_space<vmem>>
      %dma_start3A_660 = tpu.memref_squeeze %dma_start3A_659 : memref<1x128x128xf32, #tpu.memory_space<vmem>> -> memref<128x128xf32, #tpu.memory_space<vmem>>
      tpu.enqueue_dma source(%dma_start3A_660 : memref<128x128xf32, #tpu.memory_space<vmem>>) target(%dma_start3A_656 : memref<128x128xf32, #tpu.memory_space<hbm>>) target_semaphore(%arg17 : memref<!tpu.dma_semaphore, #tpu.memory_space<semaphore_mem>>)
      %mul3A_661 = arith.constant 6 : i32
      %mul3A_662 = arith.muli %scan3A_523, %mul3A_661 : i32
      %add3A_663 = arith.constant 2 : i32
      %add3A_664 = arith.addi %mul3A_662, %add3A_663 : i32
      %sub3A_665 = arith.constant 6 : i32
      %sub3A_666 = arith.subi %add3A_664, %sub3A_665 : i32
      %dma_wait3A_667 = arith.constant 2 : i32
      %dma_wait3A_668 = arith.constant 0 : i32
      %dma_wait3A_669 = arith.constant 0 : i32
      %dma_wait3A_670 = tpu.memref_slice %arg6[%dma_wait3A_667, %dma_wait3A_668, %dma_wait3A_669] : memref<6x128x128xf32, #tpu.memory_space<vmem>> -> memref<1x128x128xf32, #tpu.memory_space<vmem>>
      %dma_wait3A_671 = tpu.memref_squeeze %dma_wait3A_670 : memref<1x128x128xf32, #tpu.memory_space<vmem>> -> memref<128x128xf32, #tpu.memory_space<vmem>>
      %dma_wait3A_672 = arith.constant 0 : i32
      %dma_wait3A_673 = arith.constant 0 : i32
      %dma_wait3A_674 = tpu.memref_slice %arg4[%add3A, %sub3A_666, %dma_wait3A_672, %dma_wait3A_673] : memref<32x200x128x128xf32, #tpu.memory_space<hbm>> -> memref<1x1x128x128xf32, #tpu.memory_space<hbm>>
      %dma_wait3A_675 = tpu.memref_squeeze %dma_wait3A_674 : memref<1x1x128x128xf32, #tpu.memory_space<hbm>> -> memref<128x128xf32, #tpu.memory_space<hbm>>
      %dma_wait3A_676 = arith.constant 0 : i32
      %dma_wait3A_677 = arith.constant 0 : i32
      %dma_wait3A_678 = tpu.memref_slice %arg4[%add3A, %sub3A_666, %dma_wait3A_676, %dma_wait3A_677] : memref<32x200x128x128xf32, #tpu.memory_space<hbm>> -> memref<1x1x128x128xf32, #tpu.memory_space<hbm>>
      %dma_wait3A_679 = tpu.memref_squeeze %dma_wait3A_678 : memref<1x1x128x128xf32, #tpu.memory_space<hbm>> -> memref<128x128xf32, #tpu.memory_space<hbm>>
      %dma_wait3A_680 = arith.constant 0 : i32
      %dma_wait3A_681 = arith.constant 0 : i32
      %dma_wait3A_682 = tpu.memref_slice %arg6[%dma_wait3A_667, %dma_wait3A_680, %dma_wait3A_681] : memref<6x128x128xf32, #tpu.memory_space<vmem>> -> memref<1x128x128xf32, #tpu.memory_space<vmem>>
      %dma_wait3A_683 = tpu.memref_squeeze %dma_wait3A_682 : memref<1x128x128xf32, #tpu.memory_space<vmem>> -> memref<128x128xf32, #tpu.memory_space<vmem>>
      tpu.wait_dma2 semaphore(%arg15 : memref<!tpu.dma_semaphore, #tpu.memory_space<semaphore_mem>>) src(%dma_wait3A_683 : memref<128x128xf32, #tpu.memory_space<vmem>>) dst(%dma_wait3A_679 : memref<128x128xf32, #tpu.memory_space<hbm>>)
      %dma_start3A_684 = arith.constant 2 : i32
      %dma_start3A_685 = arith.constant 0 : i32
      %dma_start3A_686 = arith.constant 0 : i32
      %dma_start3A_687 = tpu.memref_slice %arg6[%dma_start3A_684, %dma_start3A_685, %dma_start3A_686] : memref<6x128x128xf32, #tpu.memory_space<vmem>> -> memref<1x128x128xf32, #tpu.memory_space<vmem>>
      %dma_start3A_688 = tpu.memref_squeeze %dma_start3A_687 : memref<1x128x128xf32, #tpu.memory_space<vmem>> -> memref<128x128xf32, #tpu.memory_space<vmem>>
      %dma_start3A_689 = arith.constant 0 : i32
      %dma_start3A_690 = tpu.memref_slice %arg5[%add3A_664, %dma_start3A_689] : memref<200x128xi32, #tpu.memory_space<vmem>> -> memref<1x128xi32, #tpu.memory_space<vmem>>
      %dma_start3A_691 = tpu.memref_squeeze %dma_start3A_690 : memref<1x128xi32, #tpu.memory_space<vmem>> -> memref<128xi32, #tpu.memory_space<vmem>>
      %dma_start3A_692 = arith.constant 0 : i32
      %dma_start3A_693 = arith.constant 0 : i32
      %dma_start3A_694 = tpu.memref_slice %arg3[%dma_start3A_692, %dma_start3A_693] : memref<100000x128xf32, #tpu.memory_space<hbm>> -> memref<100000x128xf32, #tpu.memory_space<hbm>>
      tpu.enqueue_indirect_dma source(%dma_start3A_694 : memref<100000x128xf32, #tpu.memory_space<hbm>>) target(%dma_start3A_688 : memref<128x128xf32, #tpu.memory_space<vmem>>) offsets(%dma_start3A_691 : memref<128xi32, #tpu.memory_space<vmem>>) semaphore(%arg9 : memref<!tpu.dma_semaphore, #tpu.memory_space<semaphore_mem>>)
      %sub3A_695 = arith.constant 3 : i32
      %sub3A_696 = arith.subi %add3A_664, %sub3A_695 : i32
      %dma_wait3A_697 = arith.constant 5 : i32
      %dma_wait3A_698 = arith.constant 0 : i32
      %dma_wait3A_699 = arith.constant 0 : i32
      %dma_wait3A_700 = tpu.memref_slice %arg6[%dma_wait3A_697, %dma_wait3A_698, %dma_wait3A_699] : memref<6x128x128xf32, #tpu.memory_space<vmem>> -> memref<1x128x128xf32, #tpu.memory_space<vmem>>
      %dma_wait3A_701 = tpu.memref_squeeze %dma_wait3A_700 : memref<1x128x128xf32, #tpu.memory_space<vmem>> -> memref<128x128xf32, #tpu.memory_space<vmem>>
      %dma_wait3A_702 = arith.constant 0 : i32
      %dma_wait3A_703 = tpu.memref_slice %arg5[%sub3A_696, %dma_wait3A_702] : memref<200x128xi32, #tpu.memory_space<vmem>> -> memref<1x128xi32, #tpu.memory_space<vmem>>
      %dma_wait3A_704 = tpu.memref_squeeze %dma_wait3A_703 : memref<1x128xi32, #tpu.memory_space<vmem>> -> memref<128xi32, #tpu.memory_space<vmem>>
      %dma_wait3A_705 = arith.constant 0 : i32
      %dma_wait3A_706 = arith.constant 0 : i32
      %dma_wait3A_707 = tpu.memref_slice %arg3[%dma_wait3A_705, %dma_wait3A_706] : memref<100000x128xf32, #tpu.memory_space<hbm>> -> memref<100000x128xf32, #tpu.memory_space<hbm>>
      tpu.wait_indirect_dma semaphore(%arg12 : memref<!tpu.dma_semaphore, #tpu.memory_space<semaphore_mem>>) src(%dma_wait3A_707 : memref<100000x128xf32, #tpu.memory_space<hbm>>) dst(%dma_wait3A_701 : memref<128x128xf32, #tpu.memory_space<vmem>>)
      %scan3A_708 = arith.constant 0 : i32
      %scan3A_709 = arith.constant 128 : i32
      %scan3A_710 = arith.addi %scan3A_708, %scan3A_709 : i32
      %scan3A_711 = arith.constant 2 : i32
      scf.for %scan3A_937 = %scan3A_708 to %scan3A_710 step %scan3A_711  : i32 {
        %get3A = arith.constant 5 : i32
        %get3A_938 = arith.index_cast %get3A : i32 to index
        %get3A_939 = arith.index_cast %scan3A_937 : i32 to index
        %get3A_940 = arith.constant 0 : index
        %get3A_941 = tpu.vector_load %arg6[%get3A_938, %get3A_939, %get3A_940] {strides = array<i32>} : memref<6x128x128xf32, #tpu.memory_space<vmem>>, vector<1x1x16xf32>,
        %get3A_942 = vector.shape_cast %get3A_941 : vector<1x1x16xf32> to vector<16xf32>
        %mul3A_943 = arith.constant 11.3137083 : f32
        %mul3A_944 = vector.broadcast %mul3A_943 : f32 to vector<16xf32>
        %mul3A_945 = arith.mulf %get3A_942, %mul3A_944 : vector<16xf32>
        %swap3A = arith.constant 5 : i32
        %swap3A_946 = arith.index_cast %swap3A : i32 to index
        %swap3A_947 = arith.index_cast %scan3A_937 : i32 to index
        %swap3A_948 = arith.constant 0 : index
        %swap3A_949 = tpu.vector_load %arg6[%swap3A_946, %swap3A_947, %swap3A_948] {strides = array<i32>} : memref<6x128x128xf32, #tpu.memory_space<vmem>>, vector<1x1x16xf32>,
        %swap3A_950 = vector.shape_cast %swap3A_949 : vector<1x1x16xf32> to vector<16xf32>
        %swap3A_951 = vector.shape_cast %mul3A_945 : vector<16xf32> to vector<1x1x16xf32>
        tpu.vector_store %arg6[%swap3A_946, %swap3A_947, %swap3A_948], %swap3A_951 {strides = array<i32>} : memref<6x128x128xf32, #tpu.memory_space<vmem>>, vector<1x1x16xf32>,
        %get3A_952 = arith.constant 5 : i32
        %get3A_953 = arith.index_cast %get3A_952 : i32 to index
        %get3A_954 = arith.index_cast %scan3A_937 : i32 to index
        %get3A_955 = arith.constant 16 : index
        %get3A_956 = tpu.vector_load %arg6[%get3A_953, %get3A_954, %get3A_955] {strides = array<i32>} : memref<6x128x128xf32, #tpu.memory_space<vmem>>, vector<1x1x16xf32>,
        %get3A_957 = vector.shape_cast %get3A_956 : vector<1x1x16xf32> to vector<16xf32>
        %mul3A_958 = arith.constant 11.3137083 : f32
        %mul3A_959 = vector.broadcast %mul3A_958 : f32 to vector<16xf32>
        %mul3A_960 = arith.mulf %get3A_957, %mul3A_959 : vector<16xf32>
        %swap3A_961 = arith.constant 5 : i32
        %swap3A_962 = arith.index_cast %swap3A_961 : i32 to index
        %swap3A_963 = arith.index_cast %scan3A_937 : i32 to index
        %swap3A_964 = arith.constant 16 : index
        %swap3A_965 = tpu.vector_load %arg6[%swap3A_962, %swap3A_963, %swap3A_964] {strides = array<i32>} : memref<6x128x128xf32, #tpu.memory_space<vmem>>, vector<1x1x16xf32>,
        %swap3A_966 = vector.shape_cast %swap3A_965 : vector<1x1x16xf32> to vector<16xf32>
        %swap3A_967 = vector.shape_cast %mul3A_960 : vector<16xf32> to vector<1x1x16xf32>
        tpu.vector_store %arg6[%swap3A_962, %swap3A_963, %swap3A_964], %swap3A_967 {strides = array<i32>} : memref<6x128x128xf32, #tpu.memory_space<vmem>>, vector<1x1x16xf32>,
        %get3A_968 = arith.constant 5 : i32
        %get3A_969 = arith.index_cast %get3A_968 : i32 to index
        %get3A_970 = arith.index_cast %scan3A_937 : i32 to index
        %get3A_971 = arith.constant 32 : index
        %get3A_972 = tpu.vector_load %arg6[%get3A_969, %get3A_970, %get3A_971] {strides = array<i32>} : memref<6x128x128xf32, #tpu.memory_space<vmem>>, vector<1x1x16xf32>,
        %get3A_973 = vector.shape_cast %get3A_972 : vector<1x1x16xf32> to vector<16xf32>
        %mul3A_974 = arith.constant 11.3137083 : f32
        %mul3A_975 = vector.broadcast %mul3A_974 : f32 to vector<16xf32>
        %mul3A_976 = arith.mulf %get3A_973, %mul3A_975 : vector<16xf32>
        %swap3A_977 = arith.constant 5 : i32
        %swap3A_978 = arith.index_cast %swap3A_977 : i32 to index
        %swap3A_979 = arith.index_cast %scan3A_937 : i32 to index
        %swap3A_980 = arith.constant 32 : index
        %swap3A_981 = tpu.vector_load %arg6[%swap3A_978, %swap3A_979, %swap3A_980] {strides = array<i32>} : memref<6x128x128xf32, #tpu.memory_space<vmem>>, vector<1x1x16xf32>,
        %swap3A_982 = vector.shape_cast %swap3A_981 : vector<1x1x16xf32> to vector<16xf32>
        %swap3A_983 = vector.shape_cast %mul3A_976 : vector<16xf32> to vector<1x1x16xf32>
        tpu.vector_store %arg6[%swap3A_978, %swap3A_979, %swap3A_980], %swap3A_983 {strides = array<i32>} : memref<6x128x128xf32, #tpu.memory_space<vmem>>, vector<1x1x16xf32>,
        %get3A_984 = arith.constant 5 : i32
        %get3A_985 = arith.index_cast %get3A_984 : i32 to index
        %get3A_986 = arith.index_cast %scan3A_937 : i32 to index
        %get3A_987 = arith.constant 48 : index
        %get3A_988 = tpu.vector_load %arg6[%get3A_985, %get3A_986, %get3A_987] {strides = array<i32>} : memref<6x128x128xf32, #tpu.memory_space<vmem>>, vector<1x1x16xf32>,
        %get3A_989 = vector.shape_cast %get3A_988 : vector<1x1x16xf32> to vector<16xf32>
        %mul3A_990 = arith.constant 11.3137083 : f32
        %mul3A_991 = vector.broadcast %mul3A_990 : f32 to vector<16xf32>
        %mul3A_992 = arith.mulf %get3A_989, %mul3A_991 : vector<16xf32>
        %swap3A_993 = arith.constant 5 : i32
        %swap3A_994 = arith.index_cast %swap3A_993 : i32 to index
        %swap3A_995 = arith.index_cast %scan3A_937 : i32 to index
        %swap3A_996 = arith.constant 48 : index
        %swap3A_997 = tpu.vector_load %arg6[%swap3A_994, %swap3A_995, %swap3A_996] {strides = array<i32>} : memref<6x128x128xf32, #tpu.memory_space<vmem>>, vector<1x1x16xf32>,
        %swap3A_998 = vector.shape_cast %swap3A_997 : vector<1x1x16xf32> to vector<16xf32>
        %swap3A_999 = vector.shape_cast %mul3A_992 : vector<16xf32> to vector<1x1x16xf32>
        tpu.vector_store %arg6[%swap3A_994, %swap3A_995, %swap3A_996], %swap3A_999 {strides = array<i32>} : memref<6x128x128xf32, #tpu.memory_space<vmem>>, vector<1x1x16xf32>,
        %get3A_1000 = arith.constant 5 : i32
        %get3A_1001 = arith.index_cast %get3A_1000 : i32 to index
        %get3A_1002 = arith.index_cast %scan3A_937 : i32 to index
        %get3A_1003 = arith.constant 64 : index
        %get3A_1004 = tpu.vector_load %arg6[%get3A_1001, %get3A_1002, %get3A_1003] {strides = array<i32>} : memref<6x128x128xf32, #tpu.memory_space<vmem>>, vector<1x1x16xf32>,
        %get3A_1005 = vector.shape_cast %get3A_1004 : vector<1x1x16xf32> to vector<16xf32>
        %mul3A_1006 = arith.constant 11.3137083 : f32
        %mul3A_1007 = vector.broadcast %mul3A_1006 : f32 to vector<16xf32>
        %mul3A_1008 = arith.mulf %get3A_1005, %mul3A_1007 : vector<16xf32>
        %swap3A_1009 = arith.constant 5 : i32
        %swap3A_1010 = arith.index_cast %swap3A_1009 : i32 to index
        %swap3A_1011 = arith.index_cast %scan3A_937 : i32 to index
        %swap3A_1012 = arith.constant 64 : index
        %swap3A_1013 = tpu.vector_load %arg6[%swap3A_1010, %swap3A_1011, %swap3A_1012] {strides = array<i32>} : memref<6x128x128xf32, #tpu.memory_space<vmem>>, vector<1x1x16xf32>,
        %swap3A_1014 = vector.shape_cast %swap3A_1013 : vector<1x1x16xf32> to vector<16xf32>
        %swap3A_1015 = vector.shape_cast %mul3A_1008 : vector<16xf32> to vector<1x1x16xf32>
        tpu.vector_store %arg6[%swap3A_1010, %swap3A_1011, %swap3A_1012], %swap3A_1015 {strides = array<i32>} : memref<6x128x128xf32, #tpu.memory_space<vmem>>, vector<1x1x16xf32>,
        %get3A_1016 = arith.constant 5 : i32
        %get3A_1017 = arith.index_cast %get3A_1016 : i32 to index
        %get3A_1018 = arith.index_cast %scan3A_937 : i32 to index
        %get3A_1019 = arith.constant 80 : index
        %get3A_1020 = tpu.vector_load %arg6[%get3A_1017, %get3A_1018, %get3A_1019] {strides = array<i32>} : memref<6x128x128xf32, #tpu.memory_space<vmem>>, vector<1x1x16xf32>,
        %get3A_1021 = vector.shape_cast %get3A_1020 : vector<1x1x16xf32> to vector<16xf32>
        %mul3A_1022 = arith.constant 11.3137083 : f32
        %mul3A_1023 = vector.broadcast %mul3A_1022 : f32 to vector<16xf32>
        %mul3A_1024 = arith.mulf %get3A_1021, %mul3A_1023 : vector<16xf32>
        %swap3A_1025 = arith.constant 5 : i32
        %swap3A_1026 = arith.index_cast %swap3A_1025 : i32 to index
        %swap3A_1027 = arith.index_cast %scan3A_937 : i32 to index
        %swap3A_1028 = arith.constant 80 : index
        %swap3A_1029 = tpu.vector_load %arg6[%swap3A_1026, %swap3A_1027, %swap3A_1028] {strides = array<i32>} : memref<6x128x128xf32, #tpu.memory_space<vmem>>, vector<1x1x16xf32>,
        %swap3A_1030 = vector.shape_cast %swap3A_1029 : vector<1x1x16xf32> to vector<16xf32>
        %swap3A_1031 = vector.shape_cast %mul3A_1024 : vector<16xf32> to vector<1x1x16xf32>
        tpu.vector_store %arg6[%swap3A_1026, %swap3A_1027, %swap3A_1028], %swap3A_1031 {strides = array<i32>} : memref<6x128x128xf32, #tpu.memory_space<vmem>>, vector<1x1x16xf32>,
        %get3A_1032 = arith.constant 5 : i32
        %get3A_1033 = arith.index_cast %get3A_1032 : i32 to index
        %get3A_1034 = arith.index_cast %scan3A_937 : i32 to index
        %get3A_1035 = arith.constant 96 : index
        %get3A_1036 = tpu.vector_load %arg6[%get3A_1033, %get3A_1034, %get3A_1035] {strides = array<i32>} : memref<6x128x128xf32, #tpu.memory_space<vmem>>, vector<1x1x16xf32>,
        %get3A_1037 = vector.shape_cast %get3A_1036 : vector<1x1x16xf32> to vector<16xf32>
        %mul3A_1038 = arith.constant 11.3137083 : f32
        %mul3A_1039 = vector.broadcast %mul3A_1038 : f32 to vector<16xf32>
        %mul3A_1040 = arith.mulf %get3A_1037, %mul3A_1039 : vector<16xf32>
        %swap3A_1041 = arith.constant 5 : i32
        %swap3A_1042 = arith.index_cast %swap3A_1041 : i32 to index
        %swap3A_1043 = arith.index_cast %scan3A_937 : i32 to index
        %swap3A_1044 = arith.constant 96 : index
        %swap3A_1045 = tpu.vector_load %arg6[%swap3A_1042, %swap3A_1043, %swap3A_1044] {strides = array<i32>} : memref<6x128x128xf32, #tpu.memory_space<vmem>>, vector<1x1x16xf32>,
        %swap3A_1046 = vector.shape_cast %swap3A_1045 : vector<1x1x16xf32> to vector<16xf32>
        %swap3A_1047 = vector.shape_cast %mul3A_1040 : vector<16xf32> to vector<1x1x16xf32>
        tpu.vector_store %arg6[%swap3A_1042, %swap3A_1043, %swap3A_1044], %swap3A_1047 {strides = array<i32>} : memref<6x128x128xf32, #tpu.memory_space<vmem>>, vector<1x1x16xf32>,
        %get3A_1048 = arith.constant 5 : i32
        %get3A_1049 = arith.index_cast %get3A_1048 : i32 to index
        %get3A_1050 = arith.index_cast %scan3A_937 : i32 to index
        %get3A_1051 = arith.constant 112 : index
        %get3A_1052 = tpu.vector_load %arg6[%get3A_1049, %get3A_1050, %get3A_1051] {strides = array<i32>} : memref<6x128x128xf32, #tpu.memory_space<vmem>>, vector<1x1x16xf32>,
        %get3A_1053 = vector.shape_cast %get3A_1052 : vector<1x1x16xf32> to vector<16xf32>
        %mul3A_1054 = arith.constant 11.3137083 : f32
        %mul3A_1055 = vector.broadcast %mul3A_1054 : f32 to vector<16xf32>
        %mul3A_1056 = arith.mulf %get3A_1053, %mul3A_1055 : vector<16xf32>
        %swap3A_1057 = arith.constant 5 : i32
        %swap3A_1058 = arith.index_cast %swap3A_1057 : i32 to index
        %swap3A_1059 = arith.index_cast %scan3A_937 : i32 to index
        %swap3A_1060 = arith.constant 112 : index
        %swap3A_1061 = tpu.vector_load %arg6[%swap3A_1058, %swap3A_1059, %swap3A_1060] {strides = array<i32>} : memref<6x128x128xf32, #tpu.memory_space<vmem>>, vector<1x1x16xf32>,
        %swap3A_1062 = vector.shape_cast %swap3A_1061 : vector<1x1x16xf32> to vector<16xf32>
        %swap3A_1063 = vector.shape_cast %mul3A_1056 : vector<16xf32> to vector<1x1x16xf32>
        tpu.vector_store %arg6[%swap3A_1058, %swap3A_1059, %swap3A_1060], %swap3A_1063 {strides = array<i32>} : memref<6x128x128xf32, #tpu.memory_space<vmem>>, vector<1x1x16xf32>,
        %scan3A_1064 = arith.constant 1 : i32
        %scan3A_1065 = arith.addi %scan3A_937, %scan3A_1064 : i32
        %get3A_1066 = arith.constant 5 : i32
        %get3A_1067 = arith.index_cast %get3A_1066 : i32 to index
        %get3A_1068 = arith.index_cast %scan3A_1065 : i32 to index
        %get3A_1069 = arith.constant 0 : index
        %get3A_1070 = tpu.vector_load %arg6[%get3A_1067, %get3A_1068, %get3A_1069] {strides = array<i32>} : memref<6x128x128xf32, #tpu.memory_space<vmem>>, vector<1x1x16xf32>,
        %get3A_1071 = vector.shape_cast %get3A_1070 : vector<1x1x16xf32> to vector<16xf32>
        %mul3A_1072 = arith.constant 11.3137083 : f32
        %mul3A_1073 = vector.broadcast %mul3A_1072 : f32 to vector<16xf32>
        %mul3A_1074 = arith.mulf %get3A_1071, %mul3A_1073 : vector<16xf32>
        %swap3A_1075 = arith.constant 5 : i32
        %swap3A_1076 = arith.index_cast %swap3A_1075 : i32 to index
        %swap3A_1077 = arith.index_cast %scan3A_1065 : i32 to index
        %swap3A_1078 = arith.constant 0 : index
        %swap3A_1079 = tpu.vector_load %arg6[%swap3A_1076, %swap3A_1077, %swap3A_1078] {strides = array<i32>} : memref<6x128x128xf32, #tpu.memory_space<vmem>>, vector<1x1x16xf32>,
        %swap3A_1080 = vector.shape_cast %swap3A_1079 : vector<1x1x16xf32> to vector<16xf32>
        %swap3A_1081 = vector.shape_cast %mul3A_1074 : vector<16xf32> to vector<1x1x16xf32>
        tpu.vector_store %arg6[%swap3A_1076, %swap3A_1077, %swap3A_1078], %swap3A_1081 {strides = array<i32>} : memref<6x128x128xf32, #tpu.memory_space<vmem>>, vector<1x1x16xf32>,
        %get3A_1082 = arith.constant 5 : i32
        %get3A_1083 = arith.index_cast %get3A_1082 : i32 to index
        %get3A_1084 = arith.index_cast %scan3A_1065 : i32 to index
        %get3A_1085 = arith.constant 16 : index
        %get3A_1086 = tpu.vector_load %arg6[%get3A_1083, %get3A_1084, %get3A_1085] {strides = array<i32>} : memref<6x128x128xf32, #tpu.memory_space<vmem>>, vector<1x1x16xf32>,
        %get3A_1087 = vector.shape_cast %get3A_1086 : vector<1x1x16xf32> to vector<16xf32>
        %mul3A_1088 = arith.constant 11.3137083 : f32
        %mul3A_1089 = vector.broadcast %mul3A_1088 : f32 to vector<16xf32>
        %mul3A_1090 = arith.mulf %get3A_1087, %mul3A_1089 : vector<16xf32>
        %swap3A_1091 = arith.constant 5 : i32
        %swap3A_1092 = arith.index_cast %swap3A_1091 : i32 to index
        %swap3A_1093 = arith.index_cast %scan3A_1065 : i32 to index
        %swap3A_1094 = arith.constant 16 : index
        %swap3A_1095 = tpu.vector_load %arg6[%swap3A_1092, %swap3A_1093, %swap3A_1094] {strides = array<i32>} : memref<6x128x128xf32, #tpu.memory_space<vmem>>, vector<1x1x16xf32>,
        %swap3A_1096 = vector.shape_cast %swap3A_1095 : vector<1x1x16xf32> to vector<16xf32>
        %swap3A_1097 = vector.shape_cast %mul3A_1090 : vector<16xf32> to vector<1x1x16xf32>
        tpu.vector_store %arg6[%swap3A_1092, %swap3A_1093, %swap3A_1094], %swap3A_1097 {strides = array<i32>} : memref<6x128x128xf32, #tpu.memory_space<vmem>>, vector<1x1x16xf32>,
        %get3A_1098 = arith.constant 5 : i32
        %get3A_1099 = arith.index_cast %get3A_1098 : i32 to index
        %get3A_1100 = arith.index_cast %scan3A_1065 : i32 to index
        %get3A_1101 = arith.constant 32 : index
        %get3A_1102 = tpu.vector_load %arg6[%get3A_1099, %get3A_1100, %get3A_1101] {strides = array<i32>} : memref<6x128x128xf32, #tpu.memory_space<vmem>>, vector<1x1x16xf32>,
        %get3A_1103 = vector.shape_cast %get3A_1102 : vector<1x1x16xf32> to vector<16xf32>
        %mul3A_1104 = arith.constant 11.3137083 : f32
        %mul3A_1105 = vector.broadcast %mul3A_1104 : f32 to vector<16xf32>
        %mul3A_1106 = arith.mulf %get3A_1103, %mul3A_1105 : vector<16xf32>
        %swap3A_1107 = arith.constant 5 : i32
        %swap3A_1108 = arith.index_cast %swap3A_1107 : i32 to index
        %swap3A_1109 = arith.index_cast %scan3A_1065 : i32 to index
        %swap3A_1110 = arith.constant 32 : index
        %swap3A_1111 = tpu.vector_load %arg6[%swap3A_1108, %swap3A_1109, %swap3A_1110] {strides = array<i32>} : memref<6x128x128xf32, #tpu.memory_space<vmem>>, vector<1x1x16xf32>,
        %swap3A_1112 = vector.shape_cast %swap3A_1111 : vector<1x1x16xf32> to vector<16xf32>
        %swap3A_1113 = vector.shape_cast %mul3A_1106 : vector<16xf32> to vector<1x1x16xf32>
        tpu.vector_store %arg6[%swap3A_1108, %swap3A_1109, %swap3A_1110], %swap3A_1113 {strides = array<i32>} : memref<6x128x128xf32, #tpu.memory_space<vmem>>, vector<1x1x16xf32>,
        %get3A_1114 = arith.constant 5 : i32
        %get3A_1115 = arith.index_cast %get3A_1114 : i32 to index
        %get3A_1116 = arith.index_cast %scan3A_1065 : i32 to index
        %get3A_1117 = arith.constant 48 : index
        %get3A_1118 = tpu.vector_load %arg6[%get3A_1115, %get3A_1116, %get3A_1117] {strides = array<i32>} : memref<6x128x128xf32, #tpu.memory_space<vmem>>, vector<1x1x16xf32>,
        %get3A_1119 = vector.shape_cast %get3A_1118 : vector<1x1x16xf32> to vector<16xf32>
        %mul3A_1120 = arith.constant 11.3137083 : f32
        %mul3A_1121 = vector.broadcast %mul3A_1120 : f32 to vector<16xf32>
        %mul3A_1122 = arith.mulf %get3A_1119, %mul3A_1121 : vector<16xf32>
        %swap3A_1123 = arith.constant 5 : i32
        %swap3A_1124 = arith.index_cast %swap3A_1123 : i32 to index
        %swap3A_1125 = arith.index_cast %scan3A_1065 : i32 to index
        %swap3A_1126 = arith.constant 48 : index
        %swap3A_1127 = tpu.vector_load %arg6[%swap3A_1124, %swap3A_1125, %swap3A_1126] {strides = array<i32>} : memref<6x128x128xf32, #tpu.memory_space<vmem>>, vector<1x1x16xf32>,
        %swap3A_1128 = vector.shape_cast %swap3A_1127 : vector<1x1x16xf32> to vector<16xf32>
        %swap3A_1129 = vector.shape_cast %mul3A_1122 : vector<16xf32> to vector<1x1x16xf32>
        tpu.vector_store %arg6[%swap3A_1124, %swap3A_1125, %swap3A_1126], %swap3A_1129 {strides = array<i32>} : memref<6x128x128xf32, #tpu.memory_space<vmem>>, vector<1x1x16xf32>,
        %get3A_1130 = arith.constant 5 : i32
        %get3A_1131 = arith.index_cast %get3A_1130 : i32 to index
        %get3A_1132 = arith.index_cast %scan3A_1065 : i32 to index
        %get3A_1133 = arith.constant 64 : index
        %get3A_1134 = tpu.vector_load %arg6[%get3A_1131, %get3A_1132, %get3A_1133] {strides = array<i32>} : memref<6x128x128xf32, #tpu.memory_space<vmem>>, vector<1x1x16xf32>,
        %get3A_1135 = vector.shape_cast %get3A_1134 : vector<1x1x16xf32> to vector<16xf32>
        %mul3A_1136 = arith.constant 11.3137083 : f32
        %mul3A_1137 = vector.broadcast %mul3A_1136 : f32 to vector<16xf32>
        %mul3A_1138 = arith.mulf %get3A_1135, %mul3A_1137 : vector<16xf32>
        %swap3A_1139 = arith.constant 5 : i32
        %swap3A_1140 = arith.index_cast %swap3A_1139 : i32 to index
        %swap3A_1141 = arith.index_cast %scan3A_1065 : i32 to index
        %swap3A_1142 = arith.constant 64 : index
        %swap3A_1143 = tpu.vector_load %arg6[%swap3A_1140, %swap3A_1141, %swap3A_1142] {strides = array<i32>} : memref<6x128x128xf32, #tpu.memory_space<vmem>>, vector<1x1x16xf32>,
        %swap3A_1144 = vector.shape_cast %swap3A_1143 : vector<1x1x16xf32> to vector<16xf32>
        %swap3A_1145 = vector.shape_cast %mul3A_1138 : vector<16xf32> to vector<1x1x16xf32>
        tpu.vector_store %arg6[%swap3A_1140, %swap3A_1141, %swap3A_1142], %swap3A_1145 {strides = array<i32>} : memref<6x128x128xf32, #tpu.memory_space<vmem>>, vector<1x1x16xf32>,
        %get3A_1146 = arith.constant 5 : i32
        %get3A_1147 = arith.index_cast %get3A_1146 : i32 to index
        %get3A_1148 = arith.index_cast %scan3A_1065 : i32 to index
        %get3A_1149 = arith.constant 80 : index
        %get3A_1150 = tpu.vector_load %arg6[%get3A_1147, %get3A_1148, %get3A_1149] {strides = array<i32>} : memref<6x128x128xf32, #tpu.memory_space<vmem>>, vector<1x1x16xf32>,
        %get3A_1151 = vector.shape_cast %get3A_1150 : vector<1x1x16xf32> to vector<16xf32>
        %mul3A_1152 = arith.constant 11.3137083 : f32
        %mul3A_1153 = vector.broadcast %mul3A_1152 : f32 to vector<16xf32>
        %mul3A_1154 = arith.mulf %get3A_1151, %mul3A_1153 : vector<16xf32>
        %swap3A_1155 = arith.constant 5 : i32
        %swap3A_1156 = arith.index_cast %swap3A_1155 : i32 to index
        %swap3A_1157 = arith.index_cast %scan3A_1065 : i32 to index
        %swap3A_1158 = arith.constant 80 : index
        %swap3A_1159 = tpu.vector_load %arg6[%swap3A_1156, %swap3A_1157, %swap3A_1158] {strides = array<i32>} : memref<6x128x128xf32, #tpu.memory_space<vmem>>, vector<1x1x16xf32>,
        %swap3A_1160 = vector.shape_cast %swap3A_1159 : vector<1x1x16xf32> to vector<16xf32>
        %swap3A_1161 = vector.shape_cast %mul3A_1154 : vector<16xf32> to vector<1x1x16xf32>
        tpu.vector_store %arg6[%swap3A_1156, %swap3A_1157, %swap3A_1158], %swap3A_1161 {strides = array<i32>} : memref<6x128x128xf32, #tpu.memory_space<vmem>>, vector<1x1x16xf32>,
        %get3A_1162 = arith.constant 5 : i32
        %get3A_1163 = arith.index_cast %get3A_1162 : i32 to index
        %get3A_1164 = arith.index_cast %scan3A_1065 : i32 to index
        %get3A_1165 = arith.constant 96 : index
        %get3A_1166 = tpu.vector_load %arg6[%get3A_1163, %get3A_1164, %get3A_1165] {strides = array<i32>} : memref<6x128x128xf32, #tpu.memory_space<vmem>>, vector<1x1x16xf32>,
        %get3A_1167 = vector.shape_cast %get3A_1166 : vector<1x1x16xf32> to vector<16xf32>
        %mul3A_1168 = arith.constant 11.3137083 : f32
        %mul3A_1169 = vector.broadcast %mul3A_1168 : f32 to vector<16xf32>
        %mul3A_1170 = arith.mulf %get3A_1167, %mul3A_1169 : vector<16xf32>
        %swap3A_1171 = arith.constant 5 : i32
        %swap3A_1172 = arith.index_cast %swap3A_1171 : i32 to index
        %swap3A_1173 = arith.index_cast %scan3A_1065 : i32 to index
        %swap3A_1174 = arith.constant 96 : index
        %swap3A_1175 = tpu.vector_load %arg6[%swap3A_1172, %swap3A_1173, %swap3A_1174] {strides = array<i32>} : memref<6x128x128xf32, #tpu.memory_space<vmem>>, vector<1x1x16xf32>,
        %swap3A_1176 = vector.shape_cast %swap3A_1175 : vector<1x1x16xf32> to vector<16xf32>
        %swap3A_1177 = vector.shape_cast %mul3A_1170 : vector<16xf32> to vector<1x1x16xf32>
        tpu.vector_store %arg6[%swap3A_1172, %swap3A_1173, %swap3A_1174], %swap3A_1177 {strides = array<i32>} : memref<6x128x128xf32, #tpu.memory_space<vmem>>, vector<1x1x16xf32>,
        %get3A_1178 = arith.constant 5 : i32
        %get3A_1179 = arith.index_cast %get3A_1178 : i32 to index
        %get3A_1180 = arith.index_cast %scan3A_1065 : i32 to index
        %get3A_1181 = arith.constant 112 : index
        %get3A_1182 = tpu.vector_load %arg6[%get3A_1179, %get3A_1180, %get3A_1181] {strides = array<i32>} : memref<6x128x128xf32, #tpu.memory_space<vmem>>, vector<1x1x16xf32>,
        %get3A_1183 = vector.shape_cast %get3A_1182 : vector<1x1x16xf32> to vector<16xf32>
        %mul3A_1184 = arith.constant 11.3137083 : f32
        %mul3A_1185 = vector.broadcast %mul3A_1184 : f32 to vector<16xf32>
        %mul3A_1186 = arith.mulf %get3A_1183, %mul3A_1185 : vector<16xf32>
        %swap3A_1187 = arith.constant 5 : i32
        %swap3A_1188 = arith.index_cast %swap3A_1187 : i32 to index
        %swap3A_1189 = arith.index_cast %scan3A_1065 : i32 to index
        %swap3A_1190 = arith.constant 112 : index
        %swap3A_1191 = tpu.vector_load %arg6[%swap3A_1188, %swap3A_1189, %swap3A_1190] {strides = array<i32>} : memref<6x128x128xf32, #tpu.memory_space<vmem>>, vector<1x1x16xf32>,
        %swap3A_1192 = vector.shape_cast %swap3A_1191 : vector<1x1x16xf32> to vector<16xf32>
        %swap3A_1193 = vector.shape_cast %mul3A_1186 : vector<16xf32> to vector<1x1x16xf32>
        tpu.vector_store %arg6[%swap3A_1188, %swap3A_1189, %swap3A_1190], %swap3A_1193 {strides = array<i32>} : memref<6x128x128xf32, #tpu.memory_space<vmem>>, vector<1x1x16xf32>,
      }
      %scan3A_712 = arith.constant 128 : i32
      %dma_start3A_713 = arith.constant 5 : i32
      %dma_start3A_714 = arith.constant 0 : i32
      %dma_start3A_715 = arith.constant 0 : i32
      %dma_start3A_716 = tpu.memref_slice %arg6[%dma_start3A_713, %dma_start3A_714, %dma_start3A_715] : memref<6x128x128xf32, #tpu.memory_space<vmem>> -> memref<1x128x128xf32, #tpu.memory_space<vmem>>
      %dma_start3A_717 = tpu.memref_squeeze %dma_start3A_716 : memref<1x128x128xf32, #tpu.memory_space<vmem>> -> memref<128x128xf32, #tpu.memory_space<vmem>>
      %dma_start3A_718 = arith.constant 0 : i32
      %dma_start3A_719 = arith.constant 0 : i32
      %dma_start3A_720 = tpu.memref_slice %arg4[%add3A, %sub3A_696, %dma_start3A_718, %dma_start3A_719] : memref<32x200x128x128xf32, #tpu.memory_space<hbm>> -> memref<1x1x128x128xf32, #tpu.memory_space<hbm>>
      %dma_start3A_721 = tpu.memref_squeeze %dma_start3A_720 : memref<1x1x128x128xf32, #tpu.memory_space<hbm>> -> memref<128x128xf32, #tpu.memory_space<hbm>>
      %dma_start3A_722 = arith.constant 0 : i32
      %dma_start3A_723 = arith.constant 0 : i32
      %dma_start3A_724 = tpu.memref_slice %arg4[%add3A, %sub3A_696, %dma_start3A_722, %dma_start3A_723] : memref<32x200x128x128xf32, #tpu.memory_space<hbm>> -> memref<1x1x128x128xf32, #tpu.memory_space<hbm>>
      %dma_start3A_725 = tpu.memref_squeeze %dma_start3A_724 : memref<1x1x128x128xf32, #tpu.memory_space<hbm>> -> memref<128x128xf32, #tpu.memory_space<hbm>>
      %dma_start3A_726 = arith.constant 0 : i32
      %dma_start3A_727 = arith.constant 0 : i32
      %dma_start3A_728 = tpu.memref_slice %arg6[%dma_start3A_713, %dma_start3A_726, %dma_start3A_727] : memref<6x128x128xf32, #tpu.memory_space<vmem>> -> memref<1x128x128xf32, #tpu.memory_space<vmem>>
      %dma_start3A_729 = tpu.memref_squeeze %dma_start3A_728 : memref<1x128x128xf32, #tpu.memory_space<vmem>> -> memref<128x128xf32, #tpu.memory_space<vmem>>
      tpu.enqueue_dma source(%dma_start3A_729 : memref<128x128xf32, #tpu.memory_space<vmem>>) target(%dma_start3A_725 : memref<128x128xf32, #tpu.memory_space<hbm>>) target_semaphore(%arg18 : memref<!tpu.dma_semaphore, #tpu.memory_space<semaphore_mem>>)
      %mul3A_730 = arith.constant 6 : i32
      %mul3A_731 = arith.muli %scan3A_523, %mul3A_730 : i32
      %add3A_732 = arith.constant 3 : i32
      %add3A_733 = arith.addi %mul3A_731, %add3A_732 : i32
      %sub3A_734 = arith.constant 6 : i32
      %sub3A_735 = arith.subi %add3A_733, %sub3A_734 : i32
      %dma_wait3A_736 = arith.constant 3 : i32
      %dma_wait3A_737 = arith.constant 0 : i32
      %dma_wait3A_738 = arith.constant 0 : i32
      %dma_wait3A_739 = tpu.memref_slice %arg6[%dma_wait3A_736, %dma_wait3A_737, %dma_wait3A_738] : memref<6x128x128xf32, #tpu.memory_space<vmem>> -> memref<1x128x128xf32, #tpu.memory_space<vmem>>
      %dma_wait3A_740 = tpu.memref_squeeze %dma_wait3A_739 : memref<1x128x128xf32, #tpu.memory_space<vmem>> -> memref<128x128xf32, #tpu.memory_space<vmem>>
      %dma_wait3A_741 = arith.constant 0 : i32
      %dma_wait3A_742 = arith.constant 0 : i32
      %dma_wait3A_743 = tpu.memref_slice %arg4[%add3A, %sub3A_735, %dma_wait3A_741, %dma_wait3A_742] : memref<32x200x128x128xf32, #tpu.memory_space<hbm>> -> memref<1x1x128x128xf32, #tpu.memory_space<hbm>>
      %dma_wait3A_744 = tpu.memref_squeeze %dma_wait3A_743 : memref<1x1x128x128xf32, #tpu.memory_space<hbm>> -> memref<128x128xf32, #tpu.memory_space<hbm>>
      %dma_wait3A_745 = arith.constant 0 : i32
      %dma_wait3A_746 = arith.constant 0 : i32
      %dma_wait3A_747 = tpu.memref_slice %arg4[%add3A, %sub3A_735, %dma_wait3A_745, %dma_wait3A_746] : memref<32x200x128x128xf32, #tpu.memory_space<hbm>> -> memref<1x1x128x128xf32, #tpu.memory_space<hbm>>
      %dma_wait3A_748 = tpu.memref_squeeze %dma_wait3A_747 : memref<1x1x128x128xf32, #tpu.memory_space<hbm>> -> memref<128x128xf32, #tpu.memory_space<hbm>>
      %dma_wait3A_749 = arith.constant 0 : i32
      %dma_wait3A_750 = arith.constant 0 : i32
      %dma_wait3A_751 = tpu.memref_slice %arg6[%dma_wait3A_736, %dma_wait3A_749, %dma_wait3A_750] : memref<6x128x128xf32, #tpu.memory_space<vmem>> -> memref<1x128x128xf32, #tpu.memory_space<vmem>>
      %dma_wait3A_752 = tpu.memref_squeeze %dma_wait3A_751 : memref<1x128x128xf32, #tpu.memory_space<vmem>> -> memref<128x128xf32, #tpu.memory_space<vmem>>
      tpu.wait_dma2 semaphore(%arg16 : memref<!tpu.dma_semaphore, #tpu.memory_space<semaphore_mem>>) src(%dma_wait3A_752 : memref<128x128xf32, #tpu.memory_space<vmem>>) dst(%dma_wait3A_748 : memref<128x128xf32, #tpu.memory_space<hbm>>)
      %dma_start3A_753 = arith.constant 3 : i32
      %dma_start3A_754 = arith.constant 0 : i32
      %dma_start3A_755 = arith.constant 0 : i32
      %dma_start3A_756 = tpu.memref_slice %arg6[%dma_start3A_753, %dma_start3A_754, %dma_start3A_755] : memref<6x128x128xf32, #tpu.memory_space<vmem>> -> memref<1x128x128xf32, #tpu.memory_space<vmem>>
      %dma_start3A_757 = tpu.memref_squeeze %dma_start3A_756 : memref<1x128x128xf32, #tpu.memory_space<vmem>> -> memref<128x128xf32, #tpu.memory_space<vmem>>
      %dma_start3A_758 = arith.constant 0 : i32
      %dma_start3A_759 = tpu.memref_slice %arg5[%add3A_733, %dma_start3A_758] : memref<200x128xi32, #tpu.memory_space<vmem>> -> memref<1x128xi32, #tpu.memory_space<vmem>>
      %dma_start3A_760 = tpu.memref_squeeze %dma_start3A_759 : memref<1x128xi32, #tpu.memory_space<vmem>> -> memref<128xi32, #tpu.memory_space<vmem>>
      %dma_start3A_761 = arith.constant 0 : i32
      %dma_start3A_762 = arith.constant 0 : i32
      %dma_start3A_763 = tpu.memref_slice %arg3[%dma_start3A_761, %dma_start3A_762] : memref<100000x128xf32, #tpu.memory_space<hbm>> -> memref<100000x128xf32, #tpu.memory_space<hbm>>
      tpu.enqueue_indirect_dma source(%dma_start3A_763 : memref<100000x128xf32, #tpu.memory_space<hbm>>) target(%dma_start3A_757 : memref<128x128xf32, #tpu.memory_space<vmem>>) offsets(%dma_start3A_760 : memref<128xi32, #tpu.memory_space<vmem>>) semaphore(%arg10 : memref<!tpu.dma_semaphore, #tpu.memory_space<semaphore_mem>>)
      %sub3A_764 = arith.constant 3 : i32
      %sub3A_765 = arith.subi %add3A_733, %sub3A_764 : i32
      %dma_wait3A_766 = arith.constant 0 : i32
      %dma_wait3A_767 = arith.constant 0 : i32
      %dma_wait3A_768 = arith.constant 0 : i32
      %dma_wait3A_769 = tpu.memref_slice %arg6[%dma_wait3A_766, %dma_wait3A_767, %dma_wait3A_768] : memref<6x128x128xf32, #tpu.memory_space<vmem>> -> memref<1x128x128xf32, #tpu.memory_space<vmem>>
      %dma_wait3A_770 = tpu.memref_squeeze %dma_wait3A_769 : memref<1x128x128xf32, #tpu.memory_space<vmem>> -> memref<128x128xf32, #tpu.memory_space<vmem>>
      %dma_wait3A_771 = arith.constant 0 : i32
      %dma_wait3A_772 = tpu.memref_slice %arg5[%sub3A_765, %dma_wait3A_771] : memref<200x128xi32, #tpu.memory_space<vmem>> -> memref<1x128xi32, #tpu.memory_space<vmem>>
      %dma_wait3A_773 = tpu.memref_squeeze %dma_wait3A_772 : memref<1x128xi32, #tpu.memory_space<vmem>> -> memref<128xi32, #tpu.memory_space<vmem>>
      %dma_wait3A_774 = arith.constant 0 : i32
      %dma_wait3A_775 = arith.constant 0 : i32
      %dma_wait3A_776 = tpu.memref_slice %arg3[%dma_wait3A_774, %dma_wait3A_775] : memref<100000x128xf32, #tpu.memory_space<hbm>> -> memref<100000x128xf32, #tpu.memory_space<hbm>>
      tpu.wait_indirect_dma semaphore(%arg7 : memref<!tpu.dma_semaphore, #tpu.memory_space<semaphore_mem>>) src(%dma_wait3A_776 : memref<100000x128xf32, #tpu.memory_space<hbm>>) dst(%dma_wait3A_770 : memref<128x128xf32, #tpu.memory_space<vmem>>)
      %scan3A_777 = arith.constant 0 : i32
      %scan3A_778 = arith.constant 128 : i32
      %scan3A_779 = arith.addi %scan3A_777, %scan3A_778 : i32
      %scan3A_780 = arith.constant 2 : i32
      scf.for %scan3A_937 = %scan3A_777 to %scan3A_779 step %scan3A_780  : i32 {
        %get3A = arith.constant 0 : i32
        %get3A_938 = arith.index_cast %get3A : i32 to index
        %get3A_939 = arith.index_cast %scan3A_937 : i32 to index
        %get3A_940 = arith.constant 0 : index
        %get3A_941 = tpu.vector_load %arg6[%get3A_938, %get3A_939, %get3A_940] {strides = array<i32>} : memref<6x128x128xf32, #tpu.memory_space<vmem>>, vector<1x1x16xf32>,
        %get3A_942 = vector.shape_cast %get3A_941 : vector<1x1x16xf32> to vector<16xf32>
        %mul3A_943 = arith.constant 11.3137083 : f32
        %mul3A_944 = vector.broadcast %mul3A_943 : f32 to vector<16xf32>
        %mul3A_945 = arith.mulf %get3A_942, %mul3A_944 : vector<16xf32>
        %swap3A = arith.constant 0 : i32
        %swap3A_946 = arith.index_cast %swap3A : i32 to index
        %swap3A_947 = arith.index_cast %scan3A_937 : i32 to index
        %swap3A_948 = arith.constant 0 : index
        %swap3A_949 = tpu.vector_load %arg6[%swap3A_946, %swap3A_947, %swap3A_948] {strides = array<i32>} : memref<6x128x128xf32, #tpu.memory_space<vmem>>, vector<1x1x16xf32>,
        %swap3A_950 = vector.shape_cast %swap3A_949 : vector<1x1x16xf32> to vector<16xf32>
        %swap3A_951 = vector.shape_cast %mul3A_945 : vector<16xf32> to vector<1x1x16xf32>
        tpu.vector_store %arg6[%swap3A_946, %swap3A_947, %swap3A_948], %swap3A_951 {strides = array<i32>} : memref<6x128x128xf32, #tpu.memory_space<vmem>>, vector<1x1x16xf32>,
        %get3A_952 = arith.constant 0 : i32
        %get3A_953 = arith.index_cast %get3A_952 : i32 to index
        %get3A_954 = arith.index_cast %scan3A_937 : i32 to index
        %get3A_955 = arith.constant 16 : index
        %get3A_956 = tpu.vector_load %arg6[%get3A_953, %get3A_954, %get3A_955] {strides = array<i32>} : memref<6x128x128xf32, #tpu.memory_space<vmem>>, vector<1x1x16xf32>,
        %get3A_957 = vector.shape_cast %get3A_956 : vector<1x1x16xf32> to vector<16xf32>
        %mul3A_958 = arith.constant 11.3137083 : f32
        %mul3A_959 = vector.broadcast %mul3A_958 : f32 to vector<16xf32>
        %mul3A_960 = arith.mulf %get3A_957, %mul3A_959 : vector<16xf32>
        %swap3A_961 = arith.constant 0 : i32
        %swap3A_962 = arith.index_cast %swap3A_961 : i32 to index
        %swap3A_963 = arith.index_cast %scan3A_937 : i32 to index
        %swap3A_964 = arith.constant 16 : index
        %swap3A_965 = tpu.vector_load %arg6[%swap3A_962, %swap3A_963, %swap3A_964] {strides = array<i32>} : memref<6x128x128xf32, #tpu.memory_space<vmem>>, vector<1x1x16xf32>,
        %swap3A_966 = vector.shape_cast %swap3A_965 : vector<1x1x16xf32> to vector<16xf32>
        %swap3A_967 = vector.shape_cast %mul3A_960 : vector<16xf32> to vector<1x1x16xf32>
        tpu.vector_store %arg6[%swap3A_962, %swap3A_963, %swap3A_964], %swap3A_967 {strides = array<i32>} : memref<6x128x128xf32, #tpu.memory_space<vmem>>, vector<1x1x16xf32>,
        %get3A_968 = arith.constant 0 : i32
        %get3A_969 = arith.index_cast %get3A_968 : i32 to index
        %get3A_970 = arith.index_cast %scan3A_937 : i32 to index
        %get3A_971 = arith.constant 32 : index
        %get3A_972 = tpu.vector_load %arg6[%get3A_969, %get3A_970, %get3A_971] {strides = array<i32>} : memref<6x128x128xf32, #tpu.memory_space<vmem>>, vector<1x1x16xf32>,
        %get3A_973 = vector.shape_cast %get3A_972 : vector<1x1x16xf32> to vector<16xf32>
        %mul3A_974 = arith.constant 11.3137083 : f32
        %mul3A_975 = vector.broadcast %mul3A_974 : f32 to vector<16xf32>
        %mul3A_976 = arith.mulf %get3A_973, %mul3A_975 : vector<16xf32>
        %swap3A_977 = arith.constant 0 : i32
        %swap3A_978 = arith.index_cast %swap3A_977 : i32 to index
        %swap3A_979 = arith.index_cast %scan3A_937 : i32 to index
        %swap3A_980 = arith.constant 32 : index
        %swap3A_981 = tpu.vector_load %arg6[%swap3A_978, %swap3A_979, %swap3A_980] {strides = array<i32>} : memref<6x128x128xf32, #tpu.memory_space<vmem>>, vector<1x1x16xf32>,
        %swap3A_982 = vector.shape_cast %swap3A_981 : vector<1x1x16xf32> to vector<16xf32>
        %swap3A_983 = vector.shape_cast %mul3A_976 : vector<16xf32> to vector<1x1x16xf32>
        tpu.vector_store %arg6[%swap3A_978, %swap3A_979, %swap3A_980], %swap3A_983 {strides = array<i32>} : memref<6x128x128xf32, #tpu.memory_space<vmem>>, vector<1x1x16xf32>,
        %get3A_984 = arith.constant 0 : i32
        %get3A_985 = arith.index_cast %get3A_984 : i32 to index
        %get3A_986 = arith.index_cast %scan3A_937 : i32 to index
        %get3A_987 = arith.constant 48 : index
        %get3A_988 = tpu.vector_load %arg6[%get3A_985, %get3A_986, %get3A_987] {strides = array<i32>} : memref<6x128x128xf32, #tpu.memory_space<vmem>>, vector<1x1x16xf32>,
        %get3A_989 = vector.shape_cast %get3A_988 : vector<1x1x16xf32> to vector<16xf32>
        %mul3A_990 = arith.constant 11.3137083 : f32
        %mul3A_991 = vector.broadcast %mul3A_990 : f32 to vector<16xf32>
        %mul3A_992 = arith.mulf %get3A_989, %mul3A_991 : vector<16xf32>
        %swap3A_993 = arith.constant 0 : i32
        %swap3A_994 = arith.index_cast %swap3A_993 : i32 to index
        %swap3A_995 = arith.index_cast %scan3A_937 : i32 to index
        %swap3A_996 = arith.constant 48 : index
        %swap3A_997 = tpu.vector_load %arg6[%swap3A_994, %swap3A_995, %swap3A_996] {strides = array<i32>} : memref<6x128x128xf32, #tpu.memory_space<vmem>>, vector<1x1x16xf32>,
        %swap3A_998 = vector.shape_cast %swap3A_997 : vector<1x1x16xf32> to vector<16xf32>
        %swap3A_999 = vector.shape_cast %mul3A_992 : vector<16xf32> to vector<1x1x16xf32>
        tpu.vector_store %arg6[%swap3A_994, %swap3A_995, %swap3A_996], %swap3A_999 {strides = array<i32>} : memref<6x128x128xf32, #tpu.memory_space<vmem>>, vector<1x1x16xf32>,
        %get3A_1000 = arith.constant 0 : i32
        %get3A_1001 = arith.index_cast %get3A_1000 : i32 to index
        %get3A_1002 = arith.index_cast %scan3A_937 : i32 to index
        %get3A_1003 = arith.constant 64 : index
        %get3A_1004 = tpu.vector_load %arg6[%get3A_1001, %get3A_1002, %get3A_1003] {strides = array<i32>} : memref<6x128x128xf32, #tpu.memory_space<vmem>>, vector<1x1x16xf32>,
        %get3A_1005 = vector.shape_cast %get3A_1004 : vector<1x1x16xf32> to vector<16xf32>
        %mul3A_1006 = arith.constant 11.3137083 : f32
        %mul3A_1007 = vector.broadcast %mul3A_1006 : f32 to vector<16xf32>
        %mul3A_1008 = arith.mulf %get3A_1005, %mul3A_1007 : vector<16xf32>
        %swap3A_1009 = arith.constant 0 : i32
        %swap3A_1010 = arith.index_cast %swap3A_1009 : i32 to index
        %swap3A_1011 = arith.index_cast %scan3A_937 : i32 to index
        %swap3A_1012 = arith.constant 64 : index
        %swap3A_1013 = tpu.vector_load %arg6[%swap3A_1010, %swap3A_1011, %swap3A_1012] {strides = array<i32>} : memref<6x128x128xf32, #tpu.memory_space<vmem>>, vector<1x1x16xf32>,
        %swap3A_1014 = vector.shape_cast %swap3A_1013 : vector<1x1x16xf32> to vector<16xf32>
        %swap3A_1015 = vector.shape_cast %mul3A_1008 : vector<16xf32> to vector<1x1x16xf32>
        tpu.vector_store %arg6[%swap3A_1010, %swap3A_1011, %swap3A_1012], %swap3A_1015 {strides = array<i32>} : memref<6x128x128xf32, #tpu.memory_space<vmem>>, vector<1x1x16xf32>,
        %get3A_1016 = arith.constant 0 : i32
        %get3A_1017 = arith.index_cast %get3A_1016 : i32 to index
        %get3A_1018 = arith.index_cast %scan3A_937 : i32 to index
        %get3A_1019 = arith.constant 80 : index
        %get3A_1020 = tpu.vector_load %arg6[%get3A_1017, %get3A_1018, %get3A_1019] {strides = array<i32>} : memref<6x128x128xf32, #tpu.memory_space<vmem>>, vector<1x1x16xf32>,
        %get3A_1021 = vector.shape_cast %get3A_1020 : vector<1x1x16xf32> to vector<16xf32>
        %mul3A_1022 = arith.constant 11.3137083 : f32
        %mul3A_1023 = vector.broadcast %mul3A_1022 : f32 to vector<16xf32>
        %mul3A_1024 = arith.mulf %get3A_1021, %mul3A_1023 : vector<16xf32>
        %swap3A_1025 = arith.constant 0 : i32
        %swap3A_1026 = arith.index_cast %swap3A_1025 : i32 to index
        %swap3A_1027 = arith.index_cast %scan3A_937 : i32 to index
        %swap3A_1028 = arith.constant 80 : index
        %swap3A_1029 = tpu.vector_load %arg6[%swap3A_1026, %swap3A_1027, %swap3A_1028] {strides = array<i32>} : memref<6x128x128xf32, #tpu.memory_space<vmem>>, vector<1x1x16xf32>,
        %swap3A_1030 = vector.shape_cast %swap3A_1029 : vector<1x1x16xf32> to vector<16xf32>
        %swap3A_1031 = vector.shape_cast %mul3A_1024 : vector<16xf32> to vector<1x1x16xf32>
        tpu.vector_store %arg6[%swap3A_1026, %swap3A_1027, %swap3A_1028], %swap3A_1031 {strides = array<i32>} : memref<6x128x128xf32, #tpu.memory_space<vmem>>, vector<1x1x16xf32>,
        %get3A_1032 = arith.constant 0 : i32
        %get3A_1033 = arith.index_cast %get3A_1032 : i32 to index
        %get3A_1034 = arith.index_cast %scan3A_937 : i32 to index
        %get3A_1035 = arith.constant 96 : index
        %get3A_1036 = tpu.vector_load %arg6[%get3A_1033, %get3A_1034, %get3A_1035] {strides = array<i32>} : memref<6x128x128xf32, #tpu.memory_space<vmem>>, vector<1x1x16xf32>,
        %get3A_1037 = vector.shape_cast %get3A_1036 : vector<1x1x16xf32> to vector<16xf32>
        %mul3A_1038 = arith.constant 11.3137083 : f32
        %mul3A_1039 = vector.broadcast %mul3A_1038 : f32 to vector<16xf32>
        %mul3A_1040 = arith.mulf %get3A_1037, %mul3A_1039 : vector<16xf32>
        %swap3A_1041 = arith.constant 0 : i32
        %swap3A_1042 = arith.index_cast %swap3A_1041 : i32 to index
        %swap3A_1043 = arith.index_cast %scan3A_937 : i32 to index
        %swap3A_1044 = arith.constant 96 : index
        %swap3A_1045 = tpu.vector_load %arg6[%swap3A_1042, %swap3A_1043, %swap3A_1044] {strides = array<i32>} : memref<6x128x128xf32, #tpu.memory_space<vmem>>, vector<1x1x16xf32>,
        %swap3A_1046 = vector.shape_cast %swap3A_1045 : vector<1x1x16xf32> to vector<16xf32>
        %swap3A_1047 = vector.shape_cast %mul3A_1040 : vector<16xf32> to vector<1x1x16xf32>
        tpu.vector_store %arg6[%swap3A_1042, %swap3A_1043, %swap3A_1044], %swap3A_1047 {strides = array<i32>} : memref<6x128x128xf32, #tpu.memory_space<vmem>>, vector<1x1x16xf32>,
        %get3A_1048 = arith.constant 0 : i32
        %get3A_1049 = arith.index_cast %get3A_1048 : i32 to index
        %get3A_1050 = arith.index_cast %scan3A_937 : i32 to index
        %get3A_1051 = arith.constant 112 : index
        %get3A_1052 = tpu.vector_load %arg6[%get3A_1049, %get3A_1050, %get3A_1051] {strides = array<i32>} : memref<6x128x128xf32, #tpu.memory_space<vmem>>, vector<1x1x16xf32>,
        %get3A_1053 = vector.shape_cast %get3A_1052 : vector<1x1x16xf32> to vector<16xf32>
        %mul3A_1054 = arith.constant 11.3137083 : f32
        %mul3A_1055 = vector.broadcast %mul3A_1054 : f32 to vector<16xf32>
        %mul3A_1056 = arith.mulf %get3A_1053, %mul3A_1055 : vector<16xf32>
        %swap3A_1057 = arith.constant 0 : i32
        %swap3A_1058 = arith.index_cast %swap3A_1057 : i32 to index
        %swap3A_1059 = arith.index_cast %scan3A_937 : i32 to index
        %swap3A_1060 = arith.constant 112 : index
        %swap3A_1061 = tpu.vector_load %arg6[%swap3A_1058, %swap3A_1059, %swap3A_1060] {strides = array<i32>} : memref<6x128x128xf32, #tpu.memory_space<vmem>>, vector<1x1x16xf32>,
        %swap3A_1062 = vector.shape_cast %swap3A_1061 : vector<1x1x16xf32> to vector<16xf32>
        %swap3A_1063 = vector.shape_cast %mul3A_1056 : vector<16xf32> to vector<1x1x16xf32>
        tpu.vector_store %arg6[%swap3A_1058, %swap3A_1059, %swap3A_1060], %swap3A_1063 {strides = array<i32>} : memref<6x128x128xf32, #tpu.memory_space<vmem>>, vector<1x1x16xf32>,
        %scan3A_1064 = arith.constant 1 : i32
        %scan3A_1065 = arith.addi %scan3A_937, %scan3A_1064 : i32
        %get3A_1066 = arith.constant 0 : i32
        %get3A_1067 = arith.index_cast %get3A_1066 : i32 to index
        %get3A_1068 = arith.index_cast %scan3A_1065 : i32 to index
        %get3A_1069 = arith.constant 0 : index
        %get3A_1070 = tpu.vector_load %arg6[%get3A_1067, %get3A_1068, %get3A_1069] {strides = array<i32>} : memref<6x128x128xf32, #tpu.memory_space<vmem>>, vector<1x1x16xf32>,
        %get3A_1071 = vector.shape_cast %get3A_1070 : vector<1x1x16xf32> to vector<16xf32>
        %mul3A_1072 = arith.constant 11.3137083 : f32
        %mul3A_1073 = vector.broadcast %mul3A_1072 : f32 to vector<16xf32>
        %mul3A_1074 = arith.mulf %get3A_1071, %mul3A_1073 : vector<16xf32>
        %swap3A_1075 = arith.constant 0 : i32
        %swap3A_1076 = arith.index_cast %swap3A_1075 : i32 to index
        %swap3A_1077 = arith.index_cast %scan3A_1065 : i32 to index
        %swap3A_1078 = arith.constant 0 : index
        %swap3A_1079 = tpu.vector_load %arg6[%swap3A_1076, %swap3A_1077, %swap3A_1078] {strides = array<i32>} : memref<6x128x128xf32, #tpu.memory_space<vmem>>, vector<1x1x16xf32>,
        %swap3A_1080 = vector.shape_cast %swap3A_1079 : vector<1x1x16xf32> to vector<16xf32>
        %swap3A_1081 = vector.shape_cast %mul3A_1074 : vector<16xf32> to vector<1x1x16xf32>
        tpu.vector_store %arg6[%swap3A_1076, %swap3A_1077, %swap3A_1078], %swap3A_1081 {strides = array<i32>} : memref<6x128x128xf32, #tpu.memory_space<vmem>>, vector<1x1x16xf32>,
        %get3A_1082 = arith.constant 0 : i32
        %get3A_1083 = arith.index_cast %get3A_1082 : i32 to index
        %get3A_1084 = arith.index_cast %scan3A_1065 : i32 to index
        %get3A_1085 = arith.constant 16 : index
        %get3A_1086 = tpu.vector_load %arg6[%get3A_1083, %get3A_1084, %get3A_1085] {strides = array<i32>} : memref<6x128x128xf32, #tpu.memory_space<vmem>>, vector<1x1x16xf32>,
        %get3A_1087 = vector.shape_cast %get3A_1086 : vector<1x1x16xf32> to vector<16xf32>
        %mul3A_1088 = arith.constant 11.3137083 : f32
        %mul3A_1089 = vector.broadcast %mul3A_1088 : f32 to vector<16xf32>
        %mul3A_1090 = arith.mulf %get3A_1087, %mul3A_1089 : vector<16xf32>
        %swap3A_1091 = arith.constant 0 : i32
        %swap3A_1092 = arith.index_cast %swap3A_1091 : i32 to index
        %swap3A_1093 = arith.index_cast %scan3A_1065 : i32 to index
        %swap3A_1094 = arith.constant 16 : index
        %swap3A_1095 = tpu.vector_load %arg6[%swap3A_1092, %swap3A_1093, %swap3A_1094] {strides = array<i32>} : memref<6x128x128xf32, #tpu.memory_space<vmem>>, vector<1x1x16xf32>,
        %swap3A_1096 = vector.shape_cast %swap3A_1095 : vector<1x1x16xf32> to vector<16xf32>
        %swap3A_1097 = vector.shape_cast %mul3A_1090 : vector<16xf32> to vector<1x1x16xf32>
        tpu.vector_store %arg6[%swap3A_1092, %swap3A_1093, %swap3A_1094], %swap3A_1097 {strides = array<i32>} : memref<6x128x128xf32, #tpu.memory_space<vmem>>, vector<1x1x16xf32>,
        %get3A_1098 = arith.constant 0 : i32
        %get3A_1099 = arith.index_cast %get3A_1098 : i32 to index
        %get3A_1100 = arith.index_cast %scan3A_1065 : i32 to index
        %get3A_1101 = arith.constant 32 : index
        %get3A_1102 = tpu.vector_load %arg6[%get3A_1099, %get3A_1100, %get3A_1101] {strides = array<i32>} : memref<6x128x128xf32, #tpu.memory_space<vmem>>, vector<1x1x16xf32>,
        %get3A_1103 = vector.shape_cast %get3A_1102 : vector<1x1x16xf32> to vector<16xf32>
        %mul3A_1104 = arith.constant 11.3137083 : f32
        %mul3A_1105 = vector.broadcast %mul3A_1104 : f32 to vector<16xf32>
        %mul3A_1106 = arith.mulf %get3A_1103, %mul3A_1105 : vector<16xf32>
        %swap3A_1107 = arith.constant 0 : i32
        %swap3A_1108 = arith.index_cast %swap3A_1107 : i32 to index
        %swap3A_1109 = arith.index_cast %scan3A_1065 : i32 to index
        %swap3A_1110 = arith.constant 32 : index
        %swap3A_1111 = tpu.vector_load %arg6[%swap3A_1108, %swap3A_1109, %swap3A_1110] {strides = array<i32>} : memref<6x128x128xf32, #tpu.memory_space<vmem>>, vector<1x1x16xf32>,
        %swap3A_1112 = vector.shape_cast %swap3A_1111 : vector<1x1x16xf32> to vector<16xf32>
        %swap3A_1113 = vector.shape_cast %mul3A_1106 : vector<16xf32> to vector<1x1x16xf32>
        tpu.vector_store %arg6[%swap3A_1108, %swap3A_1109, %swap3A_1110], %swap3A_1113 {strides = array<i32>} : memref<6x128x128xf32, #tpu.memory_space<vmem>>, vector<1x1x16xf32>,
        %get3A_1114 = arith.constant 0 : i32
        %get3A_1115 = arith.index_cast %get3A_1114 : i32 to index
        %get3A_1116 = arith.index_cast %scan3A_1065 : i32 to index
        %get3A_1117 = arith.constant 48 : index
        %get3A_1118 = tpu.vector_load %arg6[%get3A_1115, %get3A_1116, %get3A_1117] {strides = array<i32>} : memref<6x128x128xf32, #tpu.memory_space<vmem>>, vector<1x1x16xf32>,
        %get3A_1119 = vector.shape_cast %get3A_1118 : vector<1x1x16xf32> to vector<16xf32>
        %mul3A_1120 = arith.constant 11.3137083 : f32
        %mul3A_1121 = vector.broadcast %mul3A_1120 : f32 to vector<16xf32>
        %mul3A_1122 = arith.mulf %get3A_1119, %mul3A_1121 : vector<16xf32>
        %swap3A_1123 = arith.constant 0 : i32
        %swap3A_1124 = arith.index_cast %swap3A_1123 : i32 to index
        %swap3A_1125 = arith.index_cast %scan3A_1065 : i32 to index
        %swap3A_1126 = arith.constant 48 : index
        %swap3A_1127 = tpu.vector_load %arg6[%swap3A_1124, %swap3A_1125, %swap3A_1126] {strides = array<i32>} : memref<6x128x128xf32, #tpu.memory_space<vmem>>, vector<1x1x16xf32>,
        %swap3A_1128 = vector.shape_cast %swap3A_1127 : vector<1x1x16xf32> to vector<16xf32>
        %swap3A_1129 = vector.shape_cast %mul3A_1122 : vector<16xf32> to vector<1x1x16xf32>
        tpu.vector_store %arg6[%swap3A_1124, %swap3A_1125, %swap3A_1126], %swap3A_1129 {strides = array<i32>} : memref<6x128x128xf32, #tpu.memory_space<vmem>>, vector<1x1x16xf32>,
        %get3A_1130 = arith.constant 0 : i32
        %get3A_1131 = arith.index_cast %get3A_1130 : i32 to index
        %get3A_1132 = arith.index_cast %scan3A_1065 : i32 to index
        %get3A_1133 = arith.constant 64 : index
        %get3A_1134 = tpu.vector_load %arg6[%get3A_1131, %get3A_1132, %get3A_1133] {strides = array<i32>} : memref<6x128x128xf32, #tpu.memory_space<vmem>>, vector<1x1x16xf32>,
        %get3A_1135 = vector.shape_cast %get3A_1134 : vector<1x1x16xf32> to vector<16xf32>
        %mul3A_1136 = arith.constant 11.3137083 : f32
        %mul3A_1137 = vector.broadcast %mul3A_1136 : f32 to vector<16xf32>
        %mul3A_1138 = arith.mulf %get3A_1135, %mul3A_1137 : vector<16xf32>
        %swap3A_1139 = arith.constant 0 : i32
        %swap3A_1140 = arith.index_cast %swap3A_1139 : i32 to index
        %swap3A_1141 = arith.index_cast %scan3A_1065 : i32 to index
        %swap3A_1142 = arith.constant 64 : index
        %swap3A_1143 = tpu.vector_load %arg6[%swap3A_1140, %swap3A_1141, %swap3A_1142] {strides = array<i32>} : memref<6x128x128xf32, #tpu.memory_space<vmem>>, vector<1x1x16xf32>,
        %swap3A_1144 = vector.shape_cast %swap3A_1143 : vector<1x1x16xf32> to vector<16xf32>
        %swap3A_1145 = vector.shape_cast %mul3A_1138 : vector<16xf32> to vector<1x1x16xf32>
        tpu.vector_store %arg6[%swap3A_1140, %swap3A_1141, %swap3A_1142], %swap3A_1145 {strides = array<i32>} : memref<6x128x128xf32, #tpu.memory_space<vmem>>, vector<1x1x16xf32>,
        %get3A_1146 = arith.constant 0 : i32
        %get3A_1147 = arith.index_cast %get3A_1146 : i32 to index
        %get3A_1148 = arith.index_cast %scan3A_1065 : i32 to index
        %get3A_1149 = arith.constant 80 : index
        %get3A_1150 = tpu.vector_load %arg6[%get3A_1147, %get3A_1148, %get3A_1149] {strides = array<i32>} : memref<6x128x128xf32, #tpu.memory_space<vmem>>, vector<1x1x16xf32>,
        %get3A_1151 = vector.shape_cast %get3A_1150 : vector<1x1x16xf32> to vector<16xf32>
        %mul3A_1152 = arith.constant 11.3137083 : f32
        %mul3A_1153 = vector.broadcast %mul3A_1152 : f32 to vector<16xf32>
        %mul3A_1154 = arith.mulf %get3A_1151, %mul3A_1153 : vector<16xf32>
        %swap3A_1155 = arith.constant 0 : i32
        %swap3A_1156 = arith.index_cast %swap3A_1155 : i32 to index
        %swap3A_1157 = arith.index_cast %scan3A_1065 : i32 to index
        %swap3A_1158 = arith.constant 80 : index
        %swap3A_1159 = tpu.vector_load %arg6[%swap3A_1156, %swap3A_1157, %swap3A_1158] {strides = array<i32>} : memref<6x128x128xf32, #tpu.memory_space<vmem>>, vector<1x1x16xf32>,
        %swap3A_1160 = vector.shape_cast %swap3A_1159 : vector<1x1x16xf32> to vector<16xf32>
        %swap3A_1161 = vector.shape_cast %mul3A_1154 : vector<16xf32> to vector<1x1x16xf32>
        tpu.vector_store %arg6[%swap3A_1156, %swap3A_1157, %swap3A_1158], %swap3A_1161 {strides = array<i32>} : memref<6x128x128xf32, #tpu.memory_space<vmem>>, vector<1x1x16xf32>,
        %get3A_1162 = arith.constant 0 : i32
        %get3A_1163 = arith.index_cast %get3A_1162 : i32 to index
        %get3A_1164 = arith.index_cast %scan3A_1065 : i32 to index
        %get3A_1165 = arith.constant 96 : index
        %get3A_1166 = tpu.vector_load %arg6[%get3A_1163, %get3A_1164, %get3A_1165] {strides = array<i32>} : memref<6x128x128xf32, #tpu.memory_space<vmem>>, vector<1x1x16xf32>,
        %get3A_1167 = vector.shape_cast %get3A_1166 : vector<1x1x16xf32> to vector<16xf32>
        %mul3A_1168 = arith.constant 11.3137083 : f32
        %mul3A_1169 = vector.broadcast %mul3A_1168 : f32 to vector<16xf32>
        %mul3A_1170 = arith.mulf %get3A_1167, %mul3A_1169 : vector<16xf32>
        %swap3A_1171 = arith.constant 0 : i32
        %swap3A_1172 = arith.index_cast %swap3A_1171 : i32 to index
        %swap3A_1173 = arith.index_cast %scan3A_1065 : i32 to index
        %swap3A_1174 = arith.constant 96 : index
        %swap3A_1175 = tpu.vector_load %arg6[%swap3A_1172, %swap3A_1173, %swap3A_1174] {strides = array<i32>} : memref<6x128x128xf32, #tpu.memory_space<vmem>>, vector<1x1x16xf32>,
        %swap3A_1176 = vector.shape_cast %swap3A_1175 : vector<1x1x16xf32> to vector<16xf32>
        %swap3A_1177 = vector.shape_cast %mul3A_1170 : vector<16xf32> to vector<1x1x16xf32>
        tpu.vector_store %arg6[%swap3A_1172, %swap3A_1173, %swap3A_1174], %swap3A_1177 {strides = array<i32>} : memref<6x128x128xf32, #tpu.memory_space<vmem>>, vector<1x1x16xf32>,
        %get3A_1178 = arith.constant 0 : i32
        %get3A_1179 = arith.index_cast %get3A_1178 : i32 to index
        %get3A_1180 = arith.index_cast %scan3A_1065 : i32 to index
        %get3A_1181 = arith.constant 112 : index
        %get3A_1182 = tpu.vector_load %arg6[%get3A_1179, %get3A_1180, %get3A_1181] {strides = array<i32>} : memref<6x128x128xf32, #tpu.memory_space<vmem>>, vector<1x1x16xf32>,
        %get3A_1183 = vector.shape_cast %get3A_1182 : vector<1x1x16xf32> to vector<16xf32>
        %mul3A_1184 = arith.constant 11.3137083 : f32
        %mul3A_1185 = vector.broadcast %mul3A_1184 : f32 to vector<16xf32>
        %mul3A_1186 = arith.mulf %get3A_1183, %mul3A_1185 : vector<16xf32>
        %swap3A_1187 = arith.constant 0 : i32
        %swap3A_1188 = arith.index_cast %swap3A_1187 : i32 to index
        %swap3A_1189 = arith.index_cast %scan3A_1065 : i32 to index
        %swap3A_1190 = arith.constant 112 : index
        %swap3A_1191 = tpu.vector_load %arg6[%swap3A_1188, %swap3A_1189, %swap3A_1190] {strides = array<i32>} : memref<6x128x128xf32, #tpu.memory_space<vmem>>, vector<1x1x16xf32>,
        %swap3A_1192 = vector.shape_cast %swap3A_1191 : vector<1x1x16xf32> to vector<16xf32>
        %swap3A_1193 = vector.shape_cast %mul3A_1186 : vector<16xf32> to vector<1x1x16xf32>
        tpu.vector_store %arg6[%swap3A_1188, %swap3A_1189, %swap3A_1190], %swap3A_1193 {strides = array<i32>} : memref<6x128x128xf32, #tpu.memory_space<vmem>>, vector<1x1x16xf32>,
      }
      %scan3A_781 = arith.constant 128 : i32
      %dma_start3A_782 = arith.constant 0 : i32
      %dma_start3A_783 = arith.constant 0 : i32
      %dma_start3A_784 = arith.constant 0 : i32
      %dma_start3A_785 = tpu.memref_slice %arg6[%dma_start3A_782, %dma_start3A_783, %dma_start3A_784] : memref<6x128x128xf32, #tpu.memory_space<vmem>> -> memref<1x128x128xf32, #tpu.memory_space<vmem>>
      %dma_start3A_786 = tpu.memref_squeeze %dma_start3A_785 : memref<1x128x128xf32, #tpu.memory_space<vmem>> -> memref<128x128xf32, #tpu.memory_space<vmem>>
      %dma_start3A_787 = arith.constant 0 : i32
      %dma_start3A_788 = arith.constant 0 : i32
      %dma_start3A_789 = tpu.memref_slice %arg4[%add3A, %sub3A_765, %dma_start3A_787, %dma_start3A_788] : memref<32x200x128x128xf32, #tpu.memory_space<hbm>> -> memref<1x1x128x128xf32, #tpu.memory_space<hbm>>
      %dma_start3A_790 = tpu.memref_squeeze %dma_start3A_789 : memref<1x1x128x128xf32, #tpu.memory_space<hbm>> -> memref<128x128xf32, #tpu.memory_space<hbm>>
      %dma_start3A_791 = arith.constant 0 : i32
      %dma_start3A_792 = arith.constant 0 : i32
      %dma_start3A_793 = tpu.memref_slice %arg4[%add3A, %sub3A_765, %dma_start3A_791, %dma_start3A_792] : memref<32x200x128x128xf32, #tpu.memory_space<hbm>> -> memref<1x1x128x128xf32, #tpu.memory_space<hbm>>
      %dma_start3A_794 = tpu.memref_squeeze %dma_start3A_793 : memref<1x1x128x128xf32, #tpu.memory_space<hbm>> -> memref<128x128xf32, #tpu.memory_space<hbm>>
      %dma_start3A_795 = arith.constant 0 : i32
      %dma_start3A_796 = arith.constant 0 : i32
      %dma_start3A_797 = tpu.memref_slice %arg6[%dma_start3A_782, %dma_start3A_795, %dma_start3A_796] : memref<6x128x128xf32, #tpu.memory_space<vmem>> -> memref<1x128x128xf32, #tpu.memory_space<vmem>>
      %dma_start3A_798 = tpu.memref_squeeze %dma_start3A_797 : memref<1x128x128xf32, #tpu.memory_space<vmem>> -> memref<128x128xf32, #tpu.memory_space<vmem>>
      tpu.enqueue_dma source(%dma_start3A_798 : memref<128x128xf32, #tpu.memory_space<vmem>>) target(%dma_start3A_794 : memref<128x128xf32, #tpu.memory_space<hbm>>) target_semaphore(%arg13 : memref<!tpu.dma_semaphore, #tpu.memory_space<semaphore_mem>>)
      %mul3A_799 = arith.constant 6 : i32
      %mul3A_800 = arith.muli %scan3A_523, %mul3A_799 : i32
      %add3A_801 = arith.constant 4 : i32
      %add3A_802 = arith.addi %mul3A_800, %add3A_801 : i32
      %sub3A_803 = arith.constant 6 : i32
      %sub3A_804 = arith.subi %add3A_802, %sub3A_803 : i32
      %dma_wait3A_805 = arith.constant 4 : i32
      %dma_wait3A_806 = arith.constant 0 : i32
      %dma_wait3A_807 = arith.constant 0 : i32
      %dma_wait3A_808 = tpu.memref_slice %arg6[%dma_wait3A_805, %dma_wait3A_806, %dma_wait3A_807] : memref<6x128x128xf32, #tpu.memory_space<vmem>> -> memref<1x128x128xf32, #tpu.memory_space<vmem>>
      %dma_wait3A_809 = tpu.memref_squeeze %dma_wait3A_808 : memref<1x128x128xf32, #tpu.memory_space<vmem>> -> memref<128x128xf32, #tpu.memory_space<vmem>>
      %dma_wait3A_810 = arith.constant 0 : i32
      %dma_wait3A_811 = arith.constant 0 : i32
      %dma_wait3A_812 = tpu.memref_slice %arg4[%add3A, %sub3A_804, %dma_wait3A_810, %dma_wait3A_811] : memref<32x200x128x128xf32, #tpu.memory_space<hbm>> -> memref<1x1x128x128xf32, #tpu.memory_space<hbm>>
      %dma_wait3A_813 = tpu.memref_squeeze %dma_wait3A_812 : memref<1x1x128x128xf32, #tpu.memory_space<hbm>> -> memref<128x128xf32, #tpu.memory_space<hbm>>
      %dma_wait3A_814 = arith.constant 0 : i32
      %dma_wait3A_815 = arith.constant 0 : i32
      %dma_wait3A_816 = tpu.memref_slice %arg4[%add3A, %sub3A_804, %dma_wait3A_814, %dma_wait3A_815] : memref<32x200x128x128xf32, #tpu.memory_space<hbm>> -> memref<1x1x128x128xf32, #tpu.memory_space<hbm>>
      %dma_wait3A_817 = tpu.memref_squeeze %dma_wait3A_816 : memref<1x1x128x128xf32, #tpu.memory_space<hbm>> -> memref<128x128xf32, #tpu.memory_space<hbm>>
      %dma_wait3A_818 = arith.constant 0 : i32
      %dma_wait3A_819 = arith.constant 0 : i32
      %dma_wait3A_820 = tpu.memref_slice %arg6[%dma_wait3A_805, %dma_wait3A_818, %dma_wait3A_819] : memref<6x128x128xf32, #tpu.memory_space<vmem>> -> memref<1x128x128xf32, #tpu.memory_space<vmem>>
      %dma_wait3A_821 = tpu.memref_squeeze %dma_wait3A_820 : memref<1x128x128xf32, #tpu.memory_space<vmem>> -> memref<128x128xf32, #tpu.memory_space<vmem>>
      tpu.wait_dma2 semaphore(%arg17 : memref<!tpu.dma_semaphore, #tpu.memory_space<semaphore_mem>>) src(%dma_wait3A_821 : memref<128x128xf32, #tpu.memory_space<vmem>>) dst(%dma_wait3A_817 : memref<128x128xf32, #tpu.memory_space<hbm>>)
      %dma_start3A_822 = arith.constant 4 : i32
      %dma_start3A_823 = arith.constant 0 : i32
      %dma_start3A_824 = arith.constant 0 : i32
      %dma_start3A_825 = tpu.memref_slice %arg6[%dma_start3A_822, %dma_start3A_823, %dma_start3A_824] : memref<6x128x128xf32, #tpu.memory_space<vmem>> -> memref<1x128x128xf32, #tpu.memory_space<vmem>>
      %dma_start3A_826 = tpu.memref_squeeze %dma_start3A_825 : memref<1x128x128xf32, #tpu.memory_space<vmem>> -> memref<128x128xf32, #tpu.memory_space<vmem>>
      %dma_start3A_827 = arith.constant 0 : i32
      %dma_start3A_828 = tpu.memref_slice %arg5[%add3A_802, %dma_start3A_827] : memref<200x128xi32, #tpu.memory_space<vmem>> -> memref<1x128xi32, #tpu.memory_space<vmem>>
      %dma_start3A_829 = tpu.memref_squeeze %dma_start3A_828 : memref<1x128xi32, #tpu.memory_space<vmem>> -> memref<128xi32, #tpu.memory_space<vmem>>
      %dma_start3A_830 = arith.constant 0 : i32
      %dma_start3A_831 = arith.constant 0 : i32
      %dma_start3A_832 = tpu.memref_slice %arg3[%dma_start3A_830, %dma_start3A_831] : memref<100000x128xf32, #tpu.memory_space<hbm>> -> memref<100000x128xf32, #tpu.memory_space<hbm>>
      tpu.enqueue_indirect_dma source(%dma_start3A_832 : memref<100000x128xf32, #tpu.memory_space<hbm>>) target(%dma_start3A_826 : memref<128x128xf32, #tpu.memory_space<vmem>>) offsets(%dma_start3A_829 : memref<128xi32, #tpu.memory_space<vmem>>) semaphore(%arg11 : memref<!tpu.dma_semaphore, #tpu.memory_space<semaphore_mem>>)
      %sub3A_833 = arith.constant 3 : i32
      %sub3A_834 = arith.subi %add3A_802, %sub3A_833 : i32
      %dma_wait3A_835 = arith.constant 1 : i32
      %dma_wait3A_836 = arith.constant 0 : i32
      %dma_wait3A_837 = arith.constant 0 : i32
      %dma_wait3A_838 = tpu.memref_slice %arg6[%dma_wait3A_835, %dma_wait3A_836, %dma_wait3A_837] : memref<6x128x128xf32, #tpu.memory_space<vmem>> -> memref<1x128x128xf32, #tpu.memory_space<vmem>>
      %dma_wait3A_839 = tpu.memref_squeeze %dma_wait3A_838 : memref<1x128x128xf32, #tpu.memory_space<vmem>> -> memref<128x128xf32, #tpu.memory_space<vmem>>
      %dma_wait3A_840 = arith.constant 0 : i32
      %dma_wait3A_841 = tpu.memref_slice %arg5[%sub3A_834, %dma_wait3A_840] : memref<200x128xi32, #tpu.memory_space<vmem>> -> memref<1x128xi32, #tpu.memory_space<vmem>>
      %dma_wait3A_842 = tpu.memref_squeeze %dma_wait3A_841 : memref<1x128xi32, #tpu.memory_space<vmem>> -> memref<128xi32, #tpu.memory_space<vmem>>
      %dma_wait3A_843 = arith.constant 0 : i32
      %dma_wait3A_844 = arith.constant 0 : i32
      %dma_wait3A_845 = tpu.memref_slice %arg3[%dma_wait3A_843, %dma_wait3A_844] : memref<100000x128xf32, #tpu.memory_space<hbm>> -> memref<100000x128xf32, #tpu.memory_space<hbm>>
      tpu.wait_indirect_dma semaphore(%arg8 : memref<!tpu.dma_semaphore, #tpu.memory_space<semaphore_mem>>) src(%dma_wait3A_845 : memref<100000x128xf32, #tpu.memory_space<hbm>>) dst(%dma_wait3A_839 : memref<128x128xf32, #tpu.memory_space<vmem>>)
      %scan3A_846 = arith.constant 0 : i32
      %scan3A_847 = arith.constant 128 : i32
      %scan3A_848 = arith.addi %scan3A_846, %scan3A_847 : i32
      %scan3A_849 = arith.constant 2 : i32
      scf.for %scan3A_937 = %scan3A_846 to %scan3A_848 step %scan3A_849  : i32 {
        %get3A = arith.constant 1 : i32
        %get3A_938 = arith.index_cast %get3A : i32 to index
        %get3A_939 = arith.index_cast %scan3A_937 : i32 to index
        %get3A_940 = arith.constant 0 : index
        %get3A_941 = tpu.vector_load %arg6[%get3A_938, %get3A_939, %get3A_940] {strides = array<i32>} : memref<6x128x128xf32, #tpu.memory_space<vmem>>, vector<1x1x16xf32>,
        %get3A_942 = vector.shape_cast %get3A_941 : vector<1x1x16xf32> to vector<16xf32>
        %mul3A_943 = arith.constant 11.3137083 : f32
        %mul3A_944 = vector.broadcast %mul3A_943 : f32 to vector<16xf32>
        %mul3A_945 = arith.mulf %get3A_942, %mul3A_944 : vector<16xf32>
        %swap3A = arith.constant 1 : i32
        %swap3A_946 = arith.index_cast %swap3A : i32 to index
        %swap3A_947 = arith.index_cast %scan3A_937 : i32 to index
        %swap3A_948 = arith.constant 0 : index
        %swap3A_949 = tpu.vector_load %arg6[%swap3A_946, %swap3A_947, %swap3A_948] {strides = array<i32>} : memref<6x128x128xf32, #tpu.memory_space<vmem>>, vector<1x1x16xf32>,
        %swap3A_950 = vector.shape_cast %swap3A_949 : vector<1x1x16xf32> to vector<16xf32>
        %swap3A_951 = vector.shape_cast %mul3A_945 : vector<16xf32> to vector<1x1x16xf32>
        tpu.vector_store %arg6[%swap3A_946, %swap3A_947, %swap3A_948], %swap3A_951 {strides = array<i32>} : memref<6x128x128xf32, #tpu.memory_space<vmem>>, vector<1x1x16xf32>,
        %get3A_952 = arith.constant 1 : i32
        %get3A_953 = arith.index_cast %get3A_952 : i32 to index
        %get3A_954 = arith.index_cast %scan3A_937 : i32 to index
        %get3A_955 = arith.constant 16 : index
        %get3A_956 = tpu.vector_load %arg6[%get3A_953, %get3A_954, %get3A_955] {strides = array<i32>} : memref<6x128x128xf32, #tpu.memory_space<vmem>>, vector<1x1x16xf32>,
        %get3A_957 = vector.shape_cast %get3A_956 : vector<1x1x16xf32> to vector<16xf32>
        %mul3A_958 = arith.constant 11.3137083 : f32
        %mul3A_959 = vector.broadcast %mul3A_958 : f32 to vector<16xf32>
        %mul3A_960 = arith.mulf %get3A_957, %mul3A_959 : vector<16xf32>
        %swap3A_961 = arith.constant 1 : i32
        %swap3A_962 = arith.index_cast %swap3A_961 : i32 to index
        %swap3A_963 = arith.index_cast %scan3A_937 : i32 to index
        %swap3A_964 = arith.constant 16 : index
        %swap3A_965 = tpu.vector_load %arg6[%swap3A_962, %swap3A_963, %swap3A_964] {strides = array<i32>} : memref<6x128x128xf32, #tpu.memory_space<vmem>>, vector<1x1x16xf32>,
        %swap3A_966 = vector.shape_cast %swap3A_965 : vector<1x1x16xf32> to vector<16xf32>
        %swap3A_967 = vector.shape_cast %mul3A_960 : vector<16xf32> to vector<1x1x16xf32>
        tpu.vector_store %arg6[%swap3A_962, %swap3A_963, %swap3A_964], %swap3A_967 {strides = array<i32>} : memref<6x128x128xf32, #tpu.memory_space<vmem>>, vector<1x1x16xf32>,
        %get3A_968 = arith.constant 1 : i32
        %get3A_969 = arith.index_cast %get3A_968 : i32 to index
        %get3A_970 = arith.index_cast %scan3A_937 : i32 to index
        %get3A_971 = arith.constant 32 : index
        %get3A_972 = tpu.vector_load %arg6[%get3A_969, %get3A_970, %get3A_971] {strides = array<i32>} : memref<6x128x128xf32, #tpu.memory_space<vmem>>, vector<1x1x16xf32>,
        %get3A_973 = vector.shape_cast %get3A_972 : vector<1x1x16xf32> to vector<16xf32>
        %mul3A_974 = arith.constant 11.3137083 : f32
        %mul3A_975 = vector.broadcast %mul3A_974 : f32 to vector<16xf32>
        %mul3A_976 = arith.mulf %get3A_973, %mul3A_975 : vector<16xf32>
        %swap3A_977 = arith.constant 1 : i32
        %swap3A_978 = arith.index_cast %swap3A_977 : i32 to index
        %swap3A_979 = arith.index_cast %scan3A_937 : i32 to index
        %swap3A_980 = arith.constant 32 : index
        %swap3A_981 = tpu.vector_load %arg6[%swap3A_978, %swap3A_979, %swap3A_980] {strides = array<i32>} : memref<6x128x128xf32, #tpu.memory_space<vmem>>, vector<1x1x16xf32>,
        %swap3A_982 = vector.shape_cast %swap3A_981 : vector<1x1x16xf32> to vector<16xf32>
        %swap3A_983 = vector.shape_cast %mul3A_976 : vector<16xf32> to vector<1x1x16xf32>
        tpu.vector_store %arg6[%swap3A_978, %swap3A_979, %swap3A_980], %swap3A_983 {strides = array<i32>} : memref<6x128x128xf32, #tpu.memory_space<vmem>>, vector<1x1x16xf32>,
        %get3A_984 = arith.constant 1 : i32
        %get3A_985 = arith.index_cast %get3A_984 : i32 to index
        %get3A_986 = arith.index_cast %scan3A_937 : i32 to index
        %get3A_987 = arith.constant 48 : index
        %get3A_988 = tpu.vector_load %arg6[%get3A_985, %get3A_986, %get3A_987] {strides = array<i32>} : memref<6x128x128xf32, #tpu.memory_space<vmem>>, vector<1x1x16xf32>,
        %get3A_989 = vector.shape_cast %get3A_988 : vector<1x1x16xf32> to vector<16xf32>
        %mul3A_990 = arith.constant 11.3137083 : f32
        %mul3A_991 = vector.broadcast %mul3A_990 : f32 to vector<16xf32>
        %mul3A_992 = arith.mulf %get3A_989, %mul3A_991 : vector<16xf32>
        %swap3A_993 = arith.constant 1 : i32
        %swap3A_994 = arith.index_cast %swap3A_993 : i32 to index
        %swap3A_995 = arith.index_cast %scan3A_937 : i32 to index
        %swap3A_996 = arith.constant 48 : index
        %swap3A_997 = tpu.vector_load %arg6[%swap3A_994, %swap3A_995, %swap3A_996] {strides = array<i32>} : memref<6x128x128xf32, #tpu.memory_space<vmem>>, vector<1x1x16xf32>,
        %swap3A_998 = vector.shape_cast %swap3A_997 : vector<1x1x16xf32> to vector<16xf32>
        %swap3A_999 = vector.shape_cast %mul3A_992 : vector<16xf32> to vector<1x1x16xf32>
        tpu.vector_store %arg6[%swap3A_994, %swap3A_995, %swap3A_996], %swap3A_999 {strides = array<i32>} : memref<6x128x128xf32, #tpu.memory_space<vmem>>, vector<1x1x16xf32>,
        %get3A_1000 = arith.constant 1 : i32
        %get3A_1001 = arith.index_cast %get3A_1000 : i32 to index
        %get3A_1002 = arith.index_cast %scan3A_937 : i32 to index
        %get3A_1003 = arith.constant 64 : index
        %get3A_1004 = tpu.vector_load %arg6[%get3A_1001, %get3A_1002, %get3A_1003] {strides = array<i32>} : memref<6x128x128xf32, #tpu.memory_space<vmem>>, vector<1x1x16xf32>,
        %get3A_1005 = vector.shape_cast %get3A_1004 : vector<1x1x16xf32> to vector<16xf32>
        %mul3A_1006 = arith.constant 11.3137083 : f32
        %mul3A_1007 = vector.broadcast %mul3A_1006 : f32 to vector<16xf32>
        %mul3A_1008 = arith.mulf %get3A_1005, %mul3A_1007 : vector<16xf32>
        %swap3A_1009 = arith.constant 1 : i32
        %swap3A_1010 = arith.index_cast %swap3A_1009 : i32 to index
        %swap3A_1011 = arith.index_cast %scan3A_937 : i32 to index
        %swap3A_1012 = arith.constant 64 : index
        %swap3A_1013 = tpu.vector_load %arg6[%swap3A_1010, %swap3A_1011, %swap3A_1012] {strides = array<i32>} : memref<6x128x128xf32, #tpu.memory_space<vmem>>, vector<1x1x16xf32>,
        %swap3A_1014 = vector.shape_cast %swap3A_1013 : vector<1x1x16xf32> to vector<16xf32>
        %swap3A_1015 = vector.shape_cast %mul3A_1008 : vector<16xf32> to vector<1x1x16xf32>
        tpu.vector_store %arg6[%swap3A_1010, %swap3A_1011, %swap3A_1012], %swap3A_1015 {strides = array<i32>} : memref<6x128x128xf32, #tpu.memory_space<vmem>>, vector<1x1x16xf32>,
        %get3A_1016 = arith.constant 1 : i32
        %get3A_1017 = arith.index_cast %get3A_1016 : i32 to index
        %get3A_1018 = arith.index_cast %scan3A_937 : i32 to index
        %get3A_1019 = arith.constant 80 : index
        %get3A_1020 = tpu.vector_load %arg6[%get3A_1017, %get3A_1018, %get3A_1019] {strides = array<i32>} : memref<6x128x128xf32, #tpu.memory_space<vmem>>, vector<1x1x16xf32>,
        %get3A_1021 = vector.shape_cast %get3A_1020 : vector<1x1x16xf32> to vector<16xf32>
        %mul3A_1022 = arith.constant 11.3137083 : f32
        %mul3A_1023 = vector.broadcast %mul3A_1022 : f32 to vector<16xf32>
        %mul3A_1024 = arith.mulf %get3A_1021, %mul3A_1023 : vector<16xf32>
        %swap3A_1025 = arith.constant 1 : i32
        %swap3A_1026 = arith.index_cast %swap3A_1025 : i32 to index
        %swap3A_1027 = arith.index_cast %scan3A_937 : i32 to index
        %swap3A_1028 = arith.constant 80 : index
        %swap3A_1029 = tpu.vector_load %arg6[%swap3A_1026, %swap3A_1027, %swap3A_1028] {strides = array<i32>} : memref<6x128x128xf32, #tpu.memory_space<vmem>>, vector<1x1x16xf32>,
        %swap3A_1030 = vector.shape_cast %swap3A_1029 : vector<1x1x16xf32> to vector<16xf32>
        %swap3A_1031 = vector.shape_cast %mul3A_1024 : vector<16xf32> to vector<1x1x16xf32>
        tpu.vector_store %arg6[%swap3A_1026, %swap3A_1027, %swap3A_1028], %swap3A_1031 {strides = array<i32>} : memref<6x128x128xf32, #tpu.memory_space<vmem>>, vector<1x1x16xf32>,
        %get3A_1032 = arith.constant 1 : i32
        %get3A_1033 = arith.index_cast %get3A_1032 : i32 to index
        %get3A_1034 = arith.index_cast %scan3A_937 : i32 to index
        %get3A_1035 = arith.constant 96 : index
        %get3A_1036 = tpu.vector_load %arg6[%get3A_1033, %get3A_1034, %get3A_1035] {strides = array<i32>} : memref<6x128x128xf32, #tpu.memory_space<vmem>>, vector<1x1x16xf32>,
        %get3A_1037 = vector.shape_cast %get3A_1036 : vector<1x1x16xf32> to vector<16xf32>
        %mul3A_1038 = arith.constant 11.3137083 : f32
        %mul3A_1039 = vector.broadcast %mul3A_1038 : f32 to vector<16xf32>
        %mul3A_1040 = arith.mulf %get3A_1037, %mul3A_1039 : vector<16xf32>
        %swap3A_1041 = arith.constant 1 : i32
        %swap3A_1042 = arith.index_cast %swap3A_1041 : i32 to index
        %swap3A_1043 = arith.index_cast %scan3A_937 : i32 to index
        %swap3A_1044 = arith.constant 96 : index
        %swap3A_1045 = tpu.vector_load %arg6[%swap3A_1042, %swap3A_1043, %swap3A_1044] {strides = array<i32>} : memref<6x128x128xf32, #tpu.memory_space<vmem>>, vector<1x1x16xf32>,
        %swap3A_1046 = vector.shape_cast %swap3A_1045 : vector<1x1x16xf32> to vector<16xf32>
        %swap3A_1047 = vector.shape_cast %mul3A_1040 : vector<16xf32> to vector<1x1x16xf32>
        tpu.vector_store %arg6[%swap3A_1042, %swap3A_1043, %swap3A_1044], %swap3A_1047 {strides = array<i32>} : memref<6x128x128xf32, #tpu.memory_space<vmem>>, vector<1x1x16xf32>,
        %get3A_1048 = arith.constant 1 : i32
        %get3A_1049 = arith.index_cast %get3A_1048 : i32 to index
        %get3A_1050 = arith.index_cast %scan3A_937 : i32 to index
        %get3A_1051 = arith.constant 112 : index
        %get3A_1052 = tpu.vector_load %arg6[%get3A_1049, %get3A_1050, %get3A_1051] {strides = array<i32>} : memref<6x128x128xf32, #tpu.memory_space<vmem>>, vector<1x1x16xf32>,
        %get3A_1053 = vector.shape_cast %get3A_1052 : vector<1x1x16xf32> to vector<16xf32>
        %mul3A_1054 = arith.constant 11.3137083 : f32
        %mul3A_1055 = vector.broadcast %mul3A_1054 : f32 to vector<16xf32>
        %mul3A_1056 = arith.mulf %get3A_1053, %mul3A_1055 : vector<16xf32>
        %swap3A_1057 = arith.constant 1 : i32
        %swap3A_1058 = arith.index_cast %swap3A_1057 : i32 to index
        %swap3A_1059 = arith.index_cast %scan3A_937 : i32 to index
        %swap3A_1060 = arith.constant 112 : index
        %swap3A_1061 = tpu.vector_load %arg6[%swap3A_1058, %swap3A_1059, %swap3A_1060] {strides = array<i32>} : memref<6x128x128xf32, #tpu.memory_space<vmem>>, vector<1x1x16xf32>,
        %swap3A_1062 = vector.shape_cast %swap3A_1061 : vector<1x1x16xf32> to vector<16xf32>
        %swap3A_1063 = vector.shape_cast %mul3A_1056 : vector<16xf32> to vector<1x1x16xf32>
        tpu.vector_store %arg6[%swap3A_1058, %swap3A_1059, %swap3A_1060], %swap3A_1063 {strides = array<i32>} : memref<6x128x128xf32, #tpu.memory_space<vmem>>, vector<1x1x16xf32>,
        %scan3A_1064 = arith.constant 1 : i32
        %scan3A_1065 = arith.addi %scan3A_937, %scan3A_1064 : i32
        %get3A_1066 = arith.constant 1 : i32
        %get3A_1067 = arith.index_cast %get3A_1066 : i32 to index
        %get3A_1068 = arith.index_cast %scan3A_1065 : i32 to index
        %get3A_1069 = arith.constant 0 : index
        %get3A_1070 = tpu.vector_load %arg6[%get3A_1067, %get3A_1068, %get3A_1069] {strides = array<i32>} : memref<6x128x128xf32, #tpu.memory_space<vmem>>, vector<1x1x16xf32>,
        %get3A_1071 = vector.shape_cast %get3A_1070 : vector<1x1x16xf32> to vector<16xf32>
        %mul3A_1072 = arith.constant 11.3137083 : f32
        %mul3A_1073 = vector.broadcast %mul3A_1072 : f32 to vector<16xf32>
        %mul3A_1074 = arith.mulf %get3A_1071, %mul3A_1073 : vector<16xf32>
        %swap3A_1075 = arith.constant 1 : i32
        %swap3A_1076 = arith.index_cast %swap3A_1075 : i32 to index
        %swap3A_1077 = arith.index_cast %scan3A_1065 : i32 to index
        %swap3A_1078 = arith.constant 0 : index
        %swap3A_1079 = tpu.vector_load %arg6[%swap3A_1076, %swap3A_1077, %swap3A_1078] {strides = array<i32>} : memref<6x128x128xf32, #tpu.memory_space<vmem>>, vector<1x1x16xf32>,
        %swap3A_1080 = vector.shape_cast %swap3A_1079 : vector<1x1x16xf32> to vector<16xf32>
        %swap3A_1081 = vector.shape_cast %mul3A_1074 : vector<16xf32> to vector<1x1x16xf32>
        tpu.vector_store %arg6[%swap3A_1076, %swap3A_1077, %swap3A_1078], %swap3A_1081 {strides = array<i32>} : memref<6x128x128xf32, #tpu.memory_space<vmem>>, vector<1x1x16xf32>,
        %get3A_1082 = arith.constant 1 : i32
        %get3A_1083 = arith.index_cast %get3A_1082 : i32 to index
        %get3A_1084 = arith.index_cast %scan3A_1065 : i32 to index
        %get3A_1085 = arith.constant 16 : index
        %get3A_1086 = tpu.vector_load %arg6[%get3A_1083, %get3A_1084, %get3A_1085] {strides = array<i32>} : memref<6x128x128xf32, #tpu.memory_space<vmem>>, vector<1x1x16xf32>,
        %get3A_1087 = vector.shape_cast %get3A_1086 : vector<1x1x16xf32> to vector<16xf32>
        %mul3A_1088 = arith.constant 11.3137083 : f32
        %mul3A_1089 = vector.broadcast %mul3A_1088 : f32 to vector<16xf32>
        %mul3A_1090 = arith.mulf %get3A_1087, %mul3A_1089 : vector<16xf32>
        %swap3A_1091 = arith.constant 1 : i32
        %swap3A_1092 = arith.index_cast %swap3A_1091 : i32 to index
        %swap3A_1093 = arith.index_cast %scan3A_1065 : i32 to index
        %swap3A_1094 = arith.constant 16 : index
        %swap3A_1095 = tpu.vector_load %arg6[%swap3A_1092, %swap3A_1093, %swap3A_1094] {strides = array<i32>} : memref<6x128x128xf32, #tpu.memory_space<vmem>>, vector<1x1x16xf32>,
        %swap3A_1096 = vector.shape_cast %swap3A_1095 : vector<1x1x16xf32> to vector<16xf32>
        %swap3A_1097 = vector.shape_cast %mul3A_1090 : vector<16xf32> to vector<1x1x16xf32>
        tpu.vector_store %arg6[%swap3A_1092, %swap3A_1093, %swap3A_1094], %swap3A_1097 {strides = array<i32>} : memref<6x128x128xf32, #tpu.memory_space<vmem>>, vector<1x1x16xf32>,
        %get3A_1098 = arith.constant 1 : i32
        %get3A_1099 = arith.index_cast %get3A_1098 : i32 to index
        %get3A_1100 = arith.index_cast %scan3A_1065 : i32 to index
        %get3A_1101 = arith.constant 32 : index
        %get3A_1102 = tpu.vector_load %arg6[%get3A_1099, %get3A_1100, %get3A_1101] {strides = array<i32>} : memref<6x128x128xf32, #tpu.memory_space<vmem>>, vector<1x1x16xf32>,
        %get3A_1103 = vector.shape_cast %get3A_1102 : vector<1x1x16xf32> to vector<16xf32>
        %mul3A_1104 = arith.constant 11.3137083 : f32
        %mul3A_1105 = vector.broadcast %mul3A_1104 : f32 to vector<16xf32>
        %mul3A_1106 = arith.mulf %get3A_1103, %mul3A_1105 : vector<16xf32>
        %swap3A_1107 = arith.constant 1 : i32
        %swap3A_1108 = arith.index_cast %swap3A_1107 : i32 to index
        %swap3A_1109 = arith.index_cast %scan3A_1065 : i32 to index
        %swap3A_1110 = arith.constant 32 : index
        %swap3A_1111 = tpu.vector_load %arg6[%swap3A_1108, %swap3A_1109, %swap3A_1110] {strides = array<i32>} : memref<6x128x128xf32, #tpu.memory_space<vmem>>, vector<1x1x16xf32>,
        %swap3A_1112 = vector.shape_cast %swap3A_1111 : vector<1x1x16xf32> to vector<16xf32>
        %swap3A_1113 = vector.shape_cast %mul3A_1106 : vector<16xf32> to vector<1x1x16xf32>
        tpu.vector_store %arg6[%swap3A_1108, %swap3A_1109, %swap3A_1110], %swap3A_1113 {strides = array<i32>} : memref<6x128x128xf32, #tpu.memory_space<vmem>>, vector<1x1x16xf32>,
        %get3A_1114 = arith.constant 1 : i32
        %get3A_1115 = arith.index_cast %get3A_1114 : i32 to index
        %get3A_1116 = arith.index_cast %scan3A_1065 : i32 to index
        %get3A_1117 = arith.constant 48 : index
        %get3A_1118 = tpu.vector_load %arg6[%get3A_1115, %get3A_1116, %get3A_1117] {strides = array<i32>} : memref<6x128x128xf32, #tpu.memory_space<vmem>>, vector<1x1x16xf32>,
        %get3A_1119 = vector.shape_cast %get3A_1118 : vector<1x1x16xf32> to vector<16xf32>
        %mul3A_1120 = arith.constant 11.3137083 : f32
        %mul3A_1121 = vector.broadcast %mul3A_1120 : f32 to vector<16xf32>
        %mul3A_1122 = arith.mulf %get3A_1119, %mul3A_1121 : vector<16xf32>
        %swap3A_1123 = arith.constant 1 : i32
        %swap3A_1124 = arith.index_cast %swap3A_1123 : i32 to index
        %swap3A_1125 = arith.index_cast %scan3A_1065 : i32 to index
        %swap3A_1126 = arith.constant 48 : index
        %swap3A_1127 = tpu.vector_load %arg6[%swap3A_1124, %swap3A_1125, %swap3A_1126] {strides = array<i32>} : memref<6x128x128xf32, #tpu.memory_space<vmem>>, vector<1x1x16xf32>,
        %swap3A_1128 = vector.shape_cast %swap3A_1127 : vector<1x1x16xf32> to vector<16xf32>
        %swap3A_1129 = vector.shape_cast %mul3A_1122 : vector<16xf32> to vector<1x1x16xf32>
        tpu.vector_store %arg6[%swap3A_1124, %swap3A_1125, %swap3A_1126], %swap3A_1129 {strides = array<i32>} : memref<6x128x128xf32, #tpu.memory_space<vmem>>, vector<1x1x16xf32>,
        %get3A_1130 = arith.constant 1 : i32
        %get3A_1131 = arith.index_cast %get3A_1130 : i32 to index
        %get3A_1132 = arith.index_cast %scan3A_1065 : i32 to index
        %get3A_1133 = arith.constant 64 : index
        %get3A_1134 = tpu.vector_load %arg6[%get3A_1131, %get3A_1132, %get3A_1133] {strides = array<i32>} : memref<6x128x128xf32, #tpu.memory_space<vmem>>, vector<1x1x16xf32>,
        %get3A_1135 = vector.shape_cast %get3A_1134 : vector<1x1x16xf32> to vector<16xf32>
        %mul3A_1136 = arith.constant 11.3137083 : f32
        %mul3A_1137 = vector.broadcast %mul3A_1136 : f32 to vector<16xf32>
        %mul3A_1138 = arith.mulf %get3A_1135, %mul3A_1137 : vector<16xf32>
        %swap3A_1139 = arith.constant 1 : i32
        %swap3A_1140 = arith.index_cast %swap3A_1139 : i32 to index
        %swap3A_1141 = arith.index_cast %scan3A_1065 : i32 to index
        %swap3A_1142 = arith.constant 64 : index
        %swap3A_1143 = tpu.vector_load %arg6[%swap3A_1140, %swap3A_1141, %swap3A_1142] {strides = array<i32>} : memref<6x128x128xf32, #tpu.memory_space<vmem>>, vector<1x1x16xf32>,
        %swap3A_1144 = vector.shape_cast %swap3A_1143 : vector<1x1x16xf32> to vector<16xf32>
        %swap3A_1145 = vector.shape_cast %mul3A_1138 : vector<16xf32> to vector<1x1x16xf32>
        tpu.vector_store %arg6[%swap3A_1140, %swap3A_1141, %swap3A_1142], %swap3A_1145 {strides = array<i32>} : memref<6x128x128xf32, #tpu.memory_space<vmem>>, vector<1x1x16xf32>,
        %get3A_1146 = arith.constant 1 : i32
        %get3A_1147 = arith.index_cast %get3A_1146 : i32 to index
        %get3A_1148 = arith.index_cast %scan3A_1065 : i32 to index
        %get3A_1149 = arith.constant 80 : index
        %get3A_1150 = tpu.vector_load %arg6[%get3A_1147, %get3A_1148, %get3A_1149] {strides = array<i32>} : memref<6x128x128xf32, #tpu.memory_space<vmem>>, vector<1x1x16xf32>,
        %get3A_1151 = vector.shape_cast %get3A_1150 : vector<1x1x16xf32> to vector<16xf32>
        %mul3A_1152 = arith.constant 11.3137083 : f32
        %mul3A_1153 = vector.broadcast %mul3A_1152 : f32 to vector<16xf32>
        %mul3A_1154 = arith.mulf %get3A_1151, %mul3A_1153 : vector<16xf32>
        %swap3A_1155 = arith.constant 1 : i32
        %swap3A_1156 = arith.index_cast %swap3A_1155 : i32 to index
        %swap3A_1157 = arith.index_cast %scan3A_1065 : i32 to index
        %swap3A_1158 = arith.constant 80 : index
        %swap3A_1159 = tpu.vector_load %arg6[%swap3A_1156, %swap3A_1157, %swap3A_1158] {strides = array<i32>} : memref<6x128x128xf32, #tpu.memory_space<vmem>>, vector<1x1x16xf32>,
        %swap3A_1160 = vector.shape_cast %swap3A_1159 : vector<1x1x16xf32> to vector<16xf32>
        %swap3A_1161 = vector.shape_cast %mul3A_1154 : vector<16xf32> to vector<1x1x16xf32>
        tpu.vector_store %arg6[%swap3A_1156, %swap3A_1157, %swap3A_1158], %swap3A_1161 {strides = array<i32>} : memref<6x128x128xf32, #tpu.memory_space<vmem>>, vector<1x1x16xf32>,
        %get3A_1162 = arith.constant 1 : i32
        %get3A_1163 = arith.index_cast %get3A_1162 : i32 to index
        %get3A_1164 = arith.index_cast %scan3A_1065 : i32 to index
        %get3A_1165 = arith.constant 96 : index
        %get3A_1166 = tpu.vector_load %arg6[%get3A_1163, %get3A_1164, %get3A_1165] {strides = array<i32>} : memref<6x128x128xf32, #tpu.memory_space<vmem>>, vector<1x1x16xf32>,
        %get3A_1167 = vector.shape_cast %get3A_1166 : vector<1x1x16xf32> to vector<16xf32>
        %mul3A_1168 = arith.constant 11.3137083 : f32
        %mul3A_1169 = vector.broadcast %mul3A_1168 : f32 to vector<16xf32>
        %mul3A_1170 = arith.mulf %get3A_1167, %mul3A_1169 : vector<16xf32>
        %swap3A_1171 = arith.constant 1 : i32
        %swap3A_1172 = arith.index_cast %swap3A_1171 : i32 to index
        %swap3A_1173 = arith.index_cast %scan3A_1065 : i32 to index
        %swap3A_1174 = arith.constant 96 : index
        %swap3A_1175 = tpu.vector_load %arg6[%swap3A_1172, %swap3A_1173, %swap3A_1174] {strides = array<i32>} : memref<6x128x128xf32, #tpu.memory_space<vmem>>, vector<1x1x16xf32>,
        %swap3A_1176 = vector.shape_cast %swap3A_1175 : vector<1x1x16xf32> to vector<16xf32>
        %swap3A_1177 = vector.shape_cast %mul3A_1170 : vector<16xf32> to vector<1x1x16xf32>
        tpu.vector_store %arg6[%swap3A_1172, %swap3A_1173, %swap3A_1174], %swap3A_1177 {strides = array<i32>} : memref<6x128x128xf32, #tpu.memory_space<vmem>>, vector<1x1x16xf32>,
        %get3A_1178 = arith.constant 1 : i32
        %get3A_1179 = arith.index_cast %get3A_1178 : i32 to index
        %get3A_1180 = arith.index_cast %scan3A_1065 : i32 to index
        %get3A_1181 = arith.constant 112 : index
        %get3A_1182 = tpu.vector_load %arg6[%get3A_1179, %get3A_1180, %get3A_1181] {strides = array<i32>} : memref<6x128x128xf32, #tpu.memory_space<vmem>>, vector<1x1x16xf32>,
        %get3A_1183 = vector.shape_cast %get3A_1182 : vector<1x1x16xf32> to vector<16xf32>
        %mul3A_1184 = arith.constant 11.3137083 : f32
        %mul3A_1185 = vector.broadcast %mul3A_1184 : f32 to vector<16xf32>
        %mul3A_1186 = arith.mulf %get3A_1183, %mul3A_1185 : vector<16xf32>
        %swap3A_1187 = arith.constant 1 : i32
        %swap3A_1188 = arith.index_cast %swap3A_1187 : i32 to index
        %swap3A_1189 = arith.index_cast %scan3A_1065 : i32 to index
        %swap3A_1190 = arith.constant 112 : index
        %swap3A_1191 = tpu.vector_load %arg6[%swap3A_1188, %swap3A_1189, %swap3A_1190] {strides = array<i32>} : memref<6x128x128xf32, #tpu.memory_space<vmem>>, vector<1x1x16xf32>,
        %swap3A_1192 = vector.shape_cast %swap3A_1191 : vector<1x1x16xf32> to vector<16xf32>
        %swap3A_1193 = vector.shape_cast %mul3A_1186 : vector<16xf32> to vector<1x1x16xf32>
        tpu.vector_store %arg6[%swap3A_1188, %swap3A_1189, %swap3A_1190], %swap3A_1193 {strides = array<i32>} : memref<6x128x128xf32, #tpu.memory_space<vmem>>, vector<1x1x16xf32>,
      }
      %scan3A_850 = arith.constant 128 : i32
      %dma_start3A_851 = arith.constant 1 : i32
      %dma_start3A_852 = arith.constant 0 : i32
      %dma_start3A_853 = arith.constant 0 : i32
      %dma_start3A_854 = tpu.memref_slice %arg6[%dma_start3A_851, %dma_start3A_852, %dma_start3A_853] : memref<6x128x128xf32, #tpu.memory_space<vmem>> -> memref<1x128x128xf32, #tpu.memory_space<vmem>>
      %dma_start3A_855 = tpu.memref_squeeze %dma_start3A_854 : memref<1x128x128xf32, #tpu.memory_space<vmem>> -> memref<128x128xf32, #tpu.memory_space<vmem>>
      %dma_start3A_856 = arith.constant 0 : i32
      %dma_start3A_857 = arith.constant 0 : i32
      %dma_start3A_858 = tpu.memref_slice %arg4[%add3A, %sub3A_834, %dma_start3A_856, %dma_start3A_857] : memref<32x200x128x128xf32, #tpu.memory_space<hbm>> -> memref<1x1x128x128xf32, #tpu.memory_space<hbm>>
      %dma_start3A_859 = tpu.memref_squeeze %dma_start3A_858 : memref<1x1x128x128xf32, #tpu.memory_space<hbm>> -> memref<128x128xf32, #tpu.memory_space<hbm>>
      %dma_start3A_860 = arith.constant 0 : i32
      %dma_start3A_861 = arith.constant 0 : i32
      %dma_start3A_862 = tpu.memref_slice %arg4[%add3A, %sub3A_834, %dma_start3A_860, %dma_start3A_861] : memref<32x200x128x128xf32, #tpu.memory_space<hbm>> -> memref<1x1x128x128xf32, #tpu.memory_space<hbm>>
      %dma_start3A_863 = tpu.memref_squeeze %dma_start3A_862 : memref<1x1x128x128xf32, #tpu.memory_space<hbm>> -> memref<128x128xf32, #tpu.memory_space<hbm>>
      %dma_start3A_864 = arith.constant 0 : i32
      %dma_start3A_865 = arith.constant 0 : i32
      %dma_start3A_866 = tpu.memref_slice %arg6[%dma_start3A_851, %dma_start3A_864, %dma_start3A_865] : memref<6x128x128xf32, #tpu.memory_space<vmem>> -> memref<1x128x128xf32, #tpu.memory_space<vmem>>
      %dma_start3A_867 = tpu.memref_squeeze %dma_start3A_866 : memref<1x128x128xf32, #tpu.memory_space<vmem>> -> memref<128x128xf32, #tpu.memory_space<vmem>>
      tpu.enqueue_dma source(%dma_start3A_867 : memref<128x128xf32, #tpu.memory_space<vmem>>) target(%dma_start3A_863 : memref<128x128xf32, #tpu.memory_space<hbm>>) target_semaphore(%arg14 : memref<!tpu.dma_semaphore, #tpu.memory_space<semaphore_mem>>)
      %mul3A_868 = arith.constant 6 : i32
      %mul3A_869 = arith.muli %scan3A_523, %mul3A_868 : i32
      %add3A_870 = arith.constant 5 : i32
      %add3A_871 = arith.addi %mul3A_869, %add3A_870 : i32
      %sub3A_872 = arith.constant 6 : i32
      %sub3A_873 = arith.subi %add3A_871, %sub3A_872 : i32
      %dma_wait3A_874 = arith.constant 5 : i32
      %dma_wait3A_875 = arith.constant 0 : i32
      %dma_wait3A_876 = arith.constant 0 : i32
      %dma_wait3A_877 = tpu.memref_slice %arg6[%dma_wait3A_874, %dma_wait3A_875, %dma_wait3A_876] : memref<6x128x128xf32, #tpu.memory_space<vmem>> -> memref<1x128x128xf32, #tpu.memory_space<vmem>>
      %dma_wait3A_878 = tpu.memref_squeeze %dma_wait3A_877 : memref<1x128x128xf32, #tpu.memory_space<vmem>> -> memref<128x128xf32, #tpu.memory_space<vmem>>
      %dma_wait3A_879 = arith.constant 0 : i32
      %dma_wait3A_880 = arith.constant 0 : i32
      %dma_wait3A_881 = tpu.memref_slice %arg4[%add3A, %sub3A_873, %dma_wait3A_879, %dma_wait3A_880] : memref<32x200x128x128xf32, #tpu.memory_space<hbm>> -> memref<1x1x128x128xf32, #tpu.memory_space<hbm>>
      %dma_wait3A_882 = tpu.memref_squeeze %dma_wait3A_881 : memref<1x1x128x128xf32, #tpu.memory_space<hbm>> -> memref<128x128xf32, #tpu.memory_space<hbm>>
      %dma_wait3A_883 = arith.constant 0 : i32
      %dma_wait3A_884 = arith.constant 0 : i32
      %dma_wait3A_885 = tpu.memref_slice %arg4[%add3A, %sub3A_873, %dma_wait3A_883, %dma_wait3A_884] : memref<32x200x128x128xf32, #tpu.memory_space<hbm>> -> memref<1x1x128x128xf32, #tpu.memory_space<hbm>>
      %dma_wait3A_886 = tpu.memref_squeeze %dma_wait3A_885 : memref<1x1x128x128xf32, #tpu.memory_space<hbm>> -> memref<128x128xf32, #tpu.memory_space<hbm>>
      %dma_wait3A_887 = arith.constant 0 : i32
      %dma_wait3A_888 = arith.constant 0 : i32
      %dma_wait3A_889 = tpu.memref_slice %arg6[%dma_wait3A_874, %dma_wait3A_887, %dma_wait3A_888] : memref<6x128x128xf32, #tpu.memory_space<vmem>> -> memref<1x128x128xf32, #tpu.memory_space<vmem>>
      %dma_wait3A_890 = tpu.memref_squeeze %dma_wait3A_889 : memref<1x128x128xf32, #tpu.memory_space<vmem>> -> memref<128x128xf32, #tpu.memory_space<vmem>>
      tpu.wait_dma2 semaphore(%arg18 : memref<!tpu.dma_semaphore, #tpu.memory_space<semaphore_mem>>) src(%dma_wait3A_890 : memref<128x128xf32, #tpu.memory_space<vmem>>) dst(%dma_wait3A_886 : memref<128x128xf32, #tpu.memory_space<hbm>>)
      %dma_start3A_891 = arith.constant 5 : i32
      %dma_start3A_892 = arith.constant 0 : i32
      %dma_start3A_893 = arith.constant 0 : i32
      %dma_start3A_894 = tpu.memref_slice %arg6[%dma_start3A_891, %dma_start3A_892, %dma_start3A_893] : memref<6x128x128xf32, #tpu.memory_space<vmem>> -> memref<1x128x128xf32, #tpu.memory_space<vmem>>
      %dma_start3A_895 = tpu.memref_squeeze %dma_start3A_894 : memref<1x128x128xf32, #tpu.memory_space<vmem>> -> memref<128x128xf32, #tpu.memory_space<vmem>>
      %dma_start3A_896 = arith.constant 0 : i32
      %dma_start3A_897 = tpu.memref_slice %arg5[%add3A_871, %dma_start3A_896] : memref<200x128xi32, #tpu.memory_space<vmem>> -> memref<1x128xi32, #tpu.memory_space<vmem>>
      %dma_start3A_898 = tpu.memref_squeeze %dma_start3A_897 : memref<1x128xi32, #tpu.memory_space<vmem>> -> memref<128xi32, #tpu.memory_space<vmem>>
      %dma_start3A_899 = arith.constant 0 : i32
      %dma_start3A_900 = arith.constant 0 : i32
      %dma_start3A_901 = tpu.memref_slice %arg3[%dma_start3A_899, %dma_start3A_900] : memref<100000x128xf32, #tpu.memory_space<hbm>> -> memref<100000x128xf32, #tpu.memory_space<hbm>>
      tpu.enqueue_indirect_dma source(%dma_start3A_901 : memref<100000x128xf32, #tpu.memory_space<hbm>>) target(%dma_start3A_895 : memref<128x128xf32, #tpu.memory_space<vmem>>) offsets(%dma_start3A_898 : memref<128xi32, #tpu.memory_space<vmem>>) semaphore(%arg12 : memref<!tpu.dma_semaphore, #tpu.memory_space<semaphore_mem>>)
      %sub3A_902 = arith.constant 3 : i32
      %sub3A_903 = arith.subi %add3A_871, %sub3A_902 : i32
      %dma_wait3A_904 = arith.constant 2 : i32
      %dma_wait3A_905 = arith.constant 0 : i32
      %dma_wait3A_906 = arith.constant 0 : i32
      %dma_wait3A_907 = tpu.memref_slice %arg6[%dma_wait3A_904, %dma_wait3A_905, %dma_wait3A_906] : memref<6x128x128xf32, #tpu.memory_space<vmem>> -> memref<1x128x128xf32, #tpu.memory_space<vmem>>
      %dma_wait3A_908 = tpu.memref_squeeze %dma_wait3A_907 : memref<1x128x128xf32, #tpu.memory_space<vmem>> -> memref<128x128xf32, #tpu.memory_space<vmem>>
      %dma_wait3A_909 = arith.constant 0 : i32
      %dma_wait3A_910 = tpu.memref_slice %arg5[%sub3A_903, %dma_wait3A_909] : memref<200x128xi32, #tpu.memory_space<vmem>> -> memref<1x128xi32, #tpu.memory_space<vmem>>
      %dma_wait3A_911 = tpu.memref_squeeze %dma_wait3A_910 : memref<1x128xi32, #tpu.memory_space<vmem>> -> memref<128xi32, #tpu.memory_space<vmem>>
      %dma_wait3A_912 = arith.constant 0 : i32
      %dma_wait3A_913 = arith.constant 0 : i32
      %dma_wait3A_914 = tpu.memref_slice %arg3[%dma_wait3A_912, %dma_wait3A_913] : memref<100000x128xf32, #tpu.memory_space<hbm>> -> memref<100000x128xf32, #tpu.memory_space<hbm>>
      tpu.wait_indirect_dma semaphore(%arg9 : memref<!tpu.dma_semaphore, #tpu.memory_space<semaphore_mem>>) src(%dma_wait3A_914 : memref<100000x128xf32, #tpu.memory_space<hbm>>) dst(%dma_wait3A_908 : memref<128x128xf32, #tpu.memory_space<vmem>>)
      %scan3A_915 = arith.constant 0 : i32
      %scan3A_916 = arith.constant 128 : i32
      %scan3A_917 = arith.addi %scan3A_915, %scan3A_916 : i32
      %scan3A_918 = arith.constant 2 : i32
      scf.for %scan3A_937 = %scan3A_915 to %scan3A_917 step %scan3A_918  : i32 {
        %get3A = arith.constant 2 : i32
        %get3A_938 = arith.index_cast %get3A : i32 to index
        %get3A_939 = arith.index_cast %scan3A_937 : i32 to index
        %get3A_940 = arith.constant 0 : index
        %get3A_941 = tpu.vector_load %arg6[%get3A_938, %get3A_939, %get3A_940] {strides = array<i32>} : memref<6x128x128xf32, #tpu.memory_space<vmem>>, vector<1x1x16xf32>,
        %get3A_942 = vector.shape_cast %get3A_941 : vector<1x1x16xf32> to vector<16xf32>
        %mul3A_943 = arith.constant 11.3137083 : f32
        %mul3A_944 = vector.broadcast %mul3A_943 : f32 to vector<16xf32>
        %mul3A_945 = arith.mulf %get3A_942, %mul3A_944 : vector<16xf32>
        %swap3A = arith.constant 2 : i32
        %swap3A_946 = arith.index_cast %swap3A : i32 to index
        %swap3A_947 = arith.index_cast %scan3A_937 : i32 to index
        %swap3A_948 = arith.constant 0 : index
        %swap3A_949 = tpu.vector_load %arg6[%swap3A_946, %swap3A_947, %swap3A_948] {strides = array<i32>} : memref<6x128x128xf32, #tpu.memory_space<vmem>>, vector<1x1x16xf32>,
        %swap3A_950 = vector.shape_cast %swap3A_949 : vector<1x1x16xf32> to vector<16xf32>
        %swap3A_951 = vector.shape_cast %mul3A_945 : vector<16xf32> to vector<1x1x16xf32>
        tpu.vector_store %arg6[%swap3A_946, %swap3A_947, %swap3A_948], %swap3A_951 {strides = array<i32>} : memref<6x128x128xf32, #tpu.memory_space<vmem>>, vector<1x1x16xf32>,
        %get3A_952 = arith.constant 2 : i32
        %get3A_953 = arith.index_cast %get3A_952 : i32 to index
        %get3A_954 = arith.index_cast %scan3A_937 : i32 to index
        %get3A_955 = arith.constant 16 : index
        %get3A_956 = tpu.vector_load %arg6[%get3A_953, %get3A_954, %get3A_955] {strides = array<i32>} : memref<6x128x128xf32, #tpu.memory_space<vmem>>, vector<1x1x16xf32>,
        %get3A_957 = vector.shape_cast %get3A_956 : vector<1x1x16xf32> to vector<16xf32>
        %mul3A_958 = arith.constant 11.3137083 : f32
        %mul3A_959 = vector.broadcast %mul3A_958 : f32 to vector<16xf32>
        %mul3A_960 = arith.mulf %get3A_957, %mul3A_959 : vector<16xf32>
        %swap3A_961 = arith.constant 2 : i32
        %swap3A_962 = arith.index_cast %swap3A_961 : i32 to index
        %swap3A_963 = arith.index_cast %scan3A_937 : i32 to index
        %swap3A_964 = arith.constant 16 : index
        %swap3A_965 = tpu.vector_load %arg6[%swap3A_962, %swap3A_963, %swap3A_964] {strides = array<i32>} : memref<6x128x128xf32, #tpu.memory_space<vmem>>, vector<1x1x16xf32>,
        %swap3A_966 = vector.shape_cast %swap3A_965 : vector<1x1x16xf32> to vector<16xf32>
        %swap3A_967 = vector.shape_cast %mul3A_960 : vector<16xf32> to vector<1x1x16xf32>
        tpu.vector_store %arg6[%swap3A_962, %swap3A_963, %swap3A_964], %swap3A_967 {strides = array<i32>} : memref<6x128x128xf32, #tpu.memory_space<vmem>>, vector<1x1x16xf32>,
        %get3A_968 = arith.constant 2 : i32
        %get3A_969 = arith.index_cast %get3A_968 : i32 to index
        %get3A_970 = arith.index_cast %scan3A_937 : i32 to index
        %get3A_971 = arith.constant 32 : index
        %get3A_972 = tpu.vector_load %arg6[%get3A_969, %get3A_970, %get3A_971] {strides = array<i32>} : memref<6x128x128xf32, #tpu.memory_space<vmem>>, vector<1x1x16xf32>,
        %get3A_973 = vector.shape_cast %get3A_972 : vector<1x1x16xf32> to vector<16xf32>
        %mul3A_974 = arith.constant 11.3137083 : f32
        %mul3A_975 = vector.broadcast %mul3A_974 : f32 to vector<16xf32>
        %mul3A_976 = arith.mulf %get3A_973, %mul3A_975 : vector<16xf32>
        %swap3A_977 = arith.constant 2 : i32
        %swap3A_978 = arith.index_cast %swap3A_977 : i32 to index
        %swap3A_979 = arith.index_cast %scan3A_937 : i32 to index
        %swap3A_980 = arith.constant 32 : index
        %swap3A_981 = tpu.vector_load %arg6[%swap3A_978, %swap3A_979, %swap3A_980] {strides = array<i32>} : memref<6x128x128xf32, #tpu.memory_space<vmem>>, vector<1x1x16xf32>,
        %swap3A_982 = vector.shape_cast %swap3A_981 : vector<1x1x16xf32> to vector<16xf32>
        %swap3A_983 = vector.shape_cast %mul3A_976 : vector<16xf32> to vector<1x1x16xf32>
        tpu.vector_store %arg6[%swap3A_978, %swap3A_979, %swap3A_980], %swap3A_983 {strides = array<i32>} : memref<6x128x128xf32, #tpu.memory_space<vmem>>, vector<1x1x16xf32>,
        %get3A_984 = arith.constant 2 : i32
        %get3A_985 = arith.index_cast %get3A_984 : i32 to index
        %get3A_986 = arith.index_cast %scan3A_937 : i32 to index
        %get3A_987 = arith.constant 48 : index
        %get3A_988 = tpu.vector_load %arg6[%get3A_985, %get3A_986, %get3A_987] {strides = array<i32>} : memref<6x128x128xf32, #tpu.memory_space<vmem>>, vector<1x1x16xf32>,
        %get3A_989 = vector.shape_cast %get3A_988 : vector<1x1x16xf32> to vector<16xf32>
        %mul3A_990 = arith.constant 11.3137083 : f32
        %mul3A_991 = vector.broadcast %mul3A_990 : f32 to vector<16xf32>
        %mul3A_992 = arith.mulf %get3A_989, %mul3A_991 : vector<16xf32>
        %swap3A_993 = arith.constant 2 : i32
        %swap3A_994 = arith.index_cast %swap3A_993 : i32 to index
        %swap3A_995 = arith.index_cast %scan3A_937 : i32 to index
        %swap3A_996 = arith.constant 48 : index
        %swap3A_997 = tpu.vector_load %arg6[%swap3A_994, %swap3A_995, %swap3A_996] {strides = array<i32>} : memref<6x128x128xf32, #tpu.memory_space<vmem>>, vector<1x1x16xf32>,
        %swap3A_998 = vector.shape_cast %swap3A_997 : vector<1x1x16xf32> to vector<16xf32>
        %swap3A_999 = vector.shape_cast %mul3A_992 : vector<16xf32> to vector<1x1x16xf32>
        tpu.vector_store %arg6[%swap3A_994, %swap3A_995, %swap3A_996], %swap3A_999 {strides = array<i32>} : memref<6x128x128xf32, #tpu.memory_space<vmem>>, vector<1x1x16xf32>,
        %get3A_1000 = arith.constant 2 : i32
        %get3A_1001 = arith.index_cast %get3A_1000 : i32 to index
        %get3A_1002 = arith.index_cast %scan3A_937 : i32 to index
        %get3A_1003 = arith.constant 64 : index
        %get3A_1004 = tpu.vector_load %arg6[%get3A_1001, %get3A_1002, %get3A_1003] {strides = array<i32>} : memref<6x128x128xf32, #tpu.memory_space<vmem>>, vector<1x1x16xf32>,
        %get3A_1005 = vector.shape_cast %get3A_1004 : vector<1x1x16xf32> to vector<16xf32>
        %mul3A_1006 = arith.constant 11.3137083 : f32
        %mul3A_1007 = vector.broadcast %mul3A_1006 : f32 to vector<16xf32>
        %mul3A_1008 = arith.mulf %get3A_1005, %mul3A_1007 : vector<16xf32>
        %swap3A_1009 = arith.constant 2 : i32
        %swap3A_1010 = arith.index_cast %swap3A_1009 : i32 to index
        %swap3A_1011 = arith.index_cast %scan3A_937 : i32 to index
        %swap3A_1012 = arith.constant 64 : index
        %swap3A_1013 = tpu.vector_load %arg6[%swap3A_1010, %swap3A_1011, %swap3A_1012] {strides = array<i32>} : memref<6x128x128xf32, #tpu.memory_space<vmem>>, vector<1x1x16xf32>,
        %swap3A_1014 = vector.shape_cast %swap3A_1013 : vector<1x1x16xf32> to vector<16xf32>
        %swap3A_1015 = vector.shape_cast %mul3A_1008 : vector<16xf32> to vector<1x1x16xf32>
        tpu.vector_store %arg6[%swap3A_1010, %swap3A_1011, %swap3A_1012], %swap3A_1015 {strides = array<i32>} : memref<6x128x128xf32, #tpu.memory_space<vmem>>, vector<1x1x16xf32>,
        %get3A_1016 = arith.constant 2 : i32
        %get3A_1017 = arith.index_cast %get3A_1016 : i32 to index
        %get3A_1018 = arith.index_cast %scan3A_937 : i32 to index
        %get3A_1019 = arith.constant 80 : index
        %get3A_1020 = tpu.vector_load %arg6[%get3A_1017, %get3A_1018, %get3A_1019] {strides = array<i32>} : memref<6x128x128xf32, #tpu.memory_space<vmem>>, vector<1x1x16xf32>,
        %get3A_1021 = vector.shape_cast %get3A_1020 : vector<1x1x16xf32> to vector<16xf32>
        %mul3A_1022 = arith.constant 11.3137083 : f32
        %mul3A_1023 = vector.broadcast %mul3A_1022 : f32 to vector<16xf32>
        %mul3A_1024 = arith.mulf %get3A_1021, %mul3A_1023 : vector<16xf32>
        %swap3A_1025 = arith.constant 2 : i32
        %swap3A_1026 = arith.index_cast %swap3A_1025 : i32 to index
        %swap3A_1027 = arith.index_cast %scan3A_937 : i32 to index
        %swap3A_1028 = arith.constant 80 : index
        %swap3A_1029 = tpu.vector_load %arg6[%swap3A_1026, %swap3A_1027, %swap3A_1028] {strides = array<i32>} : memref<6x128x128xf32, #tpu.memory_space<vmem>>, vector<1x1x16xf32>,
        %swap3A_1030 = vector.shape_cast %swap3A_1029 : vector<1x1x16xf32> to vector<16xf32>
        %swap3A_1031 = vector.shape_cast %mul3A_1024 : vector<16xf32> to vector<1x1x16xf32>
        tpu.vector_store %arg6[%swap3A_1026, %swap3A_1027, %swap3A_1028], %swap3A_1031 {strides = array<i32>} : memref<6x128x128xf32, #tpu.memory_space<vmem>>, vector<1x1x16xf32>,
        %get3A_1032 = arith.constant 2 : i32
        %get3A_1033 = arith.index_cast %get3A_1032 : i32 to index
        %get3A_1034 = arith.index_cast %scan3A_937 : i32 to index
        %get3A_1035 = arith.constant 96 : index
        %get3A_1036 = tpu.vector_load %arg6[%get3A_1033, %get3A_1034, %get3A_1035] {strides = array<i32>} : memref<6x128x128xf32, #tpu.memory_space<vmem>>, vector<1x1x16xf32>,
        %get3A_1037 = vector.shape_cast %get3A_1036 : vector<1x1x16xf32> to vector<16xf32>
        %mul3A_1038 = arith.constant 11.3137083 : f32
        %mul3A_1039 = vector.broadcast %mul3A_1038 : f32 to vector<16xf32>
        %mul3A_1040 = arith.mulf %get3A_1037, %mul3A_1039 : vector<16xf32>
        %swap3A_1041 = arith.constant 2 : i32
        %swap3A_1042 = arith.index_cast %swap3A_1041 : i32 to index
        %swap3A_1043 = arith.index_cast %scan3A_937 : i32 to index
        %swap3A_1044 = arith.constant 96 : index
        %swap3A_1045 = tpu.vector_load %arg6[%swap3A_1042, %swap3A_1043, %swap3A_1044] {strides = array<i32>} : memref<6x128x128xf32, #tpu.memory_space<vmem>>, vector<1x1x16xf32>,
        %swap3A_1046 = vector.shape_cast %swap3A_1045 : vector<1x1x16xf32> to vector<16xf32>
        %swap3A_1047 = vector.shape_cast %mul3A_1040 : vector<16xf32> to vector<1x1x16xf32>
        tpu.vector_store %arg6[%swap3A_1042, %swap3A_1043, %swap3A_1044], %swap3A_1047 {strides = array<i32>} : memref<6x128x128xf32, #tpu.memory_space<vmem>>, vector<1x1x16xf32>,
        %get3A_1048 = arith.constant 2 : i32
        %get3A_1049 = arith.index_cast %get3A_1048 : i32 to index
        %get3A_1050 = arith.index_cast %scan3A_937 : i32 to index
        %get3A_1051 = arith.constant 112 : index
        %get3A_1052 = tpu.vector_load %arg6[%get3A_1049, %get3A_1050, %get3A_1051] {strides = array<i32>} : memref<6x128x128xf32, #tpu.memory_space<vmem>>, vector<1x1x16xf32>,
        %get3A_1053 = vector.shape_cast %get3A_1052 : vector<1x1x16xf32> to vector<16xf32>
        %mul3A_1054 = arith.constant 11.3137083 : f32
        %mul3A_1055 = vector.broadcast %mul3A_1054 : f32 to vector<16xf32>
        %mul3A_1056 = arith.mulf %get3A_1053, %mul3A_1055 : vector<16xf32>
        %swap3A_1057 = arith.constant 2 : i32
        %swap3A_1058 = arith.index_cast %swap3A_1057 : i32 to index
        %swap3A_1059 = arith.index_cast %scan3A_937 : i32 to index
        %swap3A_1060 = arith.constant 112 : index
        %swap3A_1061 = tpu.vector_load %arg6[%swap3A_1058, %swap3A_1059, %swap3A_1060] {strides = array<i32>} : memref<6x128x128xf32, #tpu.memory_space<vmem>>, vector<1x1x16xf32>,
        %swap3A_1062 = vector.shape_cast %swap3A_1061 : vector<1x1x16xf32> to vector<16xf32>
        %swap3A_1063 = vector.shape_cast %mul3A_1056 : vector<16xf32> to vector<1x1x16xf32>
        tpu.vector_store %arg6[%swap3A_1058, %swap3A_1059, %swap3A_1060], %swap3A_1063 {strides = array<i32>} : memref<6x128x128xf32, #tpu.memory_space<vmem>>, vector<1x1x16xf32>,
        %scan3A_1064 = arith.constant 1 : i32
        %scan3A_1065 = arith.addi %scan3A_937, %scan3A_1064 : i32
        %get3A_1066 = arith.constant 2 : i32
        %get3A_1067 = arith.index_cast %get3A_1066 : i32 to index
        %get3A_1068 = arith.index_cast %scan3A_1065 : i32 to index
        %get3A_1069 = arith.constant 0 : index
        %get3A_1070 = tpu.vector_load %arg6[%get3A_1067, %get3A_1068, %get3A_1069] {strides = array<i32>} : memref<6x128x128xf32, #tpu.memory_space<vmem>>, vector<1x1x16xf32>,
        %get3A_1071 = vector.shape_cast %get3A_1070 : vector<1x1x16xf32> to vector<16xf32>
        %mul3A_1072 = arith.constant 11.3137083 : f32
        %mul3A_1073 = vector.broadcast %mul3A_1072 : f32 to vector<16xf32>
        %mul3A_1074 = arith.mulf %get3A_1071, %mul3A_1073 : vector<16xf32>
        %swap3A_1075 = arith.constant 2 : i32
        %swap3A_1076 = arith.index_cast %swap3A_1075 : i32 to index
        %swap3A_1077 = arith.index_cast %scan3A_1065 : i32 to index
        %swap3A_1078 = arith.constant 0 : index
        %swap3A_1079 = tpu.vector_load %arg6[%swap3A_1076, %swap3A_1077, %swap3A_1078] {strides = array<i32>} : memref<6x128x128xf32, #tpu.memory_space<vmem>>, vector<1x1x16xf32>,
        %swap3A_1080 = vector.shape_cast %swap3A_1079 : vector<1x1x16xf32> to vector<16xf32>
        %swap3A_1081 = vector.shape_cast %mul3A_1074 : vector<16xf32> to vector<1x1x16xf32>
        tpu.vector_store %arg6[%swap3A_1076, %swap3A_1077, %swap3A_1078], %swap3A_1081 {strides = array<i32>} : memref<6x128x128xf32, #tpu.memory_space<vmem>>, vector<1x1x16xf32>,
        %get3A_1082 = arith.constant 2 : i32
        %get3A_1083 = arith.index_cast %get3A_1082 : i32 to index
        %get3A_1084 = arith.index_cast %scan3A_1065 : i32 to index
        %get3A_1085 = arith.constant 16 : index
        %get3A_1086 = tpu.vector_load %arg6[%get3A_1083, %get3A_1084, %get3A_1085] {strides = array<i32>} : memref<6x128x128xf32, #tpu.memory_space<vmem>>, vector<1x1x16xf32>,
        %get3A_1087 = vector.shape_cast %get3A_1086 : vector<1x1x16xf32> to vector<16xf32>
        %mul3A_1088 = arith.constant 11.3137083 : f32
        %mul3A_1089 = vector.broadcast %mul3A_1088 : f32 to vector<16xf32>
        %mul3A_1090 = arith.mulf %get3A_1087, %mul3A_1089 : vector<16xf32>
        %swap3A_1091 = arith.constant 2 : i32
        %swap3A_1092 = arith.index_cast %swap3A_1091 : i32 to index
        %swap3A_1093 = arith.index_cast %scan3A_1065 : i32 to index
        %swap3A_1094 = arith.constant 16 : index
        %swap3A_1095 = tpu.vector_load %arg6[%swap3A_1092, %swap3A_1093, %swap3A_1094] {strides = array<i32>} : memref<6x128x128xf32, #tpu.memory_space<vmem>>, vector<1x1x16xf32>,
        %swap3A_1096 = vector.shape_cast %swap3A_1095 : vector<1x1x16xf32> to vector<16xf32>
        %swap3A_1097 = vector.shape_cast %mul3A_1090 : vector<16xf32> to vector<1x1x16xf32>
        tpu.vector_store %arg6[%swap3A_1092, %swap3A_1093, %swap3A_1094], %swap3A_1097 {strides = array<i32>} : memref<6x128x128xf32, #tpu.memory_space<vmem>>, vector<1x1x16xf32>,
        %get3A_1098 = arith.constant 2 : i32
        %get3A_1099 = arith.index_cast %get3A_1098 : i32 to index
        %get3A_1100 = arith.index_cast %scan3A_1065 : i32 to index
        %get3A_1101 = arith.constant 32 : index
        %get3A_1102 = tpu.vector_load %arg6[%get3A_1099, %get3A_1100, %get3A_1101] {strides = array<i32>} : memref<6x128x128xf32, #tpu.memory_space<vmem>>, vector<1x1x16xf32>,
        %get3A_1103 = vector.shape_cast %get3A_1102 : vector<1x1x16xf32> to vector<16xf32>
        %mul3A_1104 = arith.constant 11.3137083 : f32
        %mul3A_1105 = vector.broadcast %mul3A_1104 : f32 to vector<16xf32>
        %mul3A_1106 = arith.mulf %get3A_1103, %mul3A_1105 : vector<16xf32>
        %swap3A_1107 = arith.constant 2 : i32
        %swap3A_1108 = arith.index_cast %swap3A_1107 : i32 to index
        %swap3A_1109 = arith.index_cast %scan3A_1065 : i32 to index
        %swap3A_1110 = arith.constant 32 : index
        %swap3A_1111 = tpu.vector_load %arg6[%swap3A_1108, %swap3A_1109, %swap3A_1110] {strides = array<i32>} : memref<6x128x128xf32, #tpu.memory_space<vmem>>, vector<1x1x16xf32>,
        %swap3A_1112 = vector.shape_cast %swap3A_1111 : vector<1x1x16xf32> to vector<16xf32>
        %swap3A_1113 = vector.shape_cast %mul3A_1106 : vector<16xf32> to vector<1x1x16xf32>
        tpu.vector_store %arg6[%swap3A_1108, %swap3A_1109, %swap3A_1110], %swap3A_1113 {strides = array<i32>} : memref<6x128x128xf32, #tpu.memory_space<vmem>>, vector<1x1x16xf32>,
        %get3A_1114 = arith.constant 2 : i32
        %get3A_1115 = arith.index_cast %get3A_1114 : i32 to index
        %get3A_1116 = arith.index_cast %scan3A_1065 : i32 to index
        %get3A_1117 = arith.constant 48 : index
        %get3A_1118 = tpu.vector_load %arg6[%get3A_1115, %get3A_1116, %get3A_1117] {strides = array<i32>} : memref<6x128x128xf32, #tpu.memory_space<vmem>>, vector<1x1x16xf32>,
        %get3A_1119 = vector.shape_cast %get3A_1118 : vector<1x1x16xf32> to vector<16xf32>
        %mul3A_1120 = arith.constant 11.3137083 : f32
        %mul3A_1121 = vector.broadcast %mul3A_1120 : f32 to vector<16xf32>
        %mul3A_1122 = arith.mulf %get3A_1119, %mul3A_1121 : vector<16xf32>
        %swap3A_1123 = arith.constant 2 : i32
        %swap3A_1124 = arith.index_cast %swap3A_1123 : i32 to index
        %swap3A_1125 = arith.index_cast %scan3A_1065 : i32 to index
        %swap3A_1126 = arith.constant 48 : index
        %swap3A_1127 = tpu.vector_load %arg6[%swap3A_1124, %swap3A_1125, %swap3A_1126] {strides = array<i32>} : memref<6x128x128xf32, #tpu.memory_space<vmem>>, vector<1x1x16xf32>,
        %swap3A_1128 = vector.shape_cast %swap3A_1127 : vector<1x1x16xf32> to vector<16xf32>
        %swap3A_1129 = vector.shape_cast %mul3A_1122 : vector<16xf32> to vector<1x1x16xf32>
        tpu.vector_store %arg6[%swap3A_1124, %swap3A_1125, %swap3A_1126], %swap3A_1129 {strides = array<i32>} : memref<6x128x128xf32, #tpu.memory_space<vmem>>, vector<1x1x16xf32>,
        %get3A_1130 = arith.constant 2 : i32
        %get3A_1131 = arith.index_cast %get3A_1130 : i32 to index
        %get3A_1132 = arith.index_cast %scan3A_1065 : i32 to index
        %get3A_1133 = arith.constant 64 : index
        %get3A_1134 = tpu.vector_load %arg6[%get3A_1131, %get3A_1132, %get3A_1133] {strides = array<i32>} : memref<6x128x128xf32, #tpu.memory_space<vmem>>, vector<1x1x16xf32>,
        %get3A_1135 = vector.shape_cast %get3A_1134 : vector<1x1x16xf32> to vector<16xf32>
        %mul3A_1136 = arith.constant 11.3137083 : f32
        %mul3A_1137 = vector.broadcast %mul3A_1136 : f32 to vector<16xf32>
        %mul3A_1138 = arith.mulf %get3A_1135, %mul3A_1137 : vector<16xf32>
        %swap3A_1139 = arith.constant 2 : i32
        %swap3A_1140 = arith.index_cast %swap3A_1139 : i32 to index
        %swap3A_1141 = arith.index_cast %scan3A_1065 : i32 to index
        %swap3A_1142 = arith.constant 64 : index
        %swap3A_1143 = tpu.vector_load %arg6[%swap3A_1140, %swap3A_1141, %swap3A_1142] {strides = array<i32>} : memref<6x128x128xf32, #tpu.memory_space<vmem>>, vector<1x1x16xf32>,
        %swap3A_1144 = vector.shape_cast %swap3A_1143 : vector<1x1x16xf32> to vector<16xf32>
        %swap3A_1145 = vector.shape_cast %mul3A_1138 : vector<16xf32> to vector<1x1x16xf32>
        tpu.vector_store %arg6[%swap3A_1140, %swap3A_1141, %swap3A_1142], %swap3A_1145 {strides = array<i32>} : memref<6x128x128xf32, #tpu.memory_space<vmem>>, vector<1x1x16xf32>,
        %get3A_1146 = arith.constant 2 : i32
        %get3A_1147 = arith.index_cast %get3A_1146 : i32 to index
        %get3A_1148 = arith.index_cast %scan3A_1065 : i32 to index
        %get3A_1149 = arith.constant 80 : index
        %get3A_1150 = tpu.vector_load %arg6[%get3A_1147, %get3A_1148, %get3A_1149] {strides = array<i32>} : memref<6x128x128xf32, #tpu.memory_space<vmem>>, vector<1x1x16xf32>,
        %get3A_1151 = vector.shape_cast %get3A_1150 : vector<1x1x16xf32> to vector<16xf32>
        %mul3A_1152 = arith.constant 11.3137083 : f32
        %mul3A_1153 = vector.broadcast %mul3A_1152 : f32 to vector<16xf32>
        %mul3A_1154 = arith.mulf %get3A_1151, %mul3A_1153 : vector<16xf32>
        %swap3A_1155 = arith.constant 2 : i32
        %swap3A_1156 = arith.index_cast %swap3A_1155 : i32 to index
        %swap3A_1157 = arith.index_cast %scan3A_1065 : i32 to index
        %swap3A_1158 = arith.constant 80 : index
        %swap3A_1159 = tpu.vector_load %arg6[%swap3A_1156, %swap3A_1157, %swap3A_1158] {strides = array<i32>} : memref<6x128x128xf32, #tpu.memory_space<vmem>>, vector<1x1x16xf32>,
        %swap3A_1160 = vector.shape_cast %swap3A_1159 : vector<1x1x16xf32> to vector<16xf32>
        %swap3A_1161 = vector.shape_cast %mul3A_1154 : vector<16xf32> to vector<1x1x16xf32>
        tpu.vector_store %arg6[%swap3A_1156, %swap3A_1157, %swap3A_1158], %swap3A_1161 {strides = array<i32>} : memref<6x128x128xf32, #tpu.memory_space<vmem>>, vector<1x1x16xf32>,
        %get3A_1162 = arith.constant 2 : i32
        %get3A_1163 = arith.index_cast %get3A_1162 : i32 to index
        %get3A_1164 = arith.index_cast %scan3A_1065 : i32 to index
        %get3A_1165 = arith.constant 96 : index
        %get3A_1166 = tpu.vector_load %arg6[%get3A_1163, %get3A_1164, %get3A_1165] {strides = array<i32>} : memref<6x128x128xf32, #tpu.memory_space<vmem>>, vector<1x1x16xf32>,
        %get3A_1167 = vector.shape_cast %get3A_1166 : vector<1x1x16xf32> to vector<16xf32>
        %mul3A_1168 = arith.constant 11.3137083 : f32
        %mul3A_1169 = vector.broadcast %mul3A_1168 : f32 to vector<16xf32>
        %mul3A_1170 = arith.mulf %get3A_1167, %mul3A_1169 : vector<16xf32>
        %swap3A_1171 = arith.constant 2 : i32
        %swap3A_1172 = arith.index_cast %swap3A_1171 : i32 to index
        %swap3A_1173 = arith.index_cast %scan3A_1065 : i32 to index
        %swap3A_1174 = arith.constant 96 : index
        %swap3A_1175 = tpu.vector_load %arg6[%swap3A_1172, %swap3A_1173, %swap3A_1174] {strides = array<i32>} : memref<6x128x128xf32, #tpu.memory_space<vmem>>, vector<1x1x16xf32>,
        %swap3A_1176 = vector.shape_cast %swap3A_1175 : vector<1x1x16xf32> to vector<16xf32>
        %swap3A_1177 = vector.shape_cast %mul3A_1170 : vector<16xf32> to vector<1x1x16xf32>
        tpu.vector_store %arg6[%swap3A_1172, %swap3A_1173, %swap3A_1174], %swap3A_1177 {strides = array<i32>} : memref<6x128x128xf32, #tpu.memory_space<vmem>>, vector<1x1x16xf32>,
        %get3A_1178 = arith.constant 2 : i32
        %get3A_1179 = arith.index_cast %get3A_1178 : i32 to index
        %get3A_1180 = arith.index_cast %scan3A_1065 : i32 to index
        %get3A_1181 = arith.constant 112 : index
        %get3A_1182 = tpu.vector_load %arg6[%get3A_1179, %get3A_1180, %get3A_1181] {strides = array<i32>} : memref<6x128x128xf32, #tpu.memory_space<vmem>>, vector<1x1x16xf32>,
        %get3A_1183 = vector.shape_cast %get3A_1182 : vector<1x1x16xf32> to vector<16xf32>
        %mul3A_1184 = arith.constant 11.3137083 : f32
        %mul3A_1185 = vector.broadcast %mul3A_1184 : f32 to vector<16xf32>
        %mul3A_1186 = arith.mulf %get3A_1183, %mul3A_1185 : vector<16xf32>
        %swap3A_1187 = arith.constant 2 : i32
        %swap3A_1188 = arith.index_cast %swap3A_1187 : i32 to index
        %swap3A_1189 = arith.index_cast %scan3A_1065 : i32 to index
        %swap3A_1190 = arith.constant 112 : index
        %swap3A_1191 = tpu.vector_load %arg6[%swap3A_1188, %swap3A_1189, %swap3A_1190] {strides = array<i32>} : memref<6x128x128xf32, #tpu.memory_space<vmem>>, vector<1x1x16xf32>,
        %swap3A_1192 = vector.shape_cast %swap3A_1191 : vector<1x1x16xf32> to vector<16xf32>
        %swap3A_1193 = vector.shape_cast %mul3A_1186 : vector<16xf32> to vector<1x1x16xf32>
        tpu.vector_store %arg6[%swap3A_1188, %swap3A_1189, %swap3A_1190], %swap3A_1193 {strides = array<i32>} : memref<6x128x128xf32, #tpu.memory_space<vmem>>, vector<1x1x16xf32>,
      }
      %scan3A_919 = arith.constant 128 : i32
      %dma_start3A_920 = arith.constant 2 : i32
      %dma_start3A_921 = arith.constant 0 : i32
      %dma_start3A_922 = arith.constant 0 : i32
      %dma_start3A_923 = tpu.memref_slice %arg6[%dma_start3A_920, %dma_start3A_921, %dma_start3A_922] : memref<6x128x128xf32, #tpu.memory_space<vmem>> -> memref<1x128x128xf32, #tpu.memory_space<vmem>>
      %dma_start3A_924 = tpu.memref_squeeze %dma_start3A_923 : memref<1x128x128xf32, #tpu.memory_space<vmem>> -> memref<128x128xf32, #tpu.memory_space<vmem>>
      %dma_start3A_925 = arith.constant 0 : i32
      %dma_start3A_926 = arith.constant 0 : i32
      %dma_start3A_927 = tpu.memref_slice %arg4[%add3A, %sub3A_903, %dma_start3A_925, %dma_start3A_926] : memref<32x200x128x128xf32, #tpu.memory_space<hbm>> -> memref<1x1x128x128xf32, #tpu.memory_space<hbm>>
      %dma_start3A_928 = tpu.memref_squeeze %dma_start3A_927 : memref<1x1x128x128xf32, #tpu.memory_space<hbm>> -> memref<128x128xf32, #tpu.memory_space<hbm>>
      %dma_start3A_929 = arith.constant 0 : i32
      %dma_start3A_930 = arith.constant 0 : i32
      %dma_start3A_931 = tpu.memref_slice %arg4[%add3A, %sub3A_903, %dma_start3A_929, %dma_start3A_930] : memref<32x200x128x128xf32, #tpu.memory_space<hbm>> -> memref<1x1x128x128xf32, #tpu.memory_space<hbm>>
      %dma_start3A_932 = tpu.memref_squeeze %dma_start3A_931 : memref<1x1x128x128xf32, #tpu.memory_space<hbm>> -> memref<128x128xf32, #tpu.memory_space<hbm>>
      %dma_start3A_933 = arith.constant 0 : i32
      %dma_start3A_934 = arith.constant 0 : i32
      %dma_start3A_935 = tpu.memref_slice %arg6[%dma_start3A_920, %dma_start3A_933, %dma_start3A_934] : memref<6x128x128xf32, #tpu.memory_space<vmem>> -> memref<1x128x128xf32, #tpu.memory_space<vmem>>
      %dma_start3A_936 = tpu.memref_squeeze %dma_start3A_935 : memref<1x128x128xf32, #tpu.memory_space<vmem>> -> memref<128x128xf32, #tpu.memory_space<vmem>>
      tpu.enqueue_dma source(%dma_start3A_936 : memref<128x128xf32, #tpu.memory_space<vmem>>) target(%dma_start3A_932 : memref<128x128xf32, #tpu.memory_space<hbm>>) target_semaphore(%arg15 : memref<!tpu.dma_semaphore, #tpu.memory_space<semaphore_mem>>)
    }
    %scan3A_179 = arith.constant 32 : i32
    %dma_wait3A_180 = arith.constant 0 : i32
    %dma_wait3A_181 = arith.constant 192 : i32
    %dma_wait3A_182 = arith.constant 0 : i32
    %dma_wait3A_183 = arith.constant 0 : i32
    %dma_wait3A_184 = tpu.memref_slice %arg6[%dma_wait3A_180, %dma_wait3A_182, %dma_wait3A_183] : memref<6x128x128xf32, #tpu.memory_space<vmem>> -> memref<1x128x128xf32, #tpu.memory_space<vmem>>
    %dma_wait3A_185 = tpu.memref_squeeze %dma_wait3A_184 : memref<1x128x128xf32, #tpu.memory_space<vmem>> -> memref<128x128xf32, #tpu.memory_space<vmem>>
    %dma_wait3A_186 = arith.constant 0 : i32
    %dma_wait3A_187 = arith.constant 0 : i32
    %dma_wait3A_188 = tpu.memref_slice %arg4[%add3A, %dma_wait3A_181, %dma_wait3A_186, %dma_wait3A_187] : memref<32x200x128x128xf32, #tpu.memory_space<hbm>> -> memref<1x1x128x128xf32, #tpu.memory_space<hbm>>
    %dma_wait3A_189 = tpu.memref_squeeze %dma_wait3A_188 : memref<1x1x128x128xf32, #tpu.memory_space<hbm>> -> memref<128x128xf32, #tpu.memory_space<hbm>>
    %dma_wait3A_190 = arith.constant 0 : i32
    %dma_wait3A_191 = arith.constant 0 : i32
    %dma_wait3A_192 = tpu.memref_slice %arg4[%add3A, %dma_wait3A_181, %dma_wait3A_190, %dma_wait3A_191] : memref<32x200x128x128xf32, #tpu.memory_space<hbm>> -> memref<1x1x128x128xf32, #tpu.memory_space<hbm>>
    %dma_wait3A_193 = tpu.memref_squeeze %dma_wait3A_192 : memref<1x1x128x128xf32, #tpu.memory_space<hbm>> -> memref<128x128xf32, #tpu.memory_space<hbm>>
    %dma_wait3A_194 = arith.constant 0 : i32
    %dma_wait3A_195 = arith.constant 0 : i32
    %dma_wait3A_196 = tpu.memref_slice %arg6[%dma_wait3A_180, %dma_wait3A_194, %dma_wait3A_195] : memref<6x128x128xf32, #tpu.memory_space<vmem>> -> memref<1x128x128xf32, #tpu.memory_space<vmem>>
    %dma_wait3A_197 = tpu.memref_squeeze %dma_wait3A_196 : memref<1x128x128xf32, #tpu.memory_space<vmem>> -> memref<128x128xf32, #tpu.memory_space<vmem>>
    tpu.wait_dma2 semaphore(%arg13 : memref<!tpu.dma_semaphore, #tpu.memory_space<semaphore_mem>>) src(%dma_wait3A_197 : memref<128x128xf32, #tpu.memory_space<vmem>>) dst(%dma_wait3A_193 : memref<128x128xf32, #tpu.memory_space<hbm>>)
    %dma_start3A_198 = arith.constant 198 : i32
    %dma_start3A_199 = arith.constant 0 : i32
    %dma_start3A_200 = arith.constant 0 : i32
    %dma_start3A_201 = arith.constant 0 : i32
    %dma_start3A_202 = tpu.memref_slice %arg6[%dma_start3A_199, %dma_start3A_200, %dma_start3A_201] : memref<6x128x128xf32, #tpu.memory_space<vmem>> -> memref<1x128x128xf32, #tpu.memory_space<vmem>>
    %dma_start3A_203 = tpu.memref_squeeze %dma_start3A_202 : memref<1x128x128xf32, #tpu.memory_space<vmem>> -> memref<128x128xf32, #tpu.memory_space<vmem>>
    %dma_start3A_204 = arith.constant 0 : i32
    %dma_start3A_205 = tpu.memref_slice %arg5[%dma_start3A_198, %dma_start3A_204] : memref<200x128xi32, #tpu.memory_space<vmem>> -> memref<1x128xi32, #tpu.memory_space<vmem>>
    %dma_start3A_206 = tpu.memref_squeeze %dma_start3A_205 : memref<1x128xi32, #tpu.memory_space<vmem>> -> memref<128xi32, #tpu.memory_space<vmem>>
    %dma_start3A_207 = arith.constant 0 : i32
    %dma_start3A_208 = arith.constant 0 : i32
    %dma_start3A_209 = tpu.memref_slice %arg3[%dma_start3A_207, %dma_start3A_208] : memref<100000x128xf32, #tpu.memory_space<hbm>> -> memref<100000x128xf32, #tpu.memory_space<hbm>>
    tpu.enqueue_indirect_dma source(%dma_start3A_209 : memref<100000x128xf32, #tpu.memory_space<hbm>>) target(%dma_start3A_203 : memref<128x128xf32, #tpu.memory_space<vmem>>) offsets(%dma_start3A_206 : memref<128xi32, #tpu.memory_space<vmem>>) semaphore(%arg7 : memref<!tpu.dma_semaphore, #tpu.memory_space<semaphore_mem>>)
    %dma_wait3A_210 = arith.constant 195 : i32
    %dma_wait3A_211 = arith.constant 3 : i32
    %dma_wait3A_212 = arith.constant 0 : i32
    %dma_wait3A_213 = arith.constant 0 : i32
    %dma_wait3A_214 = tpu.memref_slice %arg6[%dma_wait3A_211, %dma_wait3A_212, %dma_wait3A_213] : memref<6x128x128xf32, #tpu.memory_space<vmem>> -> memref<1x128x128xf32, #tpu.memory_space<vmem>>
    %dma_wait3A_215 = tpu.memref_squeeze %dma_wait3A_214 : memref<1x128x128xf32, #tpu.memory_space<vmem>> -> memref<128x128xf32, #tpu.memory_space<vmem>>
    %dma_wait3A_216 = arith.constant 0 : i32
    %dma_wait3A_217 = tpu.memref_slice %arg5[%dma_wait3A_210, %dma_wait3A_216] : memref<200x128xi32, #tpu.memory_space<vmem>> -> memref<1x128xi32, #tpu.memory_space<vmem>>
    %dma_wait3A_218 = tpu.memref_squeeze %dma_wait3A_217 : memref<1x128xi32, #tpu.memory_space<vmem>> -> memref<128xi32, #tpu.memory_space<vmem>>
    %dma_wait3A_219 = arith.constant 0 : i32
    %dma_wait3A_220 = arith.constant 0 : i32
    %dma_wait3A_221 = tpu.memref_slice %arg3[%dma_wait3A_219, %dma_wait3A_220] : memref<100000x128xf32, #tpu.memory_space<hbm>> -> memref<100000x128xf32, #tpu.memory_space<hbm>>
    tpu.wait_indirect_dma semaphore(%arg10 : memref<!tpu.dma_semaphore, #tpu.memory_space<semaphore_mem>>) src(%dma_wait3A_221 : memref<100000x128xf32, #tpu.memory_space<hbm>>) dst(%dma_wait3A_215 : memref<128x128xf32, #tpu.memory_space<vmem>>)
    %scan3A_222 = arith.constant 0 : i32
    %scan3A_223 = arith.constant 128 : i32
    %scan3A_224 = arith.addi %scan3A_222, %scan3A_223 : i32
    %scan3A_225 = arith.constant 2 : i32
    scf.for %scan3A_523 = %scan3A_222 to %scan3A_224 step %scan3A_225  : i32 {
      %get3A = arith.constant 3 : i32
      %get3A_524 = arith.index_cast %get3A : i32 to index
      %get3A_525 = arith.index_cast %scan3A_523 : i32 to index
      %get3A_526 = arith.constant 0 : index
      %get3A_527 = tpu.vector_load %arg6[%get3A_524, %get3A_525, %get3A_526] {strides = array<i32>} : memref<6x128x128xf32, #tpu.memory_space<vmem>>, vector<1x1x16xf32>,
      %get3A_528 = vector.shape_cast %get3A_527 : vector<1x1x16xf32> to vector<16xf32>
      %mul3A_529 = arith.constant 11.3137083 : f32
      %mul3A_530 = vector.broadcast %mul3A_529 : f32 to vector<16xf32>
      %mul3A_531 = arith.mulf %get3A_528, %mul3A_530 : vector<16xf32>
      %swap3A = arith.constant 3 : i32
      %swap3A_532 = arith.index_cast %swap3A : i32 to index
      %swap3A_533 = arith.index_cast %scan3A_523 : i32 to index
      %swap3A_534 = arith.constant 0 : index
      %swap3A_535 = tpu.vector_load %arg6[%swap3A_532, %swap3A_533, %swap3A_534] {strides = array<i32>} : memref<6x128x128xf32, #tpu.memory_space<vmem>>, vector<1x1x16xf32>,
      %swap3A_536 = vector.shape_cast %swap3A_535 : vector<1x1x16xf32> to vector<16xf32>
      %swap3A_537 = vector.shape_cast %mul3A_531 : vector<16xf32> to vector<1x1x16xf32>
      tpu.vector_store %arg6[%swap3A_532, %swap3A_533, %swap3A_534], %swap3A_537 {strides = array<i32>} : memref<6x128x128xf32, #tpu.memory_space<vmem>>, vector<1x1x16xf32>,
      %get3A_538 = arith.constant 3 : i32
      %get3A_539 = arith.index_cast %get3A_538 : i32 to index
      %get3A_540 = arith.index_cast %scan3A_523 : i32 to index
      %get3A_541 = arith.constant 16 : index
      %get3A_542 = tpu.vector_load %arg6[%get3A_539, %get3A_540, %get3A_541] {strides = array<i32>} : memref<6x128x128xf32, #tpu.memory_space<vmem>>, vector<1x1x16xf32>,
      %get3A_543 = vector.shape_cast %get3A_542 : vector<1x1x16xf32> to vector<16xf32>
      %mul3A_544 = arith.constant 11.3137083 : f32
      %mul3A_545 = vector.broadcast %mul3A_544 : f32 to vector<16xf32>
      %mul3A_546 = arith.mulf %get3A_543, %mul3A_545 : vector<16xf32>
      %swap3A_547 = arith.constant 3 : i32
      %swap3A_548 = arith.index_cast %swap3A_547 : i32 to index
      %swap3A_549 = arith.index_cast %scan3A_523 : i32 to index
      %swap3A_550 = arith.constant 16 : index
      %swap3A_551 = tpu.vector_load %arg6[%swap3A_548, %swap3A_549, %swap3A_550] {strides = array<i32>} : memref<6x128x128xf32, #tpu.memory_space<vmem>>, vector<1x1x16xf32>,
      %swap3A_552 = vector.shape_cast %swap3A_551 : vector<1x1x16xf32> to vector<16xf32>
      %swap3A_553 = vector.shape_cast %mul3A_546 : vector<16xf32> to vector<1x1x16xf32>
      tpu.vector_store %arg6[%swap3A_548, %swap3A_549, %swap3A_550], %swap3A_553 {strides = array<i32>} : memref<6x128x128xf32, #tpu.memory_space<vmem>>, vector<1x1x16xf32>,
      %get3A_554 = arith.constant 3 : i32
      %get3A_555 = arith.index_cast %get3A_554 : i32 to index
      %get3A_556 = arith.index_cast %scan3A_523 : i32 to index
      %get3A_557 = arith.constant 32 : index
      %get3A_558 = tpu.vector_load %arg6[%get3A_555, %get3A_556, %get3A_557] {strides = array<i32>} : memref<6x128x128xf32, #tpu.memory_space<vmem>>, vector<1x1x16xf32>,
      %get3A_559 = vector.shape_cast %get3A_558 : vector<1x1x16xf32> to vector<16xf32>
      %mul3A_560 = arith.constant 11.3137083 : f32
      %mul3A_561 = vector.broadcast %mul3A_560 : f32 to vector<16xf32>
      %mul3A_562 = arith.mulf %get3A_559, %mul3A_561 : vector<16xf32>
      %swap3A_563 = arith.constant 3 : i32
      %swap3A_564 = arith.index_cast %swap3A_563 : i32 to index
      %swap3A_565 = arith.index_cast %scan3A_523 : i32 to index
      %swap3A_566 = arith.constant 32 : index
      %swap3A_567 = tpu.vector_load %arg6[%swap3A_564, %swap3A_565, %swap3A_566] {strides = array<i32>} : memref<6x128x128xf32, #tpu.memory_space<vmem>>, vector<1x1x16xf32>,
      %swap3A_568 = vector.shape_cast %swap3A_567 : vector<1x1x16xf32> to vector<16xf32>
      %swap3A_569 = vector.shape_cast %mul3A_562 : vector<16xf32> to vector<1x1x16xf32>
      tpu.vector_store %arg6[%swap3A_564, %swap3A_565, %swap3A_566], %swap3A_569 {strides = array<i32>} : memref<6x128x128xf32, #tpu.memory_space<vmem>>, vector<1x1x16xf32>,
      %get3A_570 = arith.constant 3 : i32
      %get3A_571 = arith.index_cast %get3A_570 : i32 to index
      %get3A_572 = arith.index_cast %scan3A_523 : i32 to index
      %get3A_573 = arith.constant 48 : index
      %get3A_574 = tpu.vector_load %arg6[%get3A_571, %get3A_572, %get3A_573] {strides = array<i32>} : memref<6x128x128xf32, #tpu.memory_space<vmem>>, vector<1x1x16xf32>,
      %get3A_575 = vector.shape_cast %get3A_574 : vector<1x1x16xf32> to vector<16xf32>
      %mul3A_576 = arith.constant 11.3137083 : f32
      %mul3A_577 = vector.broadcast %mul3A_576 : f32 to vector<16xf32>
      %mul3A_578 = arith.mulf %get3A_575, %mul3A_577 : vector<16xf32>
      %swap3A_579 = arith.constant 3 : i32
      %swap3A_580 = arith.index_cast %swap3A_579 : i32 to index
      %swap3A_581 = arith.index_cast %scan3A_523 : i32 to index
      %swap3A_582 = arith.constant 48 : index
      %swap3A_583 = tpu.vector_load %arg6[%swap3A_580, %swap3A_581, %swap3A_582] {strides = array<i32>} : memref<6x128x128xf32, #tpu.memory_space<vmem>>, vector<1x1x16xf32>,
      %swap3A_584 = vector.shape_cast %swap3A_583 : vector<1x1x16xf32> to vector<16xf32>
      %swap3A_585 = vector.shape_cast %mul3A_578 : vector<16xf32> to vector<1x1x16xf32>
      tpu.vector_store %arg6[%swap3A_580, %swap3A_581, %swap3A_582], %swap3A_585 {strides = array<i32>} : memref<6x128x128xf32, #tpu.memory_space<vmem>>, vector<1x1x16xf32>,
      %get3A_586 = arith.constant 3 : i32
      %get3A_587 = arith.index_cast %get3A_586 : i32 to index
      %get3A_588 = arith.index_cast %scan3A_523 : i32 to index
      %get3A_589 = arith.constant 64 : index
      %get3A_590 = tpu.vector_load %arg6[%get3A_587, %get3A_588, %get3A_589] {strides = array<i32>} : memref<6x128x128xf32, #tpu.memory_space<vmem>>, vector<1x1x16xf32>,
      %get3A_591 = vector.shape_cast %get3A_590 : vector<1x1x16xf32> to vector<16xf32>
      %mul3A_592 = arith.constant 11.3137083 : f32
      %mul3A_593 = vector.broadcast %mul3A_592 : f32 to vector<16xf32>
      %mul3A_594 = arith.mulf %get3A_591, %mul3A_593 : vector<16xf32>
      %swap3A_595 = arith.constant 3 : i32
      %swap3A_596 = arith.index_cast %swap3A_595 : i32 to index
      %swap3A_597 = arith.index_cast %scan3A_523 : i32 to index
      %swap3A_598 = arith.constant 64 : index
      %swap3A_599 = tpu.vector_load %arg6[%swap3A_596, %swap3A_597, %swap3A_598] {strides = array<i32>} : memref<6x128x128xf32, #tpu.memory_space<vmem>>, vector<1x1x16xf32>,
      %swap3A_600 = vector.shape_cast %swap3A_599 : vector<1x1x16xf32> to vector<16xf32>
      %swap3A_601 = vector.shape_cast %mul3A_594 : vector<16xf32> to vector<1x1x16xf32>
      tpu.vector_store %arg6[%swap3A_596, %swap3A_597, %swap3A_598], %swap3A_601 {strides = array<i32>} : memref<6x128x128xf32, #tpu.memory_space<vmem>>, vector<1x1x16xf32>,
      %get3A_602 = arith.constant 3 : i32
      %get3A_603 = arith.index_cast %get3A_602 : i32 to index
      %get3A_604 = arith.index_cast %scan3A_523 : i32 to index
      %get3A_605 = arith.constant 80 : index
      %get3A_606 = tpu.vector_load %arg6[%get3A_603, %get3A_604, %get3A_605] {strides = array<i32>} : memref<6x128x128xf32, #tpu.memory_space<vmem>>, vector<1x1x16xf32>,
      %get3A_607 = vector.shape_cast %get3A_606 : vector<1x1x16xf32> to vector<16xf32>
      %mul3A_608 = arith.constant 11.3137083 : f32
      %mul3A_609 = vector.broadcast %mul3A_608 : f32 to vector<16xf32>
      %mul3A_610 = arith.mulf %get3A_607, %mul3A_609 : vector<16xf32>
      %swap3A_611 = arith.constant 3 : i32
      %swap3A_612 = arith.index_cast %swap3A_611 : i32 to index
      %swap3A_613 = arith.index_cast %scan3A_523 : i32 to index
      %swap3A_614 = arith.constant 80 : index
      %swap3A_615 = tpu.vector_load %arg6[%swap3A_612, %swap3A_613, %swap3A_614] {strides = array<i32>} : memref<6x128x128xf32, #tpu.memory_space<vmem>>, vector<1x1x16xf32>,
      %swap3A_616 = vector.shape_cast %swap3A_615 : vector<1x1x16xf32> to vector<16xf32>
      %swap3A_617 = vector.shape_cast %mul3A_610 : vector<16xf32> to vector<1x1x16xf32>
      tpu.vector_store %arg6[%swap3A_612, %swap3A_613, %swap3A_614], %swap3A_617 {strides = array<i32>} : memref<6x128x128xf32, #tpu.memory_space<vmem>>, vector<1x1x16xf32>,
      %get3A_618 = arith.constant 3 : i32
      %get3A_619 = arith.index_cast %get3A_618 : i32 to index
      %get3A_620 = arith.index_cast %scan3A_523 : i32 to index
      %get3A_621 = arith.constant 96 : index
      %get3A_622 = tpu.vector_load %arg6[%get3A_619, %get3A_620, %get3A_621] {strides = array<i32>} : memref<6x128x128xf32, #tpu.memory_space<vmem>>, vector<1x1x16xf32>,
      %get3A_623 = vector.shape_cast %get3A_622 : vector<1x1x16xf32> to vector<16xf32>
      %mul3A_624 = arith.constant 11.3137083 : f32
      %mul3A_625 = vector.broadcast %mul3A_624 : f32 to vector<16xf32>
      %mul3A_626 = arith.mulf %get3A_623, %mul3A_625 : vector<16xf32>
      %swap3A_627 = arith.constant 3 : i32
      %swap3A_628 = arith.index_cast %swap3A_627 : i32 to index
      %swap3A_629 = arith.index_cast %scan3A_523 : i32 to index
      %swap3A_630 = arith.constant 96 : index
      %swap3A_631 = tpu.vector_load %arg6[%swap3A_628, %swap3A_629, %swap3A_630] {strides = array<i32>} : memref<6x128x128xf32, #tpu.memory_space<vmem>>, vector<1x1x16xf32>,
      %swap3A_632 = vector.shape_cast %swap3A_631 : vector<1x1x16xf32> to vector<16xf32>
      %swap3A_633 = vector.shape_cast %mul3A_626 : vector<16xf32> to vector<1x1x16xf32>
      tpu.vector_store %arg6[%swap3A_628, %swap3A_629, %swap3A_630], %swap3A_633 {strides = array<i32>} : memref<6x128x128xf32, #tpu.memory_space<vmem>>, vector<1x1x16xf32>,
      %get3A_634 = arith.constant 3 : i32
      %get3A_635 = arith.index_cast %get3A_634 : i32 to index
      %get3A_636 = arith.index_cast %scan3A_523 : i32 to index
      %get3A_637 = arith.constant 112 : index
      %get3A_638 = tpu.vector_load %arg6[%get3A_635, %get3A_636, %get3A_637] {strides = array<i32>} : memref<6x128x128xf32, #tpu.memory_space<vmem>>, vector<1x1x16xf32>,
      %get3A_639 = vector.shape_cast %get3A_638 : vector<1x1x16xf32> to vector<16xf32>
      %mul3A_640 = arith.constant 11.3137083 : f32
      %mul3A_641 = vector.broadcast %mul3A_640 : f32 to vector<16xf32>
      %mul3A_642 = arith.mulf %get3A_639, %mul3A_641 : vector<16xf32>
      %swap3A_643 = arith.constant 3 : i32
      %swap3A_644 = arith.index_cast %swap3A_643 : i32 to index
      %swap3A_645 = arith.index_cast %scan3A_523 : i32 to index
      %swap3A_646 = arith.constant 112 : index
      %swap3A_647 = tpu.vector_load %arg6[%swap3A_644, %swap3A_645, %swap3A_646] {strides = array<i32>} : memref<6x128x128xf32, #tpu.memory_space<vmem>>, vector<1x1x16xf32>,
      %swap3A_648 = vector.shape_cast %swap3A_647 : vector<1x1x16xf32> to vector<16xf32>
      %swap3A_649 = vector.shape_cast %mul3A_642 : vector<16xf32> to vector<1x1x16xf32>
      tpu.vector_store %arg6[%swap3A_644, %swap3A_645, %swap3A_646], %swap3A_649 {strides = array<i32>} : memref<6x128x128xf32, #tpu.memory_space<vmem>>, vector<1x1x16xf32>,
      %scan3A_650 = arith.constant 1 : i32
      %scan3A_651 = arith.addi %scan3A_523, %scan3A_650 : i32
      %get3A_652 = arith.constant 3 : i32
      %get3A_653 = arith.index_cast %get3A_652 : i32 to index
      %get3A_654 = arith.index_cast %scan3A_651 : i32 to index
      %get3A_655 = arith.constant 0 : index
      %get3A_656 = tpu.vector_load %arg6[%get3A_653, %get3A_654, %get3A_655] {strides = array<i32>} : memref<6x128x128xf32, #tpu.memory_space<vmem>>, vector<1x1x16xf32>,
      %get3A_657 = vector.shape_cast %get3A_656 : vector<1x1x16xf32> to vector<16xf32>
      %mul3A_658 = arith.constant 11.3137083 : f32
      %mul3A_659 = vector.broadcast %mul3A_658 : f32 to vector<16xf32>
      %mul3A_660 = arith.mulf %get3A_657, %mul3A_659 : vector<16xf32>
      %swap3A_661 = arith.constant 3 : i32
      %swap3A_662 = arith.index_cast %swap3A_661 : i32 to index
      %swap3A_663 = arith.index_cast %scan3A_651 : i32 to index
      %swap3A_664 = arith.constant 0 : index
      %swap3A_665 = tpu.vector_load %arg6[%swap3A_662, %swap3A_663, %swap3A_664] {strides = array<i32>} : memref<6x128x128xf32, #tpu.memory_space<vmem>>, vector<1x1x16xf32>,
      %swap3A_666 = vector.shape_cast %swap3A_665 : vector<1x1x16xf32> to vector<16xf32>
      %swap3A_667 = vector.shape_cast %mul3A_660 : vector<16xf32> to vector<1x1x16xf32>
      tpu.vector_store %arg6[%swap3A_662, %swap3A_663, %swap3A_664], %swap3A_667 {strides = array<i32>} : memref<6x128x128xf32, #tpu.memory_space<vmem>>, vector<1x1x16xf32>,
      %get3A_668 = arith.constant 3 : i32
      %get3A_669 = arith.index_cast %get3A_668 : i32 to index
      %get3A_670 = arith.index_cast %scan3A_651 : i32 to index
      %get3A_671 = arith.constant 16 : index
      %get3A_672 = tpu.vector_load %arg6[%get3A_669, %get3A_670, %get3A_671] {strides = array<i32>} : memref<6x128x128xf32, #tpu.memory_space<vmem>>, vector<1x1x16xf32>,
      %get3A_673 = vector.shape_cast %get3A_672 : vector<1x1x16xf32> to vector<16xf32>
      %mul3A_674 = arith.constant 11.3137083 : f32
      %mul3A_675 = vector.broadcast %mul3A_674 : f32 to vector<16xf32>
      %mul3A_676 = arith.mulf %get3A_673, %mul3A_675 : vector<16xf32>
      %swap3A_677 = arith.constant 3 : i32
      %swap3A_678 = arith.index_cast %swap3A_677 : i32 to index
      %swap3A_679 = arith.index_cast %scan3A_651 : i32 to index
      %swap3A_680 = arith.constant 16 : index
      %swap3A_681 = tpu.vector_load %arg6[%swap3A_678, %swap3A_679, %swap3A_680] {strides = array<i32>} : memref<6x128x128xf32, #tpu.memory_space<vmem>>, vector<1x1x16xf32>,
      %swap3A_682 = vector.shape_cast %swap3A_681 : vector<1x1x16xf32> to vector<16xf32>
      %swap3A_683 = vector.shape_cast %mul3A_676 : vector<16xf32> to vector<1x1x16xf32>
      tpu.vector_store %arg6[%swap3A_678, %swap3A_679, %swap3A_680], %swap3A_683 {strides = array<i32>} : memref<6x128x128xf32, #tpu.memory_space<vmem>>, vector<1x1x16xf32>,
      %get3A_684 = arith.constant 3 : i32
      %get3A_685 = arith.index_cast %get3A_684 : i32 to index
      %get3A_686 = arith.index_cast %scan3A_651 : i32 to index
      %get3A_687 = arith.constant 32 : index
      %get3A_688 = tpu.vector_load %arg6[%get3A_685, %get3A_686, %get3A_687] {strides = array<i32>} : memref<6x128x128xf32, #tpu.memory_space<vmem>>, vector<1x1x16xf32>,
      %get3A_689 = vector.shape_cast %get3A_688 : vector<1x1x16xf32> to vector<16xf32>
      %mul3A_690 = arith.constant 11.3137083 : f32
      %mul3A_691 = vector.broadcast %mul3A_690 : f32 to vector<16xf32>
      %mul3A_692 = arith.mulf %get3A_689, %mul3A_691 : vector<16xf32>
      %swap3A_693 = arith.constant 3 : i32
      %swap3A_694 = arith.index_cast %swap3A_693 : i32 to index
      %swap3A_695 = arith.index_cast %scan3A_651 : i32 to index
      %swap3A_696 = arith.constant 32 : index
      %swap3A_697 = tpu.vector_load %arg6[%swap3A_694, %swap3A_695, %swap3A_696] {strides = array<i32>} : memref<6x128x128xf32, #tpu.memory_space<vmem>>, vector<1x1x16xf32>,
      %swap3A_698 = vector.shape_cast %swap3A_697 : vector<1x1x16xf32> to vector<16xf32>
      %swap3A_699 = vector.shape_cast %mul3A_692 : vector<16xf32> to vector<1x1x16xf32>
      tpu.vector_store %arg6[%swap3A_694, %swap3A_695, %swap3A_696], %swap3A_699 {strides = array<i32>} : memref<6x128x128xf32, #tpu.memory_space<vmem>>, vector<1x1x16xf32>,
      %get3A_700 = arith.constant 3 : i32
      %get3A_701 = arith.index_cast %get3A_700 : i32 to index
      %get3A_702 = arith.index_cast %scan3A_651 : i32 to index
      %get3A_703 = arith.constant 48 : index
      %get3A_704 = tpu.vector_load %arg6[%get3A_701, %get3A_702, %get3A_703] {strides = array<i32>} : memref<6x128x128xf32, #tpu.memory_space<vmem>>, vector<1x1x16xf32>,
      %get3A_705 = vector.shape_cast %get3A_704 : vector<1x1x16xf32> to vector<16xf32>
      %mul3A_706 = arith.constant 11.3137083 : f32
      %mul3A_707 = vector.broadcast %mul3A_706 : f32 to vector<16xf32>
      %mul3A_708 = arith.mulf %get3A_705, %mul3A_707 : vector<16xf32>
      %swap3A_709 = arith.constant 3 : i32
      %swap3A_710 = arith.index_cast %swap3A_709 : i32 to index
      %swap3A_711 = arith.index_cast %scan3A_651 : i32 to index
      %swap3A_712 = arith.constant 48 : index
      %swap3A_713 = tpu.vector_load %arg6[%swap3A_710, %swap3A_711, %swap3A_712] {strides = array<i32>} : memref<6x128x128xf32, #tpu.memory_space<vmem>>, vector<1x1x16xf32>,
      %swap3A_714 = vector.shape_cast %swap3A_713 : vector<1x1x16xf32> to vector<16xf32>
      %swap3A_715 = vector.shape_cast %mul3A_708 : vector<16xf32> to vector<1x1x16xf32>
      tpu.vector_store %arg6[%swap3A_710, %swap3A_711, %swap3A_712], %swap3A_715 {strides = array<i32>} : memref<6x128x128xf32, #tpu.memory_space<vmem>>, vector<1x1x16xf32>,
      %get3A_716 = arith.constant 3 : i32
      %get3A_717 = arith.index_cast %get3A_716 : i32 to index
      %get3A_718 = arith.index_cast %scan3A_651 : i32 to index
      %get3A_719 = arith.constant 64 : index
      %get3A_720 = tpu.vector_load %arg6[%get3A_717, %get3A_718, %get3A_719] {strides = array<i32>} : memref<6x128x128xf32, #tpu.memory_space<vmem>>, vector<1x1x16xf32>,
      %get3A_721 = vector.shape_cast %get3A_720 : vector<1x1x16xf32> to vector<16xf32>
      %mul3A_722 = arith.constant 11.3137083 : f32
      %mul3A_723 = vector.broadcast %mul3A_722 : f32 to vector<16xf32>
      %mul3A_724 = arith.mulf %get3A_721, %mul3A_723 : vector<16xf32>
      %swap3A_725 = arith.constant 3 : i32
      %swap3A_726 = arith.index_cast %swap3A_725 : i32 to index
      %swap3A_727 = arith.index_cast %scan3A_651 : i32 to index
      %swap3A_728 = arith.constant 64 : index
      %swap3A_729 = tpu.vector_load %arg6[%swap3A_726, %swap3A_727, %swap3A_728] {strides = array<i32>} : memref<6x128x128xf32, #tpu.memory_space<vmem>>, vector<1x1x16xf32>,
      %swap3A_730 = vector.shape_cast %swap3A_729 : vector<1x1x16xf32> to vector<16xf32>
      %swap3A_731 = vector.shape_cast %mul3A_724 : vector<16xf32> to vector<1x1x16xf32>
      tpu.vector_store %arg6[%swap3A_726, %swap3A_727, %swap3A_728], %swap3A_731 {strides = array<i32>} : memref<6x128x128xf32, #tpu.memory_space<vmem>>, vector<1x1x16xf32>,
      %get3A_732 = arith.constant 3 : i32
      %get3A_733 = arith.index_cast %get3A_732 : i32 to index
      %get3A_734 = arith.index_cast %scan3A_651 : i32 to index
      %get3A_735 = arith.constant 80 : index
      %get3A_736 = tpu.vector_load %arg6[%get3A_733, %get3A_734, %get3A_735] {strides = array<i32>} : memref<6x128x128xf32, #tpu.memory_space<vmem>>, vector<1x1x16xf32>,
      %get3A_737 = vector.shape_cast %get3A_736 : vector<1x1x16xf32> to vector<16xf32>
      %mul3A_738 = arith.constant 11.3137083 : f32
      %mul3A_739 = vector.broadcast %mul3A_738 : f32 to vector<16xf32>
      %mul3A_740 = arith.mulf %get3A_737, %mul3A_739 : vector<16xf32>
      %swap3A_741 = arith.constant 3 : i32
      %swap3A_742 = arith.index_cast %swap3A_741 : i32 to index
      %swap3A_743 = arith.index_cast %scan3A_651 : i32 to index
      %swap3A_744 = arith.constant 80 : index
      %swap3A_745 = tpu.vector_load %arg6[%swap3A_742, %swap3A_743, %swap3A_744] {strides = array<i32>} : memref<6x128x128xf32, #tpu.memory_space<vmem>>, vector<1x1x16xf32>,
      %swap3A_746 = vector.shape_cast %swap3A_745 : vector<1x1x16xf32> to vector<16xf32>
      %swap3A_747 = vector.shape_cast %mul3A_740 : vector<16xf32> to vector<1x1x16xf32>
      tpu.vector_store %arg6[%swap3A_742, %swap3A_743, %swap3A_744], %swap3A_747 {strides = array<i32>} : memref<6x128x128xf32, #tpu.memory_space<vmem>>, vector<1x1x16xf32>,
      %get3A_748 = arith.constant 3 : i32
      %get3A_749 = arith.index_cast %get3A_748 : i32 to index
      %get3A_750 = arith.index_cast %scan3A_651 : i32 to index
      %get3A_751 = arith.constant 96 : index
      %get3A_752 = tpu.vector_load %arg6[%get3A_749, %get3A_750, %get3A_751] {strides = array<i32>} : memref<6x128x128xf32, #tpu.memory_space<vmem>>, vector<1x1x16xf32>,
      %get3A_753 = vector.shape_cast %get3A_752 : vector<1x1x16xf32> to vector<16xf32>
      %mul3A_754 = arith.constant 11.3137083 : f32
      %mul3A_755 = vector.broadcast %mul3A_754 : f32 to vector<16xf32>
      %mul3A_756 = arith.mulf %get3A_753, %mul3A_755 : vector<16xf32>
      %swap3A_757 = arith.constant 3 : i32
      %swap3A_758 = arith.index_cast %swap3A_757 : i32 to index
      %swap3A_759 = arith.index_cast %scan3A_651 : i32 to index
      %swap3A_760 = arith.constant 96 : index
      %swap3A_761 = tpu.vector_load %arg6[%swap3A_758, %swap3A_759, %swap3A_760] {strides = array<i32>} : memref<6x128x128xf32, #tpu.memory_space<vmem>>, vector<1x1x16xf32>,
      %swap3A_762 = vector.shape_cast %swap3A_761 : vector<1x1x16xf32> to vector<16xf32>
      %swap3A_763 = vector.shape_cast %mul3A_756 : vector<16xf32> to vector<1x1x16xf32>
      tpu.vector_store %arg6[%swap3A_758, %swap3A_759, %swap3A_760], %swap3A_763 {strides = array<i32>} : memref<6x128x128xf32, #tpu.memory_space<vmem>>, vector<1x1x16xf32>,
      %get3A_764 = arith.constant 3 : i32
      %get3A_765 = arith.index_cast %get3A_764 : i32 to index
      %get3A_766 = arith.index_cast %scan3A_651 : i32 to index
      %get3A_767 = arith.constant 112 : index
      %get3A_768 = tpu.vector_load %arg6[%get3A_765, %get3A_766, %get3A_767] {strides = array<i32>} : memref<6x128x128xf32, #tpu.memory_space<vmem>>, vector<1x1x16xf32>,
      %get3A_769 = vector.shape_cast %get3A_768 : vector<1x1x16xf32> to vector<16xf32>
      %mul3A_770 = arith.constant 11.3137083 : f32
      %mul3A_771 = vector.broadcast %mul3A_770 : f32 to vector<16xf32>
      %mul3A_772 = arith.mulf %get3A_769, %mul3A_771 : vector<16xf32>
      %swap3A_773 = arith.constant 3 : i32
      %swap3A_774 = arith.index_cast %swap3A_773 : i32 to index
      %swap3A_775 = arith.index_cast %scan3A_651 : i32 to index
      %swap3A_776 = arith.constant 112 : index
      %swap3A_777 = tpu.vector_load %arg6[%swap3A_774, %swap3A_775, %swap3A_776] {strides = array<i32>} : memref<6x128x128xf32, #tpu.memory_space<vmem>>, vector<1x1x16xf32>,
      %swap3A_778 = vector.shape_cast %swap3A_777 : vector<1x1x16xf32> to vector<16xf32>
      %swap3A_779 = vector.shape_cast %mul3A_772 : vector<16xf32> to vector<1x1x16xf32>
      tpu.vector_store %arg6[%swap3A_774, %swap3A_775, %swap3A_776], %swap3A_779 {strides = array<i32>} : memref<6x128x128xf32, #tpu.memory_space<vmem>>, vector<1x1x16xf32>,
    }
    %scan3A_226 = arith.constant 128 : i32
    %dma_start3A_227 = arith.constant 3 : i32
    %dma_start3A_228 = arith.constant 195 : i32
    %dma_start3A_229 = arith.constant 0 : i32
    %dma_start3A_230 = arith.constant 0 : i32
    %dma_start3A_231 = tpu.memref_slice %arg6[%dma_start3A_227, %dma_start3A_229, %dma_start3A_230] : memref<6x128x128xf32, #tpu.memory_space<vmem>> -> memref<1x128x128xf32, #tpu.memory_space<vmem>>
    %dma_start3A_232 = tpu.memref_squeeze %dma_start3A_231 : memref<1x128x128xf32, #tpu.memory_space<vmem>> -> memref<128x128xf32, #tpu.memory_space<vmem>>
    %dma_start3A_233 = arith.constant 0 : i32
    %dma_start3A_234 = arith.constant 0 : i32
    %dma_start3A_235 = tpu.memref_slice %arg4[%add3A, %dma_start3A_228, %dma_start3A_233, %dma_start3A_234] : memref<32x200x128x128xf32, #tpu.memory_space<hbm>> -> memref<1x1x128x128xf32, #tpu.memory_space<hbm>>
    %dma_start3A_236 = tpu.memref_squeeze %dma_start3A_235 : memref<1x1x128x128xf32, #tpu.memory_space<hbm>> -> memref<128x128xf32, #tpu.memory_space<hbm>>
    %dma_start3A_237 = arith.constant 0 : i32
    %dma_start3A_238 = arith.constant 0 : i32
    %dma_start3A_239 = tpu.memref_slice %arg4[%add3A, %dma_start3A_228, %dma_start3A_237, %dma_start3A_238] : memref<32x200x128x128xf32, #tpu.memory_space<hbm>> -> memref<1x1x128x128xf32, #tpu.memory_space<hbm>>
    %dma_start3A_240 = tpu.memref_squeeze %dma_start3A_239 : memref<1x1x128x128xf32, #tpu.memory_space<hbm>> -> memref<128x128xf32, #tpu.memory_space<hbm>>
    %dma_start3A_241 = arith.constant 0 : i32
    %dma_start3A_242 = arith.constant 0 : i32
    %dma_start3A_243 = tpu.memref_slice %arg6[%dma_start3A_227, %dma_start3A_241, %dma_start3A_242] : memref<6x128x128xf32, #tpu.memory_space<vmem>> -> memref<1x128x128xf32, #tpu.memory_space<vmem>>
    %dma_start3A_244 = tpu.memref_squeeze %dma_start3A_243 : memref<1x128x128xf32, #tpu.memory_space<vmem>> -> memref<128x128xf32, #tpu.memory_space<vmem>>
    tpu.enqueue_dma source(%dma_start3A_244 : memref<128x128xf32, #tpu.memory_space<vmem>>) target(%dma_start3A_240 : memref<128x128xf32, #tpu.memory_space<hbm>>) target_semaphore(%arg16 : memref<!tpu.dma_semaphore, #tpu.memory_space<semaphore_mem>>)
    %dma_wait3A_245 = arith.constant 1 : i32
    %dma_wait3A_246 = arith.constant 193 : i32
    %dma_wait3A_247 = arith.constant 0 : i32
    %dma_wait3A_248 = arith.constant 0 : i32
    %dma_wait3A_249 = tpu.memref_slice %arg6[%dma_wait3A_245, %dma_wait3A_247, %dma_wait3A_248] : memref<6x128x128xf32, #tpu.memory_space<vmem>> -> memref<1x128x128xf32, #tpu.memory_space<vmem>>
    %dma_wait3A_250 = tpu.memref_squeeze %dma_wait3A_249 : memref<1x128x128xf32, #tpu.memory_space<vmem>> -> memref<128x128xf32, #tpu.memory_space<vmem>>
    %dma_wait3A_251 = arith.constant 0 : i32
    %dma_wait3A_252 = arith.constant 0 : i32
    %dma_wait3A_253 = tpu.memref_slice %arg4[%add3A, %dma_wait3A_246, %dma_wait3A_251, %dma_wait3A_252] : memref<32x200x128x128xf32, #tpu.memory_space<hbm>> -> memref<1x1x128x128xf32, #tpu.memory_space<hbm>>
    %dma_wait3A_254 = tpu.memref_squeeze %dma_wait3A_253 : memref<1x1x128x128xf32, #tpu.memory_space<hbm>> -> memref<128x128xf32, #tpu.memory_space<hbm>>
    %dma_wait3A_255 = arith.constant 0 : i32
    %dma_wait3A_256 = arith.constant 0 : i32
    %dma_wait3A_257 = tpu.memref_slice %arg4[%add3A, %dma_wait3A_246, %dma_wait3A_255, %dma_wait3A_256] : memref<32x200x128x128xf32, #tpu.memory_space<hbm>> -> memref<1x1x128x128xf32, #tpu.memory_space<hbm>>
    %dma_wait3A_258 = tpu.memref_squeeze %dma_wait3A_257 : memref<1x1x128x128xf32, #tpu.memory_space<hbm>> -> memref<128x128xf32, #tpu.memory_space<hbm>>
    %dma_wait3A_259 = arith.constant 0 : i32
    %dma_wait3A_260 = arith.constant 0 : i32
    %dma_wait3A_261 = tpu.memref_slice %arg6[%dma_wait3A_245, %dma_wait3A_259, %dma_wait3A_260] : memref<6x128x128xf32, #tpu.memory_space<vmem>> -> memref<1x128x128xf32, #tpu.memory_space<vmem>>
    %dma_wait3A_262 = tpu.memref_squeeze %dma_wait3A_261 : memref<1x128x128xf32, #tpu.memory_space<vmem>> -> memref<128x128xf32, #tpu.memory_space<vmem>>
    tpu.wait_dma2 semaphore(%arg14 : memref<!tpu.dma_semaphore, #tpu.memory_space<semaphore_mem>>) src(%dma_wait3A_262 : memref<128x128xf32, #tpu.memory_space<vmem>>) dst(%dma_wait3A_258 : memref<128x128xf32, #tpu.memory_space<hbm>>)
    %dma_start3A_263 = arith.constant 199 : i32
    %dma_start3A_264 = arith.constant 1 : i32
    %dma_start3A_265 = arith.constant 0 : i32
    %dma_start3A_266 = arith.constant 0 : i32
    %dma_start3A_267 = tpu.memref_slice %arg6[%dma_start3A_264, %dma_start3A_265, %dma_start3A_266] : memref<6x128x128xf32, #tpu.memory_space<vmem>> -> memref<1x128x128xf32, #tpu.memory_space<vmem>>
    %dma_start3A_268 = tpu.memref_squeeze %dma_start3A_267 : memref<1x128x128xf32, #tpu.memory_space<vmem>> -> memref<128x128xf32, #tpu.memory_space<vmem>>
    %dma_start3A_269 = arith.constant 0 : i32
    %dma_start3A_270 = tpu.memref_slice %arg5[%dma_start3A_263, %dma_start3A_269] : memref<200x128xi32, #tpu.memory_space<vmem>> -> memref<1x128xi32, #tpu.memory_space<vmem>>
    %dma_start3A_271 = tpu.memref_squeeze %dma_start3A_270 : memref<1x128xi32, #tpu.memory_space<vmem>> -> memref<128xi32, #tpu.memory_space<vmem>>
    %dma_start3A_272 = arith.constant 0 : i32
    %dma_start3A_273 = arith.constant 0 : i32
    %dma_start3A_274 = tpu.memref_slice %arg3[%dma_start3A_272, %dma_start3A_273] : memref<100000x128xf32, #tpu.memory_space<hbm>> -> memref<100000x128xf32, #tpu.memory_space<hbm>>
    tpu.enqueue_indirect_dma source(%dma_start3A_274 : memref<100000x128xf32, #tpu.memory_space<hbm>>) target(%dma_start3A_268 : memref<128x128xf32, #tpu.memory_space<vmem>>) offsets(%dma_start3A_271 : memref<128xi32, #tpu.memory_space<vmem>>) semaphore(%arg8 : memref<!tpu.dma_semaphore, #tpu.memory_space<semaphore_mem>>)
    %dma_wait3A_275 = arith.constant 196 : i32
    %dma_wait3A_276 = arith.constant 4 : i32
    %dma_wait3A_277 = arith.constant 0 : i32
    %dma_wait3A_278 = arith.constant 0 : i32
    %dma_wait3A_279 = tpu.memref_slice %arg6[%dma_wait3A_276, %dma_wait3A_277, %dma_wait3A_278] : memref<6x128x128xf32, #tpu.memory_space<vmem>> -> memref<1x128x128xf32, #tpu.memory_space<vmem>>
    %dma_wait3A_280 = tpu.memref_squeeze %dma_wait3A_279 : memref<1x128x128xf32, #tpu.memory_space<vmem>> -> memref<128x128xf32, #tpu.memory_space<vmem>>
    %dma_wait3A_281 = arith.constant 0 : i32
    %dma_wait3A_282 = tpu.memref_slice %arg5[%dma_wait3A_275, %dma_wait3A_281] : memref<200x128xi32, #tpu.memory_space<vmem>> -> memref<1x128xi32, #tpu.memory_space<vmem>>
    %dma_wait3A_283 = tpu.memref_squeeze %dma_wait3A_282 : memref<1x128xi32, #tpu.memory_space<vmem>> -> memref<128xi32, #tpu.memory_space<vmem>>
    %dma_wait3A_284 = arith.constant 0 : i32
    %dma_wait3A_285 = arith.constant 0 : i32
    %dma_wait3A_286 = tpu.memref_slice %arg3[%dma_wait3A_284, %dma_wait3A_285] : memref<100000x128xf32, #tpu.memory_space<hbm>> -> memref<100000x128xf32, #tpu.memory_space<hbm>>
    tpu.wait_indirect_dma semaphore(%arg11 : memref<!tpu.dma_semaphore, #tpu.memory_space<semaphore_mem>>) src(%dma_wait3A_286 : memref<100000x128xf32, #tpu.memory_space<hbm>>) dst(%dma_wait3A_280 : memref<128x128xf32, #tpu.memory_space<vmem>>)
    %scan3A_287 = arith.constant 0 : i32
    %scan3A_288 = arith.constant 128 : i32
    %scan3A_289 = arith.addi %scan3A_287, %scan3A_288 : i32
    %scan3A_290 = arith.constant 2 : i32
    scf.for %scan3A_523 = %scan3A_287 to %scan3A_289 step %scan3A_290  : i32 {
      %get3A = arith.constant 4 : i32
      %get3A_524 = arith.index_cast %get3A : i32 to index
      %get3A_525 = arith.index_cast %scan3A_523 : i32 to index
      %get3A_526 = arith.constant 0 : index
      %get3A_527 = tpu.vector_load %arg6[%get3A_524, %get3A_525, %get3A_526] {strides = array<i32>} : memref<6x128x128xf32, #tpu.memory_space<vmem>>, vector<1x1x16xf32>,
      %get3A_528 = vector.shape_cast %get3A_527 : vector<1x1x16xf32> to vector<16xf32>
      %mul3A_529 = arith.constant 11.3137083 : f32
      %mul3A_530 = vector.broadcast %mul3A_529 : f32 to vector<16xf32>
      %mul3A_531 = arith.mulf %get3A_528, %mul3A_530 : vector<16xf32>
      %swap3A = arith.constant 4 : i32
      %swap3A_532 = arith.index_cast %swap3A : i32 to index
      %swap3A_533 = arith.index_cast %scan3A_523 : i32 to index
      %swap3A_534 = arith.constant 0 : index
      %swap3A_535 = tpu.vector_load %arg6[%swap3A_532, %swap3A_533, %swap3A_534] {strides = array<i32>} : memref<6x128x128xf32, #tpu.memory_space<vmem>>, vector<1x1x16xf32>,
      %swap3A_536 = vector.shape_cast %swap3A_535 : vector<1x1x16xf32> to vector<16xf32>
      %swap3A_537 = vector.shape_cast %mul3A_531 : vector<16xf32> to vector<1x1x16xf32>
      tpu.vector_store %arg6[%swap3A_532, %swap3A_533, %swap3A_534], %swap3A_537 {strides = array<i32>} : memref<6x128x128xf32, #tpu.memory_space<vmem>>, vector<1x1x16xf32>,
      %get3A_538 = arith.constant 4 : i32
      %get3A_539 = arith.index_cast %get3A_538 : i32 to index
      %get3A_540 = arith.index_cast %scan3A_523 : i32 to index
      %get3A_541 = arith.constant 16 : index
      %get3A_542 = tpu.vector_load %arg6[%get3A_539, %get3A_540, %get3A_541] {strides = array<i32>} : memref<6x128x128xf32, #tpu.memory_space<vmem>>, vector<1x1x16xf32>,
      %get3A_543 = vector.shape_cast %get3A_542 : vector<1x1x16xf32> to vector<16xf32>
      %mul3A_544 = arith.constant 11.3137083 : f32
      %mul3A_545 = vector.broadcast %mul3A_544 : f32 to vector<16xf32>
      %mul3A_546 = arith.mulf %get3A_543, %mul3A_545 : vector<16xf32>
      %swap3A_547 = arith.constant 4 : i32
      %swap3A_548 = arith.index_cast %swap3A_547 : i32 to index
      %swap3A_549 = arith.index_cast %scan3A_523 : i32 to index
      %swap3A_550 = arith.constant 16 : index
      %swap3A_551 = tpu.vector_load %arg6[%swap3A_548, %swap3A_549, %swap3A_550] {strides = array<i32>} : memref<6x128x128xf32, #tpu.memory_space<vmem>>, vector<1x1x16xf32>,
      %swap3A_552 = vector.shape_cast %swap3A_551 : vector<1x1x16xf32> to vector<16xf32>
      %swap3A_553 = vector.shape_cast %mul3A_546 : vector<16xf32> to vector<1x1x16xf32>
      tpu.vector_store %arg6[%swap3A_548, %swap3A_549, %swap3A_550], %swap3A_553 {strides = array<i32>} : memref<6x128x128xf32, #tpu.memory_space<vmem>>, vector<1x1x16xf32>,
      %get3A_554 = arith.constant 4 : i32
      %get3A_555 = arith.index_cast %get3A_554 : i32 to index
      %get3A_556 = arith.index_cast %scan3A_523 : i32 to index
      %get3A_557 = arith.constant 32 : index
      %get3A_558 = tpu.vector_load %arg6[%get3A_555, %get3A_556, %get3A_557] {strides = array<i32>} : memref<6x128x128xf32, #tpu.memory_space<vmem>>, vector<1x1x16xf32>,
      %get3A_559 = vector.shape_cast %get3A_558 : vector<1x1x16xf32> to vector<16xf32>
      %mul3A_560 = arith.constant 11.3137083 : f32
      %mul3A_561 = vector.broadcast %mul3A_560 : f32 to vector<16xf32>
      %mul3A_562 = arith.mulf %get3A_559, %mul3A_561 : vector<16xf32>
      %swap3A_563 = arith.constant 4 : i32
      %swap3A_564 = arith.index_cast %swap3A_563 : i32 to index
      %swap3A_565 = arith.index_cast %scan3A_523 : i32 to index
      %swap3A_566 = arith.constant 32 : index
      %swap3A_567 = tpu.vector_load %arg6[%swap3A_564, %swap3A_565, %swap3A_566] {strides = array<i32>} : memref<6x128x128xf32, #tpu.memory_space<vmem>>, vector<1x1x16xf32>,
      %swap3A_568 = vector.shape_cast %swap3A_567 : vector<1x1x16xf32> to vector<16xf32>
      %swap3A_569 = vector.shape_cast %mul3A_562 : vector<16xf32> to vector<1x1x16xf32>
      tpu.vector_store %arg6[%swap3A_564, %swap3A_565, %swap3A_566], %swap3A_569 {strides = array<i32>} : memref<6x128x128xf32, #tpu.memory_space<vmem>>, vector<1x1x16xf32>,
      %get3A_570 = arith.constant 4 : i32
      %get3A_571 = arith.index_cast %get3A_570 : i32 to index
      %get3A_572 = arith.index_cast %scan3A_523 : i32 to index
      %get3A_573 = arith.constant 48 : index
      %get3A_574 = tpu.vector_load %arg6[%get3A_571, %get3A_572, %get3A_573] {strides = array<i32>} : memref<6x128x128xf32, #tpu.memory_space<vmem>>, vector<1x1x16xf32>,
      %get3A_575 = vector.shape_cast %get3A_574 : vector<1x1x16xf32> to vector<16xf32>
      %mul3A_576 = arith.constant 11.3137083 : f32
      %mul3A_577 = vector.broadcast %mul3A_576 : f32 to vector<16xf32>
      %mul3A_578 = arith.mulf %get3A_575, %mul3A_577 : vector<16xf32>
      %swap3A_579 = arith.constant 4 : i32
      %swap3A_580 = arith.index_cast %swap3A_579 : i32 to index
      %swap3A_581 = arith.index_cast %scan3A_523 : i32 to index
      %swap3A_582 = arith.constant 48 : index
      %swap3A_583 = tpu.vector_load %arg6[%swap3A_580, %swap3A_581, %swap3A_582] {strides = array<i32>} : memref<6x128x128xf32, #tpu.memory_space<vmem>>, vector<1x1x16xf32>,
      %swap3A_584 = vector.shape_cast %swap3A_583 : vector<1x1x16xf32> to vector<16xf32>
      %swap3A_585 = vector.shape_cast %mul3A_578 : vector<16xf32> to vector<1x1x16xf32>
      tpu.vector_store %arg6[%swap3A_580, %swap3A_581, %swap3A_582], %swap3A_585 {strides = array<i32>} : memref<6x128x128xf32, #tpu.memory_space<vmem>>, vector<1x1x16xf32>,
      %get3A_586 = arith.constant 4 : i32
      %get3A_587 = arith.index_cast %get3A_586 : i32 to index
      %get3A_588 = arith.index_cast %scan3A_523 : i32 to index
      %get3A_589 = arith.constant 64 : index
      %get3A_590 = tpu.vector_load %arg6[%get3A_587, %get3A_588, %get3A_589] {strides = array<i32>} : memref<6x128x128xf32, #tpu.memory_space<vmem>>, vector<1x1x16xf32>,
      %get3A_591 = vector.shape_cast %get3A_590 : vector<1x1x16xf32> to vector<16xf32>
      %mul3A_592 = arith.constant 11.3137083 : f32
      %mul3A_593 = vector.broadcast %mul3A_592 : f32 to vector<16xf32>
      %mul3A_594 = arith.mulf %get3A_591, %mul3A_593 : vector<16xf32>
      %swap3A_595 = arith.constant 4 : i32
      %swap3A_596 = arith.index_cast %swap3A_595 : i32 to index
      %swap3A_597 = arith.index_cast %scan3A_523 : i32 to index
      %swap3A_598 = arith.constant 64 : index
      %swap3A_599 = tpu.vector_load %arg6[%swap3A_596, %swap3A_597, %swap3A_598] {strides = array<i32>} : memref<6x128x128xf32, #tpu.memory_space<vmem>>, vector<1x1x16xf32>,
      %swap3A_600 = vector.shape_cast %swap3A_599 : vector<1x1x16xf32> to vector<16xf32>
      %swap3A_601 = vector.shape_cast %mul3A_594 : vector<16xf32> to vector<1x1x16xf32>
      tpu.vector_store %arg6[%swap3A_596, %swap3A_597, %swap3A_598], %swap3A_601 {strides = array<i32>} : memref<6x128x128xf32, #tpu.memory_space<vmem>>, vector<1x1x16xf32>,
      %get3A_602 = arith.constant 4 : i32
      %get3A_603 = arith.index_cast %get3A_602 : i32 to index
      %get3A_604 = arith.index_cast %scan3A_523 : i32 to index
      %get3A_605 = arith.constant 80 : index
      %get3A_606 = tpu.vector_load %arg6[%get3A_603, %get3A_604, %get3A_605] {strides = array<i32>} : memref<6x128x128xf32, #tpu.memory_space<vmem>>, vector<1x1x16xf32>,
      %get3A_607 = vector.shape_cast %get3A_606 : vector<1x1x16xf32> to vector<16xf32>
      %mul3A_608 = arith.constant 11.3137083 : f32
      %mul3A_609 = vector.broadcast %mul3A_608 : f32 to vector<16xf32>
      %mul3A_610 = arith.mulf %get3A_607, %mul3A_609 : vector<16xf32>
      %swap3A_611 = arith.constant 4 : i32
      %swap3A_612 = arith.index_cast %swap3A_611 : i32 to index
      %swap3A_613 = arith.index_cast %scan3A_523 : i32 to index
      %swap3A_614 = arith.constant 80 : index
      %swap3A_615 = tpu.vector_load %arg6[%swap3A_612, %swap3A_613, %swap3A_614] {strides = array<i32>} : memref<6x128x128xf32, #tpu.memory_space<vmem>>, vector<1x1x16xf32>,
      %swap3A_616 = vector.shape_cast %swap3A_615 : vector<1x1x16xf32> to vector<16xf32>
      %swap3A_617 = vector.shape_cast %mul3A_610 : vector<16xf32> to vector<1x1x16xf32>
      tpu.vector_store %arg6[%swap3A_612, %swap3A_613, %swap3A_614], %swap3A_617 {strides = array<i32>} : memref<6x128x128xf32, #tpu.memory_space<vmem>>, vector<1x1x16xf32>,
      %get3A_618 = arith.constant 4 : i32
      %get3A_619 = arith.index_cast %get3A_618 : i32 to index
      %get3A_620 = arith.index_cast %scan3A_523 : i32 to index
      %get3A_621 = arith.constant 96 : index
      %get3A_622 = tpu.vector_load %arg6[%get3A_619, %get3A_620, %get3A_621] {strides = array<i32>} : memref<6x128x128xf32, #tpu.memory_space<vmem>>, vector<1x1x16xf32>,
      %get3A_623 = vector.shape_cast %get3A_622 : vector<1x1x16xf32> to vector<16xf32>
      %mul3A_624 = arith.constant 11.3137083 : f32
      %mul3A_625 = vector.broadcast %mul3A_624 : f32 to vector<16xf32>
      %mul3A_626 = arith.mulf %get3A_623, %mul3A_625 : vector<16xf32>
      %swap3A_627 = arith.constant 4 : i32
      %swap3A_628 = arith.index_cast %swap3A_627 : i32 to index
      %swap3A_629 = arith.index_cast %scan3A_523 : i32 to index
      %swap3A_630 = arith.constant 96 : index
      %swap3A_631 = tpu.vector_load %arg6[%swap3A_628, %swap3A_629, %swap3A_630] {strides = array<i32>} : memref<6x128x128xf32, #tpu.memory_space<vmem>>, vector<1x1x16xf32>,
      %swap3A_632 = vector.shape_cast %swap3A_631 : vector<1x1x16xf32> to vector<16xf32>
      %swap3A_633 = vector.shape_cast %mul3A_626 : vector<16xf32> to vector<1x1x16xf32>
      tpu.vector_store %arg6[%swap3A_628, %swap3A_629, %swap3A_630], %swap3A_633 {strides = array<i32>} : memref<6x128x128xf32, #tpu.memory_space<vmem>>, vector<1x1x16xf32>,
      %get3A_634 = arith.constant 4 : i32
      %get3A_635 = arith.index_cast %get3A_634 : i32 to index
      %get3A_636 = arith.index_cast %scan3A_523 : i32 to index
      %get3A_637 = arith.constant 112 : index
      %get3A_638 = tpu.vector_load %arg6[%get3A_635, %get3A_636, %get3A_637] {strides = array<i32>} : memref<6x128x128xf32, #tpu.memory_space<vmem>>, vector<1x1x16xf32>,
      %get3A_639 = vector.shape_cast %get3A_638 : vector<1x1x16xf32> to vector<16xf32>
      %mul3A_640 = arith.constant 11.3137083 : f32
      %mul3A_641 = vector.broadcast %mul3A_640 : f32 to vector<16xf32>
      %mul3A_642 = arith.mulf %get3A_639, %mul3A_641 : vector<16xf32>
      %swap3A_643 = arith.constant 4 : i32
      %swap3A_644 = arith.index_cast %swap3A_643 : i32 to index
      %swap3A_645 = arith.index_cast %scan3A_523 : i32 to index
      %swap3A_646 = arith.constant 112 : index
      %swap3A_647 = tpu.vector_load %arg6[%swap3A_644, %swap3A_645, %swap3A_646] {strides = array<i32>} : memref<6x128x128xf32, #tpu.memory_space<vmem>>, vector<1x1x16xf32>,
      %swap3A_648 = vector.shape_cast %swap3A_647 : vector<1x1x16xf32> to vector<16xf32>
      %swap3A_649 = vector.shape_cast %mul3A_642 : vector<16xf32> to vector<1x1x16xf32>
      tpu.vector_store %arg6[%swap3A_644, %swap3A_645, %swap3A_646], %swap3A_649 {strides = array<i32>} : memref<6x128x128xf32, #tpu.memory_space<vmem>>, vector<1x1x16xf32>,
      %scan3A_650 = arith.constant 1 : i32
      %scan3A_651 = arith.addi %scan3A_523, %scan3A_650 : i32
      %get3A_652 = arith.constant 4 : i32
      %get3A_653 = arith.index_cast %get3A_652 : i32 to index
      %get3A_654 = arith.index_cast %scan3A_651 : i32 to index
      %get3A_655 = arith.constant 0 : index
      %get3A_656 = tpu.vector_load %arg6[%get3A_653, %get3A_654, %get3A_655] {strides = array<i32>} : memref<6x128x128xf32, #tpu.memory_space<vmem>>, vector<1x1x16xf32>,
      %get3A_657 = vector.shape_cast %get3A_656 : vector<1x1x16xf32> to vector<16xf32>
      %mul3A_658 = arith.constant 11.3137083 : f32
      %mul3A_659 = vector.broadcast %mul3A_658 : f32 to vector<16xf32>
      %mul3A_660 = arith.mulf %get3A_657, %mul3A_659 : vector<16xf32>
      %swap3A_661 = arith.constant 4 : i32
      %swap3A_662 = arith.index_cast %swap3A_661 : i32 to index
      %swap3A_663 = arith.index_cast %scan3A_651 : i32 to index
      %swap3A_664 = arith.constant 0 : index
      %swap3A_665 = tpu.vector_load %arg6[%swap3A_662, %swap3A_663, %swap3A_664] {strides = array<i32>} : memref<6x128x128xf32, #tpu.memory_space<vmem>>, vector<1x1x16xf32>,
      %swap3A_666 = vector.shape_cast %swap3A_665 : vector<1x1x16xf32> to vector<16xf32>
      %swap3A_667 = vector.shape_cast %mul3A_660 : vector<16xf32> to vector<1x1x16xf32>
      tpu.vector_store %arg6[%swap3A_662, %swap3A_663, %swap3A_664], %swap3A_667 {strides = array<i32>} : memref<6x128x128xf32, #tpu.memory_space<vmem>>, vector<1x1x16xf32>,
      %get3A_668 = arith.constant 4 : i32
      %get3A_669 = arith.index_cast %get3A_668 : i32 to index
      %get3A_670 = arith.index_cast %scan3A_651 : i32 to index
      %get3A_671 = arith.constant 16 : index
      %get3A_672 = tpu.vector_load %arg6[%get3A_669, %get3A_670, %get3A_671] {strides = array<i32>} : memref<6x128x128xf32, #tpu.memory_space<vmem>>, vector<1x1x16xf32>,
      %get3A_673 = vector.shape_cast %get3A_672 : vector<1x1x16xf32> to vector<16xf32>
      %mul3A_674 = arith.constant 11.3137083 : f32
      %mul3A_675 = vector.broadcast %mul3A_674 : f32 to vector<16xf32>
      %mul3A_676 = arith.mulf %get3A_673, %mul3A_675 : vector<16xf32>
      %swap3A_677 = arith.constant 4 : i32
      %swap3A_678 = arith.index_cast %swap3A_677 : i32 to index
      %swap3A_679 = arith.index_cast %scan3A_651 : i32 to index
      %swap3A_680 = arith.constant 16 : index
      %swap3A_681 = tpu.vector_load %arg6[%swap3A_678, %swap3A_679, %swap3A_680] {strides = array<i32>} : memref<6x128x128xf32, #tpu.memory_space<vmem>>, vector<1x1x16xf32>,
      %swap3A_682 = vector.shape_cast %swap3A_681 : vector<1x1x16xf32> to vector<16xf32>
      %swap3A_683 = vector.shape_cast %mul3A_676 : vector<16xf32> to vector<1x1x16xf32>
      tpu.vector_store %arg6[%swap3A_678, %swap3A_679, %swap3A_680], %swap3A_683 {strides = array<i32>} : memref<6x128x128xf32, #tpu.memory_space<vmem>>, vector<1x1x16xf32>,
      %get3A_684 = arith.constant 4 : i32
      %get3A_685 = arith.index_cast %get3A_684 : i32 to index
      %get3A_686 = arith.index_cast %scan3A_651 : i32 to index
      %get3A_687 = arith.constant 32 : index
      %get3A_688 = tpu.vector_load %arg6[%get3A_685, %get3A_686, %get3A_687] {strides = array<i32>} : memref<6x128x128xf32, #tpu.memory_space<vmem>>, vector<1x1x16xf32>,
      %get3A_689 = vector.shape_cast %get3A_688 : vector<1x1x16xf32> to vector<16xf32>
      %mul3A_690 = arith.constant 11.3137083 : f32
      %mul3A_691 = vector.broadcast %mul3A_690 : f32 to vector<16xf32>
      %mul3A_692 = arith.mulf %get3A_689, %mul3A_691 : vector<16xf32>
      %swap3A_693 = arith.constant 4 : i32
      %swap3A_694 = arith.index_cast %swap3A_693 : i32 to index
      %swap3A_695 = arith.index_cast %scan3A_651 : i32 to index
      %swap3A_696 = arith.constant 32 : index
      %swap3A_697 = tpu.vector_load %arg6[%swap3A_694, %swap3A_695, %swap3A_696] {strides = array<i32>} : memref<6x128x128xf32, #tpu.memory_space<vmem>>, vector<1x1x16xf32>,
      %swap3A_698 = vector.shape_cast %swap3A_697 : vector<1x1x16xf32> to vector<16xf32>
      %swap3A_699 = vector.shape_cast %mul3A_692 : vector<16xf32> to vector<1x1x16xf32>
      tpu.vector_store %arg6[%swap3A_694, %swap3A_695, %swap3A_696], %swap3A_699 {strides = array<i32>} : memref<6x128x128xf32, #tpu.memory_space<vmem>>, vector<1x1x16xf32>,
      %get3A_700 = arith.constant 4 : i32
      %get3A_701 = arith.index_cast %get3A_700 : i32 to index
      %get3A_702 = arith.index_cast %scan3A_651 : i32 to index
      %get3A_703 = arith.constant 48 : index
      %get3A_704 = tpu.vector_load %arg6[%get3A_701, %get3A_702, %get3A_703] {strides = array<i32>} : memref<6x128x128xf32, #tpu.memory_space<vmem>>, vector<1x1x16xf32>,
      %get3A_705 = vector.shape_cast %get3A_704 : vector<1x1x16xf32> to vector<16xf32>
      %mul3A_706 = arith.constant 11.3137083 : f32
      %mul3A_707 = vector.broadcast %mul3A_706 : f32 to vector<16xf32>
      %mul3A_708 = arith.mulf %get3A_705, %mul3A_707 : vector<16xf32>
      %swap3A_709 = arith.constant 4 : i32
      %swap3A_710 = arith.index_cast %swap3A_709 : i32 to index
      %swap3A_711 = arith.index_cast %scan3A_651 : i32 to index
      %swap3A_712 = arith.constant 48 : index
      %swap3A_713 = tpu.vector_load %arg6[%swap3A_710, %swap3A_711, %swap3A_712] {strides = array<i32>} : memref<6x128x128xf32, #tpu.memory_space<vmem>>, vector<1x1x16xf32>,
      %swap3A_714 = vector.shape_cast %swap3A_713 : vector<1x1x16xf32> to vector<16xf32>
      %swap3A_715 = vector.shape_cast %mul3A_708 : vector<16xf32> to vector<1x1x16xf32>
      tpu.vector_store %arg6[%swap3A_710, %swap3A_711, %swap3A_712], %swap3A_715 {strides = array<i32>} : memref<6x128x128xf32, #tpu.memory_space<vmem>>, vector<1x1x16xf32>,
      %get3A_716 = arith.constant 4 : i32
      %get3A_717 = arith.index_cast %get3A_716 : i32 to index
      %get3A_718 = arith.index_cast %scan3A_651 : i32 to index
      %get3A_719 = arith.constant 64 : index
      %get3A_720 = tpu.vector_load %arg6[%get3A_717, %get3A_718, %get3A_719] {strides = array<i32>} : memref<6x128x128xf32, #tpu.memory_space<vmem>>, vector<1x1x16xf32>,
      %get3A_721 = vector.shape_cast %get3A_720 : vector<1x1x16xf32> to vector<16xf32>
      %mul3A_722 = arith.constant 11.3137083 : f32
      %mul3A_723 = vector.broadcast %mul3A_722 : f32 to vector<16xf32>
      %mul3A_724 = arith.mulf %get3A_721, %mul3A_723 : vector<16xf32>
      %swap3A_725 = arith.constant 4 : i32
      %swap3A_726 = arith.index_cast %swap3A_725 : i32 to index
      %swap3A_727 = arith.index_cast %scan3A_651 : i32 to index
      %swap3A_728 = arith.constant 64 : index
      %swap3A_729 = tpu.vector_load %arg6[%swap3A_726, %swap3A_727, %swap3A_728] {strides = array<i32>} : memref<6x128x128xf32, #tpu.memory_space<vmem>>, vector<1x1x16xf32>,
      %swap3A_730 = vector.shape_cast %swap3A_729 : vector<1x1x16xf32> to vector<16xf32>
      %swap3A_731 = vector.shape_cast %mul3A_724 : vector<16xf32> to vector<1x1x16xf32>
      tpu.vector_store %arg6[%swap3A_726, %swap3A_727, %swap3A_728], %swap3A_731 {strides = array<i32>} : memref<6x128x128xf32, #tpu.memory_space<vmem>>, vector<1x1x16xf32>,
      %get3A_732 = arith.constant 4 : i32
      %get3A_733 = arith.index_cast %get3A_732 : i32 to index
      %get3A_734 = arith.index_cast %scan3A_651 : i32 to index
      %get3A_735 = arith.constant 80 : index
      %get3A_736 = tpu.vector_load %arg6[%get3A_733, %get3A_734, %get3A_735] {strides = array<i32>} : memref<6x128x128xf32, #tpu.memory_space<vmem>>, vector<1x1x16xf32>,
      %get3A_737 = vector.shape_cast %get3A_736 : vector<1x1x16xf32> to vector<16xf32>
      %mul3A_738 = arith.constant 11.3137083 : f32
      %mul3A_739 = vector.broadcast %mul3A_738 : f32 to vector<16xf32>
      %mul3A_740 = arith.mulf %get3A_737, %mul3A_739 : vector<16xf32>
      %swap3A_741 = arith.constant 4 : i32
      %swap3A_742 = arith.index_cast %swap3A_741 : i32 to index
      %swap3A_743 = arith.index_cast %scan3A_651 : i32 to index
      %swap3A_744 = arith.constant 80 : index
      %swap3A_745 = tpu.vector_load %arg6[%swap3A_742, %swap3A_743, %swap3A_744] {strides = array<i32>} : memref<6x128x128xf32, #tpu.memory_space<vmem>>, vector<1x1x16xf32>,
      %swap3A_746 = vector.shape_cast %swap3A_745 : vector<1x1x16xf32> to vector<16xf32>
      %swap3A_747 = vector.shape_cast %mul3A_740 : vector<16xf32> to vector<1x1x16xf32>
      tpu.vector_store %arg6[%swap3A_742, %swap3A_743, %swap3A_744], %swap3A_747 {strides = array<i32>} : memref<6x128x128xf32, #tpu.memory_space<vmem>>, vector<1x1x16xf32>,
      %get3A_748 = arith.constant 4 : i32
      %get3A_749 = arith.index_cast %get3A_748 : i32 to index
      %get3A_750 = arith.index_cast %scan3A_651 : i32 to index
      %get3A_751 = arith.constant 96 : index
      %get3A_752 = tpu.vector_load %arg6[%get3A_749, %get3A_750, %get3A_751] {strides = array<i32>} : memref<6x128x128xf32, #tpu.memory_space<vmem>>, vector<1x1x16xf32>,
      %get3A_753 = vector.shape_cast %get3A_752 : vector<1x1x16xf32> to vector<16xf32>
      %mul3A_754 = arith.constant 11.3137083 : f32
      %mul3A_755 = vector.broadcast %mul3A_754 : f32 to vector<16xf32>
      %mul3A_756 = arith.mulf %get3A_753, %mul3A_755 : vector<16xf32>
      %swap3A_757 = arith.constant 4 : i32
      %swap3A_758 = arith.index_cast %swap3A_757 : i32 to index
      %swap3A_759 = arith.index_cast %scan3A_651 : i32 to index
      %swap3A_760 = arith.constant 96 : index
      %swap3A_761 = tpu.vector_load %arg6[%swap3A_758, %swap3A_759, %swap3A_760] {strides = array<i32>} : memref<6x128x128xf32, #tpu.memory_space<vmem>>, vector<1x1x16xf32>,
      %swap3A_762 = vector.shape_cast %swap3A_761 : vector<1x1x16xf32> to vector<16xf32>
      %swap3A_763 = vector.shape_cast %mul3A_756 : vector<16xf32> to vector<1x1x16xf32>
      tpu.vector_store %arg6[%swap3A_758, %swap3A_759, %swap3A_760], %swap3A_763 {strides = array<i32>} : memref<6x128x128xf32, #tpu.memory_space<vmem>>, vector<1x1x16xf32>,
      %get3A_764 = arith.constant 4 : i32
      %get3A_765 = arith.index_cast %get3A_764 : i32 to index
      %get3A_766 = arith.index_cast %scan3A_651 : i32 to index
      %get3A_767 = arith.constant 112 : index
      %get3A_768 = tpu.vector_load %arg6[%get3A_765, %get3A_766, %get3A_767] {strides = array<i32>} : memref<6x128x128xf32, #tpu.memory_space<vmem>>, vector<1x1x16xf32>,
      %get3A_769 = vector.shape_cast %get3A_768 : vector<1x1x16xf32> to vector<16xf32>
      %mul3A_770 = arith.constant 11.3137083 : f32
      %mul3A_771 = vector.broadcast %mul3A_770 : f32 to vector<16xf32>
      %mul3A_772 = arith.mulf %get3A_769, %mul3A_771 : vector<16xf32>
      %swap3A_773 = arith.constant 4 : i32
      %swap3A_774 = arith.index_cast %swap3A_773 : i32 to index
      %swap3A_775 = arith.index_cast %scan3A_651 : i32 to index
      %swap3A_776 = arith.constant 112 : index
      %swap3A_777 = tpu.vector_load %arg6[%swap3A_774, %swap3A_775, %swap3A_776] {strides = array<i32>} : memref<6x128x128xf32, #tpu.memory_space<vmem>>, vector<1x1x16xf32>,
      %swap3A_778 = vector.shape_cast %swap3A_777 : vector<1x1x16xf32> to vector<16xf32>
      %swap3A_779 = vector.shape_cast %mul3A_772 : vector<16xf32> to vector<1x1x16xf32>
      tpu.vector_store %arg6[%swap3A_774, %swap3A_775, %swap3A_776], %swap3A_779 {strides = array<i32>} : memref<6x128x128xf32, #tpu.memory_space<vmem>>, vector<1x1x16xf32>,
    }
    %scan3A_291 = arith.constant 128 : i32
    %dma_start3A_292 = arith.constant 4 : i32
    %dma_start3A_293 = arith.constant 196 : i32
    %dma_start3A_294 = arith.constant 0 : i32
    %dma_start3A_295 = arith.constant 0 : i32
    %dma_start3A_296 = tpu.memref_slice %arg6[%dma_start3A_292, %dma_start3A_294, %dma_start3A_295] : memref<6x128x128xf32, #tpu.memory_space<vmem>> -> memref<1x128x128xf32, #tpu.memory_space<vmem>>
    %dma_start3A_297 = tpu.memref_squeeze %dma_start3A_296 : memref<1x128x128xf32, #tpu.memory_space<vmem>> -> memref<128x128xf32, #tpu.memory_space<vmem>>
    %dma_start3A_298 = arith.constant 0 : i32
    %dma_start3A_299 = arith.constant 0 : i32
    %dma_start3A_300 = tpu.memref_slice %arg4[%add3A, %dma_start3A_293, %dma_start3A_298, %dma_start3A_299] : memref<32x200x128x128xf32, #tpu.memory_space<hbm>> -> memref<1x1x128x128xf32, #tpu.memory_space<hbm>>
    %dma_start3A_301 = tpu.memref_squeeze %dma_start3A_300 : memref<1x1x128x128xf32, #tpu.memory_space<hbm>> -> memref<128x128xf32, #tpu.memory_space<hbm>>
    %dma_start3A_302 = arith.constant 0 : i32
    %dma_start3A_303 = arith.constant 0 : i32
    %dma_start3A_304 = tpu.memref_slice %arg4[%add3A, %dma_start3A_293, %dma_start3A_302, %dma_start3A_303] : memref<32x200x128x128xf32, #tpu.memory_space<hbm>> -> memref<1x1x128x128xf32, #tpu.memory_space<hbm>>
    %dma_start3A_305 = tpu.memref_squeeze %dma_start3A_304 : memref<1x1x128x128xf32, #tpu.memory_space<hbm>> -> memref<128x128xf32, #tpu.memory_space<hbm>>
    %dma_start3A_306 = arith.constant 0 : i32
    %dma_start3A_307 = arith.constant 0 : i32
    %dma_start3A_308 = tpu.memref_slice %arg6[%dma_start3A_292, %dma_start3A_306, %dma_start3A_307] : memref<6x128x128xf32, #tpu.memory_space<vmem>> -> memref<1x128x128xf32, #tpu.memory_space<vmem>>
    %dma_start3A_309 = tpu.memref_squeeze %dma_start3A_308 : memref<1x128x128xf32, #tpu.memory_space<vmem>> -> memref<128x128xf32, #tpu.memory_space<vmem>>
    tpu.enqueue_dma source(%dma_start3A_309 : memref<128x128xf32, #tpu.memory_space<vmem>>) target(%dma_start3A_305 : memref<128x128xf32, #tpu.memory_space<hbm>>) target_semaphore(%arg17 : memref<!tpu.dma_semaphore, #tpu.memory_space<semaphore_mem>>)
    %dma_wait3A_310 = arith.constant 197 : i32
    %dma_wait3A_311 = arith.constant 5 : i32
    %dma_wait3A_312 = arith.constant 0 : i32
    %dma_wait3A_313 = arith.constant 0 : i32
    %dma_wait3A_314 = tpu.memref_slice %arg6[%dma_wait3A_311, %dma_wait3A_312, %dma_wait3A_313] : memref<6x128x128xf32, #tpu.memory_space<vmem>> -> memref<1x128x128xf32, #tpu.memory_space<vmem>>
    %dma_wait3A_315 = tpu.memref_squeeze %dma_wait3A_314 : memref<1x128x128xf32, #tpu.memory_space<vmem>> -> memref<128x128xf32, #tpu.memory_space<vmem>>
    %dma_wait3A_316 = arith.constant 0 : i32
    %dma_wait3A_317 = tpu.memref_slice %arg5[%dma_wait3A_310, %dma_wait3A_316] : memref<200x128xi32, #tpu.memory_space<vmem>> -> memref<1x128xi32, #tpu.memory_space<vmem>>
    %dma_wait3A_318 = tpu.memref_squeeze %dma_wait3A_317 : memref<1x128xi32, #tpu.memory_space<vmem>> -> memref<128xi32, #tpu.memory_space<vmem>>
    %dma_wait3A_319 = arith.constant 0 : i32
    %dma_wait3A_320 = arith.constant 0 : i32
    %dma_wait3A_321 = tpu.memref_slice %arg3[%dma_wait3A_319, %dma_wait3A_320] : memref<100000x128xf32, #tpu.memory_space<hbm>> -> memref<100000x128xf32, #tpu.memory_space<hbm>>
    tpu.wait_indirect_dma semaphore(%arg12 : memref<!tpu.dma_semaphore, #tpu.memory_space<semaphore_mem>>) src(%dma_wait3A_321 : memref<100000x128xf32, #tpu.memory_space<hbm>>) dst(%dma_wait3A_315 : memref<128x128xf32, #tpu.memory_space<vmem>>)
    %scan3A_322 = arith.constant 0 : i32
    %scan3A_323 = arith.constant 128 : i32
    %scan3A_324 = arith.addi %scan3A_322, %scan3A_323 : i32
    %scan3A_325 = arith.constant 2 : i32
    scf.for %scan3A_523 = %scan3A_322 to %scan3A_324 step %scan3A_325  : i32 {
      %get3A = arith.constant 5 : i32
      %get3A_524 = arith.index_cast %get3A : i32 to index
      %get3A_525 = arith.index_cast %scan3A_523 : i32 to index
      %get3A_526 = arith.constant 0 : index
      %get3A_527 = tpu.vector_load %arg6[%get3A_524, %get3A_525, %get3A_526] {strides = array<i32>} : memref<6x128x128xf32, #tpu.memory_space<vmem>>, vector<1x1x16xf32>,
      %get3A_528 = vector.shape_cast %get3A_527 : vector<1x1x16xf32> to vector<16xf32>
      %mul3A_529 = arith.constant 11.3137083 : f32
      %mul3A_530 = vector.broadcast %mul3A_529 : f32 to vector<16xf32>
      %mul3A_531 = arith.mulf %get3A_528, %mul3A_530 : vector<16xf32>
      %swap3A = arith.constant 5 : i32
      %swap3A_532 = arith.index_cast %swap3A : i32 to index
      %swap3A_533 = arith.index_cast %scan3A_523 : i32 to index
      %swap3A_534 = arith.constant 0 : index
      %swap3A_535 = tpu.vector_load %arg6[%swap3A_532, %swap3A_533, %swap3A_534] {strides = array<i32>} : memref<6x128x128xf32, #tpu.memory_space<vmem>>, vector<1x1x16xf32>,
      %swap3A_536 = vector.shape_cast %swap3A_535 : vector<1x1x16xf32> to vector<16xf32>
      %swap3A_537 = vector.shape_cast %mul3A_531 : vector<16xf32> to vector<1x1x16xf32>
      tpu.vector_store %arg6[%swap3A_532, %swap3A_533, %swap3A_534], %swap3A_537 {strides = array<i32>} : memref<6x128x128xf32, #tpu.memory_space<vmem>>, vector<1x1x16xf32>,
      %get3A_538 = arith.constant 5 : i32
      %get3A_539 = arith.index_cast %get3A_538 : i32 to index
      %get3A_540 = arith.index_cast %scan3A_523 : i32 to index
      %get3A_541 = arith.constant 16 : index
      %get3A_542 = tpu.vector_load %arg6[%get3A_539, %get3A_540, %get3A_541] {strides = array<i32>} : memref<6x128x128xf32, #tpu.memory_space<vmem>>, vector<1x1x16xf32>,
      %get3A_543 = vector.shape_cast %get3A_542 : vector<1x1x16xf32> to vector<16xf32>
      %mul3A_544 = arith.constant 11.3137083 : f32
      %mul3A_545 = vector.broadcast %mul3A_544 : f32 to vector<16xf32>
      %mul3A_546 = arith.mulf %get3A_543, %mul3A_545 : vector<16xf32>
      %swap3A_547 = arith.constant 5 : i32
      %swap3A_548 = arith.index_cast %swap3A_547 : i32 to index
      %swap3A_549 = arith.index_cast %scan3A_523 : i32 to index
      %swap3A_550 = arith.constant 16 : index
      %swap3A_551 = tpu.vector_load %arg6[%swap3A_548, %swap3A_549, %swap3A_550] {strides = array<i32>} : memref<6x128x128xf32, #tpu.memory_space<vmem>>, vector<1x1x16xf32>,
      %swap3A_552 = vector.shape_cast %swap3A_551 : vector<1x1x16xf32> to vector<16xf32>
      %swap3A_553 = vector.shape_cast %mul3A_546 : vector<16xf32> to vector<1x1x16xf32>
      tpu.vector_store %arg6[%swap3A_548, %swap3A_549, %swap3A_550], %swap3A_553 {strides = array<i32>} : memref<6x128x128xf32, #tpu.memory_space<vmem>>, vector<1x1x16xf32>,
      %get3A_554 = arith.constant 5 : i32
      %get3A_555 = arith.index_cast %get3A_554 : i32 to index
      %get3A_556 = arith.index_cast %scan3A_523 : i32 to index
      %get3A_557 = arith.constant 32 : index
      %get3A_558 = tpu.vector_load %arg6[%get3A_555, %get3A_556, %get3A_557] {strides = array<i32>} : memref<6x128x128xf32, #tpu.memory_space<vmem>>, vector<1x1x16xf32>,
      %get3A_559 = vector.shape_cast %get3A_558 : vector<1x1x16xf32> to vector<16xf32>
      %mul3A_560 = arith.constant 11.3137083 : f32
      %mul3A_561 = vector.broadcast %mul3A_560 : f32 to vector<16xf32>
      %mul3A_562 = arith.mulf %get3A_559, %mul3A_561 : vector<16xf32>
      %swap3A_563 = arith.constant 5 : i32
      %swap3A_564 = arith.index_cast %swap3A_563 : i32 to index
      %swap3A_565 = arith.index_cast %scan3A_523 : i32 to index
      %swap3A_566 = arith.constant 32 : index
      %swap3A_567 = tpu.vector_load %arg6[%swap3A_564, %swap3A_565, %swap3A_566] {strides = array<i32>} : memref<6x128x128xf32, #tpu.memory_space<vmem>>, vector<1x1x16xf32>,
      %swap3A_568 = vector.shape_cast %swap3A_567 : vector<1x1x16xf32> to vector<16xf32>
      %swap3A_569 = vector.shape_cast %mul3A_562 : vector<16xf32> to vector<1x1x16xf32>
      tpu.vector_store %arg6[%swap3A_564, %swap3A_565, %swap3A_566], %swap3A_569 {strides = array<i32>} : memref<6x128x128xf32, #tpu.memory_space<vmem>>, vector<1x1x16xf32>,
      %get3A_570 = arith.constant 5 : i32
      %get3A_571 = arith.index_cast %get3A_570 : i32 to index
      %get3A_572 = arith.index_cast %scan3A_523 : i32 to index
      %get3A_573 = arith.constant 48 : index
      %get3A_574 = tpu.vector_load %arg6[%get3A_571, %get3A_572, %get3A_573] {strides = array<i32>} : memref<6x128x128xf32, #tpu.memory_space<vmem>>, vector<1x1x16xf32>,
      %get3A_575 = vector.shape_cast %get3A_574 : vector<1x1x16xf32> to vector<16xf32>
      %mul3A_576 = arith.constant 11.3137083 : f32
      %mul3A_577 = vector.broadcast %mul3A_576 : f32 to vector<16xf32>
      %mul3A_578 = arith.mulf %get3A_575, %mul3A_577 : vector<16xf32>
      %swap3A_579 = arith.constant 5 : i32
      %swap3A_580 = arith.index_cast %swap3A_579 : i32 to index
      %swap3A_581 = arith.index_cast %scan3A_523 : i32 to index
      %swap3A_582 = arith.constant 48 : index
      %swap3A_583 = tpu.vector_load %arg6[%swap3A_580, %swap3A_581, %swap3A_582] {strides = array<i32>} : memref<6x128x128xf32, #tpu.memory_space<vmem>>, vector<1x1x16xf32>,
      %swap3A_584 = vector.shape_cast %swap3A_583 : vector<1x1x16xf32> to vector<16xf32>
      %swap3A_585 = vector.shape_cast %mul3A_578 : vector<16xf32> to vector<1x1x16xf32>
      tpu.vector_store %arg6[%swap3A_580, %swap3A_581, %swap3A_582], %swap3A_585 {strides = array<i32>} : memref<6x128x128xf32, #tpu.memory_space<vmem>>, vector<1x1x16xf32>,
      %get3A_586 = arith.constant 5 : i32
      %get3A_587 = arith.index_cast %get3A_586 : i32 to index
      %get3A_588 = arith.index_cast %scan3A_523 : i32 to index
      %get3A_589 = arith.constant 64 : index
      %get3A_590 = tpu.vector_load %arg6[%get3A_587, %get3A_588, %get3A_589] {strides = array<i32>} : memref<6x128x128xf32, #tpu.memory_space<vmem>>, vector<1x1x16xf32>,
      %get3A_591 = vector.shape_cast %get3A_590 : vector<1x1x16xf32> to vector<16xf32>
      %mul3A_592 = arith.constant 11.3137083 : f32
      %mul3A_593 = vector.broadcast %mul3A_592 : f32 to vector<16xf32>
      %mul3A_594 = arith.mulf %get3A_591, %mul3A_593 : vector<16xf32>
      %swap3A_595 = arith.constant 5 : i32
      %swap3A_596 = arith.index_cast %swap3A_595 : i32 to index
      %swap3A_597 = arith.index_cast %scan3A_523 : i32 to index
      %swap3A_598 = arith.constant 64 : index
      %swap3A_599 = tpu.vector_load %arg6[%swap3A_596, %swap3A_597, %swap3A_598] {strides = array<i32>} : memref<6x128x128xf32, #tpu.memory_space<vmem>>, vector<1x1x16xf32>,
      %swap3A_600 = vector.shape_cast %swap3A_599 : vector<1x1x16xf32> to vector<16xf32>
      %swap3A_601 = vector.shape_cast %mul3A_594 : vector<16xf32> to vector<1x1x16xf32>
      tpu.vector_store %arg6[%swap3A_596, %swap3A_597, %swap3A_598], %swap3A_601 {strides = array<i32>} : memref<6x128x128xf32, #tpu.memory_space<vmem>>, vector<1x1x16xf32>,
      %get3A_602 = arith.constant 5 : i32
      %get3A_603 = arith.index_cast %get3A_602 : i32 to index
      %get3A_604 = arith.index_cast %scan3A_523 : i32 to index
      %get3A_605 = arith.constant 80 : index
      %get3A_606 = tpu.vector_load %arg6[%get3A_603, %get3A_604, %get3A_605] {strides = array<i32>} : memref<6x128x128xf32, #tpu.memory_space<vmem>>, vector<1x1x16xf32>,
      %get3A_607 = vector.shape_cast %get3A_606 : vector<1x1x16xf32> to vector<16xf32>
      %mul3A_608 = arith.constant 11.3137083 : f32
      %mul3A_609 = vector.broadcast %mul3A_608 : f32 to vector<16xf32>
      %mul3A_610 = arith.mulf %get3A_607, %mul3A_609 : vector<16xf32>
      %swap3A_611 = arith.constant 5 : i32
      %swap3A_612 = arith.index_cast %swap3A_611 : i32 to index
      %swap3A_613 = arith.index_cast %scan3A_523 : i32 to index
      %swap3A_614 = arith.constant 80 : index
      %swap3A_615 = tpu.vector_load %arg6[%swap3A_612, %swap3A_613, %swap3A_614] {strides = array<i32>} : memref<6x128x128xf32, #tpu.memory_space<vmem>>, vector<1x1x16xf32>,
      %swap3A_616 = vector.shape_cast %swap3A_615 : vector<1x1x16xf32> to vector<16xf32>
      %swap3A_617 = vector.shape_cast %mul3A_610 : vector<16xf32> to vector<1x1x16xf32>
      tpu.vector_store %arg6[%swap3A_612, %swap3A_613, %swap3A_614], %swap3A_617 {strides = array<i32>} : memref<6x128x128xf32, #tpu.memory_space<vmem>>, vector<1x1x16xf32>,
      %get3A_618 = arith.constant 5 : i32
      %get3A_619 = arith.index_cast %get3A_618 : i32 to index
      %get3A_620 = arith.index_cast %scan3A_523 : i32 to index
      %get3A_621 = arith.constant 96 : index
      %get3A_622 = tpu.vector_load %arg6[%get3A_619, %get3A_620, %get3A_621] {strides = array<i32>} : memref<6x128x128xf32, #tpu.memory_space<vmem>>, vector<1x1x16xf32>,
      %get3A_623 = vector.shape_cast %get3A_622 : vector<1x1x16xf32> to vector<16xf32>
      %mul3A_624 = arith.constant 11.3137083 : f32
      %mul3A_625 = vector.broadcast %mul3A_624 : f32 to vector<16xf32>
      %mul3A_626 = arith.mulf %get3A_623, %mul3A_625 : vector<16xf32>
      %swap3A_627 = arith.constant 5 : i32
      %swap3A_628 = arith.index_cast %swap3A_627 : i32 to index
      %swap3A_629 = arith.index_cast %scan3A_523 : i32 to index
      %swap3A_630 = arith.constant 96 : index
      %swap3A_631 = tpu.vector_load %arg6[%swap3A_628, %swap3A_629, %swap3A_630] {strides = array<i32>} : memref<6x128x128xf32, #tpu.memory_space<vmem>>, vector<1x1x16xf32>,
      %swap3A_632 = vector.shape_cast %swap3A_631 : vector<1x1x16xf32> to vector<16xf32>
      %swap3A_633 = vector.shape_cast %mul3A_626 : vector<16xf32> to vector<1x1x16xf32>
      tpu.vector_store %arg6[%swap3A_628, %swap3A_629, %swap3A_630], %swap3A_633 {strides = array<i32>} : memref<6x128x128xf32, #tpu.memory_space<vmem>>, vector<1x1x16xf32>,
      %get3A_634 = arith.constant 5 : i32
      %get3A_635 = arith.index_cast %get3A_634 : i32 to index
      %get3A_636 = arith.index_cast %scan3A_523 : i32 to index
      %get3A_637 = arith.constant 112 : index
      %get3A_638 = tpu.vector_load %arg6[%get3A_635, %get3A_636, %get3A_637] {strides = array<i32>} : memref<6x128x128xf32, #tpu.memory_space<vmem>>, vector<1x1x16xf32>,
      %get3A_639 = vector.shape_cast %get3A_638 : vector<1x1x16xf32> to vector<16xf32>
      %mul3A_640 = arith.constant 11.3137083 : f32
      %mul3A_641 = vector.broadcast %mul3A_640 : f32 to vector<16xf32>
      %mul3A_642 = arith.mulf %get3A_639, %mul3A_641 : vector<16xf32>
      %swap3A_643 = arith.constant 5 : i32
      %swap3A_644 = arith.index_cast %swap3A_643 : i32 to index
      %swap3A_645 = arith.index_cast %scan3A_523 : i32 to index
      %swap3A_646 = arith.constant 112 : index
      %swap3A_647 = tpu.vector_load %arg6[%swap3A_644, %swap3A_645, %swap3A_646] {strides = array<i32>} : memref<6x128x128xf32, #tpu.memory_space<vmem>>, vector<1x1x16xf32>,
      %swap3A_648 = vector.shape_cast %swap3A_647 : vector<1x1x16xf32> to vector<16xf32>
      %swap3A_649 = vector.shape_cast %mul3A_642 : vector<16xf32> to vector<1x1x16xf32>
      tpu.vector_store %arg6[%swap3A_644, %swap3A_645, %swap3A_646], %swap3A_649 {strides = array<i32>} : memref<6x128x128xf32, #tpu.memory_space<vmem>>, vector<1x1x16xf32>,
      %scan3A_650 = arith.constant 1 : i32
      %scan3A_651 = arith.addi %scan3A_523, %scan3A_650 : i32
      %get3A_652 = arith.constant 5 : i32
      %get3A_653 = arith.index_cast %get3A_652 : i32 to index
      %get3A_654 = arith.index_cast %scan3A_651 : i32 to index
      %get3A_655 = arith.constant 0 : index
      %get3A_656 = tpu.vector_load %arg6[%get3A_653, %get3A_654, %get3A_655] {strides = array<i32>} : memref<6x128x128xf32, #tpu.memory_space<vmem>>, vector<1x1x16xf32>,
      %get3A_657 = vector.shape_cast %get3A_656 : vector<1x1x16xf32> to vector<16xf32>
      %mul3A_658 = arith.constant 11.3137083 : f32
      %mul3A_659 = vector.broadcast %mul3A_658 : f32 to vector<16xf32>
      %mul3A_660 = arith.mulf %get3A_657, %mul3A_659 : vector<16xf32>
      %swap3A_661 = arith.constant 5 : i32
      %swap3A_662 = arith.index_cast %swap3A_661 : i32 to index
      %swap3A_663 = arith.index_cast %scan3A_651 : i32 to index
      %swap3A_664 = arith.constant 0 : index
      %swap3A_665 = tpu.vector_load %arg6[%swap3A_662, %swap3A_663, %swap3A_664] {strides = array<i32>} : memref<6x128x128xf32, #tpu.memory_space<vmem>>, vector<1x1x16xf32>,
      %swap3A_666 = vector.shape_cast %swap3A_665 : vector<1x1x16xf32> to vector<16xf32>
      %swap3A_667 = vector.shape_cast %mul3A_660 : vector<16xf32> to vector<1x1x16xf32>
      tpu.vector_store %arg6[%swap3A_662, %swap3A_663, %swap3A_664], %swap3A_667 {strides = array<i32>} : memref<6x128x128xf32, #tpu.memory_space<vmem>>, vector<1x1x16xf32>,
      %get3A_668 = arith.constant 5 : i32
      %get3A_669 = arith.index_cast %get3A_668 : i32 to index
      %get3A_670 = arith.index_cast %scan3A_651 : i32 to index
      %get3A_671 = arith.constant 16 : index
      %get3A_672 = tpu.vector_load %arg6[%get3A_669, %get3A_670, %get3A_671] {strides = array<i32>} : memref<6x128x128xf32, #tpu.memory_space<vmem>>, vector<1x1x16xf32>,
      %get3A_673 = vector.shape_cast %get3A_672 : vector<1x1x16xf32> to vector<16xf32>
      %mul3A_674 = arith.constant 11.3137083 : f32
      %mul3A_675 = vector.broadcast %mul3A_674 : f32 to vector<16xf32>
      %mul3A_676 = arith.mulf %get3A_673, %mul3A_675 : vector<16xf32>
      %swap3A_677 = arith.constant 5 : i32
      %swap3A_678 = arith.index_cast %swap3A_677 : i32 to index
      %swap3A_679 = arith.index_cast %scan3A_651 : i32 to index
      %swap3A_680 = arith.constant 16 : index
      %swap3A_681 = tpu.vector_load %arg6[%swap3A_678, %swap3A_679, %swap3A_680] {strides = array<i32>} : memref<6x128x128xf32, #tpu.memory_space<vmem>>, vector<1x1x16xf32>,
      %swap3A_682 = vector.shape_cast %swap3A_681 : vector<1x1x16xf32> to vector<16xf32>
      %swap3A_683 = vector.shape_cast %mul3A_676 : vector<16xf32> to vector<1x1x16xf32>
      tpu.vector_store %arg6[%swap3A_678, %swap3A_679, %swap3A_680], %swap3A_683 {strides = array<i32>} : memref<6x128x128xf32, #tpu.memory_space<vmem>>, vector<1x1x16xf32>,
      %get3A_684 = arith.constant 5 : i32
      %get3A_685 = arith.index_cast %get3A_684 : i32 to index
      %get3A_686 = arith.index_cast %scan3A_651 : i32 to index
      %get3A_687 = arith.constant 32 : index
      %get3A_688 = tpu.vector_load %arg6[%get3A_685, %get3A_686, %get3A_687] {strides = array<i32>} : memref<6x128x128xf32, #tpu.memory_space<vmem>>, vector<1x1x16xf32>,
      %get3A_689 = vector.shape_cast %get3A_688 : vector<1x1x16xf32> to vector<16xf32>
      %mul3A_690 = arith.constant 11.3137083 : f32
      %mul3A_691 = vector.broadcast %mul3A_690 : f32 to vector<16xf32>
      %mul3A_692 = arith.mulf %get3A_689, %mul3A_691 : vector<16xf32>
      %swap3A_693 = arith.constant 5 : i32
      %swap3A_694 = arith.index_cast %swap3A_693 : i32 to index
      %swap3A_695 = arith.index_cast %scan3A_651 : i32 to index
      %swap3A_696 = arith.constant 32 : index
      %swap3A_697 = tpu.vector_load %arg6[%swap3A_694, %swap3A_695, %swap3A_696] {strides = array<i32>} : memref<6x128x128xf32, #tpu.memory_space<vmem>>, vector<1x1x16xf32>,
      %swap3A_698 = vector.shape_cast %swap3A_697 : vector<1x1x16xf32> to vector<16xf32>
      %swap3A_699 = vector.shape_cast %mul3A_692 : vector<16xf32> to vector<1x1x16xf32>
      tpu.vector_store %arg6[%swap3A_694, %swap3A_695, %swap3A_696], %swap3A_699 {strides = array<i32>} : memref<6x128x128xf32, #tpu.memory_space<vmem>>, vector<1x1x16xf32>,
      %get3A_700 = arith.constant 5 : i32
      %get3A_701 = arith.index_cast %get3A_700 : i32 to index
      %get3A_702 = arith.index_cast %scan3A_651 : i32 to index
      %get3A_703 = arith.constant 48 : index
      %get3A_704 = tpu.vector_load %arg6[%get3A_701, %get3A_702, %get3A_703] {strides = array<i32>} : memref<6x128x128xf32, #tpu.memory_space<vmem>>, vector<1x1x16xf32>,
      %get3A_705 = vector.shape_cast %get3A_704 : vector<1x1x16xf32> to vector<16xf32>
      %mul3A_706 = arith.constant 11.3137083 : f32
      %mul3A_707 = vector.broadcast %mul3A_706 : f32 to vector<16xf32>
      %mul3A_708 = arith.mulf %get3A_705, %mul3A_707 : vector<16xf32>
      %swap3A_709 = arith.constant 5 : i32
      %swap3A_710 = arith.index_cast %swap3A_709 : i32 to index
      %swap3A_711 = arith.index_cast %scan3A_651 : i32 to index
      %swap3A_712 = arith.constant 48 : index
      %swap3A_713 = tpu.vector_load %arg6[%swap3A_710, %swap3A_711, %swap3A_712] {strides = array<i32>} : memref<6x128x128xf32, #tpu.memory_space<vmem>>, vector<1x1x16xf32>,
      %swap3A_714 = vector.shape_cast %swap3A_713 : vector<1x1x16xf32> to vector<16xf32>
      %swap3A_715 = vector.shape_cast %mul3A_708 : vector<16xf32> to vector<1x1x16xf32>
      tpu.vector_store %arg6[%swap3A_710, %swap3A_711, %swap3A_712], %swap3A_715 {strides = array<i32>} : memref<6x128x128xf32, #tpu.memory_space<vmem>>, vector<1x1x16xf32>,
      %get3A_716 = arith.constant 5 : i32
      %get3A_717 = arith.index_cast %get3A_716 : i32 to index
      %get3A_718 = arith.index_cast %scan3A_651 : i32 to index
      %get3A_719 = arith.constant 64 : index
      %get3A_720 = tpu.vector_load %arg6[%get3A_717, %get3A_718, %get3A_719] {strides = array<i32>} : memref<6x128x128xf32, #tpu.memory_space<vmem>>, vector<1x1x16xf32>,
      %get3A_721 = vector.shape_cast %get3A_720 : vector<1x1x16xf32> to vector<16xf32>
      %mul3A_722 = arith.constant 11.3137083 : f32
      %mul3A_723 = vector.broadcast %mul3A_722 : f32 to vector<16xf32>
      %mul3A_724 = arith.mulf %get3A_721, %mul3A_723 : vector<16xf32>
      %swap3A_725 = arith.constant 5 : i32
      %swap3A_726 = arith.index_cast %swap3A_725 : i32 to index
      %swap3A_727 = arith.index_cast %scan3A_651 : i32 to index
      %swap3A_728 = arith.constant 64 : index
      %swap3A_729 = tpu.vector_load %arg6[%swap3A_726, %swap3A_727, %swap3A_728] {strides = array<i32>} : memref<6x128x128xf32, #tpu.memory_space<vmem>>, vector<1x1x16xf32>,
      %swap3A_730 = vector.shape_cast %swap3A_729 : vector<1x1x16xf32> to vector<16xf32>
      %swap3A_731 = vector.shape_cast %mul3A_724 : vector<16xf32> to vector<1x1x16xf32>
      tpu.vector_store %arg6[%swap3A_726, %swap3A_727, %swap3A_728], %swap3A_731 {strides = array<i32>} : memref<6x128x128xf32, #tpu.memory_space<vmem>>, vector<1x1x16xf32>,
      %get3A_732 = arith.constant 5 : i32
      %get3A_733 = arith.index_cast %get3A_732 : i32 to index
      %get3A_734 = arith.index_cast %scan3A_651 : i32 to index
      %get3A_735 = arith.constant 80 : index
      %get3A_736 = tpu.vector_load %arg6[%get3A_733, %get3A_734, %get3A_735] {strides = array<i32>} : memref<6x128x128xf32, #tpu.memory_space<vmem>>, vector<1x1x16xf32>,
      %get3A_737 = vector.shape_cast %get3A_736 : vector<1x1x16xf32> to vector<16xf32>
      %mul3A_738 = arith.constant 11.3137083 : f32
      %mul3A_739 = vector.broadcast %mul3A_738 : f32 to vector<16xf32>
      %mul3A_740 = arith.mulf %get3A_737, %mul3A_739 : vector<16xf32>
      %swap3A_741 = arith.constant 5 : i32
      %swap3A_742 = arith.index_cast %swap3A_741 : i32 to index
      %swap3A_743 = arith.index_cast %scan3A_651 : i32 to index
      %swap3A_744 = arith.constant 80 : index
      %swap3A_745 = tpu.vector_load %arg6[%swap3A_742, %swap3A_743, %swap3A_744] {strides = array<i32>} : memref<6x128x128xf32, #tpu.memory_space<vmem>>, vector<1x1x16xf32>,
      %swap3A_746 = vector.shape_cast %swap3A_745 : vector<1x1x16xf32> to vector<16xf32>
      %swap3A_747 = vector.shape_cast %mul3A_740 : vector<16xf32> to vector<1x1x16xf32>
      tpu.vector_store %arg6[%swap3A_742, %swap3A_743, %swap3A_744], %swap3A_747 {strides = array<i32>} : memref<6x128x128xf32, #tpu.memory_space<vmem>>, vector<1x1x16xf32>,
      %get3A_748 = arith.constant 5 : i32
      %get3A_749 = arith.index_cast %get3A_748 : i32 to index
      %get3A_750 = arith.index_cast %scan3A_651 : i32 to index
      %get3A_751 = arith.constant 96 : index
      %get3A_752 = tpu.vector_load %arg6[%get3A_749, %get3A_750, %get3A_751] {strides = array<i32>} : memref<6x128x128xf32, #tpu.memory_space<vmem>>, vector<1x1x16xf32>,
      %get3A_753 = vector.shape_cast %get3A_752 : vector<1x1x16xf32> to vector<16xf32>
      %mul3A_754 = arith.constant 11.3137083 : f32
      %mul3A_755 = vector.broadcast %mul3A_754 : f32 to vector<16xf32>
      %mul3A_756 = arith.mulf %get3A_753, %mul3A_755 : vector<16xf32>
      %swap3A_757 = arith.constant 5 : i32
      %swap3A_758 = arith.index_cast %swap3A_757 : i32 to index
      %swap3A_759 = arith.index_cast %scan3A_651 : i32 to index
      %swap3A_760 = arith.constant 96 : index
      %swap3A_761 = tpu.vector_load %arg6[%swap3A_758, %swap3A_759, %swap3A_760] {strides = array<i32>} : memref<6x128x128xf32, #tpu.memory_space<vmem>>, vector<1x1x16xf32>,
      %swap3A_762 = vector.shape_cast %swap3A_761 : vector<1x1x16xf32> to vector<16xf32>
      %swap3A_763 = vector.shape_cast %mul3A_756 : vector<16xf32> to vector<1x1x16xf32>
      tpu.vector_store %arg6[%swap3A_758, %swap3A_759, %swap3A_760], %swap3A_763 {strides = array<i32>} : memref<6x128x128xf32, #tpu.memory_space<vmem>>, vector<1x1x16xf32>,
      %get3A_764 = arith.constant 5 : i32
      %get3A_765 = arith.index_cast %get3A_764 : i32 to index
      %get3A_766 = arith.index_cast %scan3A_651 : i32 to index
      %get3A_767 = arith.constant 112 : index
      %get3A_768 = tpu.vector_load %arg6[%get3A_765, %get3A_766, %get3A_767] {strides = array<i32>} : memref<6x128x128xf32, #tpu.memory_space<vmem>>, vector<1x1x16xf32>,
      %get3A_769 = vector.shape_cast %get3A_768 : vector<1x1x16xf32> to vector<16xf32>
      %mul3A_770 = arith.constant 11.3137083 : f32
      %mul3A_771 = vector.broadcast %mul3A_770 : f32 to vector<16xf32>
      %mul3A_772 = arith.mulf %get3A_769, %mul3A_771 : vector<16xf32>
      %swap3A_773 = arith.constant 5 : i32
      %swap3A_774 = arith.index_cast %swap3A_773 : i32 to index
      %swap3A_775 = arith.index_cast %scan3A_651 : i32 to index
      %swap3A_776 = arith.constant 112 : index
      %swap3A_777 = tpu.vector_load %arg6[%swap3A_774, %swap3A_775, %swap3A_776] {strides = array<i32>} : memref<6x128x128xf32, #tpu.memory_space<vmem>>, vector<1x1x16xf32>,
      %swap3A_778 = vector.shape_cast %swap3A_777 : vector<1x1x16xf32> to vector<16xf32>
      %swap3A_779 = vector.shape_cast %mul3A_772 : vector<16xf32> to vector<1x1x16xf32>
      tpu.vector_store %arg6[%swap3A_774, %swap3A_775, %swap3A_776], %swap3A_779 {strides = array<i32>} : memref<6x128x128xf32, #tpu.memory_space<vmem>>, vector<1x1x16xf32>,
    }
    %scan3A_326 = arith.constant 128 : i32
    %dma_start3A_327 = arith.constant 5 : i32
    %dma_start3A_328 = arith.constant 197 : i32
    %dma_start3A_329 = arith.constant 0 : i32
    %dma_start3A_330 = arith.constant 0 : i32
    %dma_start3A_331 = tpu.memref_slice %arg6[%dma_start3A_327, %dma_start3A_329, %dma_start3A_330] : memref<6x128x128xf32, #tpu.memory_space<vmem>> -> memref<1x128x128xf32, #tpu.memory_space<vmem>>
    %dma_start3A_332 = tpu.memref_squeeze %dma_start3A_331 : memref<1x128x128xf32, #tpu.memory_space<vmem>> -> memref<128x128xf32, #tpu.memory_space<vmem>>
    %dma_start3A_333 = arith.constant 0 : i32
    %dma_start3A_334 = arith.constant 0 : i32
    %dma_start3A_335 = tpu.memref_slice %arg4[%add3A, %dma_start3A_328, %dma_start3A_333, %dma_start3A_334] : memref<32x200x128x128xf32, #tpu.memory_space<hbm>> -> memref<1x1x128x128xf32, #tpu.memory_space<hbm>>
    %dma_start3A_336 = tpu.memref_squeeze %dma_start3A_335 : memref<1x1x128x128xf32, #tpu.memory_space<hbm>> -> memref<128x128xf32, #tpu.memory_space<hbm>>
    %dma_start3A_337 = arith.constant 0 : i32
    %dma_start3A_338 = arith.constant 0 : i32
    %dma_start3A_339 = tpu.memref_slice %arg4[%add3A, %dma_start3A_328, %dma_start3A_337, %dma_start3A_338] : memref<32x200x128x128xf32, #tpu.memory_space<hbm>> -> memref<1x1x128x128xf32, #tpu.memory_space<hbm>>
    %dma_start3A_340 = tpu.memref_squeeze %dma_start3A_339 : memref<1x1x128x128xf32, #tpu.memory_space<hbm>> -> memref<128x128xf32, #tpu.memory_space<hbm>>
    %dma_start3A_341 = arith.constant 0 : i32
    %dma_start3A_342 = arith.constant 0 : i32
    %dma_start3A_343 = tpu.memref_slice %arg6[%dma_start3A_327, %dma_start3A_341, %dma_start3A_342] : memref<6x128x128xf32, #tpu.memory_space<vmem>> -> memref<1x128x128xf32, #tpu.memory_space<vmem>>
    %dma_start3A_344 = tpu.memref_squeeze %dma_start3A_343 : memref<1x128x128xf32, #tpu.memory_space<vmem>> -> memref<128x128xf32, #tpu.memory_space<vmem>>
    tpu.enqueue_dma source(%dma_start3A_344 : memref<128x128xf32, #tpu.memory_space<vmem>>) target(%dma_start3A_340 : memref<128x128xf32, #tpu.memory_space<hbm>>) target_semaphore(%arg18 : memref<!tpu.dma_semaphore, #tpu.memory_space<semaphore_mem>>)
    %dma_wait3A_345 = arith.constant 198 : i32
    %dma_wait3A_346 = arith.constant 0 : i32
    %dma_wait3A_347 = arith.constant 0 : i32
    %dma_wait3A_348 = arith.constant 0 : i32
    %dma_wait3A_349 = tpu.memref_slice %arg6[%dma_wait3A_346, %dma_wait3A_347, %dma_wait3A_348] : memref<6x128x128xf32, #tpu.memory_space<vmem>> -> memref<1x128x128xf32, #tpu.memory_space<vmem>>
    %dma_wait3A_350 = tpu.memref_squeeze %dma_wait3A_349 : memref<1x128x128xf32, #tpu.memory_space<vmem>> -> memref<128x128xf32, #tpu.memory_space<vmem>>
    %dma_wait3A_351 = arith.constant 0 : i32
    %dma_wait3A_352 = tpu.memref_slice %arg5[%dma_wait3A_345, %dma_wait3A_351] : memref<200x128xi32, #tpu.memory_space<vmem>> -> memref<1x128xi32, #tpu.memory_space<vmem>>
    %dma_wait3A_353 = tpu.memref_squeeze %dma_wait3A_352 : memref<1x128xi32, #tpu.memory_space<vmem>> -> memref<128xi32, #tpu.memory_space<vmem>>
    %dma_wait3A_354 = arith.constant 0 : i32
    %dma_wait3A_355 = arith.constant 0 : i32
    %dma_wait3A_356 = tpu.memref_slice %arg3[%dma_wait3A_354, %dma_wait3A_355] : memref<100000x128xf32, #tpu.memory_space<hbm>> -> memref<100000x128xf32, #tpu.memory_space<hbm>>
    tpu.wait_indirect_dma semaphore(%arg7 : memref<!tpu.dma_semaphore, #tpu.memory_space<semaphore_mem>>) src(%dma_wait3A_356 : memref<100000x128xf32, #tpu.memory_space<hbm>>) dst(%dma_wait3A_350 : memref<128x128xf32, #tpu.memory_space<vmem>>)
    %scan3A_357 = arith.constant 0 : i32
    %scan3A_358 = arith.constant 128 : i32
    %scan3A_359 = arith.addi %scan3A_357, %scan3A_358 : i32
    %scan3A_360 = arith.constant 2 : i32
    scf.for %scan3A_523 = %scan3A_357 to %scan3A_359 step %scan3A_360  : i32 {
      %get3A = arith.constant 0 : i32
      %get3A_524 = arith.index_cast %get3A : i32 to index
      %get3A_525 = arith.index_cast %scan3A_523 : i32 to index
      %get3A_526 = arith.constant 0 : index
      %get3A_527 = tpu.vector_load %arg6[%get3A_524, %get3A_525, %get3A_526] {strides = array<i32>} : memref<6x128x128xf32, #tpu.memory_space<vmem>>, vector<1x1x16xf32>,
      %get3A_528 = vector.shape_cast %get3A_527 : vector<1x1x16xf32> to vector<16xf32>
      %mul3A_529 = arith.constant 11.3137083 : f32
      %mul3A_530 = vector.broadcast %mul3A_529 : f32 to vector<16xf32>
      %mul3A_531 = arith.mulf %get3A_528, %mul3A_530 : vector<16xf32>
      %swap3A = arith.constant 0 : i32
      %swap3A_532 = arith.index_cast %swap3A : i32 to index
      %swap3A_533 = arith.index_cast %scan3A_523 : i32 to index
      %swap3A_534 = arith.constant 0 : index
      %swap3A_535 = tpu.vector_load %arg6[%swap3A_532, %swap3A_533, %swap3A_534] {strides = array<i32>} : memref<6x128x128xf32, #tpu.memory_space<vmem>>, vector<1x1x16xf32>,
      %swap3A_536 = vector.shape_cast %swap3A_535 : vector<1x1x16xf32> to vector<16xf32>
      %swap3A_537 = vector.shape_cast %mul3A_531 : vector<16xf32> to vector<1x1x16xf32>
      tpu.vector_store %arg6[%swap3A_532, %swap3A_533, %swap3A_534], %swap3A_537 {strides = array<i32>} : memref<6x128x128xf32, #tpu.memory_space<vmem>>, vector<1x1x16xf32>,
      %get3A_538 = arith.constant 0 : i32
      %get3A_539 = arith.index_cast %get3A_538 : i32 to index
      %get3A_540 = arith.index_cast %scan3A_523 : i32 to index
      %get3A_541 = arith.constant 16 : index
      %get3A_542 = tpu.vector_load %arg6[%get3A_539, %get3A_540, %get3A_541] {strides = array<i32>} : memref<6x128x128xf32, #tpu.memory_space<vmem>>, vector<1x1x16xf32>,
      %get3A_543 = vector.shape_cast %get3A_542 : vector<1x1x16xf32> to vector<16xf32>
      %mul3A_544 = arith.constant 11.3137083 : f32
      %mul3A_545 = vector.broadcast %mul3A_544 : f32 to vector<16xf32>
      %mul3A_546 = arith.mulf %get3A_543, %mul3A_545 : vector<16xf32>
      %swap3A_547 = arith.constant 0 : i32
      %swap3A_548 = arith.index_cast %swap3A_547 : i32 to index
      %swap3A_549 = arith.index_cast %scan3A_523 : i32 to index
      %swap3A_550 = arith.constant 16 : index
      %swap3A_551 = tpu.vector_load %arg6[%swap3A_548, %swap3A_549, %swap3A_550] {strides = array<i32>} : memref<6x128x128xf32, #tpu.memory_space<vmem>>, vector<1x1x16xf32>,
      %swap3A_552 = vector.shape_cast %swap3A_551 : vector<1x1x16xf32> to vector<16xf32>
      %swap3A_553 = vector.shape_cast %mul3A_546 : vector<16xf32> to vector<1x1x16xf32>
      tpu.vector_store %arg6[%swap3A_548, %swap3A_549, %swap3A_550], %swap3A_553 {strides = array<i32>} : memref<6x128x128xf32, #tpu.memory_space<vmem>>, vector<1x1x16xf32>,
      %get3A_554 = arith.constant 0 : i32
      %get3A_555 = arith.index_cast %get3A_554 : i32 to index
      %get3A_556 = arith.index_cast %scan3A_523 : i32 to index
      %get3A_557 = arith.constant 32 : index
      %get3A_558 = tpu.vector_load %arg6[%get3A_555, %get3A_556, %get3A_557] {strides = array<i32>} : memref<6x128x128xf32, #tpu.memory_space<vmem>>, vector<1x1x16xf32>,
      %get3A_559 = vector.shape_cast %get3A_558 : vector<1x1x16xf32> to vector<16xf32>
      %mul3A_560 = arith.constant 11.3137083 : f32
      %mul3A_561 = vector.broadcast %mul3A_560 : f32 to vector<16xf32>
      %mul3A_562 = arith.mulf %get3A_559, %mul3A_561 : vector<16xf32>
      %swap3A_563 = arith.constant 0 : i32
      %swap3A_564 = arith.index_cast %swap3A_563 : i32 to index
      %swap3A_565 = arith.index_cast %scan3A_523 : i32 to index
      %swap3A_566 = arith.constant 32 : index
      %swap3A_567 = tpu.vector_load %arg6[%swap3A_564, %swap3A_565, %swap3A_566] {strides = array<i32>} : memref<6x128x128xf32, #tpu.memory_space<vmem>>, vector<1x1x16xf32>,
      %swap3A_568 = vector.shape_cast %swap3A_567 : vector<1x1x16xf32> to vector<16xf32>
      %swap3A_569 = vector.shape_cast %mul3A_562 : vector<16xf32> to vector<1x1x16xf32>
      tpu.vector_store %arg6[%swap3A_564, %swap3A_565, %swap3A_566], %swap3A_569 {strides = array<i32>} : memref<6x128x128xf32, #tpu.memory_space<vmem>>, vector<1x1x16xf32>,
      %get3A_570 = arith.constant 0 : i32
      %get3A_571 = arith.index_cast %get3A_570 : i32 to index
      %get3A_572 = arith.index_cast %scan3A_523 : i32 to index
      %get3A_573 = arith.constant 48 : index
      %get3A_574 = tpu.vector_load %arg6[%get3A_571, %get3A_572, %get3A_573] {strides = array<i32>} : memref<6x128x128xf32, #tpu.memory_space<vmem>>, vector<1x1x16xf32>,
      %get3A_575 = vector.shape_cast %get3A_574 : vector<1x1x16xf32> to vector<16xf32>
      %mul3A_576 = arith.constant 11.3137083 : f32
      %mul3A_577 = vector.broadcast %mul3A_576 : f32 to vector<16xf32>
      %mul3A_578 = arith.mulf %get3A_575, %mul3A_577 : vector<16xf32>
      %swap3A_579 = arith.constant 0 : i32
      %swap3A_580 = arith.index_cast %swap3A_579 : i32 to index
      %swap3A_581 = arith.index_cast %scan3A_523 : i32 to index
      %swap3A_582 = arith.constant 48 : index
      %swap3A_583 = tpu.vector_load %arg6[%swap3A_580, %swap3A_581, %swap3A_582] {strides = array<i32>} : memref<6x128x128xf32, #tpu.memory_space<vmem>>, vector<1x1x16xf32>,
      %swap3A_584 = vector.shape_cast %swap3A_583 : vector<1x1x16xf32> to vector<16xf32>
      %swap3A_585 = vector.shape_cast %mul3A_578 : vector<16xf32> to vector<1x1x16xf32>
      tpu.vector_store %arg6[%swap3A_580, %swap3A_581, %swap3A_582], %swap3A_585 {strides = array<i32>} : memref<6x128x128xf32, #tpu.memory_space<vmem>>, vector<1x1x16xf32>,
      %get3A_586 = arith.constant 0 : i32
      %get3A_587 = arith.index_cast %get3A_586 : i32 to index
      %get3A_588 = arith.index_cast %scan3A_523 : i32 to index
      %get3A_589 = arith.constant 64 : index
      %get3A_590 = tpu.vector_load %arg6[%get3A_587, %get3A_588, %get3A_589] {strides = array<i32>} : memref<6x128x128xf32, #tpu.memory_space<vmem>>, vector<1x1x16xf32>,
      %get3A_591 = vector.shape_cast %get3A_590 : vector<1x1x16xf32> to vector<16xf32>
      %mul3A_592 = arith.constant 11.3137083 : f32
      %mul3A_593 = vector.broadcast %mul3A_592 : f32 to vector<16xf32>
      %mul3A_594 = arith.mulf %get3A_591, %mul3A_593 : vector<16xf32>
      %swap3A_595 = arith.constant 0 : i32
      %swap3A_596 = arith.index_cast %swap3A_595 : i32 to index
      %swap3A_597 = arith.index_cast %scan3A_523 : i32 to index
      %swap3A_598 = arith.constant 64 : index
      %swap3A_599 = tpu.vector_load %arg6[%swap3A_596, %swap3A_597, %swap3A_598] {strides = array<i32>} : memref<6x128x128xf32, #tpu.memory_space<vmem>>, vector<1x1x16xf32>,
      %swap3A_600 = vector.shape_cast %swap3A_599 : vector<1x1x16xf32> to vector<16xf32>
      %swap3A_601 = vector.shape_cast %mul3A_594 : vector<16xf32> to vector<1x1x16xf32>
      tpu.vector_store %arg6[%swap3A_596, %swap3A_597, %swap3A_598], %swap3A_601 {strides = array<i32>} : memref<6x128x128xf32, #tpu.memory_space<vmem>>, vector<1x1x16xf32>,
      %get3A_602 = arith.constant 0 : i32
      %get3A_603 = arith.index_cast %get3A_602 : i32 to index
      %get3A_604 = arith.index_cast %scan3A_523 : i32 to index
      %get3A_605 = arith.constant 80 : index
      %get3A_606 = tpu.vector_load %arg6[%get3A_603, %get3A_604, %get3A_605] {strides = array<i32>} : memref<6x128x128xf32, #tpu.memory_space<vmem>>, vector<1x1x16xf32>,
      %get3A_607 = vector.shape_cast %get3A_606 : vector<1x1x16xf32> to vector<16xf32>
      %mul3A_608 = arith.constant 11.3137083 : f32
      %mul3A_609 = vector.broadcast %mul3A_608 : f32 to vector<16xf32>
      %mul3A_610 = arith.mulf %get3A_607, %mul3A_609 : vector<16xf32>
      %swap3A_611 = arith.constant 0 : i32
      %swap3A_612 = arith.index_cast %swap3A_611 : i32 to index
      %swap3A_613 = arith.index_cast %scan3A_523 : i32 to index
      %swap3A_614 = arith.constant 80 : index
      %swap3A_615 = tpu.vector_load %arg6[%swap3A_612, %swap3A_613, %swap3A_614] {strides = array<i32>} : memref<6x128x128xf32, #tpu.memory_space<vmem>>, vector<1x1x16xf32>,
      %swap3A_616 = vector.shape_cast %swap3A_615 : vector<1x1x16xf32> to vector<16xf32>
      %swap3A_617 = vector.shape_cast %mul3A_610 : vector<16xf32> to vector<1x1x16xf32>
      tpu.vector_store %arg6[%swap3A_612, %swap3A_613, %swap3A_614], %swap3A_617 {strides = array<i32>} : memref<6x128x128xf32, #tpu.memory_space<vmem>>, vector<1x1x16xf32>,
      %get3A_618 = arith.constant 0 : i32
      %get3A_619 = arith.index_cast %get3A_618 : i32 to index
      %get3A_620 = arith.index_cast %scan3A_523 : i32 to index
      %get3A_621 = arith.constant 96 : index
      %get3A_622 = tpu.vector_load %arg6[%get3A_619, %get3A_620, %get3A_621] {strides = array<i32>} : memref<6x128x128xf32, #tpu.memory_space<vmem>>, vector<1x1x16xf32>,
      %get3A_623 = vector.shape_cast %get3A_622 : vector<1x1x16xf32> to vector<16xf32>
      %mul3A_624 = arith.constant 11.3137083 : f32
      %mul3A_625 = vector.broadcast %mul3A_624 : f32 to vector<16xf32>
      %mul3A_626 = arith.mulf %get3A_623, %mul3A_625 : vector<16xf32>
      %swap3A_627 = arith.constant 0 : i32
      %swap3A_628 = arith.index_cast %swap3A_627 : i32 to index
      %swap3A_629 = arith.index_cast %scan3A_523 : i32 to index
      %swap3A_630 = arith.constant 96 : index
      %swap3A_631 = tpu.vector_load %arg6[%swap3A_628, %swap3A_629, %swap3A_630] {strides = array<i32>} : memref<6x128x128xf32, #tpu.memory_space<vmem>>, vector<1x1x16xf32>,
      %swap3A_632 = vector.shape_cast %swap3A_631 : vector<1x1x16xf32> to vector<16xf32>
      %swap3A_633 = vector.shape_cast %mul3A_626 : vector<16xf32> to vector<1x1x16xf32>
      tpu.vector_store %arg6[%swap3A_628, %swap3A_629, %swap3A_630], %swap3A_633 {strides = array<i32>} : memref<6x128x128xf32, #tpu.memory_space<vmem>>, vector<1x1x16xf32>,
      %get3A_634 = arith.constant 0 : i32
      %get3A_635 = arith.index_cast %get3A_634 : i32 to index
      %get3A_636 = arith.index_cast %scan3A_523 : i32 to index
      %get3A_637 = arith.constant 112 : index
      %get3A_638 = tpu.vector_load %arg6[%get3A_635, %get3A_636, %get3A_637] {strides = array<i32>} : memref<6x128x128xf32, #tpu.memory_space<vmem>>, vector<1x1x16xf32>,
      %get3A_639 = vector.shape_cast %get3A_638 : vector<1x1x16xf32> to vector<16xf32>
      %mul3A_640 = arith.constant 11.3137083 : f32
      %mul3A_641 = vector.broadcast %mul3A_640 : f32 to vector<16xf32>
      %mul3A_642 = arith.mulf %get3A_639, %mul3A_641 : vector<16xf32>
      %swap3A_643 = arith.constant 0 : i32
      %swap3A_644 = arith.index_cast %swap3A_643 : i32 to index
      %swap3A_645 = arith.index_cast %scan3A_523 : i32 to index
      %swap3A_646 = arith.constant 112 : index
      %swap3A_647 = tpu.vector_load %arg6[%swap3A_644, %swap3A_645, %swap3A_646] {strides = array<i32>} : memref<6x128x128xf32, #tpu.memory_space<vmem>>, vector<1x1x16xf32>,
      %swap3A_648 = vector.shape_cast %swap3A_647 : vector<1x1x16xf32> to vector<16xf32>
      %swap3A_649 = vector.shape_cast %mul3A_642 : vector<16xf32> to vector<1x1x16xf32>
      tpu.vector_store %arg6[%swap3A_644, %swap3A_645, %swap3A_646], %swap3A_649 {strides = array<i32>} : memref<6x128x128xf32, #tpu.memory_space<vmem>>, vector<1x1x16xf32>,
      %scan3A_650 = arith.constant 1 : i32
      %scan3A_651 = arith.addi %scan3A_523, %scan3A_650 : i32
      %get3A_652 = arith.constant 0 : i32
      %get3A_653 = arith.index_cast %get3A_652 : i32 to index
      %get3A_654 = arith.index_cast %scan3A_651 : i32 to index
      %get3A_655 = arith.constant 0 : index
      %get3A_656 = tpu.vector_load %arg6[%get3A_653, %get3A_654, %get3A_655] {strides = array<i32>} : memref<6x128x128xf32, #tpu.memory_space<vmem>>, vector<1x1x16xf32>,
      %get3A_657 = vector.shape_cast %get3A_656 : vector<1x1x16xf32> to vector<16xf32>
      %mul3A_658 = arith.constant 11.3137083 : f32
      %mul3A_659 = vector.broadcast %mul3A_658 : f32 to vector<16xf32>
      %mul3A_660 = arith.mulf %get3A_657, %mul3A_659 : vector<16xf32>
      %swap3A_661 = arith.constant 0 : i32
      %swap3A_662 = arith.index_cast %swap3A_661 : i32 to index
      %swap3A_663 = arith.index_cast %scan3A_651 : i32 to index
      %swap3A_664 = arith.constant 0 : index
      %swap3A_665 = tpu.vector_load %arg6[%swap3A_662, %swap3A_663, %swap3A_664] {strides = array<i32>} : memref<6x128x128xf32, #tpu.memory_space<vmem>>, vector<1x1x16xf32>,
      %swap3A_666 = vector.shape_cast %swap3A_665 : vector<1x1x16xf32> to vector<16xf32>
      %swap3A_667 = vector.shape_cast %mul3A_660 : vector<16xf32> to vector<1x1x16xf32>
      tpu.vector_store %arg6[%swap3A_662, %swap3A_663, %swap3A_664], %swap3A_667 {strides = array<i32>} : memref<6x128x128xf32, #tpu.memory_space<vmem>>, vector<1x1x16xf32>,
      %get3A_668 = arith.constant 0 : i32
      %get3A_669 = arith.index_cast %get3A_668 : i32 to index
      %get3A_670 = arith.index_cast %scan3A_651 : i32 to index
      %get3A_671 = arith.constant 16 : index
      %get3A_672 = tpu.vector_load %arg6[%get3A_669, %get3A_670, %get3A_671] {strides = array<i32>} : memref<6x128x128xf32, #tpu.memory_space<vmem>>, vector<1x1x16xf32>,
      %get3A_673 = vector.shape_cast %get3A_672 : vector<1x1x16xf32> to vector<16xf32>
      %mul3A_674 = arith.constant 11.3137083 : f32
      %mul3A_675 = vector.broadcast %mul3A_674 : f32 to vector<16xf32>
      %mul3A_676 = arith.mulf %get3A_673, %mul3A_675 : vector<16xf32>
      %swap3A_677 = arith.constant 0 : i32
      %swap3A_678 = arith.index_cast %swap3A_677 : i32 to index
      %swap3A_679 = arith.index_cast %scan3A_651 : i32 to index
      %swap3A_680 = arith.constant 16 : index
      %swap3A_681 = tpu.vector_load %arg6[%swap3A_678, %swap3A_679, %swap3A_680] {strides = array<i32>} : memref<6x128x128xf32, #tpu.memory_space<vmem>>, vector<1x1x16xf32>,
      %swap3A_682 = vector.shape_cast %swap3A_681 : vector<1x1x16xf32> to vector<16xf32>
      %swap3A_683 = vector.shape_cast %mul3A_676 : vector<16xf32> to vector<1x1x16xf32>
      tpu.vector_store %arg6[%swap3A_678, %swap3A_679, %swap3A_680], %swap3A_683 {strides = array<i32>} : memref<6x128x128xf32, #tpu.memory_space<vmem>>, vector<1x1x16xf32>,
      %get3A_684 = arith.constant 0 : i32
      %get3A_685 = arith.index_cast %get3A_684 : i32 to index
      %get3A_686 = arith.index_cast %scan3A_651 : i32 to index
      %get3A_687 = arith.constant 32 : index
      %get3A_688 = tpu.vector_load %arg6[%get3A_685, %get3A_686, %get3A_687] {strides = array<i32>} : memref<6x128x128xf32, #tpu.memory_space<vmem>>, vector<1x1x16xf32>,
      %get3A_689 = vector.shape_cast %get3A_688 : vector<1x1x16xf32> to vector<16xf32>
      %mul3A_690 = arith.constant 11.3137083 : f32
      %mul3A_691 = vector.broadcast %mul3A_690 : f32 to vector<16xf32>
      %mul3A_692 = arith.mulf %get3A_689, %mul3A_691 : vector<16xf32>
      %swap3A_693 = arith.constant 0 : i32
      %swap3A_694 = arith.index_cast %swap3A_693 : i32 to index
      %swap3A_695 = arith.index_cast %scan3A_651 : i32 to index
      %swap3A_696 = arith.constant 32 : index
      %swap3A_697 = tpu.vector_load %arg6[%swap3A_694, %swap3A_695, %swap3A_696] {strides = array<i32>} : memref<6x128x128xf32, #tpu.memory_space<vmem>>, vector<1x1x16xf32>,
      %swap3A_698 = vector.shape_cast %swap3A_697 : vector<1x1x16xf32> to vector<16xf32>
      %swap3A_699 = vector.shape_cast %mul3A_692 : vector<16xf32> to vector<1x1x16xf32>
      tpu.vector_store %arg6[%swap3A_694, %swap3A_695, %swap3A_696], %swap3A_699 {strides = array<i32>} : memref<6x128x128xf32, #tpu.memory_space<vmem>>, vector<1x1x16xf32>,
      %get3A_700 = arith.constant 0 : i32
      %get3A_701 = arith.index_cast %get3A_700 : i32 to index
      %get3A_702 = arith.index_cast %scan3A_651 : i32 to index
      %get3A_703 = arith.constant 48 : index
      %get3A_704 = tpu.vector_load %arg6[%get3A_701, %get3A_702, %get3A_703] {strides = array<i32>} : memref<6x128x128xf32, #tpu.memory_space<vmem>>, vector<1x1x16xf32>,
      %get3A_705 = vector.shape_cast %get3A_704 : vector<1x1x16xf32> to vector<16xf32>
      %mul3A_706 = arith.constant 11.3137083 : f32
      %mul3A_707 = vector.broadcast %mul3A_706 : f32 to vector<16xf32>
      %mul3A_708 = arith.mulf %get3A_705, %mul3A_707 : vector<16xf32>
      %swap3A_709 = arith.constant 0 : i32
      %swap3A_710 = arith.index_cast %swap3A_709 : i32 to index
      %swap3A_711 = arith.index_cast %scan3A_651 : i32 to index
      %swap3A_712 = arith.constant 48 : index
      %swap3A_713 = tpu.vector_load %arg6[%swap3A_710, %swap3A_711, %swap3A_712] {strides = array<i32>} : memref<6x128x128xf32, #tpu.memory_space<vmem>>, vector<1x1x16xf32>,
      %swap3A_714 = vector.shape_cast %swap3A_713 : vector<1x1x16xf32> to vector<16xf32>
      %swap3A_715 = vector.shape_cast %mul3A_708 : vector<16xf32> to vector<1x1x16xf32>
      tpu.vector_store %arg6[%swap3A_710, %swap3A_711, %swap3A_712], %swap3A_715 {strides = array<i32>} : memref<6x128x128xf32, #tpu.memory_space<vmem>>, vector<1x1x16xf32>,
      %get3A_716 = arith.constant 0 : i32
      %get3A_717 = arith.index_cast %get3A_716 : i32 to index
      %get3A_718 = arith.index_cast %scan3A_651 : i32 to index
      %get3A_719 = arith.constant 64 : index
      %get3A_720 = tpu.vector_load %arg6[%get3A_717, %get3A_718, %get3A_719] {strides = array<i32>} : memref<6x128x128xf32, #tpu.memory_space<vmem>>, vector<1x1x16xf32>,
      %get3A_721 = vector.shape_cast %get3A_720 : vector<1x1x16xf32> to vector<16xf32>
      %mul3A_722 = arith.constant 11.3137083 : f32
      %mul3A_723 = vector.broadcast %mul3A_722 : f32 to vector<16xf32>
      %mul3A_724 = arith.mulf %get3A_721, %mul3A_723 : vector<16xf32>
      %swap3A_725 = arith.constant 0 : i32
      %swap3A_726 = arith.index_cast %swap3A_725 : i32 to index
      %swap3A_727 = arith.index_cast %scan3A_651 : i32 to index
      %swap3A_728 = arith.constant 64 : index
      %swap3A_729 = tpu.vector_load %arg6[%swap3A_726, %swap3A_727, %swap3A_728] {strides = array<i32>} : memref<6x128x128xf32, #tpu.memory_space<vmem>>, vector<1x1x16xf32>,
      %swap3A_730 = vector.shape_cast %swap3A_729 : vector<1x1x16xf32> to vector<16xf32>
      %swap3A_731 = vector.shape_cast %mul3A_724 : vector<16xf32> to vector<1x1x16xf32>
      tpu.vector_store %arg6[%swap3A_726, %swap3A_727, %swap3A_728], %swap3A_731 {strides = array<i32>} : memref<6x128x128xf32, #tpu.memory_space<vmem>>, vector<1x1x16xf32>,
      %get3A_732 = arith.constant 0 : i32
      %get3A_733 = arith.index_cast %get3A_732 : i32 to index
      %get3A_734 = arith.index_cast %scan3A_651 : i32 to index
      %get3A_735 = arith.constant 80 : index
      %get3A_736 = tpu.vector_load %arg6[%get3A_733, %get3A_734, %get3A_735] {strides = array<i32>} : memref<6x128x128xf32, #tpu.memory_space<vmem>>, vector<1x1x16xf32>,
      %get3A_737 = vector.shape_cast %get3A_736 : vector<1x1x16xf32> to vector<16xf32>
      %mul3A_738 = arith.constant 11.3137083 : f32
      %mul3A_739 = vector.broadcast %mul3A_738 : f32 to vector<16xf32>
      %mul3A_740 = arith.mulf %get3A_737, %mul3A_739 : vector<16xf32>
      %swap3A_741 = arith.constant 0 : i32
      %swap3A_742 = arith.index_cast %swap3A_741 : i32 to index
      %swap3A_743 = arith.index_cast %scan3A_651 : i32 to index
      %swap3A_744 = arith.constant 80 : index
      %swap3A_745 = tpu.vector_load %arg6[%swap3A_742, %swap3A_743, %swap3A_744] {strides = array<i32>} : memref<6x128x128xf32, #tpu.memory_space<vmem>>, vector<1x1x16xf32>,
      %swap3A_746 = vector.shape_cast %swap3A_745 : vector<1x1x16xf32> to vector<16xf32>
      %swap3A_747 = vector.shape_cast %mul3A_740 : vector<16xf32> to vector<1x1x16xf32>
      tpu.vector_store %arg6[%swap3A_742, %swap3A_743, %swap3A_744], %swap3A_747 {strides = array<i32>} : memref<6x128x128xf32, #tpu.memory_space<vmem>>, vector<1x1x16xf32>,
      %get3A_748 = arith.constant 0 : i32
      %get3A_749 = arith.index_cast %get3A_748 : i32 to index
      %get3A_750 = arith.index_cast %scan3A_651 : i32 to index
      %get3A_751 = arith.constant 96 : index
      %get3A_752 = tpu.vector_load %arg6[%get3A_749, %get3A_750, %get3A_751] {strides = array<i32>} : memref<6x128x128xf32, #tpu.memory_space<vmem>>, vector<1x1x16xf32>,
      %get3A_753 = vector.shape_cast %get3A_752 : vector<1x1x16xf32> to vector<16xf32>
      %mul3A_754 = arith.constant 11.3137083 : f32
      %mul3A_755 = vector.broadcast %mul3A_754 : f32 to vector<16xf32>
      %mul3A_756 = arith.mulf %get3A_753, %mul3A_755 : vector<16xf32>
      %swap3A_757 = arith.constant 0 : i32
      %swap3A_758 = arith.index_cast %swap3A_757 : i32 to index
      %swap3A_759 = arith.index_cast %scan3A_651 : i32 to index
      %swap3A_760 = arith.constant 96 : index
      %swap3A_761 = tpu.vector_load %arg6[%swap3A_758, %swap3A_759, %swap3A_760] {strides = array<i32>} : memref<6x128x128xf32, #tpu.memory_space<vmem>>, vector<1x1x16xf32>,
      %swap3A_762 = vector.shape_cast %swap3A_761 : vector<1x1x16xf32> to vector<16xf32>
      %swap3A_763 = vector.shape_cast %mul3A_756 : vector<16xf32> to vector<1x1x16xf32>
      tpu.vector_store %arg6[%swap3A_758, %swap3A_759, %swap3A_760], %swap3A_763 {strides = array<i32>} : memref<6x128x128xf32, #tpu.memory_space<vmem>>, vector<1x1x16xf32>,
      %get3A_764 = arith.constant 0 : i32
      %get3A_765 = arith.index_cast %get3A_764 : i32 to index
      %get3A_766 = arith.index_cast %scan3A_651 : i32 to index
      %get3A_767 = arith.constant 112 : index
      %get3A_768 = tpu.vector_load %arg6[%get3A_765, %get3A_766, %get3A_767] {strides = array<i32>} : memref<6x128x128xf32, #tpu.memory_space<vmem>>, vector<1x1x16xf32>,
      %get3A_769 = vector.shape_cast %get3A_768 : vector<1x1x16xf32> to vector<16xf32>
      %mul3A_770 = arith.constant 11.3137083 : f32
      %mul3A_771 = vector.broadcast %mul3A_770 : f32 to vector<16xf32>
      %mul3A_772 = arith.mulf %get3A_769, %mul3A_771 : vector<16xf32>
      %swap3A_773 = arith.constant 0 : i32
      %swap3A_774 = arith.index_cast %swap3A_773 : i32 to index
      %swap3A_775 = arith.index_cast %scan3A_651 : i32 to index
      %swap3A_776 = arith.constant 112 : index
      %swap3A_777 = tpu.vector_load %arg6[%swap3A_774, %swap3A_775, %swap3A_776] {strides = array<i32>} : memref<6x128x128xf32, #tpu.memory_space<vmem>>, vector<1x1x16xf32>,
      %swap3A_778 = vector.shape_cast %swap3A_777 : vector<1x1x16xf32> to vector<16xf32>
      %swap3A_779 = vector.shape_cast %mul3A_772 : vector<16xf32> to vector<1x1x16xf32>
      tpu.vector_store %arg6[%swap3A_774, %swap3A_775, %swap3A_776], %swap3A_779 {strides = array<i32>} : memref<6x128x128xf32, #tpu.memory_space<vmem>>, vector<1x1x16xf32>,
    }
    %scan3A_361 = arith.constant 128 : i32
    %dma_start3A_362 = arith.constant 0 : i32
    %dma_start3A_363 = arith.constant 198 : i32
    %dma_start3A_364 = arith.constant 0 : i32
    %dma_start3A_365 = arith.constant 0 : i32
    %dma_start3A_366 = tpu.memref_slice %arg6[%dma_start3A_362, %dma_start3A_364, %dma_start3A_365] : memref<6x128x128xf32, #tpu.memory_space<vmem>> -> memref<1x128x128xf32, #tpu.memory_space<vmem>>
    %dma_start3A_367 = tpu.memref_squeeze %dma_start3A_366 : memref<1x128x128xf32, #tpu.memory_space<vmem>> -> memref<128x128xf32, #tpu.memory_space<vmem>>
    %dma_start3A_368 = arith.constant 0 : i32
    %dma_start3A_369 = arith.constant 0 : i32
    %dma_start3A_370 = tpu.memref_slice %arg4[%add3A, %dma_start3A_363, %dma_start3A_368, %dma_start3A_369] : memref<32x200x128x128xf32, #tpu.memory_space<hbm>> -> memref<1x1x128x128xf32, #tpu.memory_space<hbm>>
    %dma_start3A_371 = tpu.memref_squeeze %dma_start3A_370 : memref<1x1x128x128xf32, #tpu.memory_space<hbm>> -> memref<128x128xf32, #tpu.memory_space<hbm>>
    %dma_start3A_372 = arith.constant 0 : i32
    %dma_start3A_373 = arith.constant 0 : i32
    %dma_start3A_374 = tpu.memref_slice %arg4[%add3A, %dma_start3A_363, %dma_start3A_372, %dma_start3A_373] : memref<32x200x128x128xf32, #tpu.memory_space<hbm>> -> memref<1x1x128x128xf32, #tpu.memory_space<hbm>>
    %dma_start3A_375 = tpu.memref_squeeze %dma_start3A_374 : memref<1x1x128x128xf32, #tpu.memory_space<hbm>> -> memref<128x128xf32, #tpu.memory_space<hbm>>
    %dma_start3A_376 = arith.constant 0 : i32
    %dma_start3A_377 = arith.constant 0 : i32
    %dma_start3A_378 = tpu.memref_slice %arg6[%dma_start3A_362, %dma_start3A_376, %dma_start3A_377] : memref<6x128x128xf32, #tpu.memory_space<vmem>> -> memref<1x128x128xf32, #tpu.memory_space<vmem>>
    %dma_start3A_379 = tpu.memref_squeeze %dma_start3A_378 : memref<1x128x128xf32, #tpu.memory_space<vmem>> -> memref<128x128xf32, #tpu.memory_space<vmem>>
    tpu.enqueue_dma source(%dma_start3A_379 : memref<128x128xf32, #tpu.memory_space<vmem>>) target(%dma_start3A_375 : memref<128x128xf32, #tpu.memory_space<hbm>>) target_semaphore(%arg13 : memref<!tpu.dma_semaphore, #tpu.memory_space<semaphore_mem>>)
    %dma_wait3A_380 = arith.constant 199 : i32
    %dma_wait3A_381 = arith.constant 1 : i32
    %dma_wait3A_382 = arith.constant 0 : i32
    %dma_wait3A_383 = arith.constant 0 : i32
    %dma_wait3A_384 = tpu.memref_slice %arg6[%dma_wait3A_381, %dma_wait3A_382, %dma_wait3A_383] : memref<6x128x128xf32, #tpu.memory_space<vmem>> -> memref<1x128x128xf32, #tpu.memory_space<vmem>>
    %dma_wait3A_385 = tpu.memref_squeeze %dma_wait3A_384 : memref<1x128x128xf32, #tpu.memory_space<vmem>> -> memref<128x128xf32, #tpu.memory_space<vmem>>
    %dma_wait3A_386 = arith.constant 0 : i32
    %dma_wait3A_387 = tpu.memref_slice %arg5[%dma_wait3A_380, %dma_wait3A_386] : memref<200x128xi32, #tpu.memory_space<vmem>> -> memref<1x128xi32, #tpu.memory_space<vmem>>
    %dma_wait3A_388 = tpu.memref_squeeze %dma_wait3A_387 : memref<1x128xi32, #tpu.memory_space<vmem>> -> memref<128xi32, #tpu.memory_space<vmem>>
    %dma_wait3A_389 = arith.constant 0 : i32
    %dma_wait3A_390 = arith.constant 0 : i32
    %dma_wait3A_391 = tpu.memref_slice %arg3[%dma_wait3A_389, %dma_wait3A_390] : memref<100000x128xf32, #tpu.memory_space<hbm>> -> memref<100000x128xf32, #tpu.memory_space<hbm>>
    tpu.wait_indirect_dma semaphore(%arg8 : memref<!tpu.dma_semaphore, #tpu.memory_space<semaphore_mem>>) src(%dma_wait3A_391 : memref<100000x128xf32, #tpu.memory_space<hbm>>) dst(%dma_wait3A_385 : memref<128x128xf32, #tpu.memory_space<vmem>>)
    %scan3A_392 = arith.constant 0 : i32
    %scan3A_393 = arith.constant 128 : i32
    %scan3A_394 = arith.addi %scan3A_392, %scan3A_393 : i32
    %scan3A_395 = arith.constant 2 : i32
    scf.for %scan3A_523 = %scan3A_392 to %scan3A_394 step %scan3A_395  : i32 {
      %get3A = arith.constant 1 : i32
      %get3A_524 = arith.index_cast %get3A : i32 to index
      %get3A_525 = arith.index_cast %scan3A_523 : i32 to index
      %get3A_526 = arith.constant 0 : index
      %get3A_527 = tpu.vector_load %arg6[%get3A_524, %get3A_525, %get3A_526] {strides = array<i32>} : memref<6x128x128xf32, #tpu.memory_space<vmem>>, vector<1x1x16xf32>,
      %get3A_528 = vector.shape_cast %get3A_527 : vector<1x1x16xf32> to vector<16xf32>
      %mul3A_529 = arith.constant 11.3137083 : f32
      %mul3A_530 = vector.broadcast %mul3A_529 : f32 to vector<16xf32>
      %mul3A_531 = arith.mulf %get3A_528, %mul3A_530 : vector<16xf32>
      %swap3A = arith.constant 1 : i32
      %swap3A_532 = arith.index_cast %swap3A : i32 to index
      %swap3A_533 = arith.index_cast %scan3A_523 : i32 to index
      %swap3A_534 = arith.constant 0 : index
      %swap3A_535 = tpu.vector_load %arg6[%swap3A_532, %swap3A_533, %swap3A_534] {strides = array<i32>} : memref<6x128x128xf32, #tpu.memory_space<vmem>>, vector<1x1x16xf32>,
      %swap3A_536 = vector.shape_cast %swap3A_535 : vector<1x1x16xf32> to vector<16xf32>
      %swap3A_537 = vector.shape_cast %mul3A_531 : vector<16xf32> to vector<1x1x16xf32>
      tpu.vector_store %arg6[%swap3A_532, %swap3A_533, %swap3A_534], %swap3A_537 {strides = array<i32>} : memref<6x128x128xf32, #tpu.memory_space<vmem>>, vector<1x1x16xf32>,
      %get3A_538 = arith.constant 1 : i32
      %get3A_539 = arith.index_cast %get3A_538 : i32 to index
      %get3A_540 = arith.index_cast %scan3A_523 : i32 to index
      %get3A_541 = arith.constant 16 : index
      %get3A_542 = tpu.vector_load %arg6[%get3A_539, %get3A_540, %get3A_541] {strides = array<i32>} : memref<6x128x128xf32, #tpu.memory_space<vmem>>, vector<1x1x16xf32>,
      %get3A_543 = vector.shape_cast %get3A_542 : vector<1x1x16xf32> to vector<16xf32>
      %mul3A_544 = arith.constant 11.3137083 : f32
      %mul3A_545 = vector.broadcast %mul3A_544 : f32 to vector<16xf32>
      %mul3A_546 = arith.mulf %get3A_543, %mul3A_545 : vector<16xf32>
      %swap3A_547 = arith.constant 1 : i32
      %swap3A_548 = arith.index_cast %swap3A_547 : i32 to index
      %swap3A_549 = arith.index_cast %scan3A_523 : i32 to index
      %swap3A_550 = arith.constant 16 : index
      %swap3A_551 = tpu.vector_load %arg6[%swap3A_548, %swap3A_549, %swap3A_550] {strides = array<i32>} : memref<6x128x128xf32, #tpu.memory_space<vmem>>, vector<1x1x16xf32>,
      %swap3A_552 = vector.shape_cast %swap3A_551 : vector<1x1x16xf32> to vector<16xf32>
      %swap3A_553 = vector.shape_cast %mul3A_546 : vector<16xf32> to vector<1x1x16xf32>
      tpu.vector_store %arg6[%swap3A_548, %swap3A_549, %swap3A_550], %swap3A_553 {strides = array<i32>} : memref<6x128x128xf32, #tpu.memory_space<vmem>>, vector<1x1x16xf32>,
      %get3A_554 = arith.constant 1 : i32
      %get3A_555 = arith.index_cast %get3A_554 : i32 to index
      %get3A_556 = arith.index_cast %scan3A_523 : i32 to index
      %get3A_557 = arith.constant 32 : index
      %get3A_558 = tpu.vector_load %arg6[%get3A_555, %get3A_556, %get3A_557] {strides = array<i32>} : memref<6x128x128xf32, #tpu.memory_space<vmem>>, vector<1x1x16xf32>,
      %get3A_559 = vector.shape_cast %get3A_558 : vector<1x1x16xf32> to vector<16xf32>
      %mul3A_560 = arith.constant 11.3137083 : f32
      %mul3A_561 = vector.broadcast %mul3A_560 : f32 to vector<16xf32>
      %mul3A_562 = arith.mulf %get3A_559, %mul3A_561 : vector<16xf32>
      %swap3A_563 = arith.constant 1 : i32
      %swap3A_564 = arith.index_cast %swap3A_563 : i32 to index
      %swap3A_565 = arith.index_cast %scan3A_523 : i32 to index
      %swap3A_566 = arith.constant 32 : index
      %swap3A_567 = tpu.vector_load %arg6[%swap3A_564, %swap3A_565, %swap3A_566] {strides = array<i32>} : memref<6x128x128xf32, #tpu.memory_space<vmem>>, vector<1x1x16xf32>,
      %swap3A_568 = vector.shape_cast %swap3A_567 : vector<1x1x16xf32> to vector<16xf32>
      %swap3A_569 = vector.shape_cast %mul3A_562 : vector<16xf32> to vector<1x1x16xf32>
      tpu.vector_store %arg6[%swap3A_564, %swap3A_565, %swap3A_566], %swap3A_569 {strides = array<i32>} : memref<6x128x128xf32, #tpu.memory_space<vmem>>, vector<1x1x16xf32>,
      %get3A_570 = arith.constant 1 : i32
      %get3A_571 = arith.index_cast %get3A_570 : i32 to index
      %get3A_572 = arith.index_cast %scan3A_523 : i32 to index
      %get3A_573 = arith.constant 48 : index
      %get3A_574 = tpu.vector_load %arg6[%get3A_571, %get3A_572, %get3A_573] {strides = array<i32>} : memref<6x128x128xf32, #tpu.memory_space<vmem>>, vector<1x1x16xf32>,
      %get3A_575 = vector.shape_cast %get3A_574 : vector<1x1x16xf32> to vector<16xf32>
      %mul3A_576 = arith.constant 11.3137083 : f32
      %mul3A_577 = vector.broadcast %mul3A_576 : f32 to vector<16xf32>
      %mul3A_578 = arith.mulf %get3A_575, %mul3A_577 : vector<16xf32>
      %swap3A_579 = arith.constant 1 : i32
      %swap3A_580 = arith.index_cast %swap3A_579 : i32 to index
      %swap3A_581 = arith.index_cast %scan3A_523 : i32 to index
      %swap3A_582 = arith.constant 48 : index
      %swap3A_583 = tpu.vector_load %arg6[%swap3A_580, %swap3A_581, %swap3A_582] {strides = array<i32>} : memref<6x128x128xf32, #tpu.memory_space<vmem>>, vector<1x1x16xf32>,
      %swap3A_584 = vector.shape_cast %swap3A_583 : vector<1x1x16xf32> to vector<16xf32>
      %swap3A_585 = vector.shape_cast %mul3A_578 : vector<16xf32> to vector<1x1x16xf32>
      tpu.vector_store %arg6[%swap3A_580, %swap3A_581, %swap3A_582], %swap3A_585 {strides = array<i32>} : memref<6x128x128xf32, #tpu.memory_space<vmem>>, vector<1x1x16xf32>,
      %get3A_586 = arith.constant 1 : i32
      %get3A_587 = arith.index_cast %get3A_586 : i32 to index
      %get3A_588 = arith.index_cast %scan3A_523 : i32 to index
      %get3A_589 = arith.constant 64 : index
      %get3A_590 = tpu.vector_load %arg6[%get3A_587, %get3A_588, %get3A_589] {strides = array<i32>} : memref<6x128x128xf32, #tpu.memory_space<vmem>>, vector<1x1x16xf32>,
      %get3A_591 = vector.shape_cast %get3A_590 : vector<1x1x16xf32> to vector<16xf32>
      %mul3A_592 = arith.constant 11.3137083 : f32
      %mul3A_593 = vector.broadcast %mul3A_592 : f32 to vector<16xf32>
      %mul3A_594 = arith.mulf %get3A_591, %mul3A_593 : vector<16xf32>
      %swap3A_595 = arith.constant 1 : i32
      %swap3A_596 = arith.index_cast %swap3A_595 : i32 to index
      %swap3A_597 = arith.index_cast %scan3A_523 : i32 to index
      %swap3A_598 = arith.constant 64 : index
      %swap3A_599 = tpu.vector_load %arg6[%swap3A_596, %swap3A_597, %swap3A_598] {strides = array<i32>} : memref<6x128x128xf32, #tpu.memory_space<vmem>>, vector<1x1x16xf32>,
      %swap3A_600 = vector.shape_cast %swap3A_599 : vector<1x1x16xf32> to vector<16xf32>
      %swap3A_601 = vector.shape_cast %mul3A_594 : vector<16xf32> to vector<1x1x16xf32>
      tpu.vector_store %arg6[%swap3A_596, %swap3A_597, %swap3A_598], %swap3A_601 {strides = array<i32>} : memref<6x128x128xf32, #tpu.memory_space<vmem>>, vector<1x1x16xf32>,
      %get3A_602 = arith.constant 1 : i32
      %get3A_603 = arith.index_cast %get3A_602 : i32 to index
      %get3A_604 = arith.index_cast %scan3A_523 : i32 to index
      %get3A_605 = arith.constant 80 : index
      %get3A_606 = tpu.vector_load %arg6[%get3A_603, %get3A_604, %get3A_605] {strides = array<i32>} : memref<6x128x128xf32, #tpu.memory_space<vmem>>, vector<1x1x16xf32>,
      %get3A_607 = vector.shape_cast %get3A_606 : vector<1x1x16xf32> to vector<16xf32>
      %mul3A_608 = arith.constant 11.3137083 : f32
      %mul3A_609 = vector.broadcast %mul3A_608 : f32 to vector<16xf32>
      %mul3A_610 = arith.mulf %get3A_607, %mul3A_609 : vector<16xf32>
      %swap3A_611 = arith.constant 1 : i32
      %swap3A_612 = arith.index_cast %swap3A_611 : i32 to index
      %swap3A_613 = arith.index_cast %scan3A_523 : i32 to index
      %swap3A_614 = arith.constant 80 : index
      %swap3A_615 = tpu.vector_load %arg6[%swap3A_612, %swap3A_613, %swap3A_614] {strides = array<i32>} : memref<6x128x128xf32, #tpu.memory_space<vmem>>, vector<1x1x16xf32>,
      %swap3A_616 = vector.shape_cast %swap3A_615 : vector<1x1x16xf32> to vector<16xf32>
      %swap3A_617 = vector.shape_cast %mul3A_610 : vector<16xf32> to vector<1x1x16xf32>
      tpu.vector_store %arg6[%swap3A_612, %swap3A_613, %swap3A_614], %swap3A_617 {strides = array<i32>} : memref<6x128x128xf32, #tpu.memory_space<vmem>>, vector<1x1x16xf32>,
      %get3A_618 = arith.constant 1 : i32
      %get3A_619 = arith.index_cast %get3A_618 : i32 to index
      %get3A_620 = arith.index_cast %scan3A_523 : i32 to index
      %get3A_621 = arith.constant 96 : index
      %get3A_622 = tpu.vector_load %arg6[%get3A_619, %get3A_620, %get3A_621] {strides = array<i32>} : memref<6x128x128xf32, #tpu.memory_space<vmem>>, vector<1x1x16xf32>,
      %get3A_623 = vector.shape_cast %get3A_622 : vector<1x1x16xf32> to vector<16xf32>
      %mul3A_624 = arith.constant 11.3137083 : f32
      %mul3A_625 = vector.broadcast %mul3A_624 : f32 to vector<16xf32>
      %mul3A_626 = arith.mulf %get3A_623, %mul3A_625 : vector<16xf32>
      %swap3A_627 = arith.constant 1 : i32
      %swap3A_628 = arith.index_cast %swap3A_627 : i32 to index
      %swap3A_629 = arith.index_cast %scan3A_523 : i32 to index
      %swap3A_630 = arith.constant 96 : index
      %swap3A_631 = tpu.vector_load %arg6[%swap3A_628, %swap3A_629, %swap3A_630] {strides = array<i32>} : memref<6x128x128xf32, #tpu.memory_space<vmem>>, vector<1x1x16xf32>,
      %swap3A_632 = vector.shape_cast %swap3A_631 : vector<1x1x16xf32> to vector<16xf32>
      %swap3A_633 = vector.shape_cast %mul3A_626 : vector<16xf32> to vector<1x1x16xf32>
      tpu.vector_store %arg6[%swap3A_628, %swap3A_629, %swap3A_630], %swap3A_633 {strides = array<i32>} : memref<6x128x128xf32, #tpu.memory_space<vmem>>, vector<1x1x16xf32>,
      %get3A_634 = arith.constant 1 : i32
      %get3A_635 = arith.index_cast %get3A_634 : i32 to index
      %get3A_636 = arith.index_cast %scan3A_523 : i32 to index
      %get3A_637 = arith.constant 112 : index
      %get3A_638 = tpu.vector_load %arg6[%get3A_635, %get3A_636, %get3A_637] {strides = array<i32>} : memref<6x128x128xf32, #tpu.memory_space<vmem>>, vector<1x1x16xf32>,
      %get3A_639 = vector.shape_cast %get3A_638 : vector<1x1x16xf32> to vector<16xf32>
      %mul3A_640 = arith.constant 11.3137083 : f32
      %mul3A_641 = vector.broadcast %mul3A_640 : f32 to vector<16xf32>
      %mul3A_642 = arith.mulf %get3A_639, %mul3A_641 : vector<16xf32>
      %swap3A_643 = arith.constant 1 : i32
      %swap3A_644 = arith.index_cast %swap3A_643 : i32 to index
      %swap3A_645 = arith.index_cast %scan3A_523 : i32 to index
      %swap3A_646 = arith.constant 112 : index
      %swap3A_647 = tpu.vector_load %arg6[%swap3A_644, %swap3A_645, %swap3A_646] {strides = array<i32>} : memref<6x128x128xf32, #tpu.memory_space<vmem>>, vector<1x1x16xf32>,
      %swap3A_648 = vector.shape_cast %swap3A_647 : vector<1x1x16xf32> to vector<16xf32>
      %swap3A_649 = vector.shape_cast %mul3A_642 : vector<16xf32> to vector<1x1x16xf32>
      tpu.vector_store %arg6[%swap3A_644, %swap3A_645, %swap3A_646], %swap3A_649 {strides = array<i32>} : memref<6x128x128xf32, #tpu.memory_space<vmem>>, vector<1x1x16xf32>,
      %scan3A_650 = arith.constant 1 : i32
      %scan3A_651 = arith.addi %scan3A_523, %scan3A_650 : i32
      %get3A_652 = arith.constant 1 : i32
      %get3A_653 = arith.index_cast %get3A_652 : i32 to index
      %get3A_654 = arith.index_cast %scan3A_651 : i32 to index
      %get3A_655 = arith.constant 0 : index
      %get3A_656 = tpu.vector_load %arg6[%get3A_653, %get3A_654, %get3A_655] {strides = array<i32>} : memref<6x128x128xf32, #tpu.memory_space<vmem>>, vector<1x1x16xf32>,
      %get3A_657 = vector.shape_cast %get3A_656 : vector<1x1x16xf32> to vector<16xf32>
      %mul3A_658 = arith.constant 11.3137083 : f32
      %mul3A_659 = vector.broadcast %mul3A_658 : f32 to vector<16xf32>
      %mul3A_660 = arith.mulf %get3A_657, %mul3A_659 : vector<16xf32>
      %swap3A_661 = arith.constant 1 : i32
      %swap3A_662 = arith.index_cast %swap3A_661 : i32 to index
      %swap3A_663 = arith.index_cast %scan3A_651 : i32 to index
      %swap3A_664 = arith.constant 0 : index
      %swap3A_665 = tpu.vector_load %arg6[%swap3A_662, %swap3A_663, %swap3A_664] {strides = array<i32>} : memref<6x128x128xf32, #tpu.memory_space<vmem>>, vector<1x1x16xf32>,
      %swap3A_666 = vector.shape_cast %swap3A_665 : vector<1x1x16xf32> to vector<16xf32>
      %swap3A_667 = vector.shape_cast %mul3A_660 : vector<16xf32> to vector<1x1x16xf32>
      tpu.vector_store %arg6[%swap3A_662, %swap3A_663, %swap3A_664], %swap3A_667 {strides = array<i32>} : memref<6x128x128xf32, #tpu.memory_space<vmem>>, vector<1x1x16xf32>,
      %get3A_668 = arith.constant 1 : i32
      %get3A_669 = arith.index_cast %get3A_668 : i32 to index
      %get3A_670 = arith.index_cast %scan3A_651 : i32 to index
      %get3A_671 = arith.constant 16 : index
      %get3A_672 = tpu.vector_load %arg6[%get3A_669, %get3A_670, %get3A_671] {strides = array<i32>} : memref<6x128x128xf32, #tpu.memory_space<vmem>>, vector<1x1x16xf32>,
      %get3A_673 = vector.shape_cast %get3A_672 : vector<1x1x16xf32> to vector<16xf32>
      %mul3A_674 = arith.constant 11.3137083 : f32
      %mul3A_675 = vector.broadcast %mul3A_674 : f32 to vector<16xf32>
      %mul3A_676 = arith.mulf %get3A_673, %mul3A_675 : vector<16xf32>
      %swap3A_677 = arith.constant 1 : i32
      %swap3A_678 = arith.index_cast %swap3A_677 : i32 to index
      %swap3A_679 = arith.index_cast %scan3A_651 : i32 to index
      %swap3A_680 = arith.constant 16 : index
      %swap3A_681 = tpu.vector_load %arg6[%swap3A_678, %swap3A_679, %swap3A_680] {strides = array<i32>} : memref<6x128x128xf32, #tpu.memory_space<vmem>>, vector<1x1x16xf32>,
      %swap3A_682 = vector.shape_cast %swap3A_681 : vector<1x1x16xf32> to vector<16xf32>
      %swap3A_683 = vector.shape_cast %mul3A_676 : vector<16xf32> to vector<1x1x16xf32>
      tpu.vector_store %arg6[%swap3A_678, %swap3A_679, %swap3A_680], %swap3A_683 {strides = array<i32>} : memref<6x128x128xf32, #tpu.memory_space<vmem>>, vector<1x1x16xf32>,
      %get3A_684 = arith.constant 1 : i32
      %get3A_685 = arith.index_cast %get3A_684 : i32 to index
      %get3A_686 = arith.index_cast %scan3A_651 : i32 to index
      %get3A_687 = arith.constant 32 : index
      %get3A_688 = tpu.vector_load %arg6[%get3A_685, %get3A_686, %get3A_687] {strides = array<i32>} : memref<6x128x128xf32, #tpu.memory_space<vmem>>, vector<1x1x16xf32>,
      %get3A_689 = vector.shape_cast %get3A_688 : vector<1x1x16xf32> to vector<16xf32>
      %mul3A_690 = arith.constant 11.3137083 : f32
      %mul3A_691 = vector.broadcast %mul3A_690 : f32 to vector<16xf32>
      %mul3A_692 = arith.mulf %get3A_689, %mul3A_691 : vector<16xf32>
      %swap3A_693 = arith.constant 1 : i32
      %swap3A_694 = arith.index_cast %swap3A_693 : i32 to index
      %swap3A_695 = arith.index_cast %scan3A_651 : i32 to index
      %swap3A_696 = arith.constant 32 : index
      %swap3A_697 = tpu.vector_load %arg6[%swap3A_694, %swap3A_695, %swap3A_696] {strides = array<i32>} : memref<6x128x128xf32, #tpu.memory_space<vmem>>, vector<1x1x16xf32>,
      %swap3A_698 = vector.shape_cast %swap3A_697 : vector<1x1x16xf32> to vector<16xf32>
      %swap3A_699 = vector.shape_cast %mul3A_692 : vector<16xf32> to vector<1x1x16xf32>
      tpu.vector_store %arg6[%swap3A_694, %swap3A_695, %swap3A_696], %swap3A_699 {strides = array<i32>} : memref<6x128x128xf32, #tpu.memory_space<vmem>>, vector<1x1x16xf32>,
      %get3A_700 = arith.constant 1 : i32
      %get3A_701 = arith.index_cast %get3A_700 : i32 to index
      %get3A_702 = arith.index_cast %scan3A_651 : i32 to index
      %get3A_703 = arith.constant 48 : index
      %get3A_704 = tpu.vector_load %arg6[%get3A_701, %get3A_702, %get3A_703] {strides = array<i32>} : memref<6x128x128xf32, #tpu.memory_space<vmem>>, vector<1x1x16xf32>,
      %get3A_705 = vector.shape_cast %get3A_704 : vector<1x1x16xf32> to vector<16xf32>
      %mul3A_706 = arith.constant 11.3137083 : f32
      %mul3A_707 = vector.broadcast %mul3A_706 : f32 to vector<16xf32>
      %mul3A_708 = arith.mulf %get3A_705, %mul3A_707 : vector<16xf32>
      %swap3A_709 = arith.constant 1 : i32
      %swap3A_710 = arith.index_cast %swap3A_709 : i32 to index
      %swap3A_711 = arith.index_cast %scan3A_651 : i32 to index
      %swap3A_712 = arith.constant 48 : index
      %swap3A_713 = tpu.vector_load %arg6[%swap3A_710, %swap3A_711, %swap3A_712] {strides = array<i32>} : memref<6x128x128xf32, #tpu.memory_space<vmem>>, vector<1x1x16xf32>,
      %swap3A_714 = vector.shape_cast %swap3A_713 : vector<1x1x16xf32> to vector<16xf32>
      %swap3A_715 = vector.shape_cast %mul3A_708 : vector<16xf32> to vector<1x1x16xf32>
      tpu.vector_store %arg6[%swap3A_710, %swap3A_711, %swap3A_712], %swap3A_715 {strides = array<i32>} : memref<6x128x128xf32, #tpu.memory_space<vmem>>, vector<1x1x16xf32>,
      %get3A_716 = arith.constant 1 : i32
      %get3A_717 = arith.index_cast %get3A_716 : i32 to index
      %get3A_718 = arith.index_cast %scan3A_651 : i32 to index
      %get3A_719 = arith.constant 64 : index
      %get3A_720 = tpu.vector_load %arg6[%get3A_717, %get3A_718, %get3A_719] {strides = array<i32>} : memref<6x128x128xf32, #tpu.memory_space<vmem>>, vector<1x1x16xf32>,
      %get3A_721 = vector.shape_cast %get3A_720 : vector<1x1x16xf32> to vector<16xf32>
      %mul3A_722 = arith.constant 11.3137083 : f32
      %mul3A_723 = vector.broadcast %mul3A_722 : f32 to vector<16xf32>
      %mul3A_724 = arith.mulf %get3A_721, %mul3A_723 : vector<16xf32>
      %swap3A_725 = arith.constant 1 : i32
      %swap3A_726 = arith.index_cast %swap3A_725 : i32 to index
      %swap3A_727 = arith.index_cast %scan3A_651 : i32 to index
      %swap3A_728 = arith.constant 64 : index
      %swap3A_729 = tpu.vector_load %arg6[%swap3A_726, %swap3A_727, %swap3A_728] {strides = array<i32>} : memref<6x128x128xf32, #tpu.memory_space<vmem>>, vector<1x1x16xf32>,
      %swap3A_730 = vector.shape_cast %swap3A_729 : vector<1x1x16xf32> to vector<16xf32>
      %swap3A_731 = vector.shape_cast %mul3A_724 : vector<16xf32> to vector<1x1x16xf32>
      tpu.vector_store %arg6[%swap3A_726, %swap3A_727, %swap3A_728], %swap3A_731 {strides = array<i32>} : memref<6x128x128xf32, #tpu.memory_space<vmem>>, vector<1x1x16xf32>,
      %get3A_732 = arith.constant 1 : i32
      %get3A_733 = arith.index_cast %get3A_732 : i32 to index
      %get3A_734 = arith.index_cast %scan3A_651 : i32 to index
      %get3A_735 = arith.constant 80 : index
      %get3A_736 = tpu.vector_load %arg6[%get3A_733, %get3A_734, %get3A_735] {strides = array<i32>} : memref<6x128x128xf32, #tpu.memory_space<vmem>>, vector<1x1x16xf32>,
      %get3A_737 = vector.shape_cast %get3A_736 : vector<1x1x16xf32> to vector<16xf32>
      %mul3A_738 = arith.constant 11.3137083 : f32
      %mul3A_739 = vector.broadcast %mul3A_738 : f32 to vector<16xf32>
      %mul3A_740 = arith.mulf %get3A_737, %mul3A_739 : vector<16xf32>
      %swap3A_741 = arith.constant 1 : i32
      %swap3A_742 = arith.index_cast %swap3A_741 : i32 to index
      %swap3A_743 = arith.index_cast %scan3A_651 : i32 to index
      %swap3A_744 = arith.constant 80 : index
      %swap3A_745 = tpu.vector_load %arg6[%swap3A_742, %swap3A_743, %swap3A_744] {strides = array<i32>} : memref<6x128x128xf32, #tpu.memory_space<vmem>>, vector<1x1x16xf32>,
      %swap3A_746 = vector.shape_cast %swap3A_745 : vector<1x1x16xf32> to vector<16xf32>
      %swap3A_747 = vector.shape_cast %mul3A_740 : vector<16xf32> to vector<1x1x16xf32>
      tpu.vector_store %arg6[%swap3A_742, %swap3A_743, %swap3A_744], %swap3A_747 {strides = array<i32>} : memref<6x128x128xf32, #tpu.memory_space<vmem>>, vector<1x1x16xf32>,
      %get3A_748 = arith.constant 1 : i32
      %get3A_749 = arith.index_cast %get3A_748 : i32 to index
      %get3A_750 = arith.index_cast %scan3A_651 : i32 to index
      %get3A_751 = arith.constant 96 : index
      %get3A_752 = tpu.vector_load %arg6[%get3A_749, %get3A_750, %get3A_751] {strides = array<i32>} : memref<6x128x128xf32, #tpu.memory_space<vmem>>, vector<1x1x16xf32>,
      %get3A_753 = vector.shape_cast %get3A_752 : vector<1x1x16xf32> to vector<16xf32>
      %mul3A_754 = arith.constant 11.3137083 : f32
      %mul3A_755 = vector.broadcast %mul3A_754 : f32 to vector<16xf32>
      %mul3A_756 = arith.mulf %get3A_753, %mul3A_755 : vector<16xf32>
      %swap3A_757 = arith.constant 1 : i32
      %swap3A_758 = arith.index_cast %swap3A_757 : i32 to index
      %swap3A_759 = arith.index_cast %scan3A_651 : i32 to index
      %swap3A_760 = arith.constant 96 : index
      %swap3A_761 = tpu.vector_load %arg6[%swap3A_758, %swap3A_759, %swap3A_760] {strides = array<i32>} : memref<6x128x128xf32, #tpu.memory_space<vmem>>, vector<1x1x16xf32>,
      %swap3A_762 = vector.shape_cast %swap3A_761 : vector<1x1x16xf32> to vector<16xf32>
      %swap3A_763 = vector.shape_cast %mul3A_756 : vector<16xf32> to vector<1x1x16xf32>
      tpu.vector_store %arg6[%swap3A_758, %swap3A_759, %swap3A_760], %swap3A_763 {strides = array<i32>} : memref<6x128x128xf32, #tpu.memory_space<vmem>>, vector<1x1x16xf32>,
      %get3A_764 = arith.constant 1 : i32
      %get3A_765 = arith.index_cast %get3A_764 : i32 to index
      %get3A_766 = arith.index_cast %scan3A_651 : i32 to index
      %get3A_767 = arith.constant 112 : index
      %get3A_768 = tpu.vector_load %arg6[%get3A_765, %get3A_766, %get3A_767] {strides = array<i32>} : memref<6x128x128xf32, #tpu.memory_space<vmem>>, vector<1x1x16xf32>,
      %get3A_769 = vector.shape_cast %get3A_768 : vector<1x1x16xf32> to vector<16xf32>
      %mul3A_770 = arith.constant 11.3137083 : f32
      %mul3A_771 = vector.broadcast %mul3A_770 : f32 to vector<16xf32>
      %mul3A_772 = arith.mulf %get3A_769, %mul3A_771 : vector<16xf32>
      %swap3A_773 = arith.constant 1 : i32
      %swap3A_774 = arith.index_cast %swap3A_773 : i32 to index
      %swap3A_775 = arith.index_cast %scan3A_651 : i32 to index
      %swap3A_776 = arith.constant 112 : index
      %swap3A_777 = tpu.vector_load %arg6[%swap3A_774, %swap3A_775, %swap3A_776] {strides = array<i32>} : memref<6x128x128xf32, #tpu.memory_space<vmem>>, vector<1x1x16xf32>,
      %swap3A_778 = vector.shape_cast %swap3A_777 : vector<1x1x16xf32> to vector<16xf32>
      %swap3A_779 = vector.shape_cast %mul3A_772 : vector<16xf32> to vector<1x1x16xf32>
      tpu.vector_store %arg6[%swap3A_774, %swap3A_775, %swap3A_776], %swap3A_779 {strides = array<i32>} : memref<6x128x128xf32, #tpu.memory_space<vmem>>, vector<1x1x16xf32>,
    }
    %scan3A_396 = arith.constant 128 : i32
    %dma_start3A_397 = arith.constant 1 : i32
    %dma_start3A_398 = arith.constant 199 : i32
    %dma_start3A_399 = arith.constant 0 : i32
    %dma_start3A_400 = arith.constant 0 : i32
    %dma_start3A_401 = tpu.memref_slice %arg6[%dma_start3A_397, %dma_start3A_399, %dma_start3A_400] : memref<6x128x128xf32, #tpu.memory_space<vmem>> -> memref<1x128x128xf32, #tpu.memory_space<vmem>>
    %dma_start3A_402 = tpu.memref_squeeze %dma_start3A_401 : memref<1x128x128xf32, #tpu.memory_space<vmem>> -> memref<128x128xf32, #tpu.memory_space<vmem>>
    %dma_start3A_403 = arith.constant 0 : i32
    %dma_start3A_404 = arith.constant 0 : i32
    %dma_start3A_405 = tpu.memref_slice %arg4[%add3A, %dma_start3A_398, %dma_start3A_403, %dma_start3A_404] : memref<32x200x128x128xf32, #tpu.memory_space<hbm>> -> memref<1x1x128x128xf32, #tpu.memory_space<hbm>>
    %dma_start3A_406 = tpu.memref_squeeze %dma_start3A_405 : memref<1x1x128x128xf32, #tpu.memory_space<hbm>> -> memref<128x128xf32, #tpu.memory_space<hbm>>
    %dma_start3A_407 = arith.constant 0 : i32
    %dma_start3A_408 = arith.constant 0 : i32
    %dma_start3A_409 = tpu.memref_slice %arg4[%add3A, %dma_start3A_398, %dma_start3A_407, %dma_start3A_408] : memref<32x200x128x128xf32, #tpu.memory_space<hbm>> -> memref<1x1x128x128xf32, #tpu.memory_space<hbm>>
    %dma_start3A_410 = tpu.memref_squeeze %dma_start3A_409 : memref<1x1x128x128xf32, #tpu.memory_space<hbm>> -> memref<128x128xf32, #tpu.memory_space<hbm>>
    %dma_start3A_411 = arith.constant 0 : i32
    %dma_start3A_412 = arith.constant 0 : i32
    %dma_start3A_413 = tpu.memref_slice %arg6[%dma_start3A_397, %dma_start3A_411, %dma_start3A_412] : memref<6x128x128xf32, #tpu.memory_space<vmem>> -> memref<1x128x128xf32, #tpu.memory_space<vmem>>
    %dma_start3A_414 = tpu.memref_squeeze %dma_start3A_413 : memref<1x128x128xf32, #tpu.memory_space<vmem>> -> memref<128x128xf32, #tpu.memory_space<vmem>>
    tpu.enqueue_dma source(%dma_start3A_414 : memref<128x128xf32, #tpu.memory_space<vmem>>) target(%dma_start3A_410 : memref<128x128xf32, #tpu.memory_space<hbm>>) target_semaphore(%arg14 : memref<!tpu.dma_semaphore, #tpu.memory_space<semaphore_mem>>)
    %dma_wait3A_415 = arith.constant 2 : i32
    %dma_wait3A_416 = arith.constant 194 : i32
    %dma_wait3A_417 = arith.constant 0 : i32
    %dma_wait3A_418 = arith.constant 0 : i32
    %dma_wait3A_419 = tpu.memref_slice %arg6[%dma_wait3A_415, %dma_wait3A_417, %dma_wait3A_418] : memref<6x128x128xf32, #tpu.memory_space<vmem>> -> memref<1x128x128xf32, #tpu.memory_space<vmem>>
    %dma_wait3A_420 = tpu.memref_squeeze %dma_wait3A_419 : memref<1x128x128xf32, #tpu.memory_space<vmem>> -> memref<128x128xf32, #tpu.memory_space<vmem>>
    %dma_wait3A_421 = arith.constant 0 : i32
    %dma_wait3A_422 = arith.constant 0 : i32
    %dma_wait3A_423 = tpu.memref_slice %arg4[%add3A, %dma_wait3A_416, %dma_wait3A_421, %dma_wait3A_422] : memref<32x200x128x128xf32, #tpu.memory_space<hbm>> -> memref<1x1x128x128xf32, #tpu.memory_space<hbm>>
    %dma_wait3A_424 = tpu.memref_squeeze %dma_wait3A_423 : memref<1x1x128x128xf32, #tpu.memory_space<hbm>> -> memref<128x128xf32, #tpu.memory_space<hbm>>
    %dma_wait3A_425 = arith.constant 0 : i32
    %dma_wait3A_426 = arith.constant 0 : i32
    %dma_wait3A_427 = tpu.memref_slice %arg4[%add3A, %dma_wait3A_416, %dma_wait3A_425, %dma_wait3A_426] : memref<32x200x128x128xf32, #tpu.memory_space<hbm>> -> memref<1x1x128x128xf32, #tpu.memory_space<hbm>>
    %dma_wait3A_428 = tpu.memref_squeeze %dma_wait3A_427 : memref<1x1x128x128xf32, #tpu.memory_space<hbm>> -> memref<128x128xf32, #tpu.memory_space<hbm>>
    %dma_wait3A_429 = arith.constant 0 : i32
    %dma_wait3A_430 = arith.constant 0 : i32
    %dma_wait3A_431 = tpu.memref_slice %arg6[%dma_wait3A_415, %dma_wait3A_429, %dma_wait3A_430] : memref<6x128x128xf32, #tpu.memory_space<vmem>> -> memref<1x128x128xf32, #tpu.memory_space<vmem>>
    %dma_wait3A_432 = tpu.memref_squeeze %dma_wait3A_431 : memref<1x128x128xf32, #tpu.memory_space<vmem>> -> memref<128x128xf32, #tpu.memory_space<vmem>>
    tpu.wait_dma2 semaphore(%arg15 : memref<!tpu.dma_semaphore, #tpu.memory_space<semaphore_mem>>) src(%dma_wait3A_432 : memref<128x128xf32, #tpu.memory_space<vmem>>) dst(%dma_wait3A_428 : memref<128x128xf32, #tpu.memory_space<hbm>>)
    %dma_wait3A_433 = arith.constant 3 : i32
    %dma_wait3A_434 = arith.constant 195 : i32
    %dma_wait3A_435 = arith.constant 0 : i32
    %dma_wait3A_436 = arith.constant 0 : i32
    %dma_wait3A_437 = tpu.memref_slice %arg6[%dma_wait3A_433, %dma_wait3A_435, %dma_wait3A_436] : memref<6x128x128xf32, #tpu.memory_space<vmem>> -> memref<1x128x128xf32, #tpu.memory_space<vmem>>
    %dma_wait3A_438 = tpu.memref_squeeze %dma_wait3A_437 : memref<1x128x128xf32, #tpu.memory_space<vmem>> -> memref<128x128xf32, #tpu.memory_space<vmem>>
    %dma_wait3A_439 = arith.constant 0 : i32
    %dma_wait3A_440 = arith.constant 0 : i32
    %dma_wait3A_441 = tpu.memref_slice %arg4[%add3A, %dma_wait3A_434, %dma_wait3A_439, %dma_wait3A_440] : memref<32x200x128x128xf32, #tpu.memory_space<hbm>> -> memref<1x1x128x128xf32, #tpu.memory_space<hbm>>
    %dma_wait3A_442 = tpu.memref_squeeze %dma_wait3A_441 : memref<1x1x128x128xf32, #tpu.memory_space<hbm>> -> memref<128x128xf32, #tpu.memory_space<hbm>>
    %dma_wait3A_443 = arith.constant 0 : i32
    %dma_wait3A_444 = arith.constant 0 : i32
    %dma_wait3A_445 = tpu.memref_slice %arg4[%add3A, %dma_wait3A_434, %dma_wait3A_443, %dma_wait3A_444] : memref<32x200x128x128xf32, #tpu.memory_space<hbm>> -> memref<1x1x128x128xf32, #tpu.memory_space<hbm>>
    %dma_wait3A_446 = tpu.memref_squeeze %dma_wait3A_445 : memref<1x1x128x128xf32, #tpu.memory_space<hbm>> -> memref<128x128xf32, #tpu.memory_space<hbm>>
    %dma_wait3A_447 = arith.constant 0 : i32
    %dma_wait3A_448 = arith.constant 0 : i32
    %dma_wait3A_449 = tpu.memref_slice %arg6[%dma_wait3A_433, %dma_wait3A_447, %dma_wait3A_448] : memref<6x128x128xf32, #tpu.memory_space<vmem>> -> memref<1x128x128xf32, #tpu.memory_space<vmem>>
    %dma_wait3A_450 = tpu.memref_squeeze %dma_wait3A_449 : memref<1x128x128xf32, #tpu.memory_space<vmem>> -> memref<128x128xf32, #tpu.memory_space<vmem>>
    tpu.wait_dma2 semaphore(%arg16 : memref<!tpu.dma_semaphore, #tpu.memory_space<semaphore_mem>>) src(%dma_wait3A_450 : memref<128x128xf32, #tpu.memory_space<vmem>>) dst(%dma_wait3A_446 : memref<128x128xf32, #tpu.memory_space<hbm>>)
    %dma_wait3A_451 = arith.constant 4 : i32
    %dma_wait3A_452 = arith.constant 196 : i32
    %dma_wait3A_453 = arith.constant 0 : i32
    %dma_wait3A_454 = arith.constant 0 : i32
    %dma_wait3A_455 = tpu.memref_slice %arg6[%dma_wait3A_451, %dma_wait3A_453, %dma_wait3A_454] : memref<6x128x128xf32, #tpu.memory_space<vmem>> -> memref<1x128x128xf32, #tpu.memory_space<vmem>>
    %dma_wait3A_456 = tpu.memref_squeeze %dma_wait3A_455 : memref<1x128x128xf32, #tpu.memory_space<vmem>> -> memref<128x128xf32, #tpu.memory_space<vmem>>
    %dma_wait3A_457 = arith.constant 0 : i32
    %dma_wait3A_458 = arith.constant 0 : i32
    %dma_wait3A_459 = tpu.memref_slice %arg4[%add3A, %dma_wait3A_452, %dma_wait3A_457, %dma_wait3A_458] : memref<32x200x128x128xf32, #tpu.memory_space<hbm>> -> memref<1x1x128x128xf32, #tpu.memory_space<hbm>>
    %dma_wait3A_460 = tpu.memref_squeeze %dma_wait3A_459 : memref<1x1x128x128xf32, #tpu.memory_space<hbm>> -> memref<128x128xf32, #tpu.memory_space<hbm>>
    %dma_wait3A_461 = arith.constant 0 : i32
    %dma_wait3A_462 = arith.constant 0 : i32
    %dma_wait3A_463 = tpu.memref_slice %arg4[%add3A, %dma_wait3A_452, %dma_wait3A_461, %dma_wait3A_462] : memref<32x200x128x128xf32, #tpu.memory_space<hbm>> -> memref<1x1x128x128xf32, #tpu.memory_space<hbm>>
    %dma_wait3A_464 = tpu.memref_squeeze %dma_wait3A_463 : memref<1x1x128x128xf32, #tpu.memory_space<hbm>> -> memref<128x128xf32, #tpu.memory_space<hbm>>
    %dma_wait3A_465 = arith.constant 0 : i32
    %dma_wait3A_466 = arith.constant 0 : i32
    %dma_wait3A_467 = tpu.memref_slice %arg6[%dma_wait3A_451, %dma_wait3A_465, %dma_wait3A_466] : memref<6x128x128xf32, #tpu.memory_space<vmem>> -> memref<1x128x128xf32, #tpu.memory_space<vmem>>
    %dma_wait3A_468 = tpu.memref_squeeze %dma_wait3A_467 : memref<1x128x128xf32, #tpu.memory_space<vmem>> -> memref<128x128xf32, #tpu.memory_space<vmem>>
    tpu.wait_dma2 semaphore(%arg17 : memref<!tpu.dma_semaphore, #tpu.memory_space<semaphore_mem>>) src(%dma_wait3A_468 : memref<128x128xf32, #tpu.memory_space<vmem>>) dst(%dma_wait3A_464 : memref<128x128xf32, #tpu.memory_space<hbm>>)
    %dma_wait3A_469 = arith.constant 5 : i32
    %dma_wait3A_470 = arith.constant 197 : i32
    %dma_wait3A_471 = arith.constant 0 : i32
    %dma_wait3A_472 = arith.constant 0 : i32
    %dma_wait3A_473 = tpu.memref_slice %arg6[%dma_wait3A_469, %dma_wait3A_471, %dma_wait3A_472] : memref<6x128x128xf32, #tpu.memory_space<vmem>> -> memref<1x128x128xf32, #tpu.memory_space<vmem>>
    %dma_wait3A_474 = tpu.memref_squeeze %dma_wait3A_473 : memref<1x128x128xf32, #tpu.memory_space<vmem>> -> memref<128x128xf32, #tpu.memory_space<vmem>>
    %dma_wait3A_475 = arith.constant 0 : i32
    %dma_wait3A_476 = arith.constant 0 : i32
    %dma_wait3A_477 = tpu.memref_slice %arg4[%add3A, %dma_wait3A_470, %dma_wait3A_475, %dma_wait3A_476] : memref<32x200x128x128xf32, #tpu.memory_space<hbm>> -> memref<1x1x128x128xf32, #tpu.memory_space<hbm>>
    %dma_wait3A_478 = tpu.memref_squeeze %dma_wait3A_477 : memref<1x1x128x128xf32, #tpu.memory_space<hbm>> -> memref<128x128xf32, #tpu.memory_space<hbm>>
    %dma_wait3A_479 = arith.constant 0 : i32
    %dma_wait3A_480 = arith.constant 0 : i32
    %dma_wait3A_481 = tpu.memref_slice %arg4[%add3A, %dma_wait3A_470, %dma_wait3A_479, %dma_wait3A_480] : memref<32x200x128x128xf32, #tpu.memory_space<hbm>> -> memref<1x1x128x128xf32, #tpu.memory_space<hbm>>
    %dma_wait3A_482 = tpu.memref_squeeze %dma_wait3A_481 : memref<1x1x128x128xf32, #tpu.memory_space<hbm>> -> memref<128x128xf32, #tpu.memory_space<hbm>>
    %dma_wait3A_483 = arith.constant 0 : i32
    %dma_wait3A_484 = arith.constant 0 : i32
    %dma_wait3A_485 = tpu.memref_slice %arg6[%dma_wait3A_469, %dma_wait3A_483, %dma_wait3A_484] : memref<6x128x128xf32, #tpu.memory_space<vmem>> -> memref<1x128x128xf32, #tpu.memory_space<vmem>>
    %dma_wait3A_486 = tpu.memref_squeeze %dma_wait3A_485 : memref<1x128x128xf32, #tpu.memory_space<vmem>> -> memref<128x128xf32, #tpu.memory_space<vmem>>
    tpu.wait_dma2 semaphore(%arg18 : memref<!tpu.dma_semaphore, #tpu.memory_space<semaphore_mem>>) src(%dma_wait3A_486 : memref<128x128xf32, #tpu.memory_space<vmem>>) dst(%dma_wait3A_482 : memref<128x128xf32, #tpu.memory_space<hbm>>)
    %dma_wait3A_487 = arith.constant 0 : i32
    %dma_wait3A_488 = arith.constant 198 : i32
    %dma_wait3A_489 = arith.constant 0 : i32
    %dma_wait3A_490 = arith.constant 0 : i32
    %dma_wait3A_491 = tpu.memref_slice %arg6[%dma_wait3A_487, %dma_wait3A_489, %dma_wait3A_490] : memref<6x128x128xf32, #tpu.memory_space<vmem>> -> memref<1x128x128xf32, #tpu.memory_space<vmem>>
    %dma_wait3A_492 = tpu.memref_squeeze %dma_wait3A_491 : memref<1x128x128xf32, #tpu.memory_space<vmem>> -> memref<128x128xf32, #tpu.memory_space<vmem>>
    %dma_wait3A_493 = arith.constant 0 : i32
    %dma_wait3A_494 = arith.constant 0 : i32
    %dma_wait3A_495 = tpu.memref_slice %arg4[%add3A, %dma_wait3A_488, %dma_wait3A_493, %dma_wait3A_494] : memref<32x200x128x128xf32, #tpu.memory_space<hbm>> -> memref<1x1x128x128xf32, #tpu.memory_space<hbm>>
    %dma_wait3A_496 = tpu.memref_squeeze %dma_wait3A_495 : memref<1x1x128x128xf32, #tpu.memory_space<hbm>> -> memref<128x128xf32, #tpu.memory_space<hbm>>
    %dma_wait3A_497 = arith.constant 0 : i32
    %dma_wait3A_498 = arith.constant 0 : i32
    %dma_wait3A_499 = tpu.memref_slice %arg4[%add3A, %dma_wait3A_488, %dma_wait3A_497, %dma_wait3A_498] : memref<32x200x128x128xf32, #tpu.memory_space<hbm>> -> memref<1x1x128x128xf32, #tpu.memory_space<hbm>>
    %dma_wait3A_500 = tpu.memref_squeeze %dma_wait3A_499 : memref<1x1x128x128xf32, #tpu.memory_space<hbm>> -> memref<128x128xf32, #tpu.memory_space<hbm>>
    %dma_wait3A_501 = arith.constant 0 : i32
    %dma_wait3A_502 = arith.constant 0 : i32
    %dma_wait3A_503 = tpu.memref_slice %arg6[%dma_wait3A_487, %dma_wait3A_501, %dma_wait3A_502] : memref<6x128x128xf32, #tpu.memory_space<vmem>> -> memref<1x128x128xf32, #tpu.memory_space<vmem>>
    %dma_wait3A_504 = tpu.memref_squeeze %dma_wait3A_503 : memref<1x128x128xf32, #tpu.memory_space<vmem>> -> memref<128x128xf32, #tpu.memory_space<vmem>>
    tpu.wait_dma2 semaphore(%arg13 : memref<!tpu.dma_semaphore, #tpu.memory_space<semaphore_mem>>) src(%dma_wait3A_504 : memref<128x128xf32, #tpu.memory_space<vmem>>) dst(%dma_wait3A_500 : memref<128x128xf32, #tpu.memory_space<hbm>>)
    %dma_wait3A_505 = arith.constant 1 : i32
    %dma_wait3A_506 = arith.constant 199 : i32
    %dma_wait3A_507 = arith.constant 0 : i32
    %dma_wait3A_508 = arith.constant 0 : i32
    %dma_wait3A_509 = tpu.memref_slice %arg6[%dma_wait3A_505, %dma_wait3A_507, %dma_wait3A_508] : memref<6x128x128xf32, #tpu.memory_space<vmem>> -> memref<1x128x128xf32, #tpu.memory_space<vmem>>
    %dma_wait3A_510 = tpu.memref_squeeze %dma_wait3A_509 : memref<1x128x128xf32, #tpu.memory_space<vmem>> -> memref<128x128xf32, #tpu.memory_space<vmem>>
    %dma_wait3A_511 = arith.constant 0 : i32
    %dma_wait3A_512 = arith.constant 0 : i32
    %dma_wait3A_513 = tpu.memref_slice %arg4[%add3A, %dma_wait3A_506, %dma_wait3A_511, %dma_wait3A_512] : memref<32x200x128x128xf32, #tpu.memory_space<hbm>> -> memref<1x1x128x128xf32, #tpu.memory_space<hbm>>
    %dma_wait3A_514 = tpu.memref_squeeze %dma_wait3A_513 : memref<1x1x128x128xf32, #tpu.memory_space<hbm>> -> memref<128x128xf32, #tpu.memory_space<hbm>>
    %dma_wait3A_515 = arith.constant 0 : i32
    %dma_wait3A_516 = arith.constant 0 : i32
    %dma_wait3A_517 = tpu.memref_slice %arg4[%add3A, %dma_wait3A_506, %dma_wait3A_515, %dma_wait3A_516] : memref<32x200x128x128xf32, #tpu.memory_space<hbm>> -> memref<1x1x128x128xf32, #tpu.memory_space<hbm>>
    %dma_wait3A_518 = tpu.memref_squeeze %dma_wait3A_517 : memref<1x1x128x128xf32, #tpu.memory_space<hbm>> -> memref<128x128xf32, #tpu.memory_space<hbm>>
    %dma_wait3A_519 = arith.constant 0 : i32
    %dma_wait3A_520 = arith.constant 0 : i32
    %dma_wait3A_521 = tpu.memref_slice %arg6[%dma_wait3A_505, %dma_wait3A_519, %dma_wait3A_520] : memref<6x128x128xf32, #tpu.memory_space<vmem>> -> memref<1x128x128xf32, #tpu.memory_space<vmem>>
    %dma_wait3A_522 = tpu.memref_squeeze %dma_wait3A_521 : memref<1x128x128xf32, #tpu.memory_space<vmem>> -> memref<128x128xf32, #tpu.memory_space<vmem>>
    tpu.wait_dma2 semaphore(%arg14 : memref<!tpu.dma_semaphore, #tpu.memory_space<semaphore_mem>>) src(%dma_wait3A_522 : memref<128x128xf32, #tpu.memory_space<vmem>>) dst(%dma_wait3A_518 : memref<128x128xf32, #tpu.memory_space<hbm>>)
    return
  }
}

</mosaic_0001>

<sc_bundles>
// kernel: _gather.3.cloned.1.call-start
scs
__scs_entry_jumppad:
0x0: {  	(pc) =	sbr.rel $0x88, $3  }
0x1: {  	(tag) =	ssettag $0x0;
	lr =	simm.s32 $0x1  }
0x2: {  	[smem:$0x3F9F] =	sst lr;
	_ =	strace $0xD0000000  }
0x3: {  	_ = 	snop  }
0x4: {  	_ = 	snop  }
0x5: {  	_ = 	snop  }
0x6: {  	_ = 	snop  }
0x7: {  	_ = 	snop  }
__scs_overlays_trampoline_lowered:
0x8: {  	[smem:$0x3FAE] =	sst s0  }
0x9: {  	[smem:$0x3FAF] =	sst s1  }
0xa: {  	[smem:$0x3FB0] =	sst s2  }
0xb: {  	[smem:$0x3FB1] =	sst s3  }
0xc: {  	[smem:$0x3FB2] =	sst s4  }
0xd: {  	[smem:$0x3FB3] =	sst s5  }
0xe: {  	[smem:$0x3FB4] =	sst s6  }
0xf: {  	[smem:$0x3FB5] =	sst s7  }
0x10: {  	[smem:$0x3FB6] =	sst s8  }
0x11: {  	[smem:$0x3FB7] =	sst s9;
	s0 =	simm.s32 @!p0 $0x0  }
0x12: {  	s1 =	sld [smem:$0x3F9D];
	s0 =	simm.s32 @p0 $0x1  }
0x13: {  	[smem:$0x3FB8] =	sst s0;
	s0 =	simm.s32 @!p1 $0x0  }
0x14: {  	s2 =	sld [smem:$0x3F9C];
	s0 =	simm.s32 @p1 $0x1  }
0x15: {  	[smem:$0x3FB9] =	sst s0;
	s0 =	simm.s32 @!p2 $0x0  }
0x16: {  	s3 =	sld [smem:$0x3FDB];
	s0 =	simm.s32 @p2 $0x1  }
0x17: {  	s4 =	simm.s32 $0x1BF5;
	[smem:$0x3FBB] =	sst s0  }
0x18: {  	s0 =	sld [smem:$0x3F9E];
	_ =	swait.ge [sflag:s4], $0x0  }
0x19: {  	s7 =	sld [smem:$0x3F9F]  }
0x1a: {  	s8 =	sadd.s32 $0xFFFFE003, lr  }
0x1b: {  	s9 =	sadd.s32 $0xFFFFFEF7, lr;
	s5 =	simm.s32 $0xFFFFFFFF;
	p2 =	slt.u32 s8, $0xFFFFF086  }
0x1c: {  	p1 =	slt.u32 s9, $0xF7A;
	s5 =	simm.s32 @!p2 $0x0  }
0x1d: {  	s5 =	simm.s32 @p1 $0x1;
	p0 =	seq.s32 s7, s2  }
0x1e: {  	s7 =	smul.u32 @!p0 $0xF7A, s2;
	p2 =	seq.s32 @!p0 s5, $0x0  }
0x1f: {  	s9 =	smul.u32 $0xF7A, s1;
	s8 =	simm.s32 @!p0 $0x1BF5;
	p2 =	por !p2, p0  }
0x20: {  	[sflag:s8] =	ssyncset.s32 @!p0 $0xFFFFF086;
	s6 =	sadd.s32 @!p0 s3, s7;
	s7 =	simm.s32 @!p0 $0x108  }
0x21: {  	s3 =	sadd.s32 s3, s9;
	s6 =	sadd.s32 @!p0 $0x88, s6;
	s7 =	simm.s32 @p2 $0x1082  }
0x22: {  	[simem:s7], [sflag:s8] =	dma.local @!p0 [hbm:s6], $0xF7A  }
0x23: {  	s9 =	sor.u32 $0xD0000000, s2;
	s6 =	simm.s32 $0x108;
	_ =	swait.ge @!p0 [sflag:s8], $0x0  }
0x24: {  	s3 =	sadd.s32 $0x88, s3;
	s6 =	simm.s32 @!p1 $0x1082;
	[sflag:s4] =	ssyncset.s32 $0xFFFFF086  }
0x25: {  	[simem:s6], [sflag:s4] =	dma.local [hbm:s3], $0xF7A  }
0x26: {  	[smem:$0x3F9F] =	sst s1;
	(tag) =	ssettag s2;
	_ =	strace s9  }
0x27: {  	s1 =	sld [smem:$0x3FAF]  }
0x28: {  	s2 =	sld [smem:$0x3FB0]  }
0x29: {  	s4 =	sld [smem:$0x3FB2]  }
0x2a: {  	p0 =	seq.s32 s5, $0x0;
	s5 =	sld [smem:$0x3FB3]  }
0x2b: {  	s6 =	sld [smem:$0x3FB4]  }
0x2c: {  	s7 =	sld [smem:$0x3FB5]  }
0x2d: {  	s3 =	simm.s32 $0x108;
	s8 =	sld [smem:$0x3FB6]  }
0x2e: {  	s3 =	simm.s32 @!p0 $0x1082;
	s9 =	sld [smem:$0x3FB7]  }
0x2f: {  	lr =	sadd.s32 s0, s3;
	s0 =	sld [smem:$0x3FAE]  }
0x30: {  	s3 =	sld [smem:$0x3FB1]  }
0x31: {  	[smem:$0x3FBA] =	sst s10  }
0x32: {  	s10 =	sld [smem:$0x3FB8];
	_ =	sdelay $0x3  }
0x33: {  	p0 =	seq.s32 s10, $0x1;
	s10 =	sld [smem:$0x3FBA];
	_ =	sdelay $0x3  }
0x34: {  	[smem:$0x3FBA] =	sst s10  }
0x35: {  	s10 =	sld [smem:$0x3FB9];
	_ =	sdelay $0x3  }
0x36: {  	p1 =	seq.s32 s10, $0x1;
	s10 =	sld [smem:$0x3FBA];
	_ =	sdelay $0x3  }
0x37: {  	[smem:$0x3FBA] =	sst s10  }
0x38: {  	s10 =	sld [smem:$0x3FBB]  }
0x39: {  	_ = 	snop;
	(pc) =	sbr.ind lr, $3  }
0x3a: {  	_ = 	snop  }
0x3b: {  	_ = 	snop  }
0x3c: {  	p2 =	seq.s32 s10, $0x1;
	s10 =	sld [smem:$0x3FBA]  }
0x3d: {  	_ =	shalt  }
0x3e: {  	_ =	shalt  }
0x3f: {  	_ =	shalt  }
0x40: {  	_ =	shalt  }
0x41: {  	_ =	shalt  }
0x42: {  	_ =	shalt  }
0x43: {  	_ =	shalt  }
0x44: {  	_ =	shalt  }
0x45: {  	_ =	shalt  }
0x46: {  	_ =	shalt  }
0x47: {  	_ =	shalt  }
0x48: {  	_ =	shalt  }
0x49: {  	_ =	shalt  }
0x4a: {  	_ =	shalt  }
0x4b: {  	_ =	shalt  }
0x4c: {  	_ =	shalt  }
0x4d: {  	_ =	shalt  }
0x4e: {  	_ =	shalt  }
0x4f: {  	_ =	shalt  }
0x50: {  	_ =	shalt  }
0x51: {  	_ =	shalt  }
0x52: {  	_ =	shalt  }
0x53: {  	_ =	shalt  }
0x54: {  	_ =	shalt  }
0x55: {  	_ =	shalt  }
0x56: {  	_ =	shalt  }
0x57: {  	_ =	shalt  }
0x58: {  	_ =	shalt  }
0x59: {  	_ =	shalt  }
0x5a: {  	_ =	shalt  }
0x5b: {  	_ =	shalt  }
0x5c: {  	_ =	shalt  }
0x5d: {  	_ =	shalt  }
0x5e: {  	_ =	shalt  }
0x5f: {  	_ =	shalt  }
0x60: {  	_ =	shalt  }
0x61: {  	_ =	shalt  }
0x62: {  	_ =	shalt  }
0x63: {  	_ =	shalt  }
0x64: {  	_ =	shalt  }
0x65: {  	_ =	shalt  }
0x66: {  	_ =	shalt  }
0x67: {  	_ =	shalt  }
0x68: {  	_ =	shalt  }
0x69: {  	_ =	shalt  }
0x6a: {  	_ =	shalt  }
0x6b: {  	_ =	shalt  }
0x6c: {  	_ =	shalt  }
0x6d: {  	_ =	shalt  }
0x6e: {  	_ =	shalt  }
0x6f: {  	_ =	shalt  }
0x70: {  	_ =	shalt  }
0x71: {  	_ =	shalt  }
0x72: {  	_ =	shalt  }
0x73: {  	_ =	shalt  }
0x74: {  	_ =	shalt  }
0x75: {  	_ =	shalt  }
0x76: {  	_ =	shalt  }
0x77: {  	_ =	shalt  }
0x78: {  	_ =	shalt  }
0x79: {  	_ =	shalt  }
0x7a: {  	_ =	shalt  }
0x7b: {  	_ =	shalt  }
0x7c: {  	_ =	shalt  }
0x7d: {  	_ =	shalt  }
0x7e: {  	_ =	shalt  }
0x7f: {  	_ =	shalt  }
0x80: {  	_ =	shalt  }
0x81: {  	_ =	shalt  }
0x82: {  	_ =	shalt  }
0x83: {  	_ =	shalt  }
0x84: {  	_ =	shalt  }
0x85: {  	_ =	shalt  }
0x86: {  	_ =	shalt  }
0x87: {  	_ =	shalt  }
.Lfunc_end0:
.L_simem_size_0:
called_computation_lowered:
.L_overlay_start_0:
0x88: {  	s2 =	sld [smem:$0x3FD9]  }
0x89: {  	s3 =	sld [smem:$0x3FFE];
	_ =	sdelay $0x1  }
0x8a: {  	s1 =	srdreg.scid  }
0x8b: {  	s0 =	sand.u32 $0x1, s1  }
0x8c: {  	s18 =	sshll.u32 s0, $0xA;
	s2 =	sadd.s32 s3, s2  }
0x8d: {  	s2 =	sadd.s32 s2, s18  }
0x8e: {  	[smem:$0x3FC6] =	sst s2  }
0x8f: {  	_ = 	snop  }
0x90: {  	s2 =	sld [smem:$0x3FC9]  }
0x91: {  	s19 =	sld [smem:$0x3FC8]  }
0x92: {  	s4 =	sld [smem:$0x3FD0];
	(tm) =	ssettm $0x1  }
0x93: {  	s5 =	sld [smem:$0x3FFB];
	_ =	sdelay $0x3  }
0x94: {  	_ =	strace s5  }
0x95: {  	s5 =	sld [smem:$0x3FFC];
	_ =	sdelay $0x3  }
0x96: {  	_ =	strace s5  }
0x97: {  	s5 =	sld [smem:$0x3FFD];
	_ =	sdelay $0x3  }
0x98: {  	_ =	strace s5  }
0x99: {  	_ =	strace $0x8FFFFFFF  }
0x9a: {  	s20 =	sld [smem:$0x3FDB];
	_ =	sdelay $0x1  }
0x9b: {  	s6 =	simm.s32 $_scs_section_size  }
0x9c: {  	s7 =	simm.s32 $_size__tile_overlayer_lowered;
	s8 =	simm.s32 $_tile_overlayer_lowered  }
0x9d: {  	s23 =	simm.s32 $0x1BFF;
	s22 =	sshll.u32 s8, $0x1;
	s5 =	sadd.s32 s6, s20  }
0x9e: {  	s9 =	simm.s32 $0x0;
	s21 =	sshll.u32 s7, $0x1;
	s7 =	sadd.s32 s22, s5  }
0x9f: {  	[timem:s9], [sflag:s23] =	dma.local [hbm:s7], s21  }
0xa0: {  	_ =	swait.ge [sflag:s23], s21  }
0xa1: {  	s6 =	ssub.s32 $0x0, s21;
	[sflag:s23] =	ssyncset.done $0x0  }
0xa2: {  	[sflag:s23] =	ssyncadd.s32 s6;
	_ =	sdelay $0x1  }
0xa3: {  	s24 =	simm.s32 $0x1B8B  }
0xa4: {  	_ =	swait.ge [sflag:s24], $0x1  }
0xa5: {  	[sflag:s24] =	ssyncset.done $0x0  }
0xa6: {  	s25 =	simm.s32 $0x1B8E;
	[sflag:s24] =	ssyncadd.s32 $0xFFFFFFFF  }
0xa7: {  	s26 =	simm.s32 $execute0_lowered;
	[smem:$0x3FD2] =	sst s25  }
0xa8: {  	s6 =	sshll.u32 s26, $0x1;
	_ =	strace $0x80000046;
	[dreg:$0x1] =	wrdreg $0xFFFFFFFF  }
0xa9: {  	s28 =	simm.s32 $_size_execute0_lowered;
	s5 =	sadd.s32 s5, s6;
	[dreg:$0x0] =	wrdreg $0x0  }
0xaa: {  	s6 =	sshll.u32 s28, $0x1;
	[dreg:$0x2] =	wrdreg s5  }
0xab: {  	[dreg:$0x3] =	wrdreg s6  }
0xac: {  	[dreg:$0x4] =	wrdreg $0xC0  }
0xad: {  	_ =	task [dreg:s9], $0x5FFFF  }
0xae: {  	[dreg:$0x1] =	wrdreg $0xFFFFFFFF  }
0xaf: {  	[dreg:$0x0] =	wrdreg $0x60  }
0xb0: {  	[dreg:$0x2] =	wrdreg s2  }
0xb1: {  	[dreg:$0x3] =	wrdreg s19  }
0xb2: {  	[dreg:$0x4] =	wrdreg s4  }
0xb3: {  	[dreg:$0x5] =	wrdreg $0x9  }
0xb4: {  	_ =	task.clear_ibuf [dreg:s9], $0x6FFFF;
	_ =	strace $0x90000046  }
0xb5: {  	s29 =	simm.s32 $0x9;
	_ =	strace $0x80000048  }
0xb6: {  	_ =	swait.ge [sflag:s29], $0x1  }
0xb7: {  	[sflag:s29] =	ssyncadd.s32 $0xFFFFFFFF  }
0xb8: {  	_ =	strace $0x90000048  }
0xb9: {  	_ =	sfence  }
0xba: {  	s30 =	sld [smem:$0x0];
	_ =	sdelay $0x2  }
0xbb: {  	s31 =	sshll.u32 s1, $0xD;
	s1 =	sshrl.u32 s1, $0x2  }
0xbc: {  	s3 =	sand.u32 $0x4000, s31;
	s1 =	sadd.s32 s1, s30  }
0xbd: {  	s0 =	sor.u32 s3, s0;
	s1 =	sshll.u32 s1, $0x11  }
0xbe: {  	s0 =	sor.u32 s1, s0  }
0xbf: {  	s0 =	sadd.s32 $0x8F2B, s0  }
0xc0: {  	[sflag:s0] =	ssyncadd.remote.s32 $0x1  }
0xc1: {  	_ =	sfence.sel $0xFFFF  }
0xc2: {  	[dreg:$0x0] =	wrdreg $0xFFFFFFFF;
	(pc) =	sbr.abs _section_cstart, $3  }
0xc3: {  	[dreg:$0x1] =	wrdreg $0xFFFFFFFF  }
0xc4: {  	_ =	task.clear_ibuf [dreg:s9], $0x2FFFF;
	_ =	strace $0x9FFFFFFF  }
0xc5: {  	(tm) =	ssettm $0x7FFFFFFF  }
tec
execute0_lowered:
.L_overlay_start_1:
0x0: {  	(tag) =	ssettag $0x1  }
0x1: {  	s0 =	rddreg [dreg:$0x0]  }
0x2: {  	s1 =	srdreg.scid;
	s3 =	stileid.u32  }
0x3: {  	s2 =	rddreg [dreg:$0x1];
	s1 =	sand.u32 $0x1, s1;
	s4 =	sshll.u32 s3, $0x1  }
0x4: {  	s28 =	simm.s32 $0x1;
	s30 =	simm.s32 $0x16400;
	s6 =	sor.u32 s1, s4  }
0x5: {  	s31 =	simm.s32 $0x2;
	s29 =	simm.s32 $0x4;
	s5 =	smul.u32 $0x320000, s6  }
0x6: {  	s9 =	simm.s32 $0x6;
	s13 =	simm.s32 $0xA;
	s6 =	smul.u32 $0xC80, s6  }
0x7: {  	s14 =	simm.s32 $0xB;
	s3 =	rddreg [dreg:$0x2];
	s4 =	simm.s32 $0x0  }
0x8: {  	s1 =	ssub.s32 $0x2, s1;
	[smem:$0x7FF] =	sst s4;
	s0 =	sadd.s32 s0, s6  }
0x9: {  	_ =	strace $0x80000047;
	s18 =	sadd.s32 $0xFFFF4000, s5;
	[dreg:$0x5] =	wrdreg s0  }
0xa: {  	s7 =	sshrl.u32 s1, $0x1;
	s19 =	sadd.s32 $0xFFFF8000, s5;
	[dreg:$0x8] =	wrdreg s18  }
0xb: {  	s1 =	ssub.s32 s1, s7;
	s20 =	sadd.s32 $0xFFFFC000, s5;
	[dreg:$0x9] =	wrdreg s19  }
0xc: {  	s8 =	sshrl.u32 s5, $0x3;
	s26 =	smax.u32 s1, $0x1;
	[dreg:$0xa] =	wrdreg s20  }
0xd: {  	s10 =	simm.s32 $0x0;
	s15 =	sadd.s32 s3, s8;
	[dreg:$0x10] =	wrdreg s26  }
0xe: {  	s7 =	simm.s32 $0x5;
	s16 =	sadd.s32 $0x800, s15;
	[dreg:$0x4] =	wrdreg s15  }
0xf: {  	s1 =	simm.s32 $0x8;
	s17 =	sadd.s32 $0x1000, s15;
	[dreg:$0x6] =	wrdreg s16  }
0x10: {  	s20 =	simm.s32 $0x80;
	s21 =	sadd.s32 $0x61800, s15;
	[dreg:$0x7] =	wrdreg s17  }
0x11: {  	s26 =	simm.s32 $0x12400;
	s22 =	sadd.s32 $0x62000, s15;
	[dreg:$0xb] =	wrdreg s21  }
0x12: {  	s0 =	simm.s32 $0x1A400;
	s23 =	sadd.s32 $0x62800, s15;
	[dreg:$0xc] =	wrdreg s22  }
0x13: {  	s8 =	simm.s32 $0x9;
	s24 =	sadd.s32 $0x63000, s15;
	[dreg:$0xd] =	wrdreg s23  }
0x14: {  	s25 =	sadd.s32 $0x63800, s15;
	s15 =	simm.s32 $0xC;
	[dreg:$0xe] =	wrdreg s24  }
0x15: {  	[dreg:$0xf] =	wrdreg s25;
	s21 =	simm.s32 $0x6400;
	s22 =	simm.s32 $0xA400  }
0x16: {  	s24 =	simm.s32 $0xE400;
	s23 =	simm.s32 $0x3;
	s25 =	simm.s32 $0x7  }
.LBB2_1:
0x17: {  	[dreg:$0x11] =	wrdreg s10  }
0x18: {  	s6 =	rddreg [dreg:$0x5];
	s17 =	simm.s32 $0xD  }
0x19: {  	[tilespmem:s4], [sflag:$0xD] =	stream.linear.gather [hbm4b:s6+s4], $0x6400, $0x38;
	[tilespmem:$0x1E400] =	vst v63  }
0x1a: {  	_ =	swait.ge [sflag:s17], $0x6400  }
0x1b: {  	[sflag:s17] =	ssyncset.done $0x0  }
0x1c: {  	[sflag:s17] =	ssyncadd.s32 $0xFFFF9C00  }
0x1d: {  	[tilespmem:s21], [sflag:$0x1] =	stream.indirect.gather [hbm4b:s2+s20], $0x80, s4, s20, $0xb8;
	[tilespmem:$0x1E400] =	vst v63  }
0x1e: {  	_ = 	snop  }
0x1f: {  	[tilespmem:s22], [sflag:$0x2] =	stream.indirect.gather [hbm4b:s2+s20], $0x80, s20, s20, $0xb8;
	[tilespmem:$0x1E400] =	vst v63  }
0x20: {  	s18 =	simm.s32 $0x100  }
0x21: {  	[tilespmem:s24], [sflag:$0x3] =	stream.indirect.gather [hbm4b:s2+s20], $0x80, s18, s20, $0xb8;
	[tilespmem:$0x1E400] =	vst v63  }
0x22: {  	s19 =	simm.s32 $0x180  }
0x23: {  	[tilespmem:s26], [sflag:$0x4] =	stream.indirect.gather [hbm4b:s2+s20], $0x80, s19, s20, $0xb8;
	[tilespmem:$0x1E400] =	vst v63  }
0x24: {  	_ =	swait.ge [sflag:s28], $0x4000  }
0x25: {  	[sflag:s28] =	ssyncset.done $0x0  }
0x26: {  	s6 =	simm.s32 $0x6480;
	[sflag:s28] =	ssyncadd.s32 $0xFFFFC000  }
0x27: {  	v0 =	vld [tilespmem:s6+$0xFFFFFF80]  }
0x28: {  	v1 =	vld [tilespmem:s6+$0xFFFFFF90]  }
0x29: {  	v2 =	vld [tilespmem:s6+$0xFFFFFFA0]  }
0x2a: {  	v3 =	vld [tilespmem:s6+$0xFFFFFFB0]  }
0x2b: {  	v4 =	vld [tilespmem:s6+$0xFFFFFFC0]  }
0x2c: {  	v5 =	vld [tilespmem:s6+$0xFFFFFFD0];
	v0 =	vmul.f32 $1.131370830e+01, v0  }
0x2d: {  	v6 =	vld [tilespmem:s6+$0xFFFFFFE0];
	v1 =	vmul.f32 $1.131370830e+01, v1  }
0x2e: {  	[tilespmem:s6+$0xFFFFFF80] =	vst v0;
	v0 =	vmul.f32 $1.131370830e+01, v2;
	v2 =	vld [tilespmem:s6+$0x0]  }
0x2f: {  	[tilespmem:s6+$0xFFFFFF90] =	vst v1;
	v1 =	vmul.f32 $1.131370830e+01, v3;
	v3 =	vld [tilespmem:s6+$0x10]  }
0x30: {  	[tilespmem:s6+$0xFFFFFFA0] =	vst v0;
	v0 =	vmul.f32 $1.131370830e+01, v4;
	v4 =	vld [tilespmem:s6+$0x20]  }
0x31: {  	v7 =	vld [tilespmem:s6+$0x30];
	[tilespmem:s6+$0xFFFFFFB0] =	vst v1;
	v1 =	vmul.f32 $1.131370830e+01, v5  }
0x32: {  	v5 =	vmul.f32 $1.131370830e+01, v6;
	[tilespmem:s6+$0xFFFFFFC0] =	vst v0;
	v0 =	vld [tilespmem:s6+$0x40]  }
0x33: {  	[tilespmem:s6+$0xFFFFFFD0] =	vst v1;
	v1 =	vld [tilespmem:s6+$0x50];
	v2 =	vmul.f32 $1.131370830e+01, v2  }
0x34: {  	[tilespmem:s6+$0xFFFFFFE0] =	vst v5;
	v6 =	vmul.f32 $1.131370830e+01, v3;
	v3 =	vld [tilespmem:s6+$0x60]  }
0x35: {  	[tilespmem:s6+$0x0] =	vst v2;
	v5 =	vmul.f32 $1.131370830e+01, v4;
	v4 =	vld [tilespmem:s6+$0x70]  }
0x36: {  	s10 =	simm.s32 $0x0;
	s11 =	simm.s32 $0x6580;
	v2 =	vld [tilespmem:s6+$0xFFFFFFF0];
	[tilespmem:s6+$0x10] =	vst v6;
	v6 =	vmul.f32 $1.131370830e+01, v7  }
.LBB2_2:
0x37: {  	v7 =	vld [tilespmem:s11+$0xFFFFFF80];
	[tilespmem:s6+$0x20] =	vst v5;
	v0 =	vmul.f32 $1.131370830e+01, v0  }
0x38: {  	v5 =	vld [tilespmem:s11+$0xFFFFFF90];
	[tilespmem:s6+$0x30] =	vst v6;
	v1 =	vmul.f32 $1.131370830e+01, v1  }
0x39: {  	v6 =	vld [tilespmem:s11+$0xFFFFFFA0];
	[tilespmem:s6+$0x40] =	vst v0;
	v0 =	vmul.f32 $1.131370830e+01, v3  }
0x3a: {  	v3 =	vld [tilespmem:s11+$0xFFFFFFB0];
	[tilespmem:s6+$0x50] =	vst v1;
	v1 =	vmul.f32 $1.131370830e+01, v4  }
0x3b: {  	v4 =	vld [tilespmem:s11+$0xFFFFFFC0];
	v2 =	vmul.f32 $1.131370830e+01, v2;
	[tilespmem:s6+$0x60] =	vst v0  }
0x3c: {  	v0 =	vmul.f32 $1.131370830e+01, v7;
	v7 =	vld [tilespmem:s11+$0xFFFFFFD0];
	[tilespmem:s6+$0x70] =	vst v1  }
0x3d: {  	v1 =	vmul.f32 $1.131370830e+01, v5;
	v5 =	vld [tilespmem:s11+$0xFFFFFFE0];
	[tilespmem:s6+$0xFFFFFFF0] =	vst v2;
	s6 =	smov.u32 s11  }
0x3e: {  	[tilespmem:s11+$0xFFFFFF80] =	vst v0;
	v0 =	vmul.f32 $1.131370830e+01, v6;
	v2 =	vld [tilespmem:s11+$0x0]  }
0x3f: {  	[tilespmem:s11+$0xFFFFFF90] =	vst v1;
	v1 =	vmul.f32 $1.131370830e+01, v3;
	v3 =	vld [tilespmem:s11+$0x10]  }
0x40: {  	s10 =	sadd.s32 $0x2, s10;
	[tilespmem:s11+$0xFFFFFFA0] =	vst v0;
	v0 =	vmul.f32 $1.131370830e+01, v4;
	v4 =	vld [tilespmem:s11+$0x20]  }
0x41: {  	p0 =	slt.u32 s10, $0x7E;
	[tilespmem:s11+$0xFFFFFFB0] =	vst v1;
	v1 =	vmul.f32 $1.131370830e+01, v7;
	v6 =	vld [tilespmem:s11+$0x30]  }
.Ltmp0:
0x42: {  	[tilespmem:s11+$0xFFFFFFC0] =	vst v0;
	v5 =	vmul.f32 $1.131370830e+01, v5;
	v0 =	vld [tilespmem:s11+$0x40];
	(pc) =	sbr.rel @p0 .LBB2_2-.Ltmp0, $4  }
0x43: {  	[tilespmem:s11+$0xFFFFFFD0] =	vst v1;
	v2 =	vmul.f32 $1.131370830e+01, v2;
	v1 =	vld [tilespmem:s11+$0x50]  }
0x44: {  	[tilespmem:s11+$0xFFFFFFE0] =	vst v5;
	v7 =	vmul.f32 $1.131370830e+01, v3;
	v3 =	vld [tilespmem:s11+$0x60]  }
0x45: {  	[tilespmem:s11+$0x0] =	vst v2;
	v5 =	vmul.f32 $1.131370830e+01, v4;
	v4 =	vld [tilespmem:s11+$0x70]  }
0x46: {  	s11 =	sadd.s32 $0x100, s11;
	v2 =	vld [tilespmem:s6+$0xFFFFFFF0];
	[tilespmem:s6+$0x10] =	vst v7;
	v6 =	vmul.f32 $1.131370830e+01, v6  }
0x47: {  	[tilespmem:s6+$0x20] =	vst v5;
	v0 =	vmul.f32 $1.131370830e+01, v0  }
0x48: {  	[tilespmem:s6+$0x30] =	vst v6;
	v1 =	vmul.f32 $1.131370830e+01, v1  }
0x49: {  	[tilespmem:s6+$0x40] =	vst v0;
	v0 =	vmul.f32 $1.131370830e+01, v3  }
0x4a: {  	[tilespmem:s6+$0x50] =	vst v1;
	v1 =	vmul.f32 $1.131370830e+01, v4  }
0x4b: {  	v2 =	vmul.f32 $1.131370830e+01, v2;
	[tilespmem:s6+$0x60] =	vst v0  }
0x4c: {  	[tilespmem:s6+$0x70] =	vst v1  }
0x4d: {  	s18 =	rddreg [dreg:$0x4];
	[tilespmem:s6+$0xFFFFFFF0] =	vst v2  }
0x4e: {  	[hbm4b:s18+s4] =	stream.linear.scatter [tilespmem:s21], [sflag:$0x7], $0x4000, $0x38;
	[tilespmem:$0x1E400] =	vst v63  }
0x4f: {  	s19 =	simm.s32 $0x200  }
0x50: {  	[tilespmem:s30], [sflag:$0x5] =	stream.indirect.gather [hbm4b:s2+s20], $0x80, s19, s20, $0xb8;
	[tilespmem:$0x1E400] =	vst v63  }
0x51: {  	_ =	swait.ge [sflag:s31], $0x4000  }
0x52: {  	[sflag:s31] =	ssyncset.done $0x0  }
0x53: {  	s6 =	simm.s32 $0xA400;
	[sflag:s31] =	ssyncadd.s32 $0xFFFFC000  }
0x54: {  	v1 =	vld [tilespmem:s6+$0xA0]  }
0x55: {  	v2 =	vld [tilespmem:s6+$0x40]  }
0x56: {  	v3 =	vld [tilespmem:s6+$0xE0]  }
0x57: {  	v4 =	vld [tilespmem:s6+$0xD0]  }
0x58: {  	v5 =	vld [tilespmem:s6+$0x20]  }
0x59: {  	v0 =	vld [tilespmem:s6+$0x90]  }
0x5a: {  	v8 =	vld [tilespmem:s6+$0xC0]  }
0x5b: {  	v7 =	vld [tilespmem:s6+$0x10]  }
0x5c: {  	v9 =	vld [tilespmem:s6+$0x0];
	v1 =	vmul.f32 $1.131370830e+01, v1  }
0x5d: {  	v11 =	vld [tilespmem:s6+$0x50];
	v4 =	vmul.f32 $1.131370830e+01, v4  }
0x5e: {  	v10 =	vld [tilespmem:s6+$0xB0];
	v12 =	vmul.f32 $1.131370830e+01, v5;
	[tilespmem:s6+$0xA0] =	vst v1  }
0x5f: {  	v6 =	vld [tilespmem:s6+$0xF0];
	v13 =	vmul.f32 $1.131370830e+01, v8;
	[tilespmem:s6+$0xD0] =	vst v4  }
0x60: {  	v1 =	vmul.f32 $1.131370830e+01, v2;
	v2 =	vmul.f32 $1.131370830e+01, v3;
	v3 =	vld [tilespmem:s6+$0x80];
	[tilespmem:s6+$0x20] =	vst v12  }
0x61: {  	v4 =	vld [tilespmem:s6+$0x70];
	[tilespmem:s6+$0xC0] =	vst v13  }
0x62: {  	v8 =	vmul.f32 $1.131370830e+01, v9;
	v5 =	vld [tilespmem:s6+$0x60];
	v9 =	vmul.f32 $1.131370830e+01, v11;
	[tilespmem:s6+$0x40] =	vst v1  }
0x63: {  	s10 =	simm.s32 $0x0;
	s11 =	simm.s32 $0xA500;
	[tilespmem:s6+$0xE0] =	vst v2;
	v1 =	vmul.f32 $1.131370830e+01, v7;
	v7 =	vld [tilespmem:s6+$0x30];
	v2 =	vmul.f32 $1.131370830e+01, v10  }
.LBB2_4:
0x64: {  	v10 =	vld [tilespmem:s11+$0xA0];
	s10 =	sadd.s32 $0x2, s10;
	[tilespmem:s6+$0x0] =	vst v8;
	v0 =	vmul.f32 $1.131370830e+01, v0;
	v6 =	vmul.f32 $1.131370830e+01, v6  }
0x65: {  	v8 =	vld [tilespmem:s11+$0x40];
	p0 =	slt.u32 s10, $0x7E;
	[tilespmem:s6+$0x50] =	vst v9;
	v3 =	vmul.f32 $1.131370830e+01, v3  }
0x66: {  	v9 =	vld [tilespmem:s11+$0xE0];
	v4 =	vmul.f32 $1.131370830e+01, v4;
	[tilespmem:s6+$0xF0] =	vst v6  }
0x67: {  	v11 =	vld [tilespmem:s11+$0x20];
	v5 =	vmul.f32 $1.131370830e+01, v5;
	[tilespmem:s6+$0x80] =	vst v3  }
0x68: {  	v3 =	vld [tilespmem:s11+$0xD0];
	v6 =	vmul.f32 $1.131370830e+01, v7;
	[tilespmem:s6+$0x90] =	vst v0  }
0x69: {  	v0 =	vld [tilespmem:s11+$0x90];
	v7 =	vmul.f32 $1.131370830e+01, v10;
	[tilespmem:s6+$0x10] =	vst v1  }
0x6a: {  	v1 =	vld [tilespmem:s11+$0x10];
	[tilespmem:s6+$0x30] =	vst v6  }
0x6b: {  	v10 =	vld [tilespmem:s11+$0xC0];
	v9 =	vmul.f32 $1.131370830e+01, v9;
	[tilespmem:s6+$0xB0] =	vst v2  }
0x6c: {  	v2 =	vld [tilespmem:s11+$0x0];
	[tilespmem:s6+$0x70] =	vst v4  }
0x6d: {  	v12 =	vld [tilespmem:s11+$0xB0];
	v3 =	vmul.f32 $1.131370830e+01, v3;
	[tilespmem:s6+$0x60] =	vst v5;
	s6 =	smov.u32 s11  }
0x6e: {  	v13 =	vld [tilespmem:s11+$0x50];
	[tilespmem:s11+$0xA0] =	vst v7  }
.Ltmp1:
0x6f: {  	v4 =	vmul.f32 $1.131370830e+01, v8;
	[tilespmem:s11+$0xD0] =	vst v3;
	v6 =	vld [tilespmem:s11+$0xF0];
	(pc) =	sbr.rel @p0 .LBB2_4-.Ltmp1, $4  }
0x70: {  	v3 =	vld [tilespmem:s11+$0x80];
	v7 =	vmul.f32 $1.131370830e+01, v10;
	[tilespmem:s11+$0xE0] =	vst v9  }
0x71: {  	v9 =	vmul.f32 $1.131370830e+01, v11;
	[tilespmem:s11+$0x40] =	vst v4;
	v4 =	vld [tilespmem:s11+$0x70]  }
0x72: {  	v1 =	vmul.f32 $1.131370830e+01, v1;
	v8 =	vmul.f32 $1.131370830e+01, v2;
	v5 =	vld [tilespmem:s11+$0x60];
	[tilespmem:s11+$0xC0] =	vst v7  }
0x73: {  	v2 =	vmul.f32 $1.131370830e+01, v12;
	s11 =	sadd.s32 $0x100, s11;
	[tilespmem:s6+$0x20] =	vst v9;
	v7 =	vld [tilespmem:s6+$0x30];
	v9 =	vmul.f32 $1.131370830e+01, v13  }
0x74: {  	[tilespmem:s6+$0x0] =	vst v8  }
0x75: {  	[tilespmem:s6+$0x10] =	vst v1  }
0x76: {  	v6 =	vmul.f32 $1.131370830e+01, v6;
	[tilespmem:s6+$0x50] =	vst v9  }
0x77: {  	v0 =	vmul.f32 $1.131370830e+01, v0;
	[tilespmem:s6+$0xB0] =	vst v2  }
0x78: {  	v3 =	vmul.f32 $1.131370830e+01, v3;
	[tilespmem:s6+$0xF0] =	vst v6  }
0x79: {  	[tilespmem:s6+$0x90] =	vst v0;
	v0 =	vmul.f32 $1.131370830e+01, v4  }
0x7a: {  	[tilespmem:s6+$0x80] =	vst v3;
	v1 =	vmul.f32 $1.131370830e+01, v5  }
0x7b: {  	v3 =	vmul.f32 $1.131370830e+01, v7;
	[tilespmem:s6+$0x70] =	vst v0  }
0x7c: {  	[tilespmem:s6+$0x60] =	vst v1  }
0x7d: {  	s18 =	rddreg [dreg:$0x6];
	[tilespmem:s6+$0x30] =	vst v3  }
0x7e: {  	[hbm4b:s18+s4] =	stream.linear.scatter [tilespmem:s22], [sflag:$0x8], $0x4000, $0x38;
	[tilespmem:$0x1E400] =	vst v63  }
0x7f: {  	s19 =	simm.s32 $0x280  }
0x80: {  	[tilespmem:s0], [sflag:$0x6] =	stream.indirect.gather [hbm4b:s2+s20], $0x80, s19, s20, $0xb8;
	[tilespmem:$0x1E400] =	vst v63  }
0x81: {  	_ =	swait.ge [sflag:s23], $0x4000  }
0x82: {  	[sflag:s23] =	ssyncset.done $0x0  }
0x83: {  	s6 =	simm.s32 $0xE400;
	[sflag:s23] =	ssyncadd.s32 $0xFFFFC000  }
0x84: {  	v1 =	vld [tilespmem:s6+$0xA0]  }
0x85: {  	v2 =	vld [tilespmem:s6+$0x40]  }
0x86: {  	v3 =	vld [tilespmem:s6+$0xE0]  }
0x87: {  	v4 =	vld [tilespmem:s6+$0xD0]  }
0x88: {  	v5 =	vld [tilespmem:s6+$0x20]  }
0x89: {  	v0 =	vld [tilespmem:s6+$0x90]  }
0x8a: {  	v8 =	vld [tilespmem:s6+$0xC0]  }
0x8b: {  	v7 =	vld [tilespmem:s6+$0x10]  }
0x8c: {  	v9 =	vld [tilespmem:s6+$0x0];
	v1 =	vmul.f32 $1.131370830e+01, v1  }
0x8d: {  	v11 =	vld [tilespmem:s6+$0x50];
	v4 =	vmul.f32 $1.131370830e+01, v4  }
0x8e: {  	v10 =	vld [tilespmem:s6+$0xB0];
	v12 =	vmul.f32 $1.131370830e+01, v5;
	[tilespmem:s6+$0xA0] =	vst v1  }
0x8f: {  	v6 =	vld [tilespmem:s6+$0xF0];
	v13 =	vmul.f32 $1.131370830e+01, v8;
	[tilespmem:s6+$0xD0] =	vst v4  }
0x90: {  	v1 =	vmul.f32 $1.131370830e+01, v2;
	v2 =	vmul.f32 $1.131370830e+01, v3;
	v3 =	vld [tilespmem:s6+$0x80];
	[tilespmem:s6+$0x20] =	vst v12  }
0x91: {  	v4 =	vld [tilespmem:s6+$0x70];
	[tilespmem:s6+$0xC0] =	vst v13  }
0x92: {  	v8 =	vmul.f32 $1.131370830e+01, v9;
	v5 =	vld [tilespmem:s6+$0x60];
	v9 =	vmul.f32 $1.131370830e+01, v11;
	[tilespmem:s6+$0x40] =	vst v1  }
0x93: {  	s10 =	simm.s32 $0x0;
	s11 =	simm.s32 $0xE500;
	[tilespmem:s6+$0xE0] =	vst v2;
	v1 =	vmul.f32 $1.131370830e+01, v7;
	v7 =	vld [tilespmem:s6+$0x30];
	v2 =	vmul.f32 $1.131370830e+01, v10  }
.LBB2_6:
0x94: {  	v10 =	vld [tilespmem:s11+$0xA0];
	s10 =	sadd.s32 $0x2, s10;
	[tilespmem:s6+$0x0] =	vst v8;
	v0 =	vmul.f32 $1.131370830e+01, v0;
	v6 =	vmul.f32 $1.131370830e+01, v6  }
0x95: {  	v8 =	vld [tilespmem:s11+$0x40];
	p0 =	slt.u32 s10, $0x7E;
	[tilespmem:s6+$0x50] =	vst v9;
	v3 =	vmul.f32 $1.131370830e+01, v3  }
0x96: {  	v9 =	vld [tilespmem:s11+$0xE0];
	v4 =	vmul.f32 $1.131370830e+01, v4;
	[tilespmem:s6+$0xF0] =	vst v6  }
0x97: {  	v11 =	vld [tilespmem:s11+$0x20];
	v5 =	vmul.f32 $1.131370830e+01, v5;
	[tilespmem:s6+$0x80] =	vst v3  }
0x98: {  	v3 =	vld [tilespmem:s11+$0xD0];
	v6 =	vmul.f32 $1.131370830e+01, v7;
	[tilespmem:s6+$0x90] =	vst v0  }
0x99: {  	v0 =	vld [tilespmem:s11+$0x90];
	v7 =	vmul.f32 $1.131370830e+01, v10;
	[tilespmem:s6+$0x10] =	vst v1  }
0x9a: {  	v1 =	vld [tilespmem:s11+$0x10];
	[tilespmem:s6+$0x30] =	vst v6  }
0x9b: {  	v10 =	vld [tilespmem:s11+$0xC0];
	v9 =	vmul.f32 $1.131370830e+01, v9;
	[tilespmem:s6+$0xB0] =	vst v2  }
0x9c: {  	v2 =	vld [tilespmem:s11+$0x0];
	[tilespmem:s6+$0x70] =	vst v4  }
0x9d: {  	v12 =	vld [tilespmem:s11+$0xB0];
	v3 =	vmul.f32 $1.131370830e+01, v3;
	[tilespmem:s6+$0x60] =	vst v5;
	s6 =	smov.u32 s11  }
0x9e: {  	v13 =	vld [tilespmem:s11+$0x50];
	[tilespmem:s11+$0xA0] =	vst v7  }
.Ltmp2:
0x9f: {  	v4 =	vmul.f32 $1.131370830e+01, v8;
	[tilespmem:s11+$0xD0] =	vst v3;
	v6 =	vld [tilespmem:s11+$0xF0];
	(pc) =	sbr.rel @p0 .LBB2_6-.Ltmp2, $4  }
0xa0: {  	v3 =	vld [tilespmem:s11+$0x80];
	v7 =	vmul.f32 $1.131370830e+01, v10;
	[tilespmem:s11+$0xE0] =	vst v9  }
0xa1: {  	v9 =	vmul.f32 $1.131370830e+01, v11;
	[tilespmem:s11+$0x40] =	vst v4;
	v4 =	vld [tilespmem:s11+$0x70]  }
0xa2: {  	v1 =	vmul.f32 $1.131370830e+01, v1;
	v8 =	vmul.f32 $1.131370830e+01, v2;
	v5 =	vld [tilespmem:s11+$0x60];
	[tilespmem:s11+$0xC0] =	vst v7  }
0xa3: {  	v2 =	vmul.f32 $1.131370830e+01, v12;
	s11 =	sadd.s32 $0x100, s11;
	[tilespmem:s6+$0x20] =	vst v9;
	v7 =	vld [tilespmem:s6+$0x30];
	v9 =	vmul.f32 $1.131370830e+01, v13  }
0xa4: {  	[tilespmem:s6+$0x0] =	vst v8  }
0xa5: {  	[tilespmem:s6+$0x10] =	vst v1  }
0xa6: {  	v6 =	vmul.f32 $1.131370830e+01, v6;
	[tilespmem:s6+$0x50] =	vst v9  }
0xa7: {  	v0 =	vmul.f32 $1.131370830e+01, v0;
	[tilespmem:s6+$0xB0] =	vst v2  }
0xa8: {  	v3 =	vmul.f32 $1.131370830e+01, v3;
	[tilespmem:s6+$0xF0] =	vst v6  }
0xa9: {  	[tilespmem:s6+$0x90] =	vst v0;
	v62 =	vmul.f32 $1.131370830e+01, v4  }
0xaa: {  	[tilespmem:s6+$0x80] =	vst v3;
	v63 =	vmul.f32 $1.131370830e+01, v5  }
0xab: {  	v61 =	vmul.f32 $1.131370830e+01, v7;
	[tilespmem:s6+$0x70] =	vst v62  }
0xac: {  	[tilespmem:s6+$0x60] =	vst v63  }
0xad: {  	s19 =	rddreg [dreg:$0x7];
	s17 =	simm.s32 $0x1;
	[tilespmem:s6+$0x30] =	vst v61  }
0xae: {  	[hbm4b:s19+s4] =	stream.linear.scatter [tilespmem:s24], [sflag:$0x9], $0x4000, $0x38;
	[tilespmem:$0x1E400] =	vst v63  }
.LBB2_8:
0xaf: {  	_ =	swait.ge [sflag:s25], $0x4000;
	s6 =	smul.u32 $0xC00, s17  }
0xb0: {  	[sflag:s25] =	ssyncset.done $0x0  }
0xb1: {  	[sflag:s25] =	ssyncadd.s32 $0xFFFFC000;
	s18 =	sshra.s32 s6, $0x2  }
0xb2: {  	[tilespmem:s21], [sflag:$0x1] =	stream.indirect.gather [hbm4b:s2+s20], $0x80, s18, s20, $0xb8;
	[tilespmem:$0x1E400] =	vst v63  }
0xb3: {  	_ =	swait.ge [sflag:s29], $0x4000  }
0xb4: {  	[sflag:s29] =	ssyncset.done $0x0  }
0xb5: {  	s6 =	simm.s32 $0x12400;
	[sflag:s29] =	ssyncadd.s32 $0xFFFFC000  }
0xb6: {  	v1 =	vld [tilespmem:s6+$0xA0]  }
0xb7: {  	v2 =	vld [tilespmem:s6+$0x40]  }
0xb8: {  	v3 =	vld [tilespmem:s6+$0xE0]  }
0xb9: {  	v4 =	vld [tilespmem:s6+$0xD0]  }
0xba: {  	v5 =	vld [tilespmem:s6+$0x20]  }
0xbb: {  	v0 =	vld [tilespmem:s6+$0x90]  }
0xbc: {  	v8 =	vld [tilespmem:s6+$0xC0]  }
0xbd: {  	v7 =	vld [tilespmem:s6+$0x10]  }
0xbe: {  	v9 =	vld [tilespmem:s6+$0x0];
	v1 =	vmul.f32 $1.131370830e+01, v1  }
0xbf: {  	v11 =	vld [tilespmem:s6+$0x50];
	v4 =	vmul.f32 $1.131370830e+01, v4  }
0xc0: {  	v10 =	vld [tilespmem:s6+$0xB0];
	v12 =	vmul.f32 $1.131370830e+01, v5;
	[tilespmem:s6+$0xA0] =	vst v1  }
0xc1: {  	v6 =	vld [tilespmem:s6+$0xF0];
	v13 =	vmul.f32 $1.131370830e+01, v8;
	[tilespmem:s6+$0xD0] =	vst v4  }
0xc2: {  	v1 =	vmul.f32 $1.131370830e+01, v2;
	v2 =	vmul.f32 $1.131370830e+01, v3;
	v3 =	vld [tilespmem:s6+$0x80];
	[tilespmem:s6+$0x20] =	vst v12  }
0xc3: {  	v4 =	vld [tilespmem:s6+$0x70];
	[tilespmem:s6+$0xC0] =	vst v13  }
0xc4: {  	v8 =	vmul.f32 $1.131370830e+01, v9;
	v5 =	vld [tilespmem:s6+$0x60];
	v9 =	vmul.f32 $1.131370830e+01, v11;
	[tilespmem:s6+$0x40] =	vst v1  }
0xc5: {  	s10 =	simm.s32 $0x0;
	s11 =	simm.s32 $0x12500;
	[tilespmem:s6+$0xE0] =	vst v2;
	v1 =	vmul.f32 $1.131370830e+01, v7;
	v7 =	vld [tilespmem:s6+$0x30];
	v2 =	vmul.f32 $1.131370830e+01, v10  }
.LBB2_9:
0xc6: {  	v10 =	vld [tilespmem:s11+$0xA0];
	s10 =	sadd.s32 $0x2, s10;
	[tilespmem:s6+$0x0] =	vst v8;
	v0 =	vmul.f32 $1.131370830e+01, v0;
	v6 =	vmul.f32 $1.131370830e+01, v6  }
0xc7: {  	v8 =	vld [tilespmem:s11+$0x40];
	p0 =	slt.u32 s10, $0x7E;
	[tilespmem:s6+$0x50] =	vst v9;
	v3 =	vmul.f32 $1.131370830e+01, v3  }
0xc8: {  	v9 =	vld [tilespmem:s11+$0xE0];
	v4 =	vmul.f32 $1.131370830e+01, v4;
	[tilespmem:s6+$0xF0] =	vst v6  }
0xc9: {  	v11 =	vld [tilespmem:s11+$0x20];
	v5 =	vmul.f32 $1.131370830e+01, v5;
	[tilespmem:s6+$0x80] =	vst v3  }
0xca: {  	v3 =	vld [tilespmem:s11+$0xD0];
	v6 =	vmul.f32 $1.131370830e+01, v7;
	[tilespmem:s6+$0x90] =	vst v0  }
0xcb: {  	v0 =	vld [tilespmem:s11+$0x90];
	v7 =	vmul.f32 $1.131370830e+01, v10;
	[tilespmem:s6+$0x10] =	vst v1  }
0xcc: {  	v1 =	vld [tilespmem:s11+$0x10];
	[tilespmem:s6+$0x30] =	vst v6  }
0xcd: {  	v10 =	vld [tilespmem:s11+$0xC0];
	v9 =	vmul.f32 $1.131370830e+01, v9;
	[tilespmem:s6+$0xB0] =	vst v2  }
0xce: {  	v2 =	vld [tilespmem:s11+$0x0];
	[tilespmem:s6+$0x70] =	vst v4  }
0xcf: {  	v12 =	vld [tilespmem:s11+$0xB0];
	v3 =	vmul.f32 $1.131370830e+01, v3;
	[tilespmem:s6+$0x60] =	vst v5;
	s6 =	smov.u32 s11  }
0xd0: {  	v13 =	vld [tilespmem:s11+$0x50];
	[tilespmem:s11+$0xA0] =	vst v7  }
.Ltmp3:
0xd1: {  	v4 =	vmul.f32 $1.131370830e+01, v8;
	[tilespmem:s11+$0xD0] =	vst v3;
	v6 =	vld [tilespmem:s11+$0xF0];
	(pc) =	sbr.rel @p0 .LBB2_9-.Ltmp3, $4  }
0xd2: {  	v3 =	vld [tilespmem:s11+$0x80];
	v7 =	vmul.f32 $1.131370830e+01, v10;
	[tilespmem:s11+$0xE0] =	vst v9  }
0xd3: {  	v9 =	vmul.f32 $1.131370830e+01, v11;
	[tilespmem:s11+$0x40] =	vst v4;
	v4 =	vld [tilespmem:s11+$0x70]  }
0xd4: {  	v1 =	vmul.f32 $1.131370830e+01, v1;
	v8 =	vmul.f32 $1.131370830e+01, v2;
	v5 =	vld [tilespmem:s11+$0x60];
	[tilespmem:s11+$0xC0] =	vst v7  }
0xd5: {  	v2 =	vmul.f32 $1.131370830e+01, v12;
	s11 =	sadd.s32 $0x100, s11;
	[tilespmem:s6+$0x20] =	vst v9;
	v7 =	vld [tilespmem:s6+$0x30];
	v9 =	vmul.f32 $1.131370830e+01, v13  }
0xd6: {  	[tilespmem:s6+$0x0] =	vst v8  }
0xd7: {  	[tilespmem:s6+$0x10] =	vst v1  }
0xd8: {  	v6 =	vmul.f32 $1.131370830e+01, v6;
	[tilespmem:s6+$0x50] =	vst v9  }
0xd9: {  	v0 =	vmul.f32 $1.131370830e+01, v0;
	[tilespmem:s6+$0xB0] =	vst v2  }
0xda: {  	v3 =	vmul.f32 $1.131370830e+01, v3;
	[tilespmem:s6+$0xF0] =	vst v6  }
0xdb: {  	s16 =	smul.u32 $0x18000, s17;
	[tilespmem:s6+$0x90] =	vst v0;
	v0 =	vmul.f32 $1.131370830e+01, v4  }
0xdc: {  	s10 =	rddreg [dreg:$0x8];
	[tilespmem:s6+$0x80] =	vst v3;
	v1 =	vmul.f32 $1.131370830e+01, v5  }
0xdd: {  	s10 =	sadd.s32 s16, s10;
	v3 =	vmul.f32 $1.131370830e+01, v7;
	[tilespmem:s6+$0x70] =	vst v0  }
0xde: {  	s10 =	sshrl.u32 s10, $0x3;
	[tilespmem:s6+$0x60] =	vst v1  }
0xdf: {  	s19 =	smul.u32 $0x6, s17;
	s11 =	sadd.s32 s3, s10;
	[tilespmem:s6+$0x30] =	vst v3  }
0xe0: {  	[hbm4b:s11+s4] =	stream.linear.scatter [tilespmem:s26], [sflag:$0xA], $0x4000, $0x38;
	[tilespmem:$0x1E400] =	vst v63  }
0xe1: {  	s6 =	sor.u32 $0x1, s19;
	_ =	swait.ge [sflag:s1], $0x4000  }
0xe2: {  	s12 =	sshll.u32 s6, $0x7;
	[sflag:s1] =	ssyncset.done $0x0  }
0xe3: {  	s10 =	sand.u32 $0x3FFFFF80, s12;
	[sflag:s1] =	ssyncadd.s32 $0xFFFFC000  }
0xe4: {  	[tilespmem:s22], [sflag:$0x2] =	stream.indirect.gather [hbm4b:s2+s20], $0x80, s10, s20, $0xb8;
	[tilespmem:$0x1E400] =	vst v63  }
0xe5: {  	_ =	swait.ge [sflag:s7], $0x4000  }
0xe6: {  	[sflag:s7] =	ssyncset.done $0x0  }
0xe7: {  	s10 =	simm.s32 $0x16400;
	[sflag:s7] =	ssyncadd.s32 $0xFFFFC000  }
0xe8: {  	v1 =	vld [tilespmem:s10+$0xA0]  }
0xe9: {  	v2 =	vld [tilespmem:s10+$0x40]  }
0xea: {  	v3 =	vld [tilespmem:s10+$0xE0]  }
0xeb: {  	v4 =	vld [tilespmem:s10+$0xD0]  }
0xec: {  	v5 =	vld [tilespmem:s10+$0x20]  }
0xed: {  	v0 =	vld [tilespmem:s10+$0x90]  }
0xee: {  	v8 =	vld [tilespmem:s10+$0xC0]  }
0xef: {  	v7 =	vld [tilespmem:s10+$0x10]  }
0xf0: {  	v9 =	vld [tilespmem:s10+$0x0];
	v1 =	vmul.f32 $1.131370830e+01, v1  }
0xf1: {  	v11 =	vld [tilespmem:s10+$0x50];
	v4 =	vmul.f32 $1.131370830e+01, v4  }
0xf2: {  	v10 =	vld [tilespmem:s10+$0xB0];
	v12 =	vmul.f32 $1.131370830e+01, v5;
	[tilespmem:s10+$0xA0] =	vst v1  }
0xf3: {  	v6 =	vld [tilespmem:s10+$0xF0];
	v13 =	vmul.f32 $1.131370830e+01, v8;
	[tilespmem:s10+$0xD0] =	vst v4  }
0xf4: {  	v1 =	vmul.f32 $1.131370830e+01, v2;
	v2 =	vmul.f32 $1.131370830e+01, v3;
	v3 =	vld [tilespmem:s10+$0x80];
	[tilespmem:s10+$0x20] =	vst v12  }
0xf5: {  	v4 =	vld [tilespmem:s10+$0x70];
	[tilespmem:s10+$0xC0] =	vst v13  }
0xf6: {  	v8 =	vmul.f32 $1.131370830e+01, v9;
	v5 =	vld [tilespmem:s10+$0x60];
	v9 =	vmul.f32 $1.131370830e+01, v11;
	[tilespmem:s10+$0x40] =	vst v1  }
0xf7: {  	s11 =	simm.s32 $0x0;
	s12 =	simm.s32 $0x16500;
	[tilespmem:s10+$0xE0] =	vst v2;
	v1 =	vmul.f32 $1.131370830e+01, v7;
	v7 =	vld [tilespmem:s10+$0x30];
	v2 =	vmul.f32 $1.131370830e+01, v10  }
.LBB2_11:
0xf8: {  	v10 =	vld [tilespmem:s12+$0xA0];
	s11 =	sadd.s32 $0x2, s11;
	[tilespmem:s10+$0x0] =	vst v8;
	v0 =	vmul.f32 $1.131370830e+01, v0;
	v6 =	vmul.f32 $1.131370830e+01, v6  }
0xf9: {  	v8 =	vld [tilespmem:s12+$0x40];
	p0 =	slt.u32 s11, $0x7E;
	[tilespmem:s10+$0x50] =	vst v9;
	v3 =	vmul.f32 $1.131370830e+01, v3  }
0xfa: {  	v9 =	vld [tilespmem:s12+$0xE0];
	v4 =	vmul.f32 $1.131370830e+01, v4;
	[tilespmem:s10+$0xF0] =	vst v6  }
0xfb: {  	v11 =	vld [tilespmem:s12+$0x20];
	v5 =	vmul.f32 $1.131370830e+01, v5;
	[tilespmem:s10+$0x80] =	vst v3  }
0xfc: {  	v3 =	vld [tilespmem:s12+$0xD0];
	v6 =	vmul.f32 $1.131370830e+01, v7;
	[tilespmem:s10+$0x90] =	vst v0  }
0xfd: {  	v0 =	vld [tilespmem:s12+$0x90];
	v7 =	vmul.f32 $1.131370830e+01, v10;
	[tilespmem:s10+$0x10] =	vst v1  }
0xfe: {  	v1 =	vld [tilespmem:s12+$0x10];
	[tilespmem:s10+$0x30] =	vst v6  }
0xff: {  	v10 =	vld [tilespmem:s12+$0xC0];
	v9 =	vmul.f32 $1.131370830e+01, v9;
	[tilespmem:s10+$0xB0] =	vst v2  }
0x100: {  	v2 =	vld [tilespmem:s12+$0x0];
	[tilespmem:s10+$0x70] =	vst v4  }
0x101: {  	v12 =	vld [tilespmem:s12+$0xB0];
	v3 =	vmul.f32 $1.131370830e+01, v3;
	[tilespmem:s10+$0x60] =	vst v5;
	s10 =	smov.u32 s12  }
0x102: {  	v13 =	vld [tilespmem:s12+$0x50];
	[tilespmem:s12+$0xA0] =	vst v7  }
.Ltmp4:
0x103: {  	v4 =	vmul.f32 $1.131370830e+01, v8;
	[tilespmem:s12+$0xD0] =	vst v3;
	v6 =	vld [tilespmem:s12+$0xF0];
	(pc) =	sbr.rel @p0 .LBB2_11-.Ltmp4, $4  }
0x104: {  	v3 =	vld [tilespmem:s12+$0x80];
	v7 =	vmul.f32 $1.131370830e+01, v10;
	[tilespmem:s12+$0xE0] =	vst v9  }
0x105: {  	v9 =	vmul.f32 $1.131370830e+01, v11;
	[tilespmem:s12+$0x40] =	vst v4;
	v4 =	vld [tilespmem:s12+$0x70]  }
0x106: {  	v1 =	vmul.f32 $1.131370830e+01, v1;
	v8 =	vmul.f32 $1.131370830e+01, v2;
	v5 =	vld [tilespmem:s12+$0x60];
	[tilespmem:s12+$0xC0] =	vst v7  }
0x107: {  	v2 =	vmul.f32 $1.131370830e+01, v12;
	s12 =	sadd.s32 $0x100, s12;
	[tilespmem:s10+$0x20] =	vst v9;
	v7 =	vld [tilespmem:s10+$0x30];
	v9 =	vmul.f32 $1.131370830e+01, v13  }
0x108: {  	[tilespmem:s10+$0x0] =	vst v8  }
0x109: {  	[tilespmem:s10+$0x10] =	vst v1  }
0x10a: {  	v6 =	vmul.f32 $1.131370830e+01, v6;
	[tilespmem:s10+$0x50] =	vst v9  }
0x10b: {  	v0 =	vmul.f32 $1.131370830e+01, v0;
	[tilespmem:s10+$0xB0] =	vst v2  }
0x10c: {  	v3 =	vmul.f32 $1.131370830e+01, v3;
	[tilespmem:s10+$0xF0] =	vst v6  }
0x10d: {  	[tilespmem:s10+$0x90] =	vst v0;
	v0 =	vmul.f32 $1.131370830e+01, v4  }
0x10e: {  	s11 =	rddreg [dreg:$0x9];
	[tilespmem:s10+$0x80] =	vst v3;
	v1 =	vmul.f32 $1.131370830e+01, v5  }
0x10f: {  	s11 =	sadd.s32 s16, s11;
	v3 =	vmul.f32 $1.131370830e+01, v7;
	[tilespmem:s10+$0x70] =	vst v0  }
0x110: {  	s11 =	sshrl.u32 s11, $0x3;
	[tilespmem:s10+$0x60] =	vst v1  }
0x111: {  	s11 =	sadd.s32 s3, s11;
	[tilespmem:s10+$0x30] =	vst v3  }
0x112: {  	[hbm4b:s11+s4] =	stream.linear.scatter [tilespmem:s30], [sflag:$0xB], $0x4000, $0x38;
	[tilespmem:$0x1E400] =	vst v63  }
0x113: {  	s19 =	sadd.s32 $0x2, s19;
	_ =	swait.ge [sflag:s8], $0x4000  }
0x114: {  	s12 =	sshll.u32 s19, $0x7;
	[sflag:s8] =	ssyncset.done $0x0  }
0x115: {  	s10 =	sand.u32 $0x3FFFFF80, s12;
	[sflag:s8] =	ssyncadd.s32 $0xFFFFC000  }
0x116: {  	[tilespmem:s24], [sflag:$0x3] =	stream.indirect.gather [hbm4b:s2+s20], $0x80, s10, s20, $0xb8;
	[tilespmem:$0x1E400] =	vst v63  }
0x117: {  	_ =	swait.ge [sflag:s9], $0x4000  }
0x118: {  	[sflag:s9] =	ssyncset.done $0x0  }
0x119: {  	s10 =	simm.s32 $0x1A400;
	[sflag:s9] =	ssyncadd.s32 $0xFFFFC000  }
0x11a: {  	v1 =	vld [tilespmem:s10+$0xA0]  }
0x11b: {  	v2 =	vld [tilespmem:s10+$0x40]  }
0x11c: {  	v3 =	vld [tilespmem:s10+$0xE0]  }
0x11d: {  	v4 =	vld [tilespmem:s10+$0xD0]  }
0x11e: {  	v5 =	vld [tilespmem:s10+$0x20]  }
0x11f: {  	v0 =	vld [tilespmem:s10+$0x90]  }
0x120: {  	v8 =	vld [tilespmem:s10+$0xC0]  }
0x121: {  	v7 =	vld [tilespmem:s10+$0x10]  }
0x122: {  	v9 =	vld [tilespmem:s10+$0x0];
	v1 =	vmul.f32 $1.131370830e+01, v1  }
0x123: {  	v11 =	vld [tilespmem:s10+$0x50];
	v4 =	vmul.f32 $1.131370830e+01, v4  }
0x124: {  	v10 =	vld [tilespmem:s10+$0xB0];
	v12 =	vmul.f32 $1.131370830e+01, v5;
	[tilespmem:s10+$0xA0] =	vst v1  }
0x125: {  	v6 =	vld [tilespmem:s10+$0xF0];
	v13 =	vmul.f32 $1.131370830e+01, v8;
	[tilespmem:s10+$0xD0] =	vst v4  }
0x126: {  	v1 =	vmul.f32 $1.131370830e+01, v2;
	v2 =	vmul.f32 $1.131370830e+01, v3;
	v3 =	vld [tilespmem:s10+$0x80];
	[tilespmem:s10+$0x20] =	vst v12  }
0x127: {  	v4 =	vld [tilespmem:s10+$0x70];
	[tilespmem:s10+$0xC0] =	vst v13  }
0x128: {  	v8 =	vmul.f32 $1.131370830e+01, v9;
	v5 =	vld [tilespmem:s10+$0x60];
	v9 =	vmul.f32 $1.131370830e+01, v11;
	[tilespmem:s10+$0x40] =	vst v1  }
0x129: {  	s12 =	simm.s32 $0x1A500;
	s11 =	simm.s32 $0x0;
	[tilespmem:s10+$0xE0] =	vst v2;
	v1 =	vmul.f32 $1.131370830e+01, v7;
	v7 =	vld [tilespmem:s10+$0x30];
	v2 =	vmul.f32 $1.131370830e+01, v10  }
.LBB2_13:
0x12a: {  	v10 =	vld [tilespmem:s12+$0xA0];
	s11 =	sadd.s32 $0x2, s11;
	[tilespmem:s10+$0x0] =	vst v8;
	v0 =	vmul.f32 $1.131370830e+01, v0;
	v6 =	vmul.f32 $1.131370830e+01, v6  }
0x12b: {  	v8 =	vld [tilespmem:s12+$0x40];
	p0 =	slt.u32 s11, $0x7E;
	[tilespmem:s10+$0x50] =	vst v9;
	v3 =	vmul.f32 $1.131370830e+01, v3  }
0x12c: {  	v9 =	vld [tilespmem:s12+$0xE0];
	v4 =	vmul.f32 $1.131370830e+01, v4;
	[tilespmem:s10+$0xF0] =	vst v6  }
0x12d: {  	v11 =	vld [tilespmem:s12+$0x20];
	v5 =	vmul.f32 $1.131370830e+01, v5;
	[tilespmem:s10+$0x80] =	vst v3  }
0x12e: {  	v3 =	vld [tilespmem:s12+$0xD0];
	v6 =	vmul.f32 $1.131370830e+01, v7;
	[tilespmem:s10+$0x90] =	vst v0  }
0x12f: {  	v0 =	vld [tilespmem:s12+$0x90];
	v7 =	vmul.f32 $1.131370830e+01, v10;
	[tilespmem:s10+$0x10] =	vst v1  }
0x130: {  	v1 =	vld [tilespmem:s12+$0x10];
	[tilespmem:s10+$0x30] =	vst v6  }
0x131: {  	v10 =	vld [tilespmem:s12+$0xC0];
	v9 =	vmul.f32 $1.131370830e+01, v9;
	[tilespmem:s10+$0xB0] =	vst v2  }
0x132: {  	v2 =	vld [tilespmem:s12+$0x0];
	[tilespmem:s10+$0x70] =	vst v4  }
0x133: {  	v12 =	vld [tilespmem:s12+$0xB0];
	v3 =	vmul.f32 $1.131370830e+01, v3;
	[tilespmem:s10+$0x60] =	vst v5;
	s10 =	smov.u32 s12  }
0x134: {  	v13 =	vld [tilespmem:s12+$0x50];
	[tilespmem:s12+$0xA0] =	vst v7  }
.Ltmp5:
0x135: {  	v4 =	vmul.f32 $1.131370830e+01, v8;
	[tilespmem:s12+$0xD0] =	vst v3;
	v6 =	vld [tilespmem:s12+$0xF0];
	(pc) =	sbr.rel @p0 .LBB2_13-.Ltmp5, $4  }
0x136: {  	v3 =	vld [tilespmem:s12+$0x80];
	v7 =	vmul.f32 $1.131370830e+01, v10;
	[tilespmem:s12+$0xE0] =	vst v9  }
0x137: {  	v9 =	vmul.f32 $1.131370830e+01, v11;
	[tilespmem:s12+$0x40] =	vst v4;
	v4 =	vld [tilespmem:s12+$0x70]  }
0x138: {  	v1 =	vmul.f32 $1.131370830e+01, v1;
	v8 =	vmul.f32 $1.131370830e+01, v2;
	v5 =	vld [tilespmem:s12+$0x60];
	[tilespmem:s12+$0xC0] =	vst v7  }
0x139: {  	v2 =	vmul.f32 $1.131370830e+01, v12;
	s12 =	sadd.s32 $0x100, s12;
	[tilespmem:s10+$0x20] =	vst v9;
	v7 =	vld [tilespmem:s10+$0x30];
	v9 =	vmul.f32 $1.131370830e+01, v13  }
0x13a: {  	[tilespmem:s10+$0x0] =	vst v8  }
0x13b: {  	[tilespmem:s10+$0x10] =	vst v1  }
0x13c: {  	v6 =	vmul.f32 $1.131370830e+01, v6;
	[tilespmem:s10+$0x50] =	vst v9  }
0x13d: {  	v0 =	vmul.f32 $1.131370830e+01, v0;
	[tilespmem:s10+$0xB0] =	vst v2  }
0x13e: {  	v3 =	vmul.f32 $1.131370830e+01, v3;
	[tilespmem:s10+$0xF0] =	vst v6  }
0x13f: {  	[tilespmem:s10+$0x90] =	vst v0;
	v0 =	vmul.f32 $1.131370830e+01, v4  }
0x140: {  	s11 =	rddreg [dreg:$0xa];
	[tilespmem:s10+$0x80] =	vst v3;
	v1 =	vmul.f32 $1.131370830e+01, v5  }
0x141: {  	s11 =	sadd.s32 s16, s11;
	v3 =	vmul.f32 $1.131370830e+01, v7;
	[tilespmem:s10+$0x70] =	vst v0  }
0x142: {  	s11 =	sshrl.u32 s11, $0x3;
	[tilespmem:s10+$0x60] =	vst v1  }
0x143: {  	s11 =	sadd.s32 s3, s11;
	[tilespmem:s10+$0x30] =	vst v3  }
0x144: {  	[hbm4b:s11+s4] =	stream.linear.scatter [tilespmem:s0], [sflag:$0xC], $0x4000, $0x38;
	[tilespmem:$0x1E400] =	vst v63  }
0x145: {  	_ =	swait.ge [sflag:s13], $0x4000  }
0x146: {  	[sflag:s13] =	ssyncset.done $0x0  }
0x147: {  	s12 =	sadd.s32 $0x180, s18;
	[sflag:s13] =	ssyncadd.s32 $0xFFFFC000  }
0x148: {  	[tilespmem:s26], [sflag:$0x4] =	stream.indirect.gather [hbm4b:s2+s20], $0x80, s12, s20, $0xb8;
	[tilespmem:$0x1E400] =	vst v63  }
0x149: {  	_ =	swait.ge [sflag:s28], $0x4000  }
0x14a: {  	[sflag:s28] =	ssyncset.done $0x0  }
0x14b: {  	s10 =	simm.s32 $0x6480;
	[sflag:s28] =	ssyncadd.s32 $0xFFFFC000  }
0x14c: {  	v0 =	vld [tilespmem:s10+$0xFFFFFF80]  }
0x14d: {  	v1 =	vld [tilespmem:s10+$0xFFFFFF90]  }
0x14e: {  	v2 =	vld [tilespmem:s10+$0xFFFFFFA0]  }
0x14f: {  	v3 =	vld [tilespmem:s10+$0xFFFFFFB0]  }
0x150: {  	v4 =	vld [tilespmem:s10+$0xFFFFFFC0]  }
0x151: {  	v5 =	vld [tilespmem:s10+$0xFFFFFFD0];
	v0 =	vmul.f32 $1.131370830e+01, v0  }
0x152: {  	v6 =	vld [tilespmem:s10+$0xFFFFFFE0];
	v1 =	vmul.f32 $1.131370830e+01, v1  }
0x153: {  	[tilespmem:s10+$0xFFFFFF80] =	vst v0;
	v0 =	vmul.f32 $1.131370830e+01, v2;
	v2 =	vld [tilespmem:s10+$0x0]  }
0x154: {  	[tilespmem:s10+$0xFFFFFF90] =	vst v1;
	v1 =	vmul.f32 $1.131370830e+01, v3;
	v3 =	vld [tilespmem:s10+$0x10]  }
0x155: {  	[tilespmem:s10+$0xFFFFFFA0] =	vst v0;
	v0 =	vmul.f32 $1.131370830e+01, v4;
	v4 =	vld [tilespmem:s10+$0x20]  }
0x156: {  	v7 =	vld [tilespmem:s10+$0x30];
	[tilespmem:s10+$0xFFFFFFB0] =	vst v1;
	v1 =	vmul.f32 $1.131370830e+01, v5  }
0x157: {  	v5 =	vmul.f32 $1.131370830e+01, v6;
	[tilespmem:s10+$0xFFFFFFC0] =	vst v0;
	v0 =	vld [tilespmem:s10+$0x40]  }
0x158: {  	[tilespmem:s10+$0xFFFFFFD0] =	vst v1;
	v1 =	vld [tilespmem:s10+$0x50];
	v2 =	vmul.f32 $1.131370830e+01, v2  }
0x159: {  	[tilespmem:s10+$0xFFFFFFE0] =	vst v5;
	v6 =	vmul.f32 $1.131370830e+01, v3;
	v3 =	vld [tilespmem:s10+$0x60]  }
0x15a: {  	[tilespmem:s10+$0x0] =	vst v2;
	v5 =	vmul.f32 $1.131370830e+01, v4;
	v4 =	vld [tilespmem:s10+$0x70]  }
0x15b: {  	s11 =	simm.s32 $0x0;
	s12 =	simm.s32 $0x6580;
	v2 =	vld [tilespmem:s10+$0xFFFFFFF0];
	[tilespmem:s10+$0x10] =	vst v6;
	v6 =	vmul.f32 $1.131370830e+01, v7  }
.LBB2_15:
0x15c: {  	v7 =	vld [tilespmem:s12+$0xFFFFFF80];
	[tilespmem:s10+$0x20] =	vst v5;
	v0 =	vmul.f32 $1.131370830e+01, v0  }
0x15d: {  	v5 =	vld [tilespmem:s12+$0xFFFFFF90];
	[tilespmem:s10+$0x30] =	vst v6;
	v1 =	vmul.f32 $1.131370830e+01, v1  }
0x15e: {  	v6 =	vld [tilespmem:s12+$0xFFFFFFA0];
	[tilespmem:s10+$0x40] =	vst v0;
	v0 =	vmul.f32 $1.131370830e+01, v3  }
0x15f: {  	v3 =	vld [tilespmem:s12+$0xFFFFFFB0];
	[tilespmem:s10+$0x50] =	vst v1;
	v1 =	vmul.f32 $1.131370830e+01, v4  }
0x160: {  	v4 =	vld [tilespmem:s12+$0xFFFFFFC0];
	v2 =	vmul.f32 $1.131370830e+01, v2;
	[tilespmem:s10+$0x60] =	vst v0  }
0x161: {  	v0 =	vmul.f32 $1.131370830e+01, v7;
	v7 =	vld [tilespmem:s12+$0xFFFFFFD0];
	[tilespmem:s10+$0x70] =	vst v1  }
0x162: {  	v1 =	vmul.f32 $1.131370830e+01, v5;
	v5 =	vld [tilespmem:s12+$0xFFFFFFE0];
	[tilespmem:s10+$0xFFFFFFF0] =	vst v2;
	s10 =	smov.u32 s12  }
0x163: {  	[tilespmem:s12+$0xFFFFFF80] =	vst v0;
	v0 =	vmul.f32 $1.131370830e+01, v6;
	v2 =	vld [tilespmem:s12+$0x0]  }
0x164: {  	[tilespmem:s12+$0xFFFFFF90] =	vst v1;
	v1 =	vmul.f32 $1.131370830e+01, v3;
	v3 =	vld [tilespmem:s12+$0x10]  }
0x165: {  	s11 =	sadd.s32 $0x2, s11;
	[tilespmem:s12+$0xFFFFFFA0] =	vst v0;
	v0 =	vmul.f32 $1.131370830e+01, v4;
	v4 =	vld [tilespmem:s12+$0x20]  }
0x166: {  	p0 =	slt.u32 s11, $0x7E;
	[tilespmem:s12+$0xFFFFFFB0] =	vst v1;
	v1 =	vmul.f32 $1.131370830e+01, v7;
	v6 =	vld [tilespmem:s12+$0x30]  }
.Ltmp6:
0x167: {  	[tilespmem:s12+$0xFFFFFFC0] =	vst v0;
	v5 =	vmul.f32 $1.131370830e+01, v5;
	v0 =	vld [tilespmem:s12+$0x40];
	(pc) =	sbr.rel @p0 .LBB2_15-.Ltmp6, $4  }
0x168: {  	[tilespmem:s12+$0xFFFFFFD0] =	vst v1;
	v2 =	vmul.f32 $1.131370830e+01, v2;
	v1 =	vld [tilespmem:s12+$0x50]  }
0x169: {  	[tilespmem:s12+$0xFFFFFFE0] =	vst v5;
	v7 =	vmul.f32 $1.131370830e+01, v3;
	v3 =	vld [tilespmem:s12+$0x60]  }
0x16a: {  	[tilespmem:s12+$0x0] =	vst v2;
	v5 =	vmul.f32 $1.131370830e+01, v4;
	v4 =	vld [tilespmem:s12+$0x70]  }
0x16b: {  	s12 =	sadd.s32 $0x100, s12;
	v2 =	vld [tilespmem:s10+$0xFFFFFFF0];
	[tilespmem:s10+$0x10] =	vst v7;
	v6 =	vmul.f32 $1.131370830e+01, v6  }
0x16c: {  	[tilespmem:s10+$0x20] =	vst v5;
	v0 =	vmul.f32 $1.131370830e+01, v0  }
0x16d: {  	[tilespmem:s10+$0x30] =	vst v6;
	v1 =	vmul.f32 $1.131370830e+01, v1  }
0x16e: {  	[tilespmem:s10+$0x40] =	vst v0;
	v0 =	vmul.f32 $1.131370830e+01, v3  }
0x16f: {  	[tilespmem:s10+$0x50] =	vst v1;
	v1 =	vmul.f32 $1.131370830e+01, v4  }
0x170: {  	s11 =	sadd.s32 s5, s16;
	v2 =	vmul.f32 $1.131370830e+01, v2;
	[tilespmem:s10+$0x60] =	vst v0  }
0x171: {  	s11 =	sshrl.u32 s11, $0x3;
	[tilespmem:s10+$0x70] =	vst v1  }
0x172: {  	s12 =	sadd.s32 s3, s11;
	[tilespmem:s10+$0xFFFFFFF0] =	vst v2  }
0x173: {  	[hbm4b:s12+s4] =	stream.linear.scatter [tilespmem:s21], [sflag:$0x7], $0x4000, $0x38;
	[tilespmem:$0x1E400] =	vst v63  }
0x174: {  	_ =	swait.ge [sflag:s14], $0x4000  }
0x175: {  	[sflag:s14] =	ssyncset.done $0x0  }
0x176: {  	s16 =	sadd.s32 $0x200, s18;
	[sflag:s14] =	ssyncadd.s32 $0xFFFFC000  }
0x177: {  	[tilespmem:s30], [sflag:$0x5] =	stream.indirect.gather [hbm4b:s2+s20], $0x80, s16, s20, $0xb8;
	[tilespmem:$0x1E400] =	vst v63  }
0x178: {  	_ =	swait.ge [sflag:s31], $0x4000  }
0x179: {  	[sflag:s31] =	ssyncset.done $0x0  }
0x17a: {  	s16 =	simm.s32 $0xA400;
	[sflag:s31] =	ssyncadd.s32 $0xFFFFC000  }
0x17b: {  	v1 =	vld [tilespmem:s16+$0xA0]  }
0x17c: {  	v2 =	vld [tilespmem:s16+$0x40]  }
0x17d: {  	v3 =	vld [tilespmem:s16+$0xE0]  }
0x17e: {  	v4 =	vld [tilespmem:s16+$0xD0]  }
0x17f: {  	v5 =	vld [tilespmem:s16+$0x20]  }
0x180: {  	v0 =	vld [tilespmem:s16+$0x90]  }
0x181: {  	v8 =	vld [tilespmem:s16+$0xC0]  }
0x182: {  	v7 =	vld [tilespmem:s16+$0x10]  }
0x183: {  	v9 =	vld [tilespmem:s16+$0x0];
	v1 =	vmul.f32 $1.131370830e+01, v1  }
0x184: {  	v11 =	vld [tilespmem:s16+$0x50];
	v4 =	vmul.f32 $1.131370830e+01, v4  }
0x185: {  	v10 =	vld [tilespmem:s16+$0xB0];
	v12 =	vmul.f32 $1.131370830e+01, v5;
	[tilespmem:s16+$0xA0] =	vst v1  }
0x186: {  	v6 =	vld [tilespmem:s16+$0xF0];
	v13 =	vmul.f32 $1.131370830e+01, v8;
	[tilespmem:s16+$0xD0] =	vst v4  }
0x187: {  	v1 =	vmul.f32 $1.131370830e+01, v2;
	v2 =	vmul.f32 $1.131370830e+01, v3;
	v3 =	vld [tilespmem:s16+$0x80];
	[tilespmem:s16+$0x20] =	vst v12  }
0x188: {  	v4 =	vld [tilespmem:s16+$0x70];
	[tilespmem:s16+$0xC0] =	vst v13  }
0x189: {  	v8 =	vmul.f32 $1.131370830e+01, v9;
	v5 =	vld [tilespmem:s16+$0x60];
	v9 =	vmul.f32 $1.131370830e+01, v11;
	[tilespmem:s16+$0x40] =	vst v1  }
0x18a: {  	s11 =	simm.s32 $0xA500;
	s10 =	simm.s32 $0x0;
	[tilespmem:s16+$0xE0] =	vst v2;
	v1 =	vmul.f32 $1.131370830e+01, v7;
	v7 =	vld [tilespmem:s16+$0x30];
	v2 =	vmul.f32 $1.131370830e+01, v10  }
.LBB2_17:
0x18b: {  	v10 =	vld [tilespmem:s11+$0xA0];
	s10 =	sadd.s32 $0x2, s10;
	[tilespmem:s16+$0x0] =	vst v8;
	v0 =	vmul.f32 $1.131370830e+01, v0;
	v6 =	vmul.f32 $1.131370830e+01, v6  }
0x18c: {  	v8 =	vld [tilespmem:s11+$0x40];
	p0 =	slt.u32 s10, $0x7E;
	[tilespmem:s16+$0x50] =	vst v9;
	v3 =	vmul.f32 $1.131370830e+01, v3  }
0x18d: {  	v9 =	vld [tilespmem:s11+$0xE0];
	v4 =	vmul.f32 $1.131370830e+01, v4;
	[tilespmem:s16+$0xF0] =	vst v6  }
0x18e: {  	v11 =	vld [tilespmem:s11+$0x20];
	v5 =	vmul.f32 $1.131370830e+01, v5;
	[tilespmem:s16+$0x80] =	vst v3  }
0x18f: {  	v3 =	vld [tilespmem:s11+$0xD0];
	v6 =	vmul.f32 $1.131370830e+01, v7;
	[tilespmem:s16+$0x90] =	vst v0  }
0x190: {  	v0 =	vld [tilespmem:s11+$0x90];
	v7 =	vmul.f32 $1.131370830e+01, v10;
	[tilespmem:s16+$0x10] =	vst v1  }
0x191: {  	v1 =	vld [tilespmem:s11+$0x10];
	[tilespmem:s16+$0x30] =	vst v6  }
0x192: {  	v10 =	vld [tilespmem:s11+$0xC0];
	v9 =	vmul.f32 $1.131370830e+01, v9;
	[tilespmem:s16+$0xB0] =	vst v2  }
0x193: {  	v2 =	vld [tilespmem:s11+$0x0];
	[tilespmem:s16+$0x70] =	vst v4  }
0x194: {  	v12 =	vld [tilespmem:s11+$0xB0];
	v3 =	vmul.f32 $1.131370830e+01, v3;
	[tilespmem:s16+$0x60] =	vst v5;
	s16 =	smov.u32 s11  }
0x195: {  	v13 =	vld [tilespmem:s11+$0x50];
	[tilespmem:s11+$0xA0] =	vst v7  }
.Ltmp7:
0x196: {  	v4 =	vmul.f32 $1.131370830e+01, v8;
	[tilespmem:s11+$0xD0] =	vst v3;
	v6 =	vld [tilespmem:s11+$0xF0];
	(pc) =	sbr.rel @p0 .LBB2_17-.Ltmp7, $4  }
0x197: {  	v3 =	vld [tilespmem:s11+$0x80];
	v7 =	vmul.f32 $1.131370830e+01, v10;
	[tilespmem:s11+$0xE0] =	vst v9  }
0x198: {  	v9 =	vmul.f32 $1.131370830e+01, v11;
	[tilespmem:s11+$0x40] =	vst v4;
	v4 =	vld [tilespmem:s11+$0x70]  }
0x199: {  	v1 =	vmul.f32 $1.131370830e+01, v1;
	v8 =	vmul.f32 $1.131370830e+01, v2;
	v5 =	vld [tilespmem:s11+$0x60];
	[tilespmem:s11+$0xC0] =	vst v7  }
0x19a: {  	v2 =	vmul.f32 $1.131370830e+01, v12;
	s11 =	sadd.s32 $0x100, s11;
	[tilespmem:s16+$0x20] =	vst v9;
	v7 =	vld [tilespmem:s16+$0x30];
	v9 =	vmul.f32 $1.131370830e+01, v13  }
0x19b: {  	[tilespmem:s16+$0x0] =	vst v8  }
0x19c: {  	[tilespmem:s16+$0x10] =	vst v1  }
0x19d: {  	v6 =	vmul.f32 $1.131370830e+01, v6;
	[tilespmem:s16+$0x50] =	vst v9  }
0x19e: {  	v0 =	vmul.f32 $1.131370830e+01, v0;
	[tilespmem:s16+$0xB0] =	vst v2  }
0x19f: {  	v3 =	vmul.f32 $1.131370830e+01, v3;
	[tilespmem:s16+$0xF0] =	vst v6  }
0x1a0: {  	[tilespmem:s16+$0x90] =	vst v0;
	v0 =	vmul.f32 $1.131370830e+01, v4  }
0x1a1: {  	s6 =	sshll.u32 s6, $0xE;
	[tilespmem:s16+$0x80] =	vst v3;
	v1 =	vmul.f32 $1.131370830e+01, v5  }
0x1a2: {  	s6 =	sadd.s32 s5, s6;
	v3 =	vmul.f32 $1.131370830e+01, v7;
	[tilespmem:s16+$0x70] =	vst v0  }
0x1a3: {  	s6 =	sshrl.u32 s6, $0x3;
	[tilespmem:s16+$0x60] =	vst v1  }
0x1a4: {  	s6 =	sadd.s32 s3, s6;
	[tilespmem:s16+$0x30] =	vst v3  }
0x1a5: {  	[hbm4b:s6+s4] =	stream.linear.scatter [tilespmem:s22], [sflag:$0x8], $0x4000, $0x38;
	[tilespmem:$0x1E400] =	vst v63  }
0x1a6: {  	_ =	swait.ge [sflag:s15], $0x4000  }
0x1a7: {  	[sflag:s15] =	ssyncset.done $0x0  }
0x1a8: {  	s18 =	sadd.s32 $0x280, s18;
	[sflag:s15] =	ssyncadd.s32 $0xFFFFC000  }
0x1a9: {  	[tilespmem:s0], [sflag:$0x6] =	stream.indirect.gather [hbm4b:s2+s20], $0x80, s18, s20, $0xb8;
	[tilespmem:$0x1E400] =	vst v63  }
0x1aa: {  	_ =	swait.ge [sflag:s23], $0x4000  }
0x1ab: {  	[sflag:s23] =	ssyncset.done $0x0  }
0x1ac: {  	s6 =	simm.s32 $0xE400;
	[sflag:s23] =	ssyncadd.s32 $0xFFFFC000  }
0x1ad: {  	v1 =	vld [tilespmem:s6+$0xA0]  }
0x1ae: {  	v2 =	vld [tilespmem:s6+$0x40]  }
0x1af: {  	v3 =	vld [tilespmem:s6+$0xE0]  }
0x1b0: {  	v4 =	vld [tilespmem:s6+$0xD0]  }
0x1b1: {  	v5 =	vld [tilespmem:s6+$0x20]  }
0x1b2: {  	v0 =	vld [tilespmem:s6+$0x90]  }
0x1b3: {  	v8 =	vld [tilespmem:s6+$0xC0]  }
0x1b4: {  	v7 =	vld [tilespmem:s6+$0x10]  }
0x1b5: {  	v9 =	vld [tilespmem:s6+$0x0];
	v1 =	vmul.f32 $1.131370830e+01, v1  }
0x1b6: {  	v11 =	vld [tilespmem:s6+$0x50];
	v4 =	vmul.f32 $1.131370830e+01, v4  }
0x1b7: {  	v10 =	vld [tilespmem:s6+$0xB0];
	v12 =	vmul.f32 $1.131370830e+01, v5;
	[tilespmem:s6+$0xA0] =	vst v1  }
0x1b8: {  	v6 =	vld [tilespmem:s6+$0xF0];
	v13 =	vmul.f32 $1.131370830e+01, v8;
	[tilespmem:s6+$0xD0] =	vst v4  }
0x1b9: {  	v1 =	vmul.f32 $1.131370830e+01, v2;
	v2 =	vmul.f32 $1.131370830e+01, v3;
	v3 =	vld [tilespmem:s6+$0x80];
	[tilespmem:s6+$0x20] =	vst v12  }
0x1ba: {  	v4 =	vld [tilespmem:s6+$0x70];
	[tilespmem:s6+$0xC0] =	vst v13  }
0x1bb: {  	v8 =	vmul.f32 $1.131370830e+01, v9;
	v5 =	vld [tilespmem:s6+$0x60];
	v9 =	vmul.f32 $1.131370830e+01, v11;
	[tilespmem:s6+$0x40] =	vst v1  }
0x1bc: {  	s10 =	simm.s32 $0x0;
	s11 =	simm.s32 $0xE500;
	[tilespmem:s6+$0xE0] =	vst v2;
	v1 =	vmul.f32 $1.131370830e+01, v7;
	v7 =	vld [tilespmem:s6+$0x30];
	v2 =	vmul.f32 $1.131370830e+01, v10  }
.LBB2_19:
0x1bd: {  	v10 =	vld [tilespmem:s11+$0xA0];
	s10 =	sadd.s32 $0x2, s10;
	[tilespmem:s6+$0x0] =	vst v8;
	v0 =	vmul.f32 $1.131370830e+01, v0;
	v6 =	vmul.f32 $1.131370830e+01, v6  }
0x1be: {  	v8 =	vld [tilespmem:s11+$0x40];
	p0 =	slt.u32 s10, $0x7E;
	[tilespmem:s6+$0x50] =	vst v9;
	v3 =	vmul.f32 $1.131370830e+01, v3  }
0x1bf: {  	v9 =	vld [tilespmem:s11+$0xE0];
	v4 =	vmul.f32 $1.131370830e+01, v4;
	[tilespmem:s6+$0xF0] =	vst v6  }
0x1c0: {  	v11 =	vld [tilespmem:s11+$0x20];
	v5 =	vmul.f32 $1.131370830e+01, v5;
	[tilespmem:s6+$0x80] =	vst v3  }
0x1c1: {  	v3 =	vld [tilespmem:s11+$0xD0];
	v6 =	vmul.f32 $1.131370830e+01, v7;
	[tilespmem:s6+$0x90] =	vst v0  }
0x1c2: {  	v0 =	vld [tilespmem:s11+$0x90];
	v7 =	vmul.f32 $1.131370830e+01, v10;
	[tilespmem:s6+$0x10] =	vst v1  }
0x1c3: {  	v1 =	vld [tilespmem:s11+$0x10];
	[tilespmem:s6+$0x30] =	vst v6  }
0x1c4: {  	v10 =	vld [tilespmem:s11+$0xC0];
	v9 =	vmul.f32 $1.131370830e+01, v9;
	[tilespmem:s6+$0xB0] =	vst v2  }
0x1c5: {  	v2 =	vld [tilespmem:s11+$0x0];
	[tilespmem:s6+$0x70] =	vst v4  }
0x1c6: {  	v12 =	vld [tilespmem:s11+$0xB0];
	v3 =	vmul.f32 $1.131370830e+01, v3;
	[tilespmem:s6+$0x60] =	vst v5;
	s6 =	smov.u32 s11  }
0x1c7: {  	v13 =	vld [tilespmem:s11+$0x50];
	[tilespmem:s11+$0xA0] =	vst v7  }
.Ltmp8:
0x1c8: {  	v4 =	vmul.f32 $1.131370830e+01, v8;
	[tilespmem:s11+$0xD0] =	vst v3;
	v6 =	vld [tilespmem:s11+$0xF0];
	(pc) =	sbr.rel @p0 .LBB2_19-.Ltmp8, $4  }
0x1c9: {  	v3 =	vld [tilespmem:s11+$0x80];
	v7 =	vmul.f32 $1.131370830e+01, v10;
	[tilespmem:s11+$0xE0] =	vst v9  }
0x1ca: {  	v9 =	vmul.f32 $1.131370830e+01, v11;
	[tilespmem:s11+$0x40] =	vst v4;
	v4 =	vld [tilespmem:s11+$0x70]  }
0x1cb: {  	v1 =	vmul.f32 $1.131370830e+01, v1;
	v8 =	vmul.f32 $1.131370830e+01, v2;
	v5 =	vld [tilespmem:s11+$0x60];
	[tilespmem:s11+$0xC0] =	vst v7  }
0x1cc: {  	v2 =	vmul.f32 $1.131370830e+01, v12;
	s11 =	sadd.s32 $0x100, s11;
	[tilespmem:s6+$0x20] =	vst v9;
	v7 =	vld [tilespmem:s6+$0x30];
	v9 =	vmul.f32 $1.131370830e+01, v13  }
0x1cd: {  	[tilespmem:s6+$0x0] =	vst v8  }
0x1ce: {  	[tilespmem:s6+$0x10] =	vst v1  }
0x1cf: {  	v6 =	vmul.f32 $1.131370830e+01, v6;
	[tilespmem:s6+$0x50] =	vst v9  }
0x1d0: {  	v0 =	vmul.f32 $1.131370830e+01, v0;
	[tilespmem:s6+$0xB0] =	vst v2  }
0x1d1: {  	s17 =	sadd.s32 $0x1, s17;
	v3 =	vmul.f32 $1.131370830e+01, v3;
	[tilespmem:s6+$0xF0] =	vst v6  }
0x1d2: {  	p0 =	sne.s32 s17, $0x21;
	[tilespmem:s6+$0x90] =	vst v0;
	v62 =	vmul.f32 $1.131370830e+01, v4  }
.Ltmp9:
0x1d3: {  	s10 =	sshll.u32 s19, $0xE;
	[tilespmem:s6+$0x80] =	vst v3;
	v63 =	vmul.f32 $1.131370830e+01, v5;
	(pc) =	sbr.rel @p0 .LBB2_8-.Ltmp9, $4  }
0x1d4: {  	s10 =	sadd.s32 s5, s10;
	v61 =	vmul.f32 $1.131370830e+01, v7;
	[tilespmem:s6+$0x70] =	vst v62  }
0x1d5: {  	s10 =	sshrl.u32 s10, $0x3;
	[tilespmem:s6+$0x60] =	vst v63  }
0x1d6: {  	s19 =	sadd.s32 s3, s10;
	[tilespmem:s6+$0x30] =	vst v61  }
0x1d7: {  	[hbm4b:s19+s4] =	stream.linear.scatter [tilespmem:s24], [sflag:$0x9], $0x4000, $0x38;
	[tilespmem:$0x1E400] =	vst v63  }
0x1d8: {  	_ =	swait.ge [sflag:s25], $0x4000  }
0x1d9: {  	[sflag:s25] =	ssyncset.done $0x0  }
0x1da: {  	s6 =	simm.s32 $0x6300;
	[sflag:s25] =	ssyncadd.s32 $0xFFFFC000  }
0x1db: {  	[tilespmem:s21], [sflag:$0x1] =	stream.indirect.gather [hbm4b:s2+s20], $0x80, s6, s20, $0xb8;
	[tilespmem:$0x1E400] =	vst v63  }
0x1dc: {  	_ =	swait.ge [sflag:s29], $0x4000  }
0x1dd: {  	[sflag:s29] =	ssyncset.done $0x0  }
0x1de: {  	s6 =	simm.s32 $0x12400;
	[sflag:s29] =	ssyncadd.s32 $0xFFFFC000  }
0x1df: {  	v1 =	vld [tilespmem:s6+$0xA0]  }
0x1e0: {  	v2 =	vld [tilespmem:s6+$0x40]  }
0x1e1: {  	v3 =	vld [tilespmem:s6+$0xE0]  }
0x1e2: {  	v4 =	vld [tilespmem:s6+$0xD0]  }
0x1e3: {  	v5 =	vld [tilespmem:s6+$0x20]  }
0x1e4: {  	v0 =	vld [tilespmem:s6+$0x90]  }
0x1e5: {  	v8 =	vld [tilespmem:s6+$0xC0]  }
0x1e6: {  	v7 =	vld [tilespmem:s6+$0x10]  }
0x1e7: {  	v9 =	vld [tilespmem:s6+$0x0];
	v1 =	vmul.f32 $1.131370830e+01, v1  }
0x1e8: {  	v11 =	vld [tilespmem:s6+$0x50];
	v4 =	vmul.f32 $1.131370830e+01, v4  }
0x1e9: {  	v10 =	vld [tilespmem:s6+$0xB0];
	v12 =	vmul.f32 $1.131370830e+01, v5;
	[tilespmem:s6+$0xA0] =	vst v1  }
0x1ea: {  	v6 =	vld [tilespmem:s6+$0xF0];
	v13 =	vmul.f32 $1.131370830e+01, v8;
	[tilespmem:s6+$0xD0] =	vst v4  }
0x1eb: {  	v1 =	vmul.f32 $1.131370830e+01, v2;
	v2 =	vmul.f32 $1.131370830e+01, v3;
	v3 =	vld [tilespmem:s6+$0x80];
	[tilespmem:s6+$0x20] =	vst v12  }
0x1ec: {  	v4 =	vld [tilespmem:s6+$0x70];
	[tilespmem:s6+$0xC0] =	vst v13  }
0x1ed: {  	v8 =	vmul.f32 $1.131370830e+01, v9;
	v5 =	vld [tilespmem:s6+$0x60];
	v9 =	vmul.f32 $1.131370830e+01, v11;
	[tilespmem:s6+$0x40] =	vst v1  }
0x1ee: {  	s10 =	simm.s32 $0x0;
	s11 =	simm.s32 $0x12500;
	[tilespmem:s6+$0xE0] =	vst v2;
	v1 =	vmul.f32 $1.131370830e+01, v7;
	v7 =	vld [tilespmem:s6+$0x30];
	v2 =	vmul.f32 $1.131370830e+01, v10  }
.LBB2_22:
0x1ef: {  	v10 =	vld [tilespmem:s11+$0xA0];
	s10 =	sadd.s32 $0x2, s10;
	[tilespmem:s6+$0x0] =	vst v8;
	v0 =	vmul.f32 $1.131370830e+01, v0;
	v6 =	vmul.f32 $1.131370830e+01, v6  }
0x1f0: {  	v8 =	vld [tilespmem:s11+$0x40];
	p0 =	slt.u32 s10, $0x7E;
	[tilespmem:s6+$0x50] =	vst v9;
	v3 =	vmul.f32 $1.131370830e+01, v3  }
0x1f1: {  	v9 =	vld [tilespmem:s11+$0xE0];
	v4 =	vmul.f32 $1.131370830e+01, v4;
	[tilespmem:s6+$0xF0] =	vst v6  }
0x1f2: {  	v11 =	vld [tilespmem:s11+$0x20];
	v5 =	vmul.f32 $1.131370830e+01, v5;
	[tilespmem:s6+$0x80] =	vst v3  }
0x1f3: {  	v3 =	vld [tilespmem:s11+$0xD0];
	v6 =	vmul.f32 $1.131370830e+01, v7;
	[tilespmem:s6+$0x90] =	vst v0  }
0x1f4: {  	v0 =	vld [tilespmem:s11+$0x90];
	v7 =	vmul.f32 $1.131370830e+01, v10;
	[tilespmem:s6+$0x10] =	vst v1  }
0x1f5: {  	v1 =	vld [tilespmem:s11+$0x10];
	[tilespmem:s6+$0x30] =	vst v6  }
0x1f6: {  	v10 =	vld [tilespmem:s11+$0xC0];
	v9 =	vmul.f32 $1.131370830e+01, v9;
	[tilespmem:s6+$0xB0] =	vst v2  }
0x1f7: {  	v2 =	vld [tilespmem:s11+$0x0];
	[tilespmem:s6+$0x70] =	vst v4  }
0x1f8: {  	v12 =	vld [tilespmem:s11+$0xB0];
	v3 =	vmul.f32 $1.131370830e+01, v3;
	[tilespmem:s6+$0x60] =	vst v5;
	s6 =	smov.u32 s11  }
0x1f9: {  	v13 =	vld [tilespmem:s11+$0x50];
	[tilespmem:s11+$0xA0] =	vst v7  }
.Ltmp10:
0x1fa: {  	v4 =	vmul.f32 $1.131370830e+01, v8;
	[tilespmem:s11+$0xD0] =	vst v3;
	v6 =	vld [tilespmem:s11+$0xF0];
	(pc) =	sbr.rel @p0 .LBB2_22-.Ltmp10, $4  }
0x1fb: {  	v3 =	vld [tilespmem:s11+$0x80];
	v7 =	vmul.f32 $1.131370830e+01, v10;
	[tilespmem:s11+$0xE0] =	vst v9  }
0x1fc: {  	v9 =	vmul.f32 $1.131370830e+01, v11;
	[tilespmem:s11+$0x40] =	vst v4;
	v4 =	vld [tilespmem:s11+$0x70]  }
0x1fd: {  	v1 =	vmul.f32 $1.131370830e+01, v1;
	v8 =	vmul.f32 $1.131370830e+01, v2;
	v5 =	vld [tilespmem:s11+$0x60];
	[tilespmem:s11+$0xC0] =	vst v7  }
0x1fe: {  	v2 =	vmul.f32 $1.131370830e+01, v12;
	s11 =	sadd.s32 $0x100, s11;
	[tilespmem:s6+$0x20] =	vst v9;
	v7 =	vld [tilespmem:s6+$0x30];
	v9 =	vmul.f32 $1.131370830e+01, v13  }
0x1ff: {  	[tilespmem:s6+$0x0] =	vst v8  }
0x200: {  	[tilespmem:s6+$0x10] =	vst v1  }
0x201: {  	v6 =	vmul.f32 $1.131370830e+01, v6;
	[tilespmem:s6+$0x50] =	vst v9  }
0x202: {  	v0 =	vmul.f32 $1.131370830e+01, v0;
	[tilespmem:s6+$0xB0] =	vst v2  }
0x203: {  	v3 =	vmul.f32 $1.131370830e+01, v3;
	[tilespmem:s6+$0xF0] =	vst v6  }
0x204: {  	[tilespmem:s6+$0x90] =	vst v0;
	v0 =	vmul.f32 $1.131370830e+01, v4  }
0x205: {  	[tilespmem:s6+$0x80] =	vst v3;
	v1 =	vmul.f32 $1.131370830e+01, v5  }
0x206: {  	v3 =	vmul.f32 $1.131370830e+01, v7;
	[tilespmem:s6+$0x70] =	vst v0  }
0x207: {  	[tilespmem:s6+$0x60] =	vst v1  }
0x208: {  	s18 =	rddreg [dreg:$0xb];
	[tilespmem:s6+$0x30] =	vst v3  }
0x209: {  	[hbm4b:s18+s4] =	stream.linear.scatter [tilespmem:s26], [sflag:$0xA], $0x4000, $0x38;
	[tilespmem:$0x1E400] =	vst v63  }
0x20a: {  	_ =	swait.ge [sflag:s1], $0x4000  }
0x20b: {  	[sflag:s1] =	ssyncset.done $0x0  }
0x20c: {  	s19 =	simm.s32 $0x6380;
	[sflag:s1] =	ssyncadd.s32 $0xFFFFC000  }
0x20d: {  	[tilespmem:s22], [sflag:$0x2] =	stream.indirect.gather [hbm4b:s2+s20], $0x80, s19, s20, $0xb8;
	[tilespmem:$0x1E400] =	vst v63  }
0x20e: {  	_ =	swait.ge [sflag:s7], $0x4000  }
0x20f: {  	[sflag:s7] =	ssyncset.done $0x0  }
0x210: {  	s6 =	simm.s32 $0x16400;
	[sflag:s7] =	ssyncadd.s32 $0xFFFFC000  }
0x211: {  	v1 =	vld [tilespmem:s6+$0xA0]  }
0x212: {  	v2 =	vld [tilespmem:s6+$0x40]  }
0x213: {  	v3 =	vld [tilespmem:s6+$0xE0]  }
0x214: {  	v4 =	vld [tilespmem:s6+$0xD0]  }
0x215: {  	v5 =	vld [tilespmem:s6+$0x20]  }
0x216: {  	v0 =	vld [tilespmem:s6+$0x90]  }
0x217: {  	v8 =	vld [tilespmem:s6+$0xC0]  }
0x218: {  	v7 =	vld [tilespmem:s6+$0x10]  }
0x219: {  	v9 =	vld [tilespmem:s6+$0x0];
	v1 =	vmul.f32 $1.131370830e+01, v1  }
0x21a: {  	v11 =	vld [tilespmem:s6+$0x50];
	v4 =	vmul.f32 $1.131370830e+01, v4  }
0x21b: {  	v10 =	vld [tilespmem:s6+$0xB0];
	v12 =	vmul.f32 $1.131370830e+01, v5;
	[tilespmem:s6+$0xA0] =	vst v1  }
0x21c: {  	v6 =	vld [tilespmem:s6+$0xF0];
	v13 =	vmul.f32 $1.131370830e+01, v8;
	[tilespmem:s6+$0xD0] =	vst v4  }
0x21d: {  	v1 =	vmul.f32 $1.131370830e+01, v2;
	v2 =	vmul.f32 $1.131370830e+01, v3;
	v3 =	vld [tilespmem:s6+$0x80];
	[tilespmem:s6+$0x20] =	vst v12  }
0x21e: {  	v4 =	vld [tilespmem:s6+$0x70];
	[tilespmem:s6+$0xC0] =	vst v13  }
0x21f: {  	v8 =	vmul.f32 $1.131370830e+01, v9;
	v5 =	vld [tilespmem:s6+$0x60];
	v9 =	vmul.f32 $1.131370830e+01, v11;
	[tilespmem:s6+$0x40] =	vst v1  }
0x220: {  	s10 =	simm.s32 $0x0;
	s11 =	simm.s32 $0x16500;
	[tilespmem:s6+$0xE0] =	vst v2;
	v1 =	vmul.f32 $1.131370830e+01, v7;
	v7 =	vld [tilespmem:s6+$0x30];
	v2 =	vmul.f32 $1.131370830e+01, v10  }
.LBB2_24:
0x221: {  	v10 =	vld [tilespmem:s11+$0xA0];
	s10 =	sadd.s32 $0x2, s10;
	[tilespmem:s6+$0x0] =	vst v8;
	v0 =	vmul.f32 $1.131370830e+01, v0;
	v6 =	vmul.f32 $1.131370830e+01, v6  }
0x222: {  	v8 =	vld [tilespmem:s11+$0x40];
	p0 =	slt.u32 s10, $0x7E;
	[tilespmem:s6+$0x50] =	vst v9;
	v3 =	vmul.f32 $1.131370830e+01, v3  }
0x223: {  	v9 =	vld [tilespmem:s11+$0xE0];
	v4 =	vmul.f32 $1.131370830e+01, v4;
	[tilespmem:s6+$0xF0] =	vst v6  }
0x224: {  	v11 =	vld [tilespmem:s11+$0x20];
	v5 =	vmul.f32 $1.131370830e+01, v5;
	[tilespmem:s6+$0x80] =	vst v3  }
0x225: {  	v3 =	vld [tilespmem:s11+$0xD0];
	v6 =	vmul.f32 $1.131370830e+01, v7;
	[tilespmem:s6+$0x90] =	vst v0  }
0x226: {  	v0 =	vld [tilespmem:s11+$0x90];
	v7 =	vmul.f32 $1.131370830e+01, v10;
	[tilespmem:s6+$0x10] =	vst v1  }
0x227: {  	v1 =	vld [tilespmem:s11+$0x10];
	[tilespmem:s6+$0x30] =	vst v6  }
0x228: {  	v10 =	vld [tilespmem:s11+$0xC0];
	v9 =	vmul.f32 $1.131370830e+01, v9;
	[tilespmem:s6+$0xB0] =	vst v2  }
0x229: {  	v2 =	vld [tilespmem:s11+$0x0];
	[tilespmem:s6+$0x70] =	vst v4  }
0x22a: {  	v12 =	vld [tilespmem:s11+$0xB0];
	v3 =	vmul.f32 $1.131370830e+01, v3;
	[tilespmem:s6+$0x60] =	vst v5;
	s6 =	smov.u32 s11  }
0x22b: {  	v13 =	vld [tilespmem:s11+$0x50];
	[tilespmem:s11+$0xA0] =	vst v7  }
.Ltmp11:
0x22c: {  	v4 =	vmul.f32 $1.131370830e+01, v8;
	[tilespmem:s11+$0xD0] =	vst v3;
	v6 =	vld [tilespmem:s11+$0xF0];
	(pc) =	sbr.rel @p0 .LBB2_24-.Ltmp11, $4  }
0x22d: {  	v3 =	vld [tilespmem:s11+$0x80];
	v7 =	vmul.f32 $1.131370830e+01, v10;
	[tilespmem:s11+$0xE0] =	vst v9  }
0x22e: {  	v9 =	vmul.f32 $1.131370830e+01, v11;
	[tilespmem:s11+$0x40] =	vst v4;
	v4 =	vld [tilespmem:s11+$0x70]  }
0x22f: {  	v1 =	vmul.f32 $1.131370830e+01, v1;
	v8 =	vmul.f32 $1.131370830e+01, v2;
	v5 =	vld [tilespmem:s11+$0x60];
	[tilespmem:s11+$0xC0] =	vst v7  }
0x230: {  	v2 =	vmul.f32 $1.131370830e+01, v12;
	s11 =	sadd.s32 $0x100, s11;
	[tilespmem:s6+$0x20] =	vst v9;
	v7 =	vld [tilespmem:s6+$0x30];
	v9 =	vmul.f32 $1.131370830e+01, v13  }
0x231: {  	[tilespmem:s6+$0x0] =	vst v8  }
0x232: {  	[tilespmem:s6+$0x10] =	vst v1  }
0x233: {  	v6 =	vmul.f32 $1.131370830e+01, v6;
	[tilespmem:s6+$0x50] =	vst v9  }
0x234: {  	v0 =	vmul.f32 $1.131370830e+01, v0;
	[tilespmem:s6+$0xB0] =	vst v2  }
0x235: {  	v3 =	vmul.f32 $1.131370830e+01, v3;
	[tilespmem:s6+$0xF0] =	vst v6  }
0x236: {  	[tilespmem:s6+$0x90] =	vst v0;
	v0 =	vmul.f32 $1.131370830e+01, v4  }
0x237: {  	[tilespmem:s6+$0x80] =	vst v3;
	v1 =	vmul.f32 $1.131370830e+01, v5  }
0x238: {  	v3 =	vmul.f32 $1.131370830e+01, v7;
	[tilespmem:s6+$0x70] =	vst v0  }
0x239: {  	[tilespmem:s6+$0x60] =	vst v1  }
0x23a: {  	s19 =	rddreg [dreg:$0xc];
	[tilespmem:s6+$0x30] =	vst v3  }
0x23b: {  	[hbm4b:s19+s4] =	stream.linear.scatter [tilespmem:s30], [sflag:$0xB], $0x4000, $0x38;
	[tilespmem:$0x1E400] =	vst v63  }
0x23c: {  	_ =	swait.ge [sflag:s9], $0x4000  }
0x23d: {  	[sflag:s9] =	ssyncset.done $0x0  }
0x23e: {  	s6 =	simm.s32 $0x1A400;
	[sflag:s9] =	ssyncadd.s32 $0xFFFFC000  }
0x23f: {  	v1 =	vld [tilespmem:s6+$0xA0]  }
0x240: {  	v2 =	vld [tilespmem:s6+$0x40]  }
0x241: {  	v3 =	vld [tilespmem:s6+$0xE0]  }
0x242: {  	v4 =	vld [tilespmem:s6+$0xD0]  }
0x243: {  	v5 =	vld [tilespmem:s6+$0x20]  }
0x244: {  	v0 =	vld [tilespmem:s6+$0x90]  }
0x245: {  	v8 =	vld [tilespmem:s6+$0xC0]  }
0x246: {  	v7 =	vld [tilespmem:s6+$0x10]  }
0x247: {  	v9 =	vld [tilespmem:s6+$0x0];
	v1 =	vmul.f32 $1.131370830e+01, v1  }
0x248: {  	v11 =	vld [tilespmem:s6+$0x50];
	v4 =	vmul.f32 $1.131370830e+01, v4  }
0x249: {  	v10 =	vld [tilespmem:s6+$0xB0];
	v12 =	vmul.f32 $1.131370830e+01, v5;
	[tilespmem:s6+$0xA0] =	vst v1  }
0x24a: {  	v6 =	vld [tilespmem:s6+$0xF0];
	v13 =	vmul.f32 $1.131370830e+01, v8;
	[tilespmem:s6+$0xD0] =	vst v4  }
0x24b: {  	v1 =	vmul.f32 $1.131370830e+01, v2;
	v2 =	vmul.f32 $1.131370830e+01, v3;
	v3 =	vld [tilespmem:s6+$0x80];
	[tilespmem:s6+$0x20] =	vst v12  }
0x24c: {  	v4 =	vld [tilespmem:s6+$0x70];
	[tilespmem:s6+$0xC0] =	vst v13  }
0x24d: {  	v8 =	vmul.f32 $1.131370830e+01, v9;
	v5 =	vld [tilespmem:s6+$0x60];
	v9 =	vmul.f32 $1.131370830e+01, v11;
	[tilespmem:s6+$0x40] =	vst v1  }
0x24e: {  	s10 =	simm.s32 $0x0;
	s11 =	simm.s32 $0x1A500;
	[tilespmem:s6+$0xE0] =	vst v2;
	v1 =	vmul.f32 $1.131370830e+01, v7;
	v7 =	vld [tilespmem:s6+$0x30];
	v2 =	vmul.f32 $1.131370830e+01, v10  }
.LBB2_26:
0x24f: {  	v10 =	vld [tilespmem:s11+$0xA0];
	s10 =	sadd.s32 $0x2, s10;
	[tilespmem:s6+$0x0] =	vst v8;
	v0 =	vmul.f32 $1.131370830e+01, v0;
	v6 =	vmul.f32 $1.131370830e+01, v6  }
0x250: {  	v8 =	vld [tilespmem:s11+$0x40];
	p0 =	slt.u32 s10, $0x7E;
	[tilespmem:s6+$0x50] =	vst v9;
	v3 =	vmul.f32 $1.131370830e+01, v3  }
0x251: {  	v9 =	vld [tilespmem:s11+$0xE0];
	v4 =	vmul.f32 $1.131370830e+01, v4;
	[tilespmem:s6+$0xF0] =	vst v6  }
0x252: {  	v11 =	vld [tilespmem:s11+$0x20];
	v5 =	vmul.f32 $1.131370830e+01, v5;
	[tilespmem:s6+$0x80] =	vst v3  }
0x253: {  	v3 =	vld [tilespmem:s11+$0xD0];
	v6 =	vmul.f32 $1.131370830e+01, v7;
	[tilespmem:s6+$0x90] =	vst v0  }
0x254: {  	v0 =	vld [tilespmem:s11+$0x90];
	v7 =	vmul.f32 $1.131370830e+01, v10;
	[tilespmem:s6+$0x10] =	vst v1  }
0x255: {  	v1 =	vld [tilespmem:s11+$0x10];
	[tilespmem:s6+$0x30] =	vst v6  }
0x256: {  	v10 =	vld [tilespmem:s11+$0xC0];
	v9 =	vmul.f32 $1.131370830e+01, v9;
	[tilespmem:s6+$0xB0] =	vst v2  }
0x257: {  	v2 =	vld [tilespmem:s11+$0x0];
	[tilespmem:s6+$0x70] =	vst v4  }
0x258: {  	v12 =	vld [tilespmem:s11+$0xB0];
	v3 =	vmul.f32 $1.131370830e+01, v3;
	[tilespmem:s6+$0x60] =	vst v5;
	s6 =	smov.u32 s11  }
0x259: {  	v13 =	vld [tilespmem:s11+$0x50];
	[tilespmem:s11+$0xA0] =	vst v7  }
.Ltmp12:
0x25a: {  	v4 =	vmul.f32 $1.131370830e+01, v8;
	[tilespmem:s11+$0xD0] =	vst v3;
	v6 =	vld [tilespmem:s11+$0xF0];
	(pc) =	sbr.rel @p0 .LBB2_26-.Ltmp12, $4  }
0x25b: {  	v3 =	vld [tilespmem:s11+$0x80];
	v7 =	vmul.f32 $1.131370830e+01, v10;
	[tilespmem:s11+$0xE0] =	vst v9  }
0x25c: {  	v9 =	vmul.f32 $1.131370830e+01, v11;
	[tilespmem:s11+$0x40] =	vst v4;
	v4 =	vld [tilespmem:s11+$0x70]  }
0x25d: {  	v1 =	vmul.f32 $1.131370830e+01, v1;
	v8 =	vmul.f32 $1.131370830e+01, v2;
	v5 =	vld [tilespmem:s11+$0x60];
	[tilespmem:s11+$0xC0] =	vst v7  }
0x25e: {  	v2 =	vmul.f32 $1.131370830e+01, v12;
	s11 =	sadd.s32 $0x100, s11;
	[tilespmem:s6+$0x20] =	vst v9;
	v7 =	vld [tilespmem:s6+$0x30];
	v9 =	vmul.f32 $1.131370830e+01, v13  }
0x25f: {  	[tilespmem:s6+$0x0] =	vst v8  }
0x260: {  	[tilespmem:s6+$0x10] =	vst v1  }
0x261: {  	v6 =	vmul.f32 $1.131370830e+01, v6;
	[tilespmem:s6+$0x50] =	vst v9  }
0x262: {  	v0 =	vmul.f32 $1.131370830e+01, v0;
	[tilespmem:s6+$0xB0] =	vst v2  }
0x263: {  	v3 =	vmul.f32 $1.131370830e+01, v3;
	[tilespmem:s6+$0xF0] =	vst v6  }
0x264: {  	[tilespmem:s6+$0x90] =	vst v0;
	v0 =	vmul.f32 $1.131370830e+01, v4  }
0x265: {  	[tilespmem:s6+$0x80] =	vst v3;
	v1 =	vmul.f32 $1.131370830e+01, v5  }
0x266: {  	v3 =	vmul.f32 $1.131370830e+01, v7;
	[tilespmem:s6+$0x70] =	vst v0  }
0x267: {  	[tilespmem:s6+$0x60] =	vst v1  }
0x268: {  	s19 =	rddreg [dreg:$0xd];
	[tilespmem:s6+$0x30] =	vst v3  }
0x269: {  	[hbm4b:s19+s4] =	stream.linear.scatter [tilespmem:s0], [sflag:$0xC], $0x4000, $0x38;
	[tilespmem:$0x1E400] =	vst v63  }
0x26a: {  	_ =	swait.ge [sflag:s28], $0x4000  }
0x26b: {  	[sflag:s28] =	ssyncset.done $0x0  }
0x26c: {  	s6 =	simm.s32 $0x6480;
	[sflag:s28] =	ssyncadd.s32 $0xFFFFC000  }
0x26d: {  	v0 =	vld [tilespmem:s6+$0xFFFFFF80]  }
0x26e: {  	v1 =	vld [tilespmem:s6+$0xFFFFFF90]  }
0x26f: {  	v2 =	vld [tilespmem:s6+$0xFFFFFFA0]  }
0x270: {  	v3 =	vld [tilespmem:s6+$0xFFFFFFB0]  }
0x271: {  	v4 =	vld [tilespmem:s6+$0xFFFFFFC0]  }
0x272: {  	v5 =	vld [tilespmem:s6+$0xFFFFFFD0];
	v0 =	vmul.f32 $1.131370830e+01, v0  }
0x273: {  	v6 =	vld [tilespmem:s6+$0xFFFFFFE0];
	v1 =	vmul.f32 $1.131370830e+01, v1  }
0x274: {  	[tilespmem:s6+$0xFFFFFF80] =	vst v0;
	v0 =	vmul.f32 $1.131370830e+01, v2;
	v2 =	vld [tilespmem:s6+$0x0]  }
0x275: {  	[tilespmem:s6+$0xFFFFFF90] =	vst v1;
	v1 =	vmul.f32 $1.131370830e+01, v3;
	v3 =	vld [tilespmem:s6+$0x10]  }
0x276: {  	[tilespmem:s6+$0xFFFFFFA0] =	vst v0;
	v0 =	vmul.f32 $1.131370830e+01, v4;
	v4 =	vld [tilespmem:s6+$0x20]  }
0x277: {  	v7 =	vld [tilespmem:s6+$0x30];
	[tilespmem:s6+$0xFFFFFFB0] =	vst v1;
	v1 =	vmul.f32 $1.131370830e+01, v5  }
0x278: {  	v5 =	vmul.f32 $1.131370830e+01, v6;
	[tilespmem:s6+$0xFFFFFFC0] =	vst v0;
	v0 =	vld [tilespmem:s6+$0x40]  }
0x279: {  	[tilespmem:s6+$0xFFFFFFD0] =	vst v1;
	v1 =	vld [tilespmem:s6+$0x50];
	v2 =	vmul.f32 $1.131370830e+01, v2  }
0x27a: {  	[tilespmem:s6+$0xFFFFFFE0] =	vst v5;
	v6 =	vmul.f32 $1.131370830e+01, v3;
	v3 =	vld [tilespmem:s6+$0x60]  }
0x27b: {  	[tilespmem:s6+$0x0] =	vst v2;
	v5 =	vmul.f32 $1.131370830e+01, v4;
	v4 =	vld [tilespmem:s6+$0x70]  }
0x27c: {  	s10 =	simm.s32 $0x0;
	s11 =	simm.s32 $0x6580;
	v2 =	vld [tilespmem:s6+$0xFFFFFFF0];
	[tilespmem:s6+$0x10] =	vst v6;
	v6 =	vmul.f32 $1.131370830e+01, v7  }
.LBB2_28:
0x27d: {  	v7 =	vld [tilespmem:s11+$0xFFFFFF80];
	[tilespmem:s6+$0x20] =	vst v5;
	v0 =	vmul.f32 $1.131370830e+01, v0  }
0x27e: {  	v5 =	vld [tilespmem:s11+$0xFFFFFF90];
	[tilespmem:s6+$0x30] =	vst v6;
	v1 =	vmul.f32 $1.131370830e+01, v1  }
0x27f: {  	v6 =	vld [tilespmem:s11+$0xFFFFFFA0];
	[tilespmem:s6+$0x40] =	vst v0;
	v0 =	vmul.f32 $1.131370830e+01, v3  }
0x280: {  	v3 =	vld [tilespmem:s11+$0xFFFFFFB0];
	[tilespmem:s6+$0x50] =	vst v1;
	v1 =	vmul.f32 $1.131370830e+01, v4  }
0x281: {  	v4 =	vld [tilespmem:s11+$0xFFFFFFC0];
	v2 =	vmul.f32 $1.131370830e+01, v2;
	[tilespmem:s6+$0x60] =	vst v0  }
0x282: {  	v0 =	vmul.f32 $1.131370830e+01, v7;
	v7 =	vld [tilespmem:s11+$0xFFFFFFD0];
	[tilespmem:s6+$0x70] =	vst v1  }
0x283: {  	v1 =	vmul.f32 $1.131370830e+01, v5;
	v5 =	vld [tilespmem:s11+$0xFFFFFFE0];
	[tilespmem:s6+$0xFFFFFFF0] =	vst v2;
	s6 =	smov.u32 s11  }
0x284: {  	[tilespmem:s11+$0xFFFFFF80] =	vst v0;
	v0 =	vmul.f32 $1.131370830e+01, v6;
	v2 =	vld [tilespmem:s11+$0x0]  }
0x285: {  	[tilespmem:s11+$0xFFFFFF90] =	vst v1;
	v1 =	vmul.f32 $1.131370830e+01, v3;
	v3 =	vld [tilespmem:s11+$0x10]  }
0x286: {  	s10 =	sadd.s32 $0x2, s10;
	[tilespmem:s11+$0xFFFFFFA0] =	vst v0;
	v0 =	vmul.f32 $1.131370830e+01, v4;
	v4 =	vld [tilespmem:s11+$0x20]  }
0x287: {  	p0 =	slt.u32 s10, $0x7E;
	[tilespmem:s11+$0xFFFFFFB0] =	vst v1;
	v1 =	vmul.f32 $1.131370830e+01, v7;
	v6 =	vld [tilespmem:s11+$0x30]  }
.Ltmp13:
0x288: {  	[tilespmem:s11+$0xFFFFFFC0] =	vst v0;
	v5 =	vmul.f32 $1.131370830e+01, v5;
	v0 =	vld [tilespmem:s11+$0x40];
	(pc) =	sbr.rel @p0 .LBB2_28-.Ltmp13, $4  }
0x289: {  	[tilespmem:s11+$0xFFFFFFD0] =	vst v1;
	v2 =	vmul.f32 $1.131370830e+01, v2;
	v1 =	vld [tilespmem:s11+$0x50]  }
0x28a: {  	[tilespmem:s11+$0xFFFFFFE0] =	vst v5;
	v7 =	vmul.f32 $1.131370830e+01, v3;
	v3 =	vld [tilespmem:s11+$0x60]  }
0x28b: {  	[tilespmem:s11+$0x0] =	vst v2;
	v5 =	vmul.f32 $1.131370830e+01, v4;
	v4 =	vld [tilespmem:s11+$0x70]  }
0x28c: {  	s11 =	sadd.s32 $0x100, s11;
	v2 =	vld [tilespmem:s6+$0xFFFFFFF0];
	[tilespmem:s6+$0x10] =	vst v7;
	v6 =	vmul.f32 $1.131370830e+01, v6  }
0x28d: {  	[tilespmem:s6+$0x20] =	vst v5;
	v0 =	vmul.f32 $1.131370830e+01, v0  }
0x28e: {  	[tilespmem:s6+$0x30] =	vst v6;
	v1 =	vmul.f32 $1.131370830e+01, v1  }
0x28f: {  	[tilespmem:s6+$0x40] =	vst v0;
	v0 =	vmul.f32 $1.131370830e+01, v3  }
0x290: {  	[tilespmem:s6+$0x50] =	vst v1;
	v1 =	vmul.f32 $1.131370830e+01, v4  }
0x291: {  	v2 =	vmul.f32 $1.131370830e+01, v2;
	[tilespmem:s6+$0x60] =	vst v0  }
0x292: {  	[tilespmem:s6+$0x70] =	vst v1  }
0x293: {  	s19 =	rddreg [dreg:$0xe];
	[tilespmem:s6+$0xFFFFFFF0] =	vst v2  }
0x294: {  	[hbm4b:s19+s4] =	stream.linear.scatter [tilespmem:s21], [sflag:$0x7], $0x4000, $0x38;
	[tilespmem:$0x1E400] =	vst v63  }
0x295: {  	_ =	swait.ge [sflag:s31], $0x4000  }
0x296: {  	[sflag:s31] =	ssyncset.done $0x0  }
0x297: {  	s6 =	simm.s32 $0xA400;
	[sflag:s31] =	ssyncadd.s32 $0xFFFFC000  }
0x298: {  	v1 =	vld [tilespmem:s6+$0xA0]  }
0x299: {  	v2 =	vld [tilespmem:s6+$0x40]  }
0x29a: {  	v3 =	vld [tilespmem:s6+$0xE0]  }
0x29b: {  	v4 =	vld [tilespmem:s6+$0xD0]  }
0x29c: {  	v5 =	vld [tilespmem:s6+$0x20]  }
0x29d: {  	v0 =	vld [tilespmem:s6+$0x90]  }
0x29e: {  	v8 =	vld [tilespmem:s6+$0xC0]  }
0x29f: {  	v7 =	vld [tilespmem:s6+$0x10]  }
0x2a0: {  	v9 =	vld [tilespmem:s6+$0x0];
	v1 =	vmul.f32 $1.131370830e+01, v1  }
0x2a1: {  	v11 =	vld [tilespmem:s6+$0x50];
	v4 =	vmul.f32 $1.131370830e+01, v4  }
0x2a2: {  	v10 =	vld [tilespmem:s6+$0xB0];
	v12 =	vmul.f32 $1.131370830e+01, v5;
	[tilespmem:s6+$0xA0] =	vst v1  }
0x2a3: {  	v6 =	vld [tilespmem:s6+$0xF0];
	v13 =	vmul.f32 $1.131370830e+01, v8;
	[tilespmem:s6+$0xD0] =	vst v4  }
0x2a4: {  	v1 =	vmul.f32 $1.131370830e+01, v2;
	v2 =	vmul.f32 $1.131370830e+01, v3;
	v3 =	vld [tilespmem:s6+$0x80];
	[tilespmem:s6+$0x20] =	vst v12  }
0x2a5: {  	v4 =	vld [tilespmem:s6+$0x70];
	[tilespmem:s6+$0xC0] =	vst v13  }
0x2a6: {  	v8 =	vmul.f32 $1.131370830e+01, v9;
	v5 =	vld [tilespmem:s6+$0x60];
	v9 =	vmul.f32 $1.131370830e+01, v11;
	[tilespmem:s6+$0x40] =	vst v1  }
0x2a7: {  	s10 =	simm.s32 $0x0;
	s11 =	simm.s32 $0xA500;
	[tilespmem:s6+$0xE0] =	vst v2;
	v1 =	vmul.f32 $1.131370830e+01, v7;
	v7 =	vld [tilespmem:s6+$0x30];
	v2 =	vmul.f32 $1.131370830e+01, v10  }
.LBB2_30:
0x2a8: {  	v10 =	vld [tilespmem:s11+$0xA0];
	s10 =	sadd.s32 $0x2, s10;
	[tilespmem:s6+$0x0] =	vst v8;
	v0 =	vmul.f32 $1.131370830e+01, v0;
	v6 =	vmul.f32 $1.131370830e+01, v6  }
0x2a9: {  	v8 =	vld [tilespmem:s11+$0x40];
	p0 =	slt.u32 s10, $0x7E;
	[tilespmem:s6+$0x50] =	vst v9;
	v3 =	vmul.f32 $1.131370830e+01, v3  }
0x2aa: {  	v9 =	vld [tilespmem:s11+$0xE0];
	v4 =	vmul.f32 $1.131370830e+01, v4;
	[tilespmem:s6+$0xF0] =	vst v6  }
0x2ab: {  	v11 =	vld [tilespmem:s11+$0x20];
	v5 =	vmul.f32 $1.131370830e+01, v5;
	[tilespmem:s6+$0x80] =	vst v3  }
0x2ac: {  	v3 =	vld [tilespmem:s11+$0xD0];
	v6 =	vmul.f32 $1.131370830e+01, v7;
	[tilespmem:s6+$0x90] =	vst v0  }
0x2ad: {  	v0 =	vld [tilespmem:s11+$0x90];
	v7 =	vmul.f32 $1.131370830e+01, v10;
	[tilespmem:s6+$0x10] =	vst v1  }
0x2ae: {  	v1 =	vld [tilespmem:s11+$0x10];
	[tilespmem:s6+$0x30] =	vst v6  }
0x2af: {  	v10 =	vld [tilespmem:s11+$0xC0];
	v9 =	vmul.f32 $1.131370830e+01, v9;
	[tilespmem:s6+$0xB0] =	vst v2  }
0x2b0: {  	v2 =	vld [tilespmem:s11+$0x0];
	[tilespmem:s6+$0x70] =	vst v4  }
0x2b1: {  	v12 =	vld [tilespmem:s11+$0xB0];
	v3 =	vmul.f32 $1.131370830e+01, v3;
	[tilespmem:s6+$0x60] =	vst v5;
	s6 =	smov.u32 s11  }
0x2b2: {  	v13 =	vld [tilespmem:s11+$0x50];
	[tilespmem:s11+$0xA0] =	vst v7  }
.Ltmp14:
0x2b3: {  	v4 =	vmul.f32 $1.131370830e+01, v8;
	[tilespmem:s11+$0xD0] =	vst v3;
	v6 =	vld [tilespmem:s11+$0xF0];
	(pc) =	sbr.rel @p0 .LBB2_30-.Ltmp14, $4  }
0x2b4: {  	v3 =	vld [tilespmem:s11+$0x80];
	v7 =	vmul.f32 $1.131370830e+01, v10;
	[tilespmem:s11+$0xE0] =	vst v9  }
0x2b5: {  	v9 =	vmul.f32 $1.131370830e+01, v11;
	[tilespmem:s11+$0x40] =	vst v4;
	v4 =	vld [tilespmem:s11+$0x70]  }
0x2b6: {  	v1 =	vmul.f32 $1.131370830e+01, v1;
	v8 =	vmul.f32 $1.131370830e+01, v2;
	v5 =	vld [tilespmem:s11+$0x60];
	[tilespmem:s11+$0xC0] =	vst v7  }
0x2b7: {  	v2 =	vmul.f32 $1.131370830e+01, v12;
	s11 =	sadd.s32 $0x100, s11;
	[tilespmem:s6+$0x20] =	vst v9;
	v7 =	vld [tilespmem:s6+$0x30];
	v9 =	vmul.f32 $1.131370830e+01, v13  }
0x2b8: {  	[tilespmem:s6+$0x0] =	vst v8  }
0x2b9: {  	[tilespmem:s6+$0x10] =	vst v1  }
0x2ba: {  	v6 =	vmul.f32 $1.131370830e+01, v6;
	[tilespmem:s6+$0x50] =	vst v9  }
0x2bb: {  	v0 =	vmul.f32 $1.131370830e+01, v0;
	[tilespmem:s6+$0xB0] =	vst v2  }
0x2bc: {  	v3 =	vmul.f32 $1.131370830e+01, v3;
	[tilespmem:s6+$0xF0] =	vst v6  }
0x2bd: {  	[tilespmem:s6+$0x90] =	vst v0;
	v62 =	vmul.f32 $1.131370830e+01, v4  }
0x2be: {  	[tilespmem:s6+$0x80] =	vst v3;
	v63 =	vmul.f32 $1.131370830e+01, v5  }
0x2bf: {  	v61 =	vmul.f32 $1.131370830e+01, v7;
	[tilespmem:s6+$0x70] =	vst v62  }
0x2c0: {  	[tilespmem:s6+$0x60] =	vst v63  }
0x2c1: {  	s18 =	rddreg [dreg:$0xf];
	[tilespmem:s6+$0x30] =	vst v61  }
0x2c2: {  	[hbm4b:s18+s4] =	stream.linear.scatter [tilespmem:s22], [sflag:$0x8], $0x4000, $0x38;
	[tilespmem:$0x1E400] =	vst v63  }
0x2c3: {  	_ =	swait.ge [sflag:s8], $0x4000  }
0x2c4: {  	[sflag:s8] =	ssyncset.done $0x0  }
0x2c5: {  	[sflag:s8] =	ssyncadd.s32 $0xFFFFC000  }
0x2c6: {  	_ =	swait.ge [sflag:s13], $0x4000  }
0x2c7: {  	[sflag:s13] =	ssyncset.done $0x0  }
0x2c8: {  	[sflag:s13] =	ssyncadd.s32 $0xFFFFC000  }
0x2c9: {  	_ =	swait.ge [sflag:s14], $0x4000  }
0x2ca: {  	[sflag:s14] =	ssyncset.done $0x0  }
0x2cb: {  	[sflag:s14] =	ssyncadd.s32 $0xFFFFC000  }
0x2cc: {  	_ =	swait.ge [sflag:s15], $0x4000  }
0x2cd: {  	[sflag:s15] =	ssyncset.done $0x0  }
0x2ce: {  	[sflag:s15] =	ssyncadd.s32 $0xFFFFC000  }
0x2cf: {  	_ =	swait.ge [sflag:s25], $0x4000  }
0x2d0: {  	[sflag:s25] =	ssyncset.done $0x0  }
0x2d1: {  	[sflag:s25] =	ssyncadd.s32 $0xFFFFC000  }
0x2d2: {  	_ =	swait.ge [sflag:s1], $0x4000  }
0x2d3: {  	s10 =	rddreg [dreg:$0x11]  }
0x2d4: {  	s19 =	rddreg [dreg:$0x10];
	s10 =	sadd.s32 $0x1, s10  }
0x2d5: {  	p0 =	sne.s32 s10, s19  }
.Ltmp15:
0x2d6: {  	_ = 	snop;
	(pc) =	sbr.rel @p0 .LBB2_1-.Ltmp15, $3  }
0x2d7: {  	_ =	sdelay $0x1  }
0x2d8: {  	[sflag:s1] =	ssyncset.done $0x0  }
0x2d9: {  	[sflag:s1] =	ssyncadd.s32 $0xFFFFC000  }
0x2da: {  	_ =	sfence.sel $0x180000  }
0x2db: {  	[bflag:$0x0] =	sbarrier.arrive $0xFFFF  }
0x2dc: {  	_ =	strace $0x90000047  }
0x2dd: {  	s0 =	stileid.u32;
	[bflag:$0x2] =	sbarrier.arrive $0xFFFF  }
0x2de: {  	p0 =	sne.s32 s0, $0x0;
	s0 =	rddreg [dreg:$0x3]  }
0x2df: {  	s0 =	sadd.s32 @!p0 $0x100000, s0  }
0x2e0: {  	[sflag:s0] =	ssyncadd.tile.s32 @!p0 $0x1;
	_ =	shalt  }
.Lfunc_end2:
_tile_overlayer_lowered:
.L_overlay_start_2:
0x2e1: {  	(tag) =	ssettag $0x2  }
0x2e2: {  	s0 =	rddreg [dreg:$0x0];
	s2 =	stileid.u32  }
0x2e3: {  	s1 =	rddreg [dreg:$0x1];
	p0 =	sne.s32 s2, $0x0  }
0x2e4: {  	s3 =	rddreg [dreg:$0x2];
	[bflag:$0x3] =	sbarrier.arrive $0xFFFF;
	s2 =	simm.s32 @!p0 $0x1C0D  }
0x2e5: {  	[timem:s3], [sflag:s2] =	dma.local @!p0 [hbm:s0], s1  }
0x2e6: {  	s0 =	simm.s32 @!p0 $0xD  }
0x2e7: {  	_ =	swait.ge @!p0 [sflag:s0], s1  }
0x2e8: {  	s1 =	ssub.s32 @!p0 $0x0, s1;
	[sflag:s0] =	ssyncset.done @!p0 $0x0  }
0x2e9: {  	[sflag:s0] =	ssyncadd.s32 @!p0 s1  }
0x2ea: {  	[bflag:$0x3] =	sbarrier.arrive $0xFFFF  }
0x2eb: {  	_ =	shalt  }

</sc_bundles>
